<compile_context>
chip_gen: v7x
topology: tpu7x:2x2x1
jax: 0.10.2.dev20260603
libtpu: 0.0.44.dev20260713+nightly
codegen_flags: <defaults>
</compile_context>

<pallas_src>
import dataclasses

import jax
import jax.numpy as jnp
from jax import lax
from jax.experimental import pallas as pl
from jax.experimental.pallas import tpu as pltpu
from jax.experimental.pallas import tpu_sc as plsc

NUM_EDGES = 320000
IN_DIM = 128
OUT_DIM = 128
NUM_ADJ = 2560000

NC, NS, L = 2, 16, 16
EPW = NUM_ADJ // NS
BLK = 1280
NBLK = EPW // BLK
NV = BLK // L
FIRE = 64
FSH = 6
FMSK = FIRE - 1
NFIRE = BLK // FIRE
CHUNK = 12800
NCHUNK = NUM_EDGES // CHUNK
RPW = CHUNK // NS

_MM_ROWS = 1280
_NMB = NUM_EDGES // _MM_ROWS


def _matmul_body(x_ref, w_ref, b_ref, o_ref):
    o_ref[...] = jnp.dot(x_ref[...], w_ref[...],
                         preferred_element_type=jnp.float32) + b_ref[...]


def _matmul_lu(h_edges, W, b):
    return pl.pallas_call(
        _matmul_body,
        grid=(2 * _NMB,),
        in_specs=[
            pl.BlockSpec((_MM_ROWS, IN_DIM), lambda j: (j % _NMB, 0)),
            pl.BlockSpec((IN_DIM, OUT_DIM), lambda j: (0, 2 * (j // _NMB))),
            pl.BlockSpec((1, OUT_DIM), lambda j: (0, 2 * (j // _NMB))),
        ],
        out_specs=pl.BlockSpec((_MM_ROWS, OUT_DIM), lambda j: (j, 0)),
        out_shape=jax.ShapeDtypeStruct((2 * NUM_EDGES, OUT_DIM), jnp.float32),
    )(h_edges, W, b.reshape(1, -1))


def _matmul_i(h_edges, W, b):
    return pl.pallas_call(
        _matmul_body,
        grid=(_NMB,),
        in_specs=[
            pl.BlockSpec((_MM_ROWS, IN_DIM), lambda i: (i, 0)),
            pl.BlockSpec((IN_DIM, OUT_DIM), lambda i: (0, 1)),
            pl.BlockSpec((1, OUT_DIM), lambda i: (0, 1)),
        ],
        out_specs=pl.BlockSpec((_MM_ROWS, OUT_DIM), lambda i: (i, 0)),
        out_shape=jax.ShapeDtypeStruct((NUM_EDGES, OUT_DIM), jnp.float32),
    )(h_edges, W, b.reshape(1, -1))


def _finish_body(a_ref, b_ref, c_ref, o_ref):
    o_ref[...] = jnp.tanh(a_ref[...] + b_ref[...] + c_ref[...])


def _finish(conv_all, h_i):
    spec = pl.BlockSpec((_MM_ROWS, OUT_DIM), lambda i: (i, 0))
    upper_spec = pl.BlockSpec((_MM_ROWS, OUT_DIM), lambda i: (i + _NMB, 0))
    return pl.pallas_call(
        _finish_body,
        grid=(_NMB,),
        in_specs=[spec, spec, upper_spec],
        out_specs=spec,
        out_shape=jax.ShapeDtypeStruct((NUM_EDGES, OUT_DIM), jnp.float32),
    )(conv_all, h_i, conv_all)


def _sc_body(hlu, eid, out_all,
             acc, ebA, ebB, cs, ct, cw, gbuf, sem, semA, semB):
    c = lax.axis_index("c")
    s = lax.axis_index("s")
    ebase = c * NUM_ADJ + s * EPW
    hoff = c * NUM_EDGES
    zi = jnp.zeros((L,), jnp.int32)
    zf = jnp.zeros((L,), jnp.float32)
    iota = lax.iota(jnp.int32, L)

    @pl.loop(0, NFIRE)
    def _(f):
        @pl.loop(0, FIRE // L)
        def _(v):
            sl = pl.ds(v * L, L)
            cs[f, sl] = zi
            ct[f, sl] = zi
            cw[f, sl] = zf

    @pl.loop(0, NCHUNK)
    def _(k):
        t0 = k * CHUNK

        @pl.loop(0, FIRE)
        def _(r):
            for v in range(OUT_DIM // L):
                gbuf[r, pl.ds(v * L, L)] = zf

        for q in range(RPW // FIRE):
            pltpu.sync_copy(gbuf, acc.at[pl.ds(s * RPW + q * FIRE, FIRE)])
        rem = RPW % FIRE
        if rem:
            pltpu.sync_copy(gbuf.at[pl.ds(0, rem)],
                            acc.at[pl.ds(s * RPW + (RPW // FIRE) * FIRE, rem)])
        plsc.subcore_barrier()

        MAXOFF = NC * NUM_ADJ - BLK

        def issue(b, eb, sm):
            off = pl.multiple_of(jnp.minimum(ebase + b * BLK, MAXOFF), 128)
            pltpu.async_copy(eid.at[:, pl.ds(off, BLK)], eb, sm)

        def wait(b, eb, sm):
            off = pl.multiple_of(jnp.minimum(ebase + b * BLK, MAXOFF), 128)
            pltpu.make_async_copy(eid.at[:, pl.ds(off, BLK)], eb, sm).wait()

        def process(eb):
            def vbody(v, base):
                sl = pl.ds(v * L, L)
                d = eb[0, sl] - t0
                m = plsc.bitcast(d, jnp.uint32) < jnp.uint32(CHUNK)
                mi = m.astype(jnp.int32)
                pos = base + plsc.cumsum(mi) - 1
                row = jnp.right_shift(pos, FSH)
                col = jnp.bitwise_and(pos, FMSK)
                plsc.store_scatter(cs, [row, col], eb[1, sl] + hoff, mask=m)
                plsc.store_scatter(ct, [row, col], d, mask=m)
                plsc.store_scatter(cw, [row, col],
                                   plsc.bitcast(eb[2, sl], jnp.float32), mask=m)
                return base + jnp.sum(mi)

            total = plsc.parallel_loop(0, NV, unroll=4, carry=jnp.int32(0))(vbody)

            nfires = jnp.right_shift(total + FIRE - 1, FSH)
            vstart = jnp.right_shift(total, 4)
            vend = nfires * (FIRE // L)

            def zerow(v, carry):
                g = v * L + iota
                row = jnp.right_shift(g, FSH)
                col = jnp.bitwise_and(g, FMSK)
                plsc.store_scatter(cw, [row, col], zf, mask=g >= total)
                return carry

            lax.fori_loop(vstart, vend, zerow, jnp.int32(0))

            def fire(f, carry):
                pltpu.sync_copy(hlu.at[cs.at[f]], gbuf)
                fv = jnp.full((L,), f, jnp.int32)

                @plsc.parallel_loop(0, FIRE, unroll=8)
                def _(r):
                    wv = plsc.load_gather(cw, [fv, jnp.full((L,), r, jnp.int32)])
                    for v in range(OUT_DIM // L):
                        sl = pl.ds(v * L, L)
                        gbuf[r, sl] = gbuf[r, sl] * wv

                pltpu.sync_copy(gbuf, acc.at[ct.at[f]], add=True)
                return carry

            lax.fori_loop(0, nfires, fire, jnp.int32(0))

        issue(jnp.int32(0), ebA, semA)

        def bpair(i, carry):
            b0 = 2 * i
            issue(b0 + 1, ebB, semB)
            wait(b0, ebA, semA)
            process(ebA)
            issue(b0 + 2, ebA, semA)
            wait(b0 + 1, ebB, semB)
            process(ebB)
            return carry

        lax.fori_loop(0, NBLK // 2, bpair, jnp.int32(0))
        wait(jnp.int32(NBLK - 1), ebA, semA)
        process(ebA)

        plsc.subcore_barrier()
        rbase = hoff + t0 + s * RPW
        pltpu.sync_copy(acc.at[pl.ds(s * RPW, RPW)], out_all.at[pl.ds(rbase, RPW)])
        plsc.subcore_barrier()


def _sc_conv(h_lu, eid):
    mesh = plsc.VectorSubcoreMesh(core_axis_name="c", subcore_axis_name="s")
    cp = pltpu.CompilerParams()
    if "needs_layout_passes" in pltpu.CompilerParams.__dataclass_fields__:
        cp = dataclasses.replace(cp, needs_layout_passes=False)
    f = pl.kernel(
        _sc_body,
        out_type=jax.ShapeDtypeStruct((2 * NUM_EDGES, OUT_DIM), jnp.float32),
        mesh=mesh,
        scratch_types=[
            pltpu.VMEM_SHARED((CHUNK, OUT_DIM), jnp.float32),
            pltpu.VMEM((3, BLK), jnp.int32),
            pltpu.VMEM((3, BLK), jnp.int32),
            pltpu.VMEM((NFIRE, FIRE), jnp.int32),
            pltpu.VMEM((NFIRE, FIRE), jnp.int32),
            pltpu.VMEM((NFIRE, FIRE), jnp.float32),
            pltpu.VMEM((FIRE, OUT_DIM), jnp.float32),
            pltpu.SemaphoreType.DMA,
            pltpu.SemaphoreType.DMA,
            pltpu.SemaphoreType.DMA,
        ],
        compiler_params=cp,
    )
    return f(h_lu, eid)


def kernel(h_edges, edge_laplacian_lower_idxs, edge_laplacian_lower_weights,
           edge_laplacian_upper_idxs, edge_laplacian_upper_weights, W, b):
    h_lu = _matmul_lu(h_edges, W, b)
    src_all = jnp.concatenate([edge_laplacian_lower_idxs[0],
                               edge_laplacian_upper_idxs[0]])
    tgt_all = jnp.concatenate([edge_laplacian_lower_idxs[1],
                               edge_laplacian_upper_idxs[1]])
    w_all = jnp.concatenate([edge_laplacian_lower_weights,
                             edge_laplacian_upper_weights])
    eid = jnp.stack([tgt_all, src_all,
                     lax.bitcast_convert_type(w_all, jnp.int32)])
    conv_all = _sc_conv(h_lu, eid)
    h_i = _matmul_i(h_edges, W, b)
    return _finish(conv_all, h_i)

# --- scband reference (transcript-rebuilt; emitter-appended) ---
"""Pipeline reference for scband-sco-ne-convolution-56040733278455 (READ-ONLY COPY).

The authoritative reference and input builder live on the scoring server;
editing this copy changes nothing except your own understanding.
"""

import jax, jax.numpy as jnp
import numpy as np

NUM_EDGES = 320000
IN_DIM = 128
OUT_DIM = 128
NUM_ADJ = 2560000


def setup_inputs(seed: int = 0) -> dict:
    key = jax.random.key(seed)
    ks = jax.random.split(key, 8)
    h_edges = jax.random.normal(ks[0], (NUM_EDGES, IN_DIM), dtype=jnp.float32)
    lap_lower_idx = jax.random.randint(ks[1], (2, NUM_ADJ), 0, NUM_EDGES, dtype=jnp.int32)
    lap_lower_w = jax.random.normal(ks[2], (NUM_ADJ,), dtype=jnp.float32)
    lap_upper_idx = jax.random.randint(ks[3], (2, NUM_ADJ), 0, NUM_EDGES, dtype=jnp.int32)
    lap_upper_w = jax.random.normal(ks[4], (NUM_ADJ,), dtype=jnp.float32)
    # nn.Linear(in_dim, 3*out_dim) parameters (stored as [in, 3*out] for x @ W)
    bound = 1.0 / np.sqrt(IN_DIM)
    W = jax.random.uniform(ks[5], (IN_DIM, 3 * OUT_DIM), minval=-bound, maxval=bound, dtype=jnp.float32)
    b = jax.random.uniform(ks[6], (3 * OUT_DIM,), minval=-bound, maxval=bound, dtype=jnp.float32)
    return {
        'h_edges': h_edges,
        'edge_laplacian_lower_idxs': lap_lower_idx,
        'edge_laplacian_lower_weights': lap_lower_w,
        'edge_laplacian_upper_idxs': lap_upper_idx,
        'edge_laplacian_upper_weights': lap_upper_w,
        'W': W,
        'b': b,
    }


def _laplacian_convolution(x, adjacency, weight):
    idx_src = adjacency[0]
    idx_target = adjacency[1]
    message = x[idx_src] * weight[:, None]
    return jax.ops.segment_sum(message, idx_target, num_segments=x.shape[0])


def reference(h_edges, edge_laplacian_lower_idxs, edge_laplacian_lower_weights,
              edge_laplacian_upper_idxs, edge_laplacian_upper_weights, W, b):
    h = h_edges @ W + b
    out_dim = W.shape[1] // 3
    h_lower = h[..., :out_dim]
    h_intra = h[..., out_dim:2 * out_dim]
    h_upper = h[..., 2 * out_dim:]
    h_lower = _laplacian_convolution(h_lower, edge_laplacian_lower_idxs, edge_laplacian_lower_weights)
    h_upper = _laplacian_convolution(h_upper, edge_laplacian_upper_idxs, edge_laplacian_upper_weights)
    return jnp.tanh(h_lower + h_intra + h_upper)

if __name__ == "__main__":
    import jax
    _d = setup_inputs()
    print(jax.jit(kernel)(*tuple(_d.values())))

</pallas_src>

<mosaic_0001>
#map = affine_map<(d0, d1) -> (0, 0)>
module attributes {stable_mosaic.version = 14 : i64} {
  func.func @_sc_body(%arg0: i32, %arg1: i32, %arg2: memref<640000x128xf32, #tpu.memory_space<hbm>>, %arg3: memref<3x5120000xi32, #tpu.memory_space<hbm>>, %arg4: memref<640000x128xf32, #tpu.memory_space<hbm>>, %arg5: memref<12800x128xf32, #tpu.memory_space<vmem_shared>>, %arg6: memref<3x1280xi32, #tpu.memory_space<vmem>>, %arg7: memref<3x1280xi32, #tpu.memory_space<vmem>>, %arg8: memref<20x64xi32, #tpu.memory_space<vmem>>, %arg9: memref<20x64xi32, #tpu.memory_space<vmem>>, %arg10: memref<20x64xf32, #tpu.memory_space<vmem>>, %arg11: memref<64x128xf32, #tpu.memory_space<vmem>>, %arg12: memref<!tpu.dma_semaphore, #tpu.memory_space<semaphore_mem>>, %arg13: memref<!tpu.dma_semaphore, #tpu.memory_space<semaphore_mem>>, %arg14: memref<!tpu.dma_semaphore, #tpu.memory_space<semaphore_mem>>) attributes {dimension_semantics = [#tpu.dimension_semantics<core_parallel>, #tpu.dimension_semantics<subcore_parallel>], iteration_bounds = array<i64: 2, 16>, scalar_prefetch = 0 : i64, scratch_operands = 10 : i64, tpu.core_type = #tpu.core_type<sc_vector_subcore>, window_params = [{transform_indices = #map}, {transform_indices = #map}, {transform_indices = #map}]} {
    %mul3A = arith.constant 2560000 : i32
    %mul3A_0 = arith.muli %arg0, %mul3A : i32
    %mul3A_1 = arith.constant 160000 : i32
    %mul3A_2 = arith.muli %arg1, %mul3A_1 : i32
    %add3A = arith.addi %mul3A_0, %mul3A_2 : i32
    %mul3A_3 = arith.constant 320000 : i32
    %mul3A_4 = arith.muli %arg0, %mul3A_3 : i32
    %broadcast_in_dim3A = arith.constant 0 : i32
    %broadcast_in_dim3A_5 = vector.broadcast %broadcast_in_dim3A : i32 to vector<16xi32>
    %broadcast_in_dim3A_6 = arith.constant 0.000000e+00 : f32
    %broadcast_in_dim3A_7 = vector.broadcast %broadcast_in_dim3A_6 : f32 to vector<16xf32>
    %iota3A = tpu.iota {dimensions = array<i32: 0>} : vector<16xi32>
    %scan3A = arith.constant 0 : i32
    %scan3A_8 = arith.constant 20 : i32
    %scan3A_9 = arith.addi %scan3A, %scan3A_8 : i32
    %scan3A_10 = arith.constant 1 : i32
    scf.for %scan3A_17 = %scan3A to %scan3A_9 step %scan3A_10  : i32 {
      %mul3A_18 = arith.constant 1 : i32
      %mul3A_19 = arith.muli %scan3A_17, %mul3A_18 : i32
      %add3A_20 = arith.constant 0 : i32
      %add3A_21 = arith.addi %add3A_20, %mul3A_19 : i32
      %scan3A_22 = arith.constant 0 : i32
      %scan3A_23 = arith.constant 4 : i32
      %scan3A_24 = arith.addi %scan3A_22, %scan3A_23 : i32
      %scan3A_25 = arith.constant 1 : i32
      scf.for %scan3A_27 = %scan3A_22 to %scan3A_24 step %scan3A_25  : i32 {
        %mul3A_28 = arith.constant 1 : i32
        %mul3A_29 = arith.muli %scan3A_27, %mul3A_28 : i32
        %add3A_30 = arith.constant 0 : i32
        %add3A_31 = arith.addi %add3A_30, %mul3A_29 : i32
        %mul3A_32 = arith.constant 16 : i32
        %mul3A_33 = arith.muli %add3A_31, %mul3A_32 : i32
        %swap3A = arith.index_cast %add3A_21 : i32 to index
        %swap3A_34 = arith.index_cast %mul3A_33 : i32 to index
        %swap3A_35 = tpu.vector_load %arg8[%swap3A, %swap3A_34] {strides = array<i32>} : memref<20x64xi32, #tpu.memory_space<vmem>>, vector<16xi32>,
        tpu.vector_store %arg8[%swap3A, %swap3A_34], %broadcast_in_dim3A_5 {strides = array<i32>} : memref<20x64xi32, #tpu.memory_space<vmem>>, vector<16xi32>,
        %swap3A_36 = arith.index_cast %add3A_21 : i32 to index
        %swap3A_37 = arith.index_cast %mul3A_33 : i32 to index
        %swap3A_38 = tpu.vector_load %arg9[%swap3A_36, %swap3A_37] {strides = array<i32>} : memref<20x64xi32, #tpu.memory_space<vmem>>, vector<16xi32>,
        tpu.vector_store %arg9[%swap3A_36, %swap3A_37], %broadcast_in_dim3A_5 {strides = array<i32>} : memref<20x64xi32, #tpu.memory_space<vmem>>, vector<16xi32>,
        %swap3A_39 = arith.index_cast %add3A_21 : i32 to index
        %swap3A_40 = arith.index_cast %mul3A_33 : i32 to index
        %swap3A_41 = tpu.vector_load %arg10[%swap3A_39, %swap3A_40] {strides = array<i32>} : memref<20x64xf32, #tpu.memory_space<vmem>>, vector<16xf32>,
        tpu.vector_store %arg10[%swap3A_39, %swap3A_40], %broadcast_in_dim3A_7 {strides = array<i32>} : memref<20x64xf32, #tpu.memory_space<vmem>>, vector<16xf32>,
      }
      %scan3A_26 = arith.constant 4 : i32
    }
    %scan3A_11 = arith.constant 20 : i32
    %scan3A_12 = arith.constant 0 : i32
    %scan3A_13 = arith.constant 25 : i32
    %scan3A_14 = arith.addi %scan3A_12, %scan3A_13 : i32
    %scan3A_15 = arith.constant 1 : i32
    scf.for %scan3A_17 = %scan3A_12 to %scan3A_14 step %scan3A_15  : i32 {
      %mul3A_18 = arith.constant 1 : i32
      %mul3A_19 = arith.muli %scan3A_17, %mul3A_18 : i32
      %add3A_20 = arith.constant 0 : i32
      %add3A_21 = arith.addi %add3A_20, %mul3A_19 : i32
      %mul3A_22 = arith.constant 12800 : i32
      %mul3A_23 = arith.muli %add3A_21, %mul3A_22 : i32
      %scan3A_24 = arith.constant 0 : i32
      %scan3A_25 = arith.constant 64 : i32
      %scan3A_26 = arith.addi %scan3A_24, %scan3A_25 : i32
      %scan3A_27 = arith.constant 1 : i32
      scf.for %scan3A_143 = %scan3A_24 to %scan3A_26 step %scan3A_27  : i32 {
        %mul3A_144 = arith.constant 1 : i32
        %mul3A_145 = arith.muli %scan3A_143, %mul3A_144 : i32
        %add3A_146 = arith.constant 0 : i32
        %add3A_147 = arith.addi %add3A_146, %mul3A_145 : i32
        %swap3A = arith.index_cast %add3A_147 : i32 to index
        %swap3A_148 = arith.constant 0 : index
        %swap3A_149 = tpu.vector_load %arg11[%swap3A, %swap3A_148] {strides = array<i32>} : memref<64x128xf32, #tpu.memory_space<vmem>>, vector<16xf32>,
        tpu.vector_store %arg11[%swap3A, %swap3A_148], %broadcast_in_dim3A_7 {strides = array<i32>} : memref<64x128xf32, #tpu.memory_space<vmem>>, vector<16xf32>,
        %swap3A_150 = arith.index_cast %add3A_147 : i32 to index
        %swap3A_151 = arith.constant 16 : index
        %swap3A_152 = tpu.vector_load %arg11[%swap3A_150, %swap3A_151] {strides = array<i32>} : memref<64x128xf32, #tpu.memory_space<vmem>>, vector<16xf32>,
        tpu.vector_store %arg11[%swap3A_150, %swap3A_151], %broadcast_in_dim3A_7 {strides = array<i32>} : memref<64x128xf32, #tpu.memory_space<vmem>>, vector<16xf32>,
        %swap3A_153 = arith.index_cast %add3A_147 : i32 to index
        %swap3A_154 = arith.constant 32 : index
        %swap3A_155 = tpu.vector_load %arg11[%swap3A_153, %swap3A_154] {strides = array<i32>} : memref<64x128xf32, #tpu.memory_space<vmem>>, vector<16xf32>,
        tpu.vector_store %arg11[%swap3A_153, %swap3A_154], %broadcast_in_dim3A_7 {strides = array<i32>} : memref<64x128xf32, #tpu.memory_space<vmem>>, vector<16xf32>,
        %swap3A_156 = arith.index_cast %add3A_147 : i32 to index
        %swap3A_157 = arith.constant 48 : index
        %swap3A_158 = tpu.vector_load %arg11[%swap3A_156, %swap3A_157] {strides = array<i32>} : memref<64x128xf32, #tpu.memory_space<vmem>>, vector<16xf32>,
        tpu.vector_store %arg11[%swap3A_156, %swap3A_157], %broadcast_in_dim3A_7 {strides = array<i32>} : memref<64x128xf32, #tpu.memory_space<vmem>>, vector<16xf32>,
        %swap3A_159 = arith.index_cast %add3A_147 : i32 to index
        %swap3A_160 = arith.constant 64 : index
        %swap3A_161 = tpu.vector_load %arg11[%swap3A_159, %swap3A_160] {strides = array<i32>} : memref<64x128xf32, #tpu.memory_space<vmem>>, vector<16xf32>,
        tpu.vector_store %arg11[%swap3A_159, %swap3A_160], %broadcast_in_dim3A_7 {strides = array<i32>} : memref<64x128xf32, #tpu.memory_space<vmem>>, vector<16xf32>,
        %swap3A_162 = arith.index_cast %add3A_147 : i32 to index
        %swap3A_163 = arith.constant 80 : index
        %swap3A_164 = tpu.vector_load %arg11[%swap3A_162, %swap3A_163] {strides = array<i32>} : memref<64x128xf32, #tpu.memory_space<vmem>>, vector<16xf32>,
        tpu.vector_store %arg11[%swap3A_162, %swap3A_163], %broadcast_in_dim3A_7 {strides = array<i32>} : memref<64x128xf32, #tpu.memory_space<vmem>>, vector<16xf32>,
        %swap3A_165 = arith.index_cast %add3A_147 : i32 to index
        %swap3A_166 = arith.constant 96 : index
        %swap3A_167 = tpu.vector_load %arg11[%swap3A_165, %swap3A_166] {strides = array<i32>} : memref<64x128xf32, #tpu.memory_space<vmem>>, vector<16xf32>,
        tpu.vector_store %arg11[%swap3A_165, %swap3A_166], %broadcast_in_dim3A_7 {strides = array<i32>} : memref<64x128xf32, #tpu.memory_space<vmem>>, vector<16xf32>,
        %swap3A_168 = arith.index_cast %add3A_147 : i32 to index
        %swap3A_169 = arith.constant 112 : index
        %swap3A_170 = tpu.vector_load %arg11[%swap3A_168, %swap3A_169] {strides = array<i32>} : memref<64x128xf32, #tpu.memory_space<vmem>>, vector<16xf32>,
        tpu.vector_store %arg11[%swap3A_168, %swap3A_169], %broadcast_in_dim3A_7 {strides = array<i32>} : memref<64x128xf32, #tpu.memory_space<vmem>>, vector<16xf32>,
      }
      %scan3A_28 = arith.constant 64 : i32
      %mul3A_29 = arith.constant 800 : i32
      %mul3A_30 = arith.muli %arg1, %mul3A_29 : i32
      %add3A_31 = arith.constant 0 : i32
      %add3A_32 = arith.addi %mul3A_30, %add3A_31 : i32
      "tpu.region"() ({
        %run_scoped3A = tpu.sem_alloc : memref<!tpu.dma_semaphore, #tpu.memory_space<semaphore_mem>>
        %dma_start3A_143 = arith.constant 0 : i32
        %dma_start3A_144 = tpu.memref_slice %arg5[%add3A_32, %dma_start3A_143] : memref<12800x128xf32, #tpu.memory_space<vmem_shared>> -> memref<64x128xf32, #tpu.memory_space<vmem_shared>>
        %dma_start3A_145 = arith.constant 0 : i32
        %dma_start3A_146 = tpu.memref_slice %arg5[%add3A_32, %dma_start3A_145] : memref<12800x128xf32, #tpu.memory_space<vmem_shared>> -> memref<64x128xf32, #tpu.memory_space<vmem_shared>>
        tpu.enqueue_dma source(%arg11 : memref<64x128xf32, #tpu.memory_space<vmem>>) target(%dma_start3A_146 : memref<64x128xf32, #tpu.memory_space<vmem_shared>>) target_semaphore(%run_scoped3A : memref<!tpu.dma_semaphore, #tpu.memory_space<semaphore_mem>>)
        %dma_wait3A_147 = arith.constant 0 : i32
        %dma_wait3A_148 = tpu.memref_slice %arg5[%add3A_32, %dma_wait3A_147] : memref<12800x128xf32, #tpu.memory_space<vmem_shared>> -> memref<64x128xf32, #tpu.memory_space<vmem_shared>>
        %dma_wait3A_149 = arith.constant 0 : i32
        %dma_wait3A_150 = tpu.memref_slice %arg5[%add3A_32, %dma_wait3A_149] : memref<12800x128xf32, #tpu.memory_space<vmem_shared>> -> memref<64x128xf32, #tpu.memory_space<vmem_shared>>
        tpu.wait_dma2 semaphore(%run_scoped3A : memref<!tpu.dma_semaphore, #tpu.memory_space<semaphore_mem>>) src(%arg11 : memref<64x128xf32, #tpu.memory_space<vmem>>) dst(%dma_wait3A_150 : memref<64x128xf32, #tpu.memory_space<vmem_shared>>)
        tpu.yield
      }) : () -> ()
      %mul3A_33 = arith.constant 800 : i32
      %mul3A_34 = arith.muli %arg1, %mul3A_33 : i32
      %add3A_35 = arith.constant 64 : i32
      %add3A_36 = arith.addi %mul3A_34, %add3A_35 : i32
      "tpu.region"() ({
        %run_scoped3A = tpu.sem_alloc : memref<!tpu.dma_semaphore, #tpu.memory_space<semaphore_mem>>
        %dma_start3A_143 = arith.constant 0 : i32
        %dma_start3A_144 = tpu.memref_slice %arg5[%add3A_36, %dma_start3A_143] : memref<12800x128xf32, #tpu.memory_space<vmem_shared>> -> memref<64x128xf32, #tpu.memory_space<vmem_shared>>
        %dma_start3A_145 = arith.constant 0 : i32
        %dma_start3A_146 = tpu.memref_slice %arg5[%add3A_36, %dma_start3A_145] : memref<12800x128xf32, #tpu.memory_space<vmem_shared>> -> memref<64x128xf32, #tpu.memory_space<vmem_shared>>
        tpu.enqueue_dma source(%arg11 : memref<64x128xf32, #tpu.memory_space<vmem>>) target(%dma_start3A_146 : memref<64x128xf32, #tpu.memory_space<vmem_shared>>) target_semaphore(%run_scoped3A : memref<!tpu.dma_semaphore, #tpu.memory_space<semaphore_mem>>)
        %dma_wait3A_147 = arith.constant 0 : i32
        %dma_wait3A_148 = tpu.memref_slice %arg5[%add3A_36, %dma_wait3A_147] : memref<12800x128xf32, #tpu.memory_space<vmem_shared>> -> memref<64x128xf32, #tpu.memory_space<vmem_shared>>
        %dma_wait3A_149 = arith.constant 0 : i32
        %dma_wait3A_150 = tpu.memref_slice %arg5[%add3A_36, %dma_wait3A_149] : memref<12800x128xf32, #tpu.memory_space<vmem_shared>> -> memref<64x128xf32, #tpu.memory_space<vmem_shared>>
        tpu.wait_dma2 semaphore(%run_scoped3A : memref<!tpu.dma_semaphore, #tpu.memory_space<semaphore_mem>>) src(%arg11 : memref<64x128xf32, #tpu.memory_space<vmem>>) dst(%dma_wait3A_150 : memref<64x128xf32, #tpu.memory_space<vmem_shared>>)
        tpu.yield
      }) : () -> ()
      %mul3A_37 = arith.constant 800 : i32
      %mul3A_38 = arith.muli %arg1, %mul3A_37 : i32
      %add3A_39 = arith.constant 128 : i32
      %add3A_40 = arith.addi %mul3A_38, %add3A_39 : i32
      "tpu.region"() ({
        %run_scoped3A = tpu.sem_alloc : memref<!tpu.dma_semaphore, #tpu.memory_space<semaphore_mem>>
        %dma_start3A_143 = arith.constant 0 : i32
        %dma_start3A_144 = tpu.memref_slice %arg5[%add3A_40, %dma_start3A_143] : memref<12800x128xf32, #tpu.memory_space<vmem_shared>> -> memref<64x128xf32, #tpu.memory_space<vmem_shared>>
        %dma_start3A_145 = arith.constant 0 : i32
        %dma_start3A_146 = tpu.memref_slice %arg5[%add3A_40, %dma_start3A_145] : memref<12800x128xf32, #tpu.memory_space<vmem_shared>> -> memref<64x128xf32, #tpu.memory_space<vmem_shared>>
        tpu.enqueue_dma source(%arg11 : memref<64x128xf32, #tpu.memory_space<vmem>>) target(%dma_start3A_146 : memref<64x128xf32, #tpu.memory_space<vmem_shared>>) target_semaphore(%run_scoped3A : memref<!tpu.dma_semaphore, #tpu.memory_space<semaphore_mem>>)
        %dma_wait3A_147 = arith.constant 0 : i32
        %dma_wait3A_148 = tpu.memref_slice %arg5[%add3A_40, %dma_wait3A_147] : memref<12800x128xf32, #tpu.memory_space<vmem_shared>> -> memref<64x128xf32, #tpu.memory_space<vmem_shared>>
        %dma_wait3A_149 = arith.constant 0 : i32
        %dma_wait3A_150 = tpu.memref_slice %arg5[%add3A_40, %dma_wait3A_149] : memref<12800x128xf32, #tpu.memory_space<vmem_shared>> -> memref<64x128xf32, #tpu.memory_space<vmem_shared>>
        tpu.wait_dma2 semaphore(%run_scoped3A : memref<!tpu.dma_semaphore, #tpu.memory_space<semaphore_mem>>) src(%arg11 : memref<64x128xf32, #tpu.memory_space<vmem>>) dst(%dma_wait3A_150 : memref<64x128xf32, #tpu.memory_space<vmem_shared>>)
        tpu.yield
      }) : () -> ()
      %mul3A_41 = arith.constant 800 : i32
      %mul3A_42 = arith.muli %arg1, %mul3A_41 : i32
      %add3A_43 = arith.constant 192 : i32
      %add3A_44 = arith.addi %mul3A_42, %add3A_43 : i32
      "tpu.region"() ({
        %run_scoped3A = tpu.sem_alloc : memref<!tpu.dma_semaphore, #tpu.memory_space<semaphore_mem>>
        %dma_start3A_143 = arith.constant 0 : i32
        %dma_start3A_144 = tpu.memref_slice %arg5[%add3A_44, %dma_start3A_143] : memref<12800x128xf32, #tpu.memory_space<vmem_shared>> -> memref<64x128xf32, #tpu.memory_space<vmem_shared>>
        %dma_start3A_145 = arith.constant 0 : i32
        %dma_start3A_146 = tpu.memref_slice %arg5[%add3A_44, %dma_start3A_145] : memref<12800x128xf32, #tpu.memory_space<vmem_shared>> -> memref<64x128xf32, #tpu.memory_space<vmem_shared>>
        tpu.enqueue_dma source(%arg11 : memref<64x128xf32, #tpu.memory_space<vmem>>) target(%dma_start3A_146 : memref<64x128xf32, #tpu.memory_space<vmem_shared>>) target_semaphore(%run_scoped3A : memref<!tpu.dma_semaphore, #tpu.memory_space<semaphore_mem>>)
        %dma_wait3A_147 = arith.constant 0 : i32
        %dma_wait3A_148 = tpu.memref_slice %arg5[%add3A_44, %dma_wait3A_147] : memref<12800x128xf32, #tpu.memory_space<vmem_shared>> -> memref<64x128xf32, #tpu.memory_space<vmem_shared>>
        %dma_wait3A_149 = arith.constant 0 : i32
        %dma_wait3A_150 = tpu.memref_slice %arg5[%add3A_44, %dma_wait3A_149] : memref<12800x128xf32, #tpu.memory_space<vmem_shared>> -> memref<64x128xf32, #tpu.memory_space<vmem_shared>>
        tpu.wait_dma2 semaphore(%run_scoped3A : memref<!tpu.dma_semaphore, #tpu.memory_space<semaphore_mem>>) src(%arg11 : memref<64x128xf32, #tpu.memory_space<vmem>>) dst(%dma_wait3A_150 : memref<64x128xf32, #tpu.memory_space<vmem_shared>>)
        tpu.yield
      }) : () -> ()
      %mul3A_45 = arith.constant 800 : i32
      %mul3A_46 = arith.muli %arg1, %mul3A_45 : i32
      %add3A_47 = arith.constant 256 : i32
      %add3A_48 = arith.addi %mul3A_46, %add3A_47 : i32
      "tpu.region"() ({
        %run_scoped3A = tpu.sem_alloc : memref<!tpu.dma_semaphore, #tpu.memory_space<semaphore_mem>>
        %dma_start3A_143 = arith.constant 0 : i32
        %dma_start3A_144 = tpu.memref_slice %arg5[%add3A_48, %dma_start3A_143] : memref<12800x128xf32, #tpu.memory_space<vmem_shared>> -> memref<64x128xf32, #tpu.memory_space<vmem_shared>>
        %dma_start3A_145 = arith.constant 0 : i32
        %dma_start3A_146 = tpu.memref_slice %arg5[%add3A_48, %dma_start3A_145] : memref<12800x128xf32, #tpu.memory_space<vmem_shared>> -> memref<64x128xf32, #tpu.memory_space<vmem_shared>>
        tpu.enqueue_dma source(%arg11 : memref<64x128xf32, #tpu.memory_space<vmem>>) target(%dma_start3A_146 : memref<64x128xf32, #tpu.memory_space<vmem_shared>>) target_semaphore(%run_scoped3A : memref<!tpu.dma_semaphore, #tpu.memory_space<semaphore_mem>>)
        %dma_wait3A_147 = arith.constant 0 : i32
        %dma_wait3A_148 = tpu.memref_slice %arg5[%add3A_48, %dma_wait3A_147] : memref<12800x128xf32, #tpu.memory_space<vmem_shared>> -> memref<64x128xf32, #tpu.memory_space<vmem_shared>>
        %dma_wait3A_149 = arith.constant 0 : i32
        %dma_wait3A_150 = tpu.memref_slice %arg5[%add3A_48, %dma_wait3A_149] : memref<12800x128xf32, #tpu.memory_space<vmem_shared>> -> memref<64x128xf32, #tpu.memory_space<vmem_shared>>
        tpu.wait_dma2 semaphore(%run_scoped3A : memref<!tpu.dma_semaphore, #tpu.memory_space<semaphore_mem>>) src(%arg11 : memref<64x128xf32, #tpu.memory_space<vmem>>) dst(%dma_wait3A_150 : memref<64x128xf32, #tpu.memory_space<vmem_shared>>)
        tpu.yield
      }) : () -> ()
      %mul3A_49 = arith.constant 800 : i32
      %mul3A_50 = arith.muli %arg1, %mul3A_49 : i32
      %add3A_51 = arith.constant 320 : i32
      %add3A_52 = arith.addi %mul3A_50, %add3A_51 : i32
      "tpu.region"() ({
        %run_scoped3A = tpu.sem_alloc : memref<!tpu.dma_semaphore, #tpu.memory_space<semaphore_mem>>
        %dma_start3A_143 = arith.constant 0 : i32
        %dma_start3A_144 = tpu.memref_slice %arg5[%add3A_52, %dma_start3A_143] : memref<12800x128xf32, #tpu.memory_space<vmem_shared>> -> memref<64x128xf32, #tpu.memory_space<vmem_shared>>
        %dma_start3A_145 = arith.constant 0 : i32
        %dma_start3A_146 = tpu.memref_slice %arg5[%add3A_52, %dma_start3A_145] : memref<12800x128xf32, #tpu.memory_space<vmem_shared>> -> memref<64x128xf32, #tpu.memory_space<vmem_shared>>
        tpu.enqueue_dma source(%arg11 : memref<64x128xf32, #tpu.memory_space<vmem>>) target(%dma_start3A_146 : memref<64x128xf32, #tpu.memory_space<vmem_shared>>) target_semaphore(%run_scoped3A : memref<!tpu.dma_semaphore, #tpu.memory_space<semaphore_mem>>)
        %dma_wait3A_147 = arith.constant 0 : i32
        %dma_wait3A_148 = tpu.memref_slice %arg5[%add3A_52, %dma_wait3A_147] : memref<12800x128xf32, #tpu.memory_space<vmem_shared>> -> memref<64x128xf32, #tpu.memory_space<vmem_shared>>
        %dma_wait3A_149 = arith.constant 0 : i32
        %dma_wait3A_150 = tpu.memref_slice %arg5[%add3A_52, %dma_wait3A_149] : memref<12800x128xf32, #tpu.memory_space<vmem_shared>> -> memref<64x128xf32, #tpu.memory_space<vmem_shared>>
        tpu.wait_dma2 semaphore(%run_scoped3A : memref<!tpu.dma_semaphore, #tpu.memory_space<semaphore_mem>>) src(%arg11 : memref<64x128xf32, #tpu.memory_space<vmem>>) dst(%dma_wait3A_150 : memref<64x128xf32, #tpu.memory_space<vmem_shared>>)
        tpu.yield
      }) : () -> ()
      %mul3A_53 = arith.constant 800 : i32
      %mul3A_54 = arith.muli %arg1, %mul3A_53 : i32
      %add3A_55 = arith.constant 384 : i32
      %add3A_56 = arith.addi %mul3A_54, %add3A_55 : i32
      "tpu.region"() ({
        %run_scoped3A = tpu.sem_alloc : memref<!tpu.dma_semaphore, #tpu.memory_space<semaphore_mem>>
        %dma_start3A_143 = arith.constant 0 : i32
        %dma_start3A_144 = tpu.memref_slice %arg5[%add3A_56, %dma_start3A_143] : memref<12800x128xf32, #tpu.memory_space<vmem_shared>> -> memref<64x128xf32, #tpu.memory_space<vmem_shared>>
        %dma_start3A_145 = arith.constant 0 : i32
        %dma_start3A_146 = tpu.memref_slice %arg5[%add3A_56, %dma_start3A_145] : memref<12800x128xf32, #tpu.memory_space<vmem_shared>> -> memref<64x128xf32, #tpu.memory_space<vmem_shared>>
        tpu.enqueue_dma source(%arg11 : memref<64x128xf32, #tpu.memory_space<vmem>>) target(%dma_start3A_146 : memref<64x128xf32, #tpu.memory_space<vmem_shared>>) target_semaphore(%run_scoped3A : memref<!tpu.dma_semaphore, #tpu.memory_space<semaphore_mem>>)
        %dma_wait3A_147 = arith.constant 0 : i32
        %dma_wait3A_148 = tpu.memref_slice %arg5[%add3A_56, %dma_wait3A_147] : memref<12800x128xf32, #tpu.memory_space<vmem_shared>> -> memref<64x128xf32, #tpu.memory_space<vmem_shared>>
        %dma_wait3A_149 = arith.constant 0 : i32
        %dma_wait3A_150 = tpu.memref_slice %arg5[%add3A_56, %dma_wait3A_149] : memref<12800x128xf32, #tpu.memory_space<vmem_shared>> -> memref<64x128xf32, #tpu.memory_space<vmem_shared>>
        tpu.wait_dma2 semaphore(%run_scoped3A : memref<!tpu.dma_semaphore, #tpu.memory_space<semaphore_mem>>) src(%arg11 : memref<64x128xf32, #tpu.memory_space<vmem>>) dst(%dma_wait3A_150 : memref<64x128xf32, #tpu.memory_space<vmem_shared>>)
        tpu.yield
      }) : () -> ()
      %mul3A_57 = arith.constant 800 : i32
      %mul3A_58 = arith.muli %arg1, %mul3A_57 : i32
      %add3A_59 = arith.constant 448 : i32
      %add3A_60 = arith.addi %mul3A_58, %add3A_59 : i32
      "tpu.region"() ({
        %run_scoped3A = tpu.sem_alloc : memref<!tpu.dma_semaphore, #tpu.memory_space<semaphore_mem>>
        %dma_start3A_143 = arith.constant 0 : i32
        %dma_start3A_144 = tpu.memref_slice %arg5[%add3A_60, %dma_start3A_143] : memref<12800x128xf32, #tpu.memory_space<vmem_shared>> -> memref<64x128xf32, #tpu.memory_space<vmem_shared>>
        %dma_start3A_145 = arith.constant 0 : i32
        %dma_start3A_146 = tpu.memref_slice %arg5[%add3A_60, %dma_start3A_145] : memref<12800x128xf32, #tpu.memory_space<vmem_shared>> -> memref<64x128xf32, #tpu.memory_space<vmem_shared>>
        tpu.enqueue_dma source(%arg11 : memref<64x128xf32, #tpu.memory_space<vmem>>) target(%dma_start3A_146 : memref<64x128xf32, #tpu.memory_space<vmem_shared>>) target_semaphore(%run_scoped3A : memref<!tpu.dma_semaphore, #tpu.memory_space<semaphore_mem>>)
        %dma_wait3A_147 = arith.constant 0 : i32
        %dma_wait3A_148 = tpu.memref_slice %arg5[%add3A_60, %dma_wait3A_147] : memref<12800x128xf32, #tpu.memory_space<vmem_shared>> -> memref<64x128xf32, #tpu.memory_space<vmem_shared>>
        %dma_wait3A_149 = arith.constant 0 : i32
        %dma_wait3A_150 = tpu.memref_slice %arg5[%add3A_60, %dma_wait3A_149] : memref<12800x128xf32, #tpu.memory_space<vmem_shared>> -> memref<64x128xf32, #tpu.memory_space<vmem_shared>>
        tpu.wait_dma2 semaphore(%run_scoped3A : memref<!tpu.dma_semaphore, #tpu.memory_space<semaphore_mem>>) src(%arg11 : memref<64x128xf32, #tpu.memory_space<vmem>>) dst(%dma_wait3A_150 : memref<64x128xf32, #tpu.memory_space<vmem_shared>>)
        tpu.yield
      }) : () -> ()
      %mul3A_61 = arith.constant 800 : i32
      %mul3A_62 = arith.muli %arg1, %mul3A_61 : i32
      %add3A_63 = arith.constant 512 : i32
      %add3A_64 = arith.addi %mul3A_62, %add3A_63 : i32
      "tpu.region"() ({
        %run_scoped3A = tpu.sem_alloc : memref<!tpu.dma_semaphore, #tpu.memory_space<semaphore_mem>>
        %dma_start3A_143 = arith.constant 0 : i32
        %dma_start3A_144 = tpu.memref_slice %arg5[%add3A_64, %dma_start3A_143] : memref<12800x128xf32, #tpu.memory_space<vmem_shared>> -> memref<64x128xf32, #tpu.memory_space<vmem_shared>>
        %dma_start3A_145 = arith.constant 0 : i32
        %dma_start3A_146 = tpu.memref_slice %arg5[%add3A_64, %dma_start3A_145] : memref<12800x128xf32, #tpu.memory_space<vmem_shared>> -> memref<64x128xf32, #tpu.memory_space<vmem_shared>>
        tpu.enqueue_dma source(%arg11 : memref<64x128xf32, #tpu.memory_space<vmem>>) target(%dma_start3A_146 : memref<64x128xf32, #tpu.memory_space<vmem_shared>>) target_semaphore(%run_scoped3A : memref<!tpu.dma_semaphore, #tpu.memory_space<semaphore_mem>>)
        %dma_wait3A_147 = arith.constant 0 : i32
        %dma_wait3A_148 = tpu.memref_slice %arg5[%add3A_64, %dma_wait3A_147] : memref<12800x128xf32, #tpu.memory_space<vmem_shared>> -> memref<64x128xf32, #tpu.memory_space<vmem_shared>>
        %dma_wait3A_149 = arith.constant 0 : i32
        %dma_wait3A_150 = tpu.memref_slice %arg5[%add3A_64, %dma_wait3A_149] : memref<12800x128xf32, #tpu.memory_space<vmem_shared>> -> memref<64x128xf32, #tpu.memory_space<vmem_shared>>
        tpu.wait_dma2 semaphore(%run_scoped3A : memref<!tpu.dma_semaphore, #tpu.memory_space<semaphore_mem>>) src(%arg11 : memref<64x128xf32, #tpu.memory_space<vmem>>) dst(%dma_wait3A_150 : memref<64x128xf32, #tpu.memory_space<vmem_shared>>)
        tpu.yield
      }) : () -> ()
      %mul3A_65 = arith.constant 800 : i32
      %mul3A_66 = arith.muli %arg1, %mul3A_65 : i32
      %add3A_67 = arith.constant 576 : i32
      %add3A_68 = arith.addi %mul3A_66, %add3A_67 : i32
      "tpu.region"() ({
        %run_scoped3A = tpu.sem_alloc : memref<!tpu.dma_semaphore, #tpu.memory_space<semaphore_mem>>
        %dma_start3A_143 = arith.constant 0 : i32
        %dma_start3A_144 = tpu.memref_slice %arg5[%add3A_68, %dma_start3A_143] : memref<12800x128xf32, #tpu.memory_space<vmem_shared>> -> memref<64x128xf32, #tpu.memory_space<vmem_shared>>
        %dma_start3A_145 = arith.constant 0 : i32
        %dma_start3A_146 = tpu.memref_slice %arg5[%add3A_68, %dma_start3A_145] : memref<12800x128xf32, #tpu.memory_space<vmem_shared>> -> memref<64x128xf32, #tpu.memory_space<vmem_shared>>
        tpu.enqueue_dma source(%arg11 : memref<64x128xf32, #tpu.memory_space<vmem>>) target(%dma_start3A_146 : memref<64x128xf32, #tpu.memory_space<vmem_shared>>) target_semaphore(%run_scoped3A : memref<!tpu.dma_semaphore, #tpu.memory_space<semaphore_mem>>)
        %dma_wait3A_147 = arith.constant 0 : i32
        %dma_wait3A_148 = tpu.memref_slice %arg5[%add3A_68, %dma_wait3A_147] : memref<12800x128xf32, #tpu.memory_space<vmem_shared>> -> memref<64x128xf32, #tpu.memory_space<vmem_shared>>
        %dma_wait3A_149 = arith.constant 0 : i32
        %dma_wait3A_150 = tpu.memref_slice %arg5[%add3A_68, %dma_wait3A_149] : memref<12800x128xf32, #tpu.memory_space<vmem_shared>> -> memref<64x128xf32, #tpu.memory_space<vmem_shared>>
        tpu.wait_dma2 semaphore(%run_scoped3A : memref<!tpu.dma_semaphore, #tpu.memory_space<semaphore_mem>>) src(%arg11 : memref<64x128xf32, #tpu.memory_space<vmem>>) dst(%dma_wait3A_150 : memref<64x128xf32, #tpu.memory_space<vmem_shared>>)
        tpu.yield
      }) : () -> ()
      %mul3A_69 = arith.constant 800 : i32
      %mul3A_70 = arith.muli %arg1, %mul3A_69 : i32
      %add3A_71 = arith.constant 640 : i32
      %add3A_72 = arith.addi %mul3A_70, %add3A_71 : i32
      "tpu.region"() ({
        %run_scoped3A = tpu.sem_alloc : memref<!tpu.dma_semaphore, #tpu.memory_space<semaphore_mem>>
        %dma_start3A_143 = arith.constant 0 : i32
        %dma_start3A_144 = tpu.memref_slice %arg5[%add3A_72, %dma_start3A_143] : memref<12800x128xf32, #tpu.memory_space<vmem_shared>> -> memref<64x128xf32, #tpu.memory_space<vmem_shared>>
        %dma_start3A_145 = arith.constant 0 : i32
        %dma_start3A_146 = tpu.memref_slice %arg5[%add3A_72, %dma_start3A_145] : memref<12800x128xf32, #tpu.memory_space<vmem_shared>> -> memref<64x128xf32, #tpu.memory_space<vmem_shared>>
        tpu.enqueue_dma source(%arg11 : memref<64x128xf32, #tpu.memory_space<vmem>>) target(%dma_start3A_146 : memref<64x128xf32, #tpu.memory_space<vmem_shared>>) target_semaphore(%run_scoped3A : memref<!tpu.dma_semaphore, #tpu.memory_space<semaphore_mem>>)
        %dma_wait3A_147 = arith.constant 0 : i32
        %dma_wait3A_148 = tpu.memref_slice %arg5[%add3A_72, %dma_wait3A_147] : memref<12800x128xf32, #tpu.memory_space<vmem_shared>> -> memref<64x128xf32, #tpu.memory_space<vmem_shared>>
        %dma_wait3A_149 = arith.constant 0 : i32
        %dma_wait3A_150 = tpu.memref_slice %arg5[%add3A_72, %dma_wait3A_149] : memref<12800x128xf32, #tpu.memory_space<vmem_shared>> -> memref<64x128xf32, #tpu.memory_space<vmem_shared>>
        tpu.wait_dma2 semaphore(%run_scoped3A : memref<!tpu.dma_semaphore, #tpu.memory_space<semaphore_mem>>) src(%arg11 : memref<64x128xf32, #tpu.memory_space<vmem>>) dst(%dma_wait3A_150 : memref<64x128xf32, #tpu.memory_space<vmem_shared>>)
        tpu.yield
      }) : () -> ()
      %mul3A_73 = arith.constant 800 : i32
      %mul3A_74 = arith.muli %arg1, %mul3A_73 : i32
      %add3A_75 = arith.constant 704 : i32
      %add3A_76 = arith.addi %mul3A_74, %add3A_75 : i32
      "tpu.region"() ({
        %run_scoped3A = tpu.sem_alloc : memref<!tpu.dma_semaphore, #tpu.memory_space<semaphore_mem>>
        %dma_start3A_143 = arith.constant 0 : i32
        %dma_start3A_144 = tpu.memref_slice %arg5[%add3A_76, %dma_start3A_143] : memref<12800x128xf32, #tpu.memory_space<vmem_shared>> -> memref<64x128xf32, #tpu.memory_space<vmem_shared>>
        %dma_start3A_145 = arith.constant 0 : i32
        %dma_start3A_146 = tpu.memref_slice %arg5[%add3A_76, %dma_start3A_145] : memref<12800x128xf32, #tpu.memory_space<vmem_shared>> -> memref<64x128xf32, #tpu.memory_space<vmem_shared>>
        tpu.enqueue_dma source(%arg11 : memref<64x128xf32, #tpu.memory_space<vmem>>) target(%dma_start3A_146 : memref<64x128xf32, #tpu.memory_space<vmem_shared>>) target_semaphore(%run_scoped3A : memref<!tpu.dma_semaphore, #tpu.memory_space<semaphore_mem>>)
        %dma_wait3A_147 = arith.constant 0 : i32
        %dma_wait3A_148 = tpu.memref_slice %arg5[%add3A_76, %dma_wait3A_147] : memref<12800x128xf32, #tpu.memory_space<vmem_shared>> -> memref<64x128xf32, #tpu.memory_space<vmem_shared>>
        %dma_wait3A_149 = arith.constant 0 : i32
        %dma_wait3A_150 = tpu.memref_slice %arg5[%add3A_76, %dma_wait3A_149] : memref<12800x128xf32, #tpu.memory_space<vmem_shared>> -> memref<64x128xf32, #tpu.memory_space<vmem_shared>>
        tpu.wait_dma2 semaphore(%run_scoped3A : memref<!tpu.dma_semaphore, #tpu.memory_space<semaphore_mem>>) src(%arg11 : memref<64x128xf32, #tpu.memory_space<vmem>>) dst(%dma_wait3A_150 : memref<64x128xf32, #tpu.memory_space<vmem_shared>>)
        tpu.yield
      }) : () -> ()
      %mul3A_77 = arith.constant 800 : i32
      %mul3A_78 = arith.muli %arg1, %mul3A_77 : i32
      %add3A_79 = arith.constant 768 : i32
      %add3A_80 = arith.addi %mul3A_78, %add3A_79 : i32
      "tpu.region"() ({
        %run_scoped3A = tpu.sem_alloc : memref<!tpu.dma_semaphore, #tpu.memory_space<semaphore_mem>>
        %dma_start3A_143 = arith.constant 0 : i32
        %dma_start3A_144 = arith.constant 0 : i32
        %dma_start3A_145 = tpu.memref_slice %arg11[%dma_start3A_143, %dma_start3A_144] : memref<64x128xf32, #tpu.memory_space<vmem>> -> memref<32x128xf32, #tpu.memory_space<vmem>>
        %dma_start3A_146 = arith.constant 0 : i32
        %dma_start3A_147 = tpu.memref_slice %arg5[%add3A_80, %dma_start3A_146] : memref<12800x128xf32, #tpu.memory_space<vmem_shared>> -> memref<32x128xf32, #tpu.memory_space<vmem_shared>>
        %dma_start3A_148 = arith.constant 0 : i32
        %dma_start3A_149 = tpu.memref_slice %arg5[%add3A_80, %dma_start3A_148] : memref<12800x128xf32, #tpu.memory_space<vmem_shared>> -> memref<32x128xf32, #tpu.memory_space<vmem_shared>>
        %dma_start3A_150 = arith.constant 0 : i32
        %dma_start3A_151 = arith.constant 0 : i32
        %dma_start3A_152 = tpu.memref_slice %arg11[%dma_start3A_150, %dma_start3A_151] : memref<64x128xf32, #tpu.memory_space<vmem>> -> memref<32x128xf32, #tpu.memory_space<vmem>>
        tpu.enqueue_dma source(%dma_start3A_152 : memref<32x128xf32, #tpu.memory_space<vmem>>) target(%dma_start3A_149 : memref<32x128xf32, #tpu.memory_space<vmem_shared>>) target_semaphore(%run_scoped3A : memref<!tpu.dma_semaphore, #tpu.memory_space<semaphore_mem>>)
        %dma_wait3A_153 = arith.constant 0 : i32
        %dma_wait3A_154 = arith.constant 0 : i32
        %dma_wait3A_155 = tpu.memref_slice %arg11[%dma_wait3A_153, %dma_wait3A_154] : memref<64x128xf32, #tpu.memory_space<vmem>> -> memref<32x128xf32, #tpu.memory_space<vmem>>
        %dma_wait3A_156 = arith.constant 0 : i32
        %dma_wait3A_157 = tpu.memref_slice %arg5[%add3A_80, %dma_wait3A_156] : memref<12800x128xf32, #tpu.memory_space<vmem_shared>> -> memref<32x128xf32, #tpu.memory_space<vmem_shared>>
        %dma_wait3A_158 = arith.constant 0 : i32
        %dma_wait3A_159 = tpu.memref_slice %arg5[%add3A_80, %dma_wait3A_158] : memref<12800x128xf32, #tpu.memory_space<vmem_shared>> -> memref<32x128xf32, #tpu.memory_space<vmem_shared>>
        %dma_wait3A_160 = arith.constant 0 : i32
        %dma_wait3A_161 = arith.constant 0 : i32
        %dma_wait3A_162 = tpu.memref_slice %arg11[%dma_wait3A_160, %dma_wait3A_161] : memref<64x128xf32, #tpu.memory_space<vmem>> -> memref<32x128xf32, #tpu.memory_space<vmem>>
        tpu.wait_dma2 semaphore(%run_scoped3A : memref<!tpu.dma_semaphore, #tpu.memory_space<semaphore_mem>>) src(%dma_wait3A_162 : memref<32x128xf32, #tpu.memory_space<vmem>>) dst(%dma_wait3A_159 : memref<32x128xf32, #tpu.memory_space<vmem_shared>>)
        tpu.yield
      }) : () -> ()
      %barrier3A = arith.constant 0 : index
      tpu.barrier barrier_id(%barrier3A)
      %mul3A_81 = arith.constant 0 : i32
      %mul3A_82 = arith.constant 1280 : i32
      %mul3A_83 = arith.muli %mul3A_81, %mul3A_82 : i32
      %add3A_84 = arith.addi %add3A, %mul3A_83 : i32
      %min3A = arith.constant 5118720 : i32
      %min3A_85 = arith.minsi %add3A_84, %min3A : i32
      %multiple_of3A = tpu.assume_multiple %min3A_85, 128 : i32
      %dma_start3A = arith.constant 0 : i32
      %dma_start3A_86 = tpu.memref_slice %arg3[%dma_start3A, %multiple_of3A] : memref<3x5120000xi32, #tpu.memory_space<hbm>> -> memref<3x1280xi32, #tpu.memory_space<hbm>>
      %dma_start3A_87 = arith.constant 0 : i32
      %dma_start3A_88 = tpu.memref_slice %arg3[%dma_start3A_87, %multiple_of3A] : memref<3x5120000xi32, #tpu.memory_space<hbm>> -> memref<3x1280xi32, #tpu.memory_space<hbm>>
      tpu.enqueue_dma source(%dma_start3A_88 : memref<3x1280xi32, #tpu.memory_space<hbm>>) target(%arg6 : memref<3x1280xi32, #tpu.memory_space<vmem>>) target_semaphore(%arg13 : memref<!tpu.dma_semaphore, #tpu.memory_space<semaphore_mem>>)
      %scan3A_89 = arith.constant 0 : i32
      %scan3A_90 = arith.constant 0 : i32
      %scan3A_91 = arith.constant 62 : i32
      %scan3A_92 = arith.addi %scan3A_90, %scan3A_91 : i32
      %scan3A_93 = arith.constant 1 : i32
      scf.for %scan3A_143 = %scan3A_90 to %scan3A_92 step %scan3A_93  : i32 {
        %mul3A_144 = arith.constant 2 : i32
        %mul3A_145 = arith.muli %mul3A_144, %scan3A_143 : i32
        %add3A_146 = arith.constant 1 : i32
        %add3A_147 = arith.addi %mul3A_145, %add3A_146 : i32
        %mul3A_148 = arith.constant 1280 : i32
        %mul3A_149 = arith.muli %add3A_147, %mul3A_148 : i32
        %add3A_150 = arith.addi %add3A, %mul3A_149 : i32
        %min3A_151 = arith.constant 5118720 : i32
        %min3A_152 = arith.minsi %add3A_150, %min3A_151 : i32
        %multiple_of3A_153 = tpu.assume_multiple %min3A_152, 128 : i32
        %dma_start3A_154 = arith.constant 0 : i32
        %dma_start3A_155 = tpu.memref_slice %arg3[%dma_start3A_154, %multiple_of3A_153] : memref<3x5120000xi32, #tpu.memory_space<hbm>> -> memref<3x1280xi32, #tpu.memory_space<hbm>>
        %dma_start3A_156 = arith.constant 0 : i32
        %dma_start3A_157 = tpu.memref_slice %arg3[%dma_start3A_156, %multiple_of3A_153] : memref<3x5120000xi32, #tpu.memory_space<hbm>> -> memref<3x1280xi32, #tpu.memory_space<hbm>>
        tpu.enqueue_dma source(%dma_start3A_157 : memref<3x1280xi32, #tpu.memory_space<hbm>>) target(%arg7 : memref<3x1280xi32, #tpu.memory_space<vmem>>) target_semaphore(%arg14 : memref<!tpu.dma_semaphore, #tpu.memory_space<semaphore_mem>>)
        %mul3A_158 = arith.constant 1280 : i32
        %mul3A_159 = arith.muli %mul3A_145, %mul3A_158 : i32
        %add3A_160 = arith.addi %add3A, %mul3A_159 : i32
        %min3A_161 = arith.constant 5118720 : i32
        %min3A_162 = arith.minsi %add3A_160, %min3A_161 : i32
        %multiple_of3A_163 = tpu.assume_multiple %min3A_162, 128 : i32
        %dma_wait3A_164 = arith.constant 0 : i32
        %dma_wait3A_165 = tpu.memref_slice %arg3[%dma_wait3A_164, %multiple_of3A_163] : memref<3x5120000xi32, #tpu.memory_space<hbm>> -> memref<3x1280xi32, #tpu.memory_space<hbm>>
        %dma_wait3A_166 = arith.constant 0 : i32
        %dma_wait3A_167 = tpu.memref_slice %arg3[%dma_wait3A_166, %multiple_of3A_163] : memref<3x5120000xi32, #tpu.memory_space<hbm>> -> memref<3x1280xi32, #tpu.memory_space<hbm>>
        tpu.wait_dma2 semaphore(%arg13 : memref<!tpu.dma_semaphore, #tpu.memory_space<semaphore_mem>>) src(%dma_wait3A_167 : memref<3x1280xi32, #tpu.memory_space<hbm>>) dst(%arg6 : memref<3x1280xi32, #tpu.memory_space<vmem>>)
        %parallel_loop3A_168 = arith.constant 0 : i32
        %parallel_loop3A_169 = arith.constant 80 : i32
        %parallel_loop3A_170 = arith.constant 1 : i32
        %parallel_loop3A_171 = arith.constant 0 : i32
        %parallel_loop3A_172 = scf.for %parallel_loop3A_260 = %parallel_loop3A_168 to %parallel_loop3A_169 step %parallel_loop3A_170 iter_args(%parallel_loop3A_261 = %parallel_loop3A_171) -> (i32)  : i32 {
          %parallel_loop3A_262 = arith.constant 16 : i32
          %parallel_loop3A_263 = arith.muli %parallel_loop3A_260, %parallel_loop3A_262 : i32
          %parallel_loop3A_264 = arith.constant 0 : i32
          %parallel_loop3A_265 = arith.index_cast %parallel_loop3A_264 : i32 to index
          %parallel_loop3A_266 = arith.index_cast %parallel_loop3A_263 : i32 to index
          %parallel_loop3A_267 = tpu.vector_load %arg6[%parallel_loop3A_265, %parallel_loop3A_266] {strides = array<i32>} : memref<3x1280xi32, #tpu.memory_space<vmem>>, vector<16xi32>,
          %parallel_loop3A_268 = vector.broadcast %mul3A_23 : i32 to vector<16xi32>
          %parallel_loop3A_269 = arith.subi %parallel_loop3A_267, %parallel_loop3A_268 : vector<16xi32>
          %parallel_loop3A_270 = vector.bitcast %parallel_loop3A_269 : vector<16xi32> to vector<16xi32>
          %parallel_loop3A_271 = arith.constant 12800 : i32
          %parallel_loop3A_272 = vector.broadcast %parallel_loop3A_271 : i32 to vector<16xi32>
          %parallel_loop3A_273 = arith.cmpi ult, %parallel_loop3A_270, %parallel_loop3A_272 : vector<16xi32>
          %parallel_loop3A_274 = arith.extui %parallel_loop3A_273 : vector<16xi1> to vector<16xi32>
          %parallel_loop3A_275 = arith.constant true
          %parallel_loop3A_276 = vector.broadcast %parallel_loop3A_275 : i1 to vector<16xi1>
          %parallel_loop3A_277 = tpu.scan <sum>, %parallel_loop3A_274 masked %parallel_loop3A_276 : vector<16xi32>, vector<16xi1> -> vector<16xi32>
          %parallel_loop3A_278 = vector.broadcast %parallel_loop3A_261 : i32 to vector<16xi32>
          %parallel_loop3A_279 = arith.addi %parallel_loop3A_278, %parallel_loop3A_277 : vector<16xi32>
          %parallel_loop3A_280 = arith.constant 1 : i32
          %parallel_loop3A_281 = vector.broadcast %parallel_loop3A_280 : i32 to vector<16xi32>
          %parallel_loop3A_282 = arith.subi %parallel_loop3A_279, %parallel_loop3A_281 : vector<16xi32>
          %parallel_loop3A_283 = arith.constant 6 : i32
          %parallel_loop3A_284 = vector.broadcast %parallel_loop3A_283 : i32 to vector<16xi32>
          %parallel_loop3A_285 = arith.shrsi %parallel_loop3A_282, %parallel_loop3A_284 : vector<16xi32>
          %parallel_loop3A_286 = arith.constant 63 : i32
          %parallel_loop3A_287 = vector.broadcast %parallel_loop3A_286 : i32 to vector<16xi32>
          %parallel_loop3A_288 = arith.andi %parallel_loop3A_282, %parallel_loop3A_287 : vector<16xi32>
          %parallel_loop3A_289 = arith.constant 1 : i32
          %parallel_loop3A_290 = arith.index_cast %parallel_loop3A_289 : i32 to index
          %parallel_loop3A_291 = arith.index_cast %parallel_loop3A_263 : i32 to index
          %parallel_loop3A_292 = tpu.vector_load %arg6[%parallel_loop3A_290, %parallel_loop3A_291] {strides = array<i32>} : memref<3x1280xi32, #tpu.memory_space<vmem>>, vector<16xi32>,
          %parallel_loop3A_293 = vector.broadcast %mul3A_4 : i32 to vector<16xi32>
          %parallel_loop3A_294 = arith.addi %parallel_loop3A_292, %parallel_loop3A_293 : vector<16xi32>
          tpu.vector_store_idx %arg8[%parallel_loop3A_285, %parallel_loop3A_288], %parallel_loop3A_294 masked %parallel_loop3A_273 : memref<20x64xi32, #tpu.memory_space<vmem>>[vector<16xi32>, vector<16xi32>], vector<16xi32>, vector<16xi1>
          tpu.vector_store_idx %arg9[%parallel_loop3A_285, %parallel_loop3A_288], %parallel_loop3A_269 masked %parallel_loop3A_273 : memref<20x64xi32, #tpu.memory_space<vmem>>[vector<16xi32>, vector<16xi32>], vector<16xi32>, vector<16xi1>
          %parallel_loop3A_295 = arith.constant 2 : i32
          %parallel_loop3A_296 = arith.index_cast %parallel_loop3A_295 : i32 to index
          %parallel_loop3A_297 = arith.index_cast %parallel_loop3A_263 : i32 to index
          %parallel_loop3A_298 = tpu.vector_load %arg6[%parallel_loop3A_296, %parallel_loop3A_297] {strides = array<i32>} : memref<3x1280xi32, #tpu.memory_space<vmem>>, vector<16xi32>,
          %parallel_loop3A_299 = vector.bitcast %parallel_loop3A_298 : vector<16xi32> to vector<16xf32>
          tpu.vector_store_idx %arg10[%parallel_loop3A_285, %parallel_loop3A_288], %parallel_loop3A_299 masked %parallel_loop3A_273 : memref<20x64xf32, #tpu.memory_space<vmem>>[vector<16xi32>, vector<16xi32>], vector<16xf32>, vector<16xi1>
          %parallel_loop3A_300 = arith.constant true
          %parallel_loop3A_301 = vector.broadcast %parallel_loop3A_300 : i1 to vector<16xi1>
          %parallel_loop3A_302 = tpu.scan <sum>, %parallel_loop3A_274 masked %parallel_loop3A_301 : vector<16xi32>, vector<16xi1> -> vector<16xi32>
          %parallel_loop3A_303 = vector.extract %parallel_loop3A_302[15] : i32 from vector<16xi32>
          %parallel_loop3A_304 = arith.addi %parallel_loop3A_261, %parallel_loop3A_303 : i32
          scf.yield %parallel_loop3A_304 : i32
        } {sc.loop_unroll_factor = 4 : i64, sc.parallel_access}
        %add3A_173 = arith.constant 64 : i32
        %add3A_174 = arith.addi %parallel_loop3A_172, %add3A_173 : i32
        %sub3A_175 = arith.constant 1 : i32
        %sub3A_176 = arith.subi %add3A_174, %sub3A_175 : i32
        %shift_right_arithmetic3A_177 = arith.constant 6 : i32
        %shift_right_arithmetic3A_178 = arith.shrsi %sub3A_176, %shift_right_arithmetic3A_177 : i32
        %shift_right_arithmetic3A_179 = arith.constant 4 : i32
        %shift_right_arithmetic3A_180 = arith.shrsi %parallel_loop3A_172, %shift_right_arithmetic3A_179 : i32
        %mul3A_181 = arith.constant 4 : i32
        %mul3A_182 = arith.muli %shift_right_arithmetic3A_178, %mul3A_181 : i32
        %while3A_183 = arith.constant 0 : i32
        %while3A_184 = arith.subi %mul3A_182, %shift_right_arithmetic3A_180 : i32
        %while3A_185 = arith.addi %shift_right_arithmetic3A_180, %while3A_184 : i32
        %while3A_186 = arith.constant 1 : i32
        %while3A_187 = arith.divsi %while3A_184, %while3A_186 : i32
        %while3A_188 = arith.muli %while3A_187, %while3A_186 : i32
        %while3A_189 = arith.addi %shift_right_arithmetic3A_180, %while3A_188 : i32
        %while3A_190 = arith.constant 1 : i32
        scf.for %while3A_260 = %shift_right_arithmetic3A_180 to %while3A_189 step %while3A_190  : i32 {
          %mul3A_261 = arith.constant 16 : i32
          %mul3A_262 = arith.muli %while3A_260, %mul3A_261 : i32
          %add3A_263 = vector.broadcast %mul3A_262 : i32 to vector<16xi32>
          %add3A_264 = arith.addi %add3A_263, %iota3A : vector<16xi32>
          %shift_right_arithmetic3A_265 = arith.constant 6 : i32
          %shift_right_arithmetic3A_266 = vector.broadcast %shift_right_arithmetic3A_265 : i32 to vector<16xi32>
          %shift_right_arithmetic3A_267 = arith.shrsi %add3A_264, %shift_right_arithmetic3A_266 : vector<16xi32>
          %and3A = arith.constant 63 : i32
          %and3A_268 = vector.broadcast %and3A : i32 to vector<16xi32>
          %and3A_269 = arith.andi %add3A_264, %and3A_268 : vector<16xi32>
          %ge3A = vector.broadcast %parallel_loop3A_172 : i32 to vector<16xi32>
          %ge3A_270 = arith.cmpi sge, %add3A_264, %ge3A : vector<16xi32>
          tpu.vector_store_idx %arg10[%shift_right_arithmetic3A_267, %and3A_269], %broadcast_in_dim3A_7 masked %ge3A_270 : memref<20x64xf32, #tpu.memory_space<vmem>>[vector<16xi32>, vector<16xi32>], vector<16xf32>, vector<16xi1>
        }
        %while3A_191 = arith.constant 1 : i32
        scf.for %while3A_260 = %while3A_189 to %while3A_185 step %while3A_191  : i32 {
          %mul3A_261 = arith.constant 16 : i32
          %mul3A_262 = arith.muli %while3A_260, %mul3A_261 : i32
          %add3A_263 = vector.broadcast %mul3A_262 : i32 to vector<16xi32>
          %add3A_264 = arith.addi %add3A_263, %iota3A : vector<16xi32>
          %shift_right_arithmetic3A_265 = arith.constant 6 : i32
          %shift_right_arithmetic3A_266 = vector.broadcast %shift_right_arithmetic3A_265 : i32 to vector<16xi32>
          %shift_right_arithmetic3A_267 = arith.shrsi %add3A_264, %shift_right_arithmetic3A_266 : vector<16xi32>
          %and3A = arith.constant 63 : i32
          %and3A_268 = vector.broadcast %and3A : i32 to vector<16xi32>
          %and3A_269 = arith.andi %add3A_264, %and3A_268 : vector<16xi32>
          %ge3A = vector.broadcast %parallel_loop3A_172 : i32 to vector<16xi32>
          %ge3A_270 = arith.cmpi sge, %add3A_264, %ge3A : vector<16xi32>
          tpu.vector_store_idx %arg10[%shift_right_arithmetic3A_267, %and3A_269], %broadcast_in_dim3A_7 masked %ge3A_270 : memref<20x64xf32, #tpu.memory_space<vmem>>[vector<16xi32>, vector<16xi32>], vector<16xf32>, vector<16xi1>
        }
        %while3A_192 = arith.constant 0 : i32
        %while3A_193 = arith.constant 0 : i32
        %while3A_194 = arith.subi %shift_right_arithmetic3A_178, %while3A_193 : i32
        %while3A_195 = arith.addi %while3A_193, %while3A_194 : i32
        %while3A_196 = arith.constant 1 : i32
        %while3A_197 = arith.divsi %while3A_194, %while3A_196 : i32
        %while3A_198 = arith.muli %while3A_197, %while3A_196 : i32
        %while3A_199 = arith.addi %while3A_193, %while3A_198 : i32
        %while3A_200 = arith.constant 1 : i32
        scf.for %while3A_260 = %while3A_193 to %while3A_199 step %while3A_200  : i32 {
          "tpu.region"() ({
            %run_scoped3A = tpu.sem_alloc : memref<!tpu.dma_semaphore, #tpu.memory_space<semaphore_mem>>
            %dma_start3A_265 = arith.constant 0 : i32
            %dma_start3A_266 = tpu.memref_slice %arg8[%while3A_260, %dma_start3A_265] : memref<20x64xi32, #tpu.memory_space<vmem>> -> memref<1x64xi32, #tpu.memory_space<vmem>>
            %dma_start3A_267 = tpu.memref_squeeze %dma_start3A_266 : memref<1x64xi32, #tpu.memory_space<vmem>> -> memref<64xi32, #tpu.memory_space<vmem>>
            %dma_start3A_268 = arith.constant 0 : i32
            %dma_start3A_269 = arith.constant 0 : i32
            %dma_start3A_270 = tpu.memref_slice %arg2[%dma_start3A_268, %dma_start3A_269] : memref<640000x128xf32, #tpu.memory_space<hbm>> -> memref<640000x128xf32, #tpu.memory_space<hbm>>
            tpu.enqueue_indirect_dma source(%dma_start3A_270 : memref<640000x128xf32, #tpu.memory_space<hbm>>) target(%arg11 : memref<64x128xf32, #tpu.memory_space<vmem>>) offsets(%dma_start3A_267 : memref<64xi32, #tpu.memory_space<vmem>>) semaphore(%run_scoped3A : memref<!tpu.dma_semaphore, #tpu.memory_space<semaphore_mem>>)
            %dma_wait3A_271 = arith.constant 0 : i32
            %dma_wait3A_272 = tpu.memref_slice %arg8[%while3A_260, %dma_wait3A_271] : memref<20x64xi32, #tpu.memory_space<vmem>> -> memref<1x64xi32, #tpu.memory_space<vmem>>
            %dma_wait3A_273 = tpu.memref_squeeze %dma_wait3A_272 : memref<1x64xi32, #tpu.memory_space<vmem>> -> memref<64xi32, #tpu.memory_space<vmem>>
            %dma_wait3A_274 = arith.constant 0 : i32
            %dma_wait3A_275 = arith.constant 0 : i32
            %dma_wait3A_276 = tpu.memref_slice %arg2[%dma_wait3A_274, %dma_wait3A_275] : memref<640000x128xf32, #tpu.memory_space<hbm>> -> memref<640000x128xf32, #tpu.memory_space<hbm>>
            tpu.wait_indirect_dma semaphore(%run_scoped3A : memref<!tpu.dma_semaphore, #tpu.memory_space<semaphore_mem>>) src(%dma_wait3A_276 : memref<640000x128xf32, #tpu.memory_space<hbm>>) dst(%arg11 : memref<64x128xf32, #tpu.memory_space<vmem>>)
            tpu.yield
          }) : () -> ()
          %broadcast_in_dim3A_261 = vector.broadcast %while3A_260 : i32 to vector<16xi32>
          %parallel_loop3A_262 = arith.constant 0 : i32
          %parallel_loop3A_263 = arith.constant 64 : i32
          %parallel_loop3A_264 = arith.constant 1 : i32
          scf.for %parallel_loop3A_265 = %parallel_loop3A_262 to %parallel_loop3A_263 step %parallel_loop3A_264  : i32 {
            %parallel_loop3A_266 = vector.broadcast %parallel_loop3A_265 : i32 to vector<16xi32>
            %parallel_loop3A_267 = tpu.vector_load_idx %arg10[%broadcast_in_dim3A_261, %parallel_loop3A_266] : memref<20x64xf32, #tpu.memory_space<vmem>>[vector<16xi32>, vector<16xi32>], vector<16xf32>,
            %parallel_loop3A_268 = arith.index_cast %parallel_loop3A_265 : i32 to index
            %parallel_loop3A_269 = arith.constant 0 : index
            %parallel_loop3A_270 = tpu.vector_load %arg11[%parallel_loop3A_268, %parallel_loop3A_269] {strides = array<i32>} : memref<64x128xf32, #tpu.memory_space<vmem>>, vector<16xf32>,
            %parallel_loop3A_271 = arith.mulf %parallel_loop3A_270, %parallel_loop3A_267 : vector<16xf32>
            %parallel_loop3A_272 = arith.index_cast %parallel_loop3A_265 : i32 to index
            %parallel_loop3A_273 = arith.constant 0 : index
            %parallel_loop3A_274 = tpu.vector_load %arg11[%parallel_loop3A_272, %parallel_loop3A_273] {strides = array<i32>} : memref<64x128xf32, #tpu.memory_space<vmem>>, vector<16xf32>,
            tpu.vector_store %arg11[%parallel_loop3A_272, %parallel_loop3A_273], %parallel_loop3A_271 {strides = array<i32>} : memref<64x128xf32, #tpu.memory_space<vmem>>, vector<16xf32>,
            %parallel_loop3A_275 = arith.index_cast %parallel_loop3A_265 : i32 to index
            %parallel_loop3A_276 = arith.constant 16 : index
            %parallel_loop3A_277 = tpu.vector_load %arg11[%parallel_loop3A_275, %parallel_loop3A_276] {strides = array<i32>} : memref<64x128xf32, #tpu.memory_space<vmem>>, vector<16xf32>,
            %parallel_loop3A_278 = arith.mulf %parallel_loop3A_277, %parallel_loop3A_267 : vector<16xf32>
            %parallel_loop3A_279 = arith.index_cast %parallel_loop3A_265 : i32 to index
            %parallel_loop3A_280 = arith.constant 16 : index
            %parallel_loop3A_281 = tpu.vector_load %arg11[%parallel_loop3A_279, %parallel_loop3A_280] {strides = array<i32>} : memref<64x128xf32, #tpu.memory_space<vmem>>, vector<16xf32>,
            tpu.vector_store %arg11[%parallel_loop3A_279, %parallel_loop3A_280], %parallel_loop3A_278 {strides = array<i32>} : memref<64x128xf32, #tpu.memory_space<vmem>>, vector<16xf32>,
            %parallel_loop3A_282 = arith.index_cast %parallel_loop3A_265 : i32 to index
            %parallel_loop3A_283 = arith.constant 32 : index
            %parallel_loop3A_284 = tpu.vector_load %arg11[%parallel_loop3A_282, %parallel_loop3A_283] {strides = array<i32>} : memref<64x128xf32, #tpu.memory_space<vmem>>, vector<16xf32>,
            %parallel_loop3A_285 = arith.mulf %parallel_loop3A_284, %parallel_loop3A_267 : vector<16xf32>
            %parallel_loop3A_286 = arith.index_cast %parallel_loop3A_265 : i32 to index
            %parallel_loop3A_287 = arith.constant 32 : index
            %parallel_loop3A_288 = tpu.vector_load %arg11[%parallel_loop3A_286, %parallel_loop3A_287] {strides = array<i32>} : memref<64x128xf32, #tpu.memory_space<vmem>>, vector<16xf32>,
            tpu.vector_store %arg11[%parallel_loop3A_286, %parallel_loop3A_287], %parallel_loop3A_285 {strides = array<i32>} : memref<64x128xf32, #tpu.memory_space<vmem>>, vector<16xf32>,
            %parallel_loop3A_289 = arith.index_cast %parallel_loop3A_265 : i32 to index
            %parallel_loop3A_290 = arith.constant 48 : index
            %parallel_loop3A_291 = tpu.vector_load %arg11[%parallel_loop3A_289, %parallel_loop3A_290] {strides = array<i32>} : memref<64x128xf32, #tpu.memory_space<vmem>>, vector<16xf32>,
            %parallel_loop3A_292 = arith.mulf %parallel_loop3A_291, %parallel_loop3A_267 : vector<16xf32>
            %parallel_loop3A_293 = arith.index_cast %parallel_loop3A_265 : i32 to index
            %parallel_loop3A_294 = arith.constant 48 : index
            %parallel_loop3A_295 = tpu.vector_load %arg11[%parallel_loop3A_293, %parallel_loop3A_294] {strides = array<i32>} : memref<64x128xf32, #tpu.memory_space<vmem>>, vector<16xf32>,
            tpu.vector_store %arg11[%parallel_loop3A_293, %parallel_loop3A_294], %parallel_loop3A_292 {strides = array<i32>} : memref<64x128xf32, #tpu.memory_space<vmem>>, vector<16xf32>,
            %parallel_loop3A_296 = arith.index_cast %parallel_loop3A_265 : i32 to index
            %parallel_loop3A_297 = arith.constant 64 : index
            %parallel_loop3A_298 = tpu.vector_load %arg11[%parallel_loop3A_296, %parallel_loop3A_297] {strides = array<i32>} : memref<64x128xf32, #tpu.memory_space<vmem>>, vector<16xf32>,
            %parallel_loop3A_299 = arith.mulf %parallel_loop3A_298, %parallel_loop3A_267 : vector<16xf32>
            %parallel_loop3A_300 = arith.index_cast %parallel_loop3A_265 : i32 to index
            %parallel_loop3A_301 = arith.constant 64 : index
            %parallel_loop3A_302 = tpu.vector_load %arg11[%parallel_loop3A_300, %parallel_loop3A_301] {strides = array<i32>} : memref<64x128xf32, #tpu.memory_space<vmem>>, vector<16xf32>,
            tpu.vector_store %arg11[%parallel_loop3A_300, %parallel_loop3A_301], %parallel_loop3A_299 {strides = array<i32>} : memref<64x128xf32, #tpu.memory_space<vmem>>, vector<16xf32>,
            %parallel_loop3A_303 = arith.index_cast %parallel_loop3A_265 : i32 to index
            %parallel_loop3A_304 = arith.constant 80 : index
            %parallel_loop3A_305 = tpu.vector_load %arg11[%parallel_loop3A_303, %parallel_loop3A_304] {strides = array<i32>} : memref<64x128xf32, #tpu.memory_space<vmem>>, vector<16xf32>,
            %parallel_loop3A_306 = arith.mulf %parallel_loop3A_305, %parallel_loop3A_267 : vector<16xf32>
            %parallel_loop3A_307 = arith.index_cast %parallel_loop3A_265 : i32 to index
            %parallel_loop3A_308 = arith.constant 80 : index
            %parallel_loop3A_309 = tpu.vector_load %arg11[%parallel_loop3A_307, %parallel_loop3A_308] {strides = array<i32>} : memref<64x128xf32, #tpu.memory_space<vmem>>, vector<16xf32>,
            tpu.vector_store %arg11[%parallel_loop3A_307, %parallel_loop3A_308], %parallel_loop3A_306 {strides = array<i32>} : memref<64x128xf32, #tpu.memory_space<vmem>>, vector<16xf32>,
            %parallel_loop3A_310 = arith.index_cast %parallel_loop3A_265 : i32 to index
            %parallel_loop3A_311 = arith.constant 96 : index
            %parallel_loop3A_312 = tpu.vector_load %arg11[%parallel_loop3A_310, %parallel_loop3A_311] {strides = array<i32>} : memref<64x128xf32, #tpu.memory_space<vmem>>, vector<16xf32>,
            %parallel_loop3A_313 = arith.mulf %parallel_loop3A_312, %parallel_loop3A_267 : vector<16xf32>
            %parallel_loop3A_314 = arith.index_cast %parallel_loop3A_265 : i32 to index
            %parallel_loop3A_315 = arith.constant 96 : index
            %parallel_loop3A_316 = tpu.vector_load %arg11[%parallel_loop3A_314, %parallel_loop3A_315] {strides = array<i32>} : memref<64x128xf32, #tpu.memory_space<vmem>>, vector<16xf32>,
            tpu.vector_store %arg11[%parallel_loop3A_314, %parallel_loop3A_315], %parallel_loop3A_313 {strides = array<i32>} : memref<64x128xf32, #tpu.memory_space<vmem>>, vector<16xf32>,
            %parallel_loop3A_317 = arith.index_cast %parallel_loop3A_265 : i32 to index
            %parallel_loop3A_318 = arith.constant 112 : index
            %parallel_loop3A_319 = tpu.vector_load %arg11[%parallel_loop3A_317, %parallel_loop3A_318] {strides = array<i32>} : memref<64x128xf32, #tpu.memory_space<vmem>>, vector<16xf32>,
            %parallel_loop3A_320 = arith.mulf %parallel_loop3A_319, %parallel_loop3A_267 : vector<16xf32>
            %parallel_loop3A_321 = arith.index_cast %parallel_loop3A_265 : i32 to index
            %parallel_loop3A_322 = arith.constant 112 : index
            %parallel_loop3A_323 = tpu.vector_load %arg11[%parallel_loop3A_321, %parallel_loop3A_322] {strides = array<i32>} : memref<64x128xf32, #tpu.memory_space<vmem>>, vector<16xf32>,
            tpu.vector_store %arg11[%parallel_loop3A_321, %parallel_loop3A_322], %parallel_loop3A_320 {strides = array<i32>} : memref<64x128xf32, #tpu.memory_space<vmem>>, vector<16xf32>,
          } {sc.loop_unroll_factor = 8 : i64, sc.parallel_access}
          "tpu.region"() ({
            %run_scoped3A = tpu.sem_alloc : memref<!tpu.dma_semaphore, #tpu.memory_space<semaphore_mem>>
            %dma_start3A_265 = arith.constant 0 : i32
            %dma_start3A_266 = tpu.memref_slice %arg9[%while3A_260, %dma_start3A_265] : memref<20x64xi32, #tpu.memory_space<vmem>> -> memref<1x64xi32, #tpu.memory_space<vmem>>
            %dma_start3A_267 = tpu.memref_squeeze %dma_start3A_266 : memref<1x64xi32, #tpu.memory_space<vmem>> -> memref<64xi32, #tpu.memory_space<vmem>>
            %dma_start3A_268 = arith.constant 0 : i32
            %dma_start3A_269 = arith.constant 0 : i32
            %dma_start3A_270 = tpu.memref_slice %arg5[%dma_start3A_268, %dma_start3A_269] : memref<12800x128xf32, #tpu.memory_space<vmem_shared>> -> memref<12800x128xf32, #tpu.memory_space<vmem_shared>>
            tpu.enqueue_indirect_dma source(%arg11 : memref<64x128xf32, #tpu.memory_space<vmem>>) target(%dma_start3A_270 : memref<12800x128xf32, #tpu.memory_space<vmem_shared>>) offsets(%dma_start3A_267 : memref<64xi32, #tpu.memory_space<vmem>>) semaphore(%run_scoped3A : memref<!tpu.dma_semaphore, #tpu.memory_space<semaphore_mem>>) {add = true}
            %dma_wait3A_271 = arith.constant 0 : i32
            %dma_wait3A_272 = tpu.memref_slice %arg9[%while3A_260, %dma_wait3A_271] : memref<20x64xi32, #tpu.memory_space<vmem>> -> memref<1x64xi32, #tpu.memory_space<vmem>>
            %dma_wait3A_273 = tpu.memref_squeeze %dma_wait3A_272 : memref<1x64xi32, #tpu.memory_space<vmem>> -> memref<64xi32, #tpu.memory_space<vmem>>
            %dma_wait3A_274 = arith.constant 0 : i32
            %dma_wait3A_275 = arith.constant 0 : i32
            %dma_wait3A_276 = tpu.memref_slice %arg5[%dma_wait3A_274, %dma_wait3A_275] : memref<12800x128xf32, #tpu.memory_space<vmem_shared>> -> memref<12800x128xf32, #tpu.memory_space<vmem_shared>>
            tpu.wait_indirect_dma semaphore(%run_scoped3A : memref<!tpu.dma_semaphore, #tpu.memory_space<semaphore_mem>>) src(%arg11 : memref<64x128xf32, #tpu.memory_space<vmem>>) dst(%dma_wait3A_276 : memref<12800x128xf32, #tpu.memory_space<vmem_shared>>)
            tpu.yield
          }) : () -> ()
        }
        %while3A_201 = arith.constant 1 : i32
        scf.for %while3A_260 = %while3A_199 to %while3A_195 step %while3A_201  : i32 {
          "tpu.region"() ({
            %run_scoped3A = tpu.sem_alloc : memref<!tpu.dma_semaphore, #tpu.memory_space<semaphore_mem>>
            %dma_start3A_265 = arith.constant 0 : i32
            %dma_start3A_266 = tpu.memref_slice %arg8[%while3A_260, %dma_start3A_265] : memref<20x64xi32, #tpu.memory_space<vmem>> -> memref<1x64xi32, #tpu.memory_space<vmem>>
            %dma_start3A_267 = tpu.memref_squeeze %dma_start3A_266 : memref<1x64xi32, #tpu.memory_space<vmem>> -> memref<64xi32, #tpu.memory_space<vmem>>
            %dma_start3A_268 = arith.constant 0 : i32
            %dma_start3A_269 = arith.constant 0 : i32
            %dma_start3A_270 = tpu.memref_slice %arg2[%dma_start3A_268, %dma_start3A_269] : memref<640000x128xf32, #tpu.memory_space<hbm>> -> memref<640000x128xf32, #tpu.memory_space<hbm>>
            tpu.enqueue_indirect_dma source(%dma_start3A_270 : memref<640000x128xf32, #tpu.memory_space<hbm>>) target(%arg11 : memref<64x128xf32, #tpu.memory_space<vmem>>) offsets(%dma_start3A_267 : memref<64xi32, #tpu.memory_space<vmem>>) semaphore(%run_scoped3A : memref<!tpu.dma_semaphore, #tpu.memory_space<semaphore_mem>>)
            %dma_wait3A_271 = arith.constant 0 : i32
            %dma_wait3A_272 = tpu.memref_slice %arg8[%while3A_260, %dma_wait3A_271] : memref<20x64xi32, #tpu.memory_space<vmem>> -> memref<1x64xi32, #tpu.memory_space<vmem>>
            %dma_wait3A_273 = tpu.memref_squeeze %dma_wait3A_272 : memref<1x64xi32, #tpu.memory_space<vmem>> -> memref<64xi32, #tpu.memory_space<vmem>>
            %dma_wait3A_274 = arith.constant 0 : i32
            %dma_wait3A_275 = arith.constant 0 : i32
            %dma_wait3A_276 = tpu.memref_slice %arg2[%dma_wait3A_274, %dma_wait3A_275] : memref<640000x128xf32, #tpu.memory_space<hbm>> -> memref<640000x128xf32, #tpu.memory_space<hbm>>
            tpu.wait_indirect_dma semaphore(%run_scoped3A : memref<!tpu.dma_semaphore, #tpu.memory_space<semaphore_mem>>) src(%dma_wait3A_276 : memref<640000x128xf32, #tpu.memory_space<hbm>>) dst(%arg11 : memref<64x128xf32, #tpu.memory_space<vmem>>)
            tpu.yield
          }) : () -> ()
          %broadcast_in_dim3A_261 = vector.broadcast %while3A_260 : i32 to vector<16xi32>
          %parallel_loop3A_262 = arith.constant 0 : i32
          %parallel_loop3A_263 = arith.constant 64 : i32
          %parallel_loop3A_264 = arith.constant 1 : i32
          scf.for %parallel_loop3A_265 = %parallel_loop3A_262 to %parallel_loop3A_263 step %parallel_loop3A_264  : i32 {
            %parallel_loop3A_266 = vector.broadcast %parallel_loop3A_265 : i32 to vector<16xi32>
            %parallel_loop3A_267 = tpu.vector_load_idx %arg10[%broadcast_in_dim3A_261, %parallel_loop3A_266] : memref<20x64xf32, #tpu.memory_space<vmem>>[vector<16xi32>, vector<16xi32>], vector<16xf32>,
            %parallel_loop3A_268 = arith.index_cast %parallel_loop3A_265 : i32 to index
            %parallel_loop3A_269 = arith.constant 0 : index
            %parallel_loop3A_270 = tpu.vector_load %arg11[%parallel_loop3A_268, %parallel_loop3A_269] {strides = array<i32>} : memref<64x128xf32, #tpu.memory_space<vmem>>, vector<16xf32>,
            %parallel_loop3A_271 = arith.mulf %parallel_loop3A_270, %parallel_loop3A_267 : vector<16xf32>
            %parallel_loop3A_272 = arith.index_cast %parallel_loop3A_265 : i32 to index
            %parallel_loop3A_273 = arith.constant 0 : index
            %parallel_loop3A_274 = tpu.vector_load %arg11[%parallel_loop3A_272, %parallel_loop3A_273] {strides = array<i32>} : memref<64x128xf32, #tpu.memory_space<vmem>>, vector<16xf32>,
            tpu.vector_store %arg11[%parallel_loop3A_272, %parallel_loop3A_273], %parallel_loop3A_271 {strides = array<i32>} : memref<64x128xf32, #tpu.memory_space<vmem>>, vector<16xf32>,
            %parallel_loop3A_275 = arith.index_cast %parallel_loop3A_265 : i32 to index
            %parallel_loop3A_276 = arith.constant 16 : index
            %parallel_loop3A_277 = tpu.vector_load %arg11[%parallel_loop3A_275, %parallel_loop3A_276] {strides = array<i32>} : memref<64x128xf32, #tpu.memory_space<vmem>>, vector<16xf32>,
            %parallel_loop3A_278 = arith.mulf %parallel_loop3A_277, %parallel_loop3A_267 : vector<16xf32>
            %parallel_loop3A_279 = arith.index_cast %parallel_loop3A_265 : i32 to index
            %parallel_loop3A_280 = arith.constant 16 : index
            %parallel_loop3A_281 = tpu.vector_load %arg11[%parallel_loop3A_279, %parallel_loop3A_280] {strides = array<i32>} : memref<64x128xf32, #tpu.memory_space<vmem>>, vector<16xf32>,
            tpu.vector_store %arg11[%parallel_loop3A_279, %parallel_loop3A_280], %parallel_loop3A_278 {strides = array<i32>} : memref<64x128xf32, #tpu.memory_space<vmem>>, vector<16xf32>,
            %parallel_loop3A_282 = arith.index_cast %parallel_loop3A_265 : i32 to index
            %parallel_loop3A_283 = arith.constant 32 : index
            %parallel_loop3A_284 = tpu.vector_load %arg11[%parallel_loop3A_282, %parallel_loop3A_283] {strides = array<i32>} : memref<64x128xf32, #tpu.memory_space<vmem>>, vector<16xf32>,
            %parallel_loop3A_285 = arith.mulf %parallel_loop3A_284, %parallel_loop3A_267 : vector<16xf32>
            %parallel_loop3A_286 = arith.index_cast %parallel_loop3A_265 : i32 to index
            %parallel_loop3A_287 = arith.constant 32 : index
            %parallel_loop3A_288 = tpu.vector_load %arg11[%parallel_loop3A_286, %parallel_loop3A_287] {strides = array<i32>} : memref<64x128xf32, #tpu.memory_space<vmem>>, vector<16xf32>,
            tpu.vector_store %arg11[%parallel_loop3A_286, %parallel_loop3A_287], %parallel_loop3A_285 {strides = array<i32>} : memref<64x128xf32, #tpu.memory_space<vmem>>, vector<16xf32>,
            %parallel_loop3A_289 = arith.index_cast %parallel_loop3A_265 : i32 to index
            %parallel_loop3A_290 = arith.constant 48 : index
            %parallel_loop3A_291 = tpu.vector_load %arg11[%parallel_loop3A_289, %parallel_loop3A_290] {strides = array<i32>} : memref<64x128xf32, #tpu.memory_space<vmem>>, vector<16xf32>,
            %parallel_loop3A_292 = arith.mulf %parallel_loop3A_291, %parallel_loop3A_267 : vector<16xf32>
            %parallel_loop3A_293 = arith.index_cast %parallel_loop3A_265 : i32 to index
            %parallel_loop3A_294 = arith.constant 48 : index
            %parallel_loop3A_295 = tpu.vector_load %arg11[%parallel_loop3A_293, %parallel_loop3A_294] {strides = array<i32>} : memref<64x128xf32, #tpu.memory_space<vmem>>, vector<16xf32>,
            tpu.vector_store %arg11[%parallel_loop3A_293, %parallel_loop3A_294], %parallel_loop3A_292 {strides = array<i32>} : memref<64x128xf32, #tpu.memory_space<vmem>>, vector<16xf32>,
            %parallel_loop3A_296 = arith.index_cast %parallel_loop3A_265 : i32 to index
            %parallel_loop3A_297 = arith.constant 64 : index
            %parallel_loop3A_298 = tpu.vector_load %arg11[%parallel_loop3A_296, %parallel_loop3A_297] {strides = array<i32>} : memref<64x128xf32, #tpu.memory_space<vmem>>, vector<16xf32>,
            %parallel_loop3A_299 = arith.mulf %parallel_loop3A_298, %parallel_loop3A_267 : vector<16xf32>
            %parallel_loop3A_300 = arith.index_cast %parallel_loop3A_265 : i32 to index
            %parallel_loop3A_301 = arith.constant 64 : index
            %parallel_loop3A_302 = tpu.vector_load %arg11[%parallel_loop3A_300, %parallel_loop3A_301] {strides = array<i32>} : memref<64x128xf32, #tpu.memory_space<vmem>>, vector<16xf32>,
            tpu.vector_store %arg11[%parallel_loop3A_300, %parallel_loop3A_301], %parallel_loop3A_299 {strides = array<i32>} : memref<64x128xf32, #tpu.memory_space<vmem>>, vector<16xf32>,
            %parallel_loop3A_303 = arith.index_cast %parallel_loop3A_265 : i32 to index
            %parallel_loop3A_304 = arith.constant 80 : index
            %parallel_loop3A_305 = tpu.vector_load %arg11[%parallel_loop3A_303, %parallel_loop3A_304] {strides = array<i32>} : memref<64x128xf32, #tpu.memory_space<vmem>>, vector<16xf32>,
            %parallel_loop3A_306 = arith.mulf %parallel_loop3A_305, %parallel_loop3A_267 : vector<16xf32>
            %parallel_loop3A_307 = arith.index_cast %parallel_loop3A_265 : i32 to index
            %parallel_loop3A_308 = arith.constant 80 : index
            %parallel_loop3A_309 = tpu.vector_load %arg11[%parallel_loop3A_307, %parallel_loop3A_308] {strides = array<i32>} : memref<64x128xf32, #tpu.memory_space<vmem>>, vector<16xf32>,
            tpu.vector_store %arg11[%parallel_loop3A_307, %parallel_loop3A_308], %parallel_loop3A_306 {strides = array<i32>} : memref<64x128xf32, #tpu.memory_space<vmem>>, vector<16xf32>,
            %parallel_loop3A_310 = arith.index_cast %parallel_loop3A_265 : i32 to index
            %parallel_loop3A_311 = arith.constant 96 : index
            %parallel_loop3A_312 = tpu.vector_load %arg11[%parallel_loop3A_310, %parallel_loop3A_311] {strides = array<i32>} : memref<64x128xf32, #tpu.memory_space<vmem>>, vector<16xf32>,
            %parallel_loop3A_313 = arith.mulf %parallel_loop3A_312, %parallel_loop3A_267 : vector<16xf32>
            %parallel_loop3A_314 = arith.index_cast %parallel_loop3A_265 : i32 to index
            %parallel_loop3A_315 = arith.constant 96 : index
            %parallel_loop3A_316 = tpu.vector_load %arg11[%parallel_loop3A_314, %parallel_loop3A_315] {strides = array<i32>} : memref<64x128xf32, #tpu.memory_space<vmem>>, vector<16xf32>,
            tpu.vector_store %arg11[%parallel_loop3A_314, %parallel_loop3A_315], %parallel_loop3A_313 {strides = array<i32>} : memref<64x128xf32, #tpu.memory_space<vmem>>, vector<16xf32>,
            %parallel_loop3A_317 = arith.index_cast %parallel_loop3A_265 : i32 to index
            %parallel_loop3A_318 = arith.constant 112 : index
            %parallel_loop3A_319 = tpu.vector_load %arg11[%parallel_loop3A_317, %parallel_loop3A_318] {strides = array<i32>} : memref<64x128xf32, #tpu.memory_space<vmem>>, vector<16xf32>,
            %parallel_loop3A_320 = arith.mulf %parallel_loop3A_319, %parallel_loop3A_267 : vector<16xf32>
            %parallel_loop3A_321 = arith.index_cast %parallel_loop3A_265 : i32 to index
            %parallel_loop3A_322 = arith.constant 112 : index
            %parallel_loop3A_323 = tpu.vector_load %arg11[%parallel_loop3A_321, %parallel_loop3A_322] {strides = array<i32>} : memref<64x128xf32, #tpu.memory_space<vmem>>, vector<16xf32>,
            tpu.vector_store %arg11[%parallel_loop3A_321, %parallel_loop3A_322], %parallel_loop3A_320 {strides = array<i32>} : memref<64x128xf32, #tpu.memory_space<vmem>>, vector<16xf32>,
          } {sc.loop_unroll_factor = 8 : i64, sc.parallel_access}
          "tpu.region"() ({
            %run_scoped3A = tpu.sem_alloc : memref<!tpu.dma_semaphore, #tpu.memory_space<semaphore_mem>>
            %dma_start3A_265 = arith.constant 0 : i32
            %dma_start3A_266 = tpu.memref_slice %arg9[%while3A_260, %dma_start3A_265] : memref<20x64xi32, #tpu.memory_space<vmem>> -> memref<1x64xi32, #tpu.memory_space<vmem>>
            %dma_start3A_267 = tpu.memref_squeeze %dma_start3A_266 : memref<1x64xi32, #tpu.memory_space<vmem>> -> memref<64xi32, #tpu.memory_space<vmem>>
            %dma_start3A_268 = arith.constant 0 : i32
            %dma_start3A_269 = arith.constant 0 : i32
            %dma_start3A_270 = tpu.memref_slice %arg5[%dma_start3A_268, %dma_start3A_269] : memref<12800x128xf32, #tpu.memory_space<vmem_shared>> -> memref<12800x128xf32, #tpu.memory_space<vmem_shared>>
            tpu.enqueue_indirect_dma source(%arg11 : memref<64x128xf32, #tpu.memory_space<vmem>>) target(%dma_start3A_270 : memref<12800x128xf32, #tpu.memory_space<vmem_shared>>) offsets(%dma_start3A_267 : memref<64xi32, #tpu.memory_space<vmem>>) semaphore(%run_scoped3A : memref<!tpu.dma_semaphore, #tpu.memory_space<semaphore_mem>>) {add = true}
            %dma_wait3A_271 = arith.constant 0 : i32
            %dma_wait3A_272 = tpu.memref_slice %arg9[%while3A_260, %dma_wait3A_271] : memref<20x64xi32, #tpu.memory_space<vmem>> -> memref<1x64xi32, #tpu.memory_space<vmem>>
            %dma_wait3A_273 = tpu.memref_squeeze %dma_wait3A_272 : memref<1x64xi32, #tpu.memory_space<vmem>> -> memref<64xi32, #tpu.memory_space<vmem>>
            %dma_wait3A_274 = arith.constant 0 : i32
            %dma_wait3A_275 = arith.constant 0 : i32
            %dma_wait3A_276 = tpu.memref_slice %arg5[%dma_wait3A_274, %dma_wait3A_275] : memref<12800x128xf32, #tpu.memory_space<vmem_shared>> -> memref<12800x128xf32, #tpu.memory_space<vmem_shared>>
            tpu.wait_indirect_dma semaphore(%run_scoped3A : memref<!tpu.dma_semaphore, #tpu.memory_space<semaphore_mem>>) src(%arg11 : memref<64x128xf32, #tpu.memory_space<vmem>>) dst(%dma_wait3A_276 : memref<12800x128xf32, #tpu.memory_space<vmem_shared>>)
            tpu.yield
          }) : () -> ()
        }
        %add3A_202 = arith.constant 2 : i32
        %add3A_203 = arith.addi %mul3A_145, %add3A_202 : i32
        %mul3A_204 = arith.constant 1280 : i32
        %mul3A_205 = arith.muli %add3A_203, %mul3A_204 : i32
        %add3A_206 = arith.addi %add3A, %mul3A_205 : i32
        %min3A_207 = arith.constant 5118720 : i32
        %min3A_208 = arith.minsi %add3A_206, %min3A_207 : i32
        %multiple_of3A_209 = tpu.assume_multiple %min3A_208, 128 : i32
        %dma_start3A_210 = arith.constant 0 : i32
        %dma_start3A_211 = tpu.memref_slice %arg3[%dma_start3A_210, %multiple_of3A_209] : memref<3x5120000xi32, #tpu.memory_space<hbm>> -> memref<3x1280xi32, #tpu.memory_space<hbm>>
        %dma_start3A_212 = arith.constant 0 : i32
        %dma_start3A_213 = tpu.memref_slice %arg3[%dma_start3A_212, %multiple_of3A_209] : memref<3x5120000xi32, #tpu.memory_space<hbm>> -> memref<3x1280xi32, #tpu.memory_space<hbm>>
        tpu.enqueue_dma source(%dma_start3A_213 : memref<3x1280xi32, #tpu.memory_space<hbm>>) target(%arg6 : memref<3x1280xi32, #tpu.memory_space<vmem>>) target_semaphore(%arg13 : memref<!tpu.dma_semaphore, #tpu.memory_space<semaphore_mem>>)
        %add3A_214 = arith.constant 1 : i32
        %add3A_215 = arith.addi %mul3A_145, %add3A_214 : i32
        %mul3A_216 = arith.constant 1280 : i32
        %mul3A_217 = arith.muli %add3A_215, %mul3A_216 : i32
        %add3A_218 = arith.addi %add3A, %mul3A_217 : i32
        %min3A_219 = arith.constant 5118720 : i32
        %min3A_220 = arith.minsi %add3A_218, %min3A_219 : i32
        %multiple_of3A_221 = tpu.assume_multiple %min3A_220, 128 : i32
        %dma_wait3A_222 = arith.constant 0 : i32
        %dma_wait3A_223 = tpu.memref_slice %arg3[%dma_wait3A_222, %multiple_of3A_221] : memref<3x5120000xi32, #tpu.memory_space<hbm>> -> memref<3x1280xi32, #tpu.memory_space<hbm>>
        %dma_wait3A_224 = arith.constant 0 : i32
        %dma_wait3A_225 = tpu.memref_slice %arg3[%dma_wait3A_224, %multiple_of3A_221] : memref<3x5120000xi32, #tpu.memory_space<hbm>> -> memref<3x1280xi32, #tpu.memory_space<hbm>>
        tpu.wait_dma2 semaphore(%arg14 : memref<!tpu.dma_semaphore, #tpu.memory_space<semaphore_mem>>) src(%dma_wait3A_225 : memref<3x1280xi32, #tpu.memory_space<hbm>>) dst(%arg7 : memref<3x1280xi32, #tpu.memory_space<vmem>>)
        %parallel_loop3A_226 = arith.constant 0 : i32
        %parallel_loop3A_227 = arith.constant 80 : i32
        %parallel_loop3A_228 = arith.constant 1 : i32
        %parallel_loop3A_229 = arith.constant 0 : i32
        %parallel_loop3A_230 = scf.for %parallel_loop3A_260 = %parallel_loop3A_226 to %parallel_loop3A_227 step %parallel_loop3A_228 iter_args(%parallel_loop3A_261 = %parallel_loop3A_229) -> (i32)  : i32 {
          %parallel_loop3A_262 = arith.constant 16 : i32
          %parallel_loop3A_263 = arith.muli %parallel_loop3A_260, %parallel_loop3A_262 : i32
          %parallel_loop3A_264 = arith.constant 0 : i32
          %parallel_loop3A_265 = arith.index_cast %parallel_loop3A_264 : i32 to index
          %parallel_loop3A_266 = arith.index_cast %parallel_loop3A_263 : i32 to index
          %parallel_loop3A_267 = tpu.vector_load %arg7[%parallel_loop3A_265, %parallel_loop3A_266] {strides = array<i32>} : memref<3x1280xi32, #tpu.memory_space<vmem>>, vector<16xi32>,
          %parallel_loop3A_268 = vector.broadcast %mul3A_23 : i32 to vector<16xi32>
          %parallel_loop3A_269 = arith.subi %parallel_loop3A_267, %parallel_loop3A_268 : vector<16xi32>
          %parallel_loop3A_270 = vector.bitcast %parallel_loop3A_269 : vector<16xi32> to vector<16xi32>
          %parallel_loop3A_271 = arith.constant 12800 : i32
          %parallel_loop3A_272 = vector.broadcast %parallel_loop3A_271 : i32 to vector<16xi32>
          %parallel_loop3A_273 = arith.cmpi ult, %parallel_loop3A_270, %parallel_loop3A_272 : vector<16xi32>
          %parallel_loop3A_274 = arith.extui %parallel_loop3A_273 : vector<16xi1> to vector<16xi32>
          %parallel_loop3A_275 = arith.constant true
          %parallel_loop3A_276 = vector.broadcast %parallel_loop3A_275 : i1 to vector<16xi1>
          %parallel_loop3A_277 = tpu.scan <sum>, %parallel_loop3A_274 masked %parallel_loop3A_276 : vector<16xi32>, vector<16xi1> -> vector<16xi32>
          %parallel_loop3A_278 = vector.broadcast %parallel_loop3A_261 : i32 to vector<16xi32>
          %parallel_loop3A_279 = arith.addi %parallel_loop3A_278, %parallel_loop3A_277 : vector<16xi32>
          %parallel_loop3A_280 = arith.constant 1 : i32
          %parallel_loop3A_281 = vector.broadcast %parallel_loop3A_280 : i32 to vector<16xi32>
          %parallel_loop3A_282 = arith.subi %parallel_loop3A_279, %parallel_loop3A_281 : vector<16xi32>
          %parallel_loop3A_283 = arith.constant 6 : i32
          %parallel_loop3A_284 = vector.broadcast %parallel_loop3A_283 : i32 to vector<16xi32>
          %parallel_loop3A_285 = arith.shrsi %parallel_loop3A_282, %parallel_loop3A_284 : vector<16xi32>
          %parallel_loop3A_286 = arith.constant 63 : i32
          %parallel_loop3A_287 = vector.broadcast %parallel_loop3A_286 : i32 to vector<16xi32>
          %parallel_loop3A_288 = arith.andi %parallel_loop3A_282, %parallel_loop3A_287 : vector<16xi32>
          %parallel_loop3A_289 = arith.constant 1 : i32
          %parallel_loop3A_290 = arith.index_cast %parallel_loop3A_289 : i32 to index
          %parallel_loop3A_291 = arith.index_cast %parallel_loop3A_263 : i32 to index
          %parallel_loop3A_292 = tpu.vector_load %arg7[%parallel_loop3A_290, %parallel_loop3A_291] {strides = array<i32>} : memref<3x1280xi32, #tpu.memory_space<vmem>>, vector<16xi32>,
          %parallel_loop3A_293 = vector.broadcast %mul3A_4 : i32 to vector<16xi32>
          %parallel_loop3A_294 = arith.addi %parallel_loop3A_292, %parallel_loop3A_293 : vector<16xi32>
          tpu.vector_store_idx %arg8[%parallel_loop3A_285, %parallel_loop3A_288], %parallel_loop3A_294 masked %parallel_loop3A_273 : memref<20x64xi32, #tpu.memory_space<vmem>>[vector<16xi32>, vector<16xi32>], vector<16xi32>, vector<16xi1>
          tpu.vector_store_idx %arg9[%parallel_loop3A_285, %parallel_loop3A_288], %parallel_loop3A_269 masked %parallel_loop3A_273 : memref<20x64xi32, #tpu.memory_space<vmem>>[vector<16xi32>, vector<16xi32>], vector<16xi32>, vector<16xi1>
          %parallel_loop3A_295 = arith.constant 2 : i32
          %parallel_loop3A_296 = arith.index_cast %parallel_loop3A_295 : i32 to index
          %parallel_loop3A_297 = arith.index_cast %parallel_loop3A_263 : i32 to index
          %parallel_loop3A_298 = tpu.vector_load %arg7[%parallel_loop3A_296, %parallel_loop3A_297] {strides = array<i32>} : memref<3x1280xi32, #tpu.memory_space<vmem>>, vector<16xi32>,
          %parallel_loop3A_299 = vector.bitcast %parallel_loop3A_298 : vector<16xi32> to vector<16xf32>
          tpu.vector_store_idx %arg10[%parallel_loop3A_285, %parallel_loop3A_288], %parallel_loop3A_299 masked %parallel_loop3A_273 : memref<20x64xf32, #tpu.memory_space<vmem>>[vector<16xi32>, vector<16xi32>], vector<16xf32>, vector<16xi1>
          %parallel_loop3A_300 = arith.constant true
          %parallel_loop3A_301 = vector.broadcast %parallel_loop3A_300 : i1 to vector<16xi1>
          %parallel_loop3A_302 = tpu.scan <sum>, %parallel_loop3A_274 masked %parallel_loop3A_301 : vector<16xi32>, vector<16xi1> -> vector<16xi32>
          %parallel_loop3A_303 = vector.extract %parallel_loop3A_302[15] : i32 from vector<16xi32>
          %parallel_loop3A_304 = arith.addi %parallel_loop3A_261, %parallel_loop3A_303 : i32
          scf.yield %parallel_loop3A_304 : i32
        } {sc.loop_unroll_factor = 4 : i64, sc.parallel_access}
        %add3A_231 = arith.constant 64 : i32
        %add3A_232 = arith.addi %parallel_loop3A_230, %add3A_231 : i32
        %sub3A_233 = arith.constant 1 : i32
        %sub3A_234 = arith.subi %add3A_232, %sub3A_233 : i32
        %shift_right_arithmetic3A_235 = arith.constant 6 : i32
        %shift_right_arithmetic3A_236 = arith.shrsi %sub3A_234, %shift_right_arithmetic3A_235 : i32
        %shift_right_arithmetic3A_237 = arith.constant 4 : i32
        %shift_right_arithmetic3A_238 = arith.shrsi %parallel_loop3A_230, %shift_right_arithmetic3A_237 : i32
        %mul3A_239 = arith.constant 4 : i32
        %mul3A_240 = arith.muli %shift_right_arithmetic3A_236, %mul3A_239 : i32
        %while3A_241 = arith.constant 0 : i32
        %while3A_242 = arith.subi %mul3A_240, %shift_right_arithmetic3A_238 : i32
        %while3A_243 = arith.addi %shift_right_arithmetic3A_238, %while3A_242 : i32
        %while3A_244 = arith.constant 1 : i32
        %while3A_245 = arith.divsi %while3A_242, %while3A_244 : i32
        %while3A_246 = arith.muli %while3A_245, %while3A_244 : i32
        %while3A_247 = arith.addi %shift_right_arithmetic3A_238, %while3A_246 : i32
        %while3A_248 = arith.constant 1 : i32
        scf.for %while3A_260 = %shift_right_arithmetic3A_238 to %while3A_247 step %while3A_248  : i32 {
          %mul3A_261 = arith.constant 16 : i32
          %mul3A_262 = arith.muli %while3A_260, %mul3A_261 : i32
          %add3A_263 = vector.broadcast %mul3A_262 : i32 to vector<16xi32>
          %add3A_264 = arith.addi %add3A_263, %iota3A : vector<16xi32>
          %shift_right_arithmetic3A_265 = arith.constant 6 : i32
          %shift_right_arithmetic3A_266 = vector.broadcast %shift_right_arithmetic3A_265 : i32 to vector<16xi32>
          %shift_right_arithmetic3A_267 = arith.shrsi %add3A_264, %shift_right_arithmetic3A_266 : vector<16xi32>
          %and3A = arith.constant 63 : i32
          %and3A_268 = vector.broadcast %and3A : i32 to vector<16xi32>
          %and3A_269 = arith.andi %add3A_264, %and3A_268 : vector<16xi32>
          %ge3A = vector.broadcast %parallel_loop3A_230 : i32 to vector<16xi32>
          %ge3A_270 = arith.cmpi sge, %add3A_264, %ge3A : vector<16xi32>
          tpu.vector_store_idx %arg10[%shift_right_arithmetic3A_267, %and3A_269], %broadcast_in_dim3A_7 masked %ge3A_270 : memref<20x64xf32, #tpu.memory_space<vmem>>[vector<16xi32>, vector<16xi32>], vector<16xf32>, vector<16xi1>
        }
        %while3A_249 = arith.constant 1 : i32
        scf.for %while3A_260 = %while3A_247 to %while3A_243 step %while3A_249  : i32 {
          %mul3A_261 = arith.constant 16 : i32
          %mul3A_262 = arith.muli %while3A_260, %mul3A_261 : i32
          %add3A_263 = vector.broadcast %mul3A_262 : i32 to vector<16xi32>
          %add3A_264 = arith.addi %add3A_263, %iota3A : vector<16xi32>
          %shift_right_arithmetic3A_265 = arith.constant 6 : i32
          %shift_right_arithmetic3A_266 = vector.broadcast %shift_right_arithmetic3A_265 : i32 to vector<16xi32>
          %shift_right_arithmetic3A_267 = arith.shrsi %add3A_264, %shift_right_arithmetic3A_266 : vector<16xi32>
          %and3A = arith.constant 63 : i32
          %and3A_268 = vector.broadcast %and3A : i32 to vector<16xi32>
          %and3A_269 = arith.andi %add3A_264, %and3A_268 : vector<16xi32>
          %ge3A = vector.broadcast %parallel_loop3A_230 : i32 to vector<16xi32>
          %ge3A_270 = arith.cmpi sge, %add3A_264, %ge3A : vector<16xi32>
          tpu.vector_store_idx %arg10[%shift_right_arithmetic3A_267, %and3A_269], %broadcast_in_dim3A_7 masked %ge3A_270 : memref<20x64xf32, #tpu.memory_space<vmem>>[vector<16xi32>, vector<16xi32>], vector<16xf32>, vector<16xi1>
        }
        %while3A_250 = arith.constant 0 : i32
        %while3A_251 = arith.constant 0 : i32
        %while3A_252 = arith.subi %shift_right_arithmetic3A_236, %while3A_251 : i32
        %while3A_253 = arith.addi %while3A_251, %while3A_252 : i32
        %while3A_254 = arith.constant 1 : i32
        %while3A_255 = arith.divsi %while3A_252, %while3A_254 : i32
        %while3A_256 = arith.muli %while3A_255, %while3A_254 : i32
        %while3A_257 = arith.addi %while3A_251, %while3A_256 : i32
        %while3A_258 = arith.constant 1 : i32
        scf.for %while3A_260 = %while3A_251 to %while3A_257 step %while3A_258  : i32 {
          "tpu.region"() ({
            %run_scoped3A = tpu.sem_alloc : memref<!tpu.dma_semaphore, #tpu.memory_space<semaphore_mem>>
            %dma_start3A_265 = arith.constant 0 : i32
            %dma_start3A_266 = tpu.memref_slice %arg8[%while3A_260, %dma_start3A_265] : memref<20x64xi32, #tpu.memory_space<vmem>> -> memref<1x64xi32, #tpu.memory_space<vmem>>
            %dma_start3A_267 = tpu.memref_squeeze %dma_start3A_266 : memref<1x64xi32, #tpu.memory_space<vmem>> -> memref<64xi32, #tpu.memory_space<vmem>>
            %dma_start3A_268 = arith.constant 0 : i32
            %dma_start3A_269 = arith.constant 0 : i32
            %dma_start3A_270 = tpu.memref_slice %arg2[%dma_start3A_268, %dma_start3A_269] : memref<640000x128xf32, #tpu.memory_space<hbm>> -> memref<640000x128xf32, #tpu.memory_space<hbm>>
            tpu.enqueue_indirect_dma source(%dma_start3A_270 : memref<640000x128xf32, #tpu.memory_space<hbm>>) target(%arg11 : memref<64x128xf32, #tpu.memory_space<vmem>>) offsets(%dma_start3A_267 : memref<64xi32, #tpu.memory_space<vmem>>) semaphore(%run_scoped3A : memref<!tpu.dma_semaphore, #tpu.memory_space<semaphore_mem>>)
            %dma_wait3A_271 = arith.constant 0 : i32
            %dma_wait3A_272 = tpu.memref_slice %arg8[%while3A_260, %dma_wait3A_271] : memref<20x64xi32, #tpu.memory_space<vmem>> -> memref<1x64xi32, #tpu.memory_space<vmem>>
            %dma_wait3A_273 = tpu.memref_squeeze %dma_wait3A_272 : memref<1x64xi32, #tpu.memory_space<vmem>> -> memref<64xi32, #tpu.memory_space<vmem>>
            %dma_wait3A_274 = arith.constant 0 : i32
            %dma_wait3A_275 = arith.constant 0 : i32
            %dma_wait3A_276 = tpu.memref_slice %arg2[%dma_wait3A_274, %dma_wait3A_275] : memref<640000x128xf32, #tpu.memory_space<hbm>> -> memref<640000x128xf32, #tpu.memory_space<hbm>>
            tpu.wait_indirect_dma semaphore(%run_scoped3A : memref<!tpu.dma_semaphore, #tpu.memory_space<semaphore_mem>>) src(%dma_wait3A_276 : memref<640000x128xf32, #tpu.memory_space<hbm>>) dst(%arg11 : memref<64x128xf32, #tpu.memory_space<vmem>>)
            tpu.yield
          }) : () -> ()
          %broadcast_in_dim3A_261 = vector.broadcast %while3A_260 : i32 to vector<16xi32>
          %parallel_loop3A_262 = arith.constant 0 : i32
          %parallel_loop3A_263 = arith.constant 64 : i32
          %parallel_loop3A_264 = arith.constant 1 : i32
          scf.for %parallel_loop3A_265 = %parallel_loop3A_262 to %parallel_loop3A_263 step %parallel_loop3A_264  : i32 {
            %parallel_loop3A_266 = vector.broadcast %parallel_loop3A_265 : i32 to vector<16xi32>
            %parallel_loop3A_267 = tpu.vector_load_idx %arg10[%broadcast_in_dim3A_261, %parallel_loop3A_266] : memref<20x64xf32, #tpu.memory_space<vmem>>[vector<16xi32>, vector<16xi32>], vector<16xf32>,
            %parallel_loop3A_268 = arith.index_cast %parallel_loop3A_265 : i32 to index
            %parallel_loop3A_269 = arith.constant 0 : index
            %parallel_loop3A_270 = tpu.vector_load %arg11[%parallel_loop3A_268, %parallel_loop3A_269] {strides = array<i32>} : memref<64x128xf32, #tpu.memory_space<vmem>>, vector<16xf32>,
            %parallel_loop3A_271 = arith.mulf %parallel_loop3A_270, %parallel_loop3A_267 : vector<16xf32>
            %parallel_loop3A_272 = arith.index_cast %parallel_loop3A_265 : i32 to index
            %parallel_loop3A_273 = arith.constant 0 : index
            %parallel_loop3A_274 = tpu.vector_load %arg11[%parallel_loop3A_272, %parallel_loop3A_273] {strides = array<i32>} : memref<64x128xf32, #tpu.memory_space<vmem>>, vector<16xf32>,
            tpu.vector_store %arg11[%parallel_loop3A_272, %parallel_loop3A_273], %parallel_loop3A_271 {strides = array<i32>} : memref<64x128xf32, #tpu.memory_space<vmem>>, vector<16xf32>,
            %parallel_loop3A_275 = arith.index_cast %parallel_loop3A_265 : i32 to index
            %parallel_loop3A_276 = arith.constant 16 : index
            %parallel_loop3A_277 = tpu.vector_load %arg11[%parallel_loop3A_275, %parallel_loop3A_276] {strides = array<i32>} : memref<64x128xf32, #tpu.memory_space<vmem>>, vector<16xf32>,
            %parallel_loop3A_278 = arith.mulf %parallel_loop3A_277, %parallel_loop3A_267 : vector<16xf32>
            %parallel_loop3A_279 = arith.index_cast %parallel_loop3A_265 : i32 to index
            %parallel_loop3A_280 = arith.constant 16 : index
            %parallel_loop3A_281 = tpu.vector_load %arg11[%parallel_loop3A_279, %parallel_loop3A_280] {strides = array<i32>} : memref<64x128xf32, #tpu.memory_space<vmem>>, vector<16xf32>,
            tpu.vector_store %arg11[%parallel_loop3A_279, %parallel_loop3A_280], %parallel_loop3A_278 {strides = array<i32>} : memref<64x128xf32, #tpu.memory_space<vmem>>, vector<16xf32>,
            %parallel_loop3A_282 = arith.index_cast %parallel_loop3A_265 : i32 to index
            %parallel_loop3A_283 = arith.constant 32 : index
            %parallel_loop3A_284 = tpu.vector_load %arg11[%parallel_loop3A_282, %parallel_loop3A_283] {strides = array<i32>} : memref<64x128xf32, #tpu.memory_space<vmem>>, vector<16xf32>,
            %parallel_loop3A_285 = arith.mulf %parallel_loop3A_284, %parallel_loop3A_267 : vector<16xf32>
            %parallel_loop3A_286 = arith.index_cast %parallel_loop3A_265 : i32 to index
            %parallel_loop3A_287 = arith.constant 32 : index
            %parallel_loop3A_288 = tpu.vector_load %arg11[%parallel_loop3A_286, %parallel_loop3A_287] {strides = array<i32>} : memref<64x128xf32, #tpu.memory_space<vmem>>, vector<16xf32>,
            tpu.vector_store %arg11[%parallel_loop3A_286, %parallel_loop3A_287], %parallel_loop3A_285 {strides = array<i32>} : memref<64x128xf32, #tpu.memory_space<vmem>>, vector<16xf32>,
            %parallel_loop3A_289 = arith.index_cast %parallel_loop3A_265 : i32 to index
            %parallel_loop3A_290 = arith.constant 48 : index
            %parallel_loop3A_291 = tpu.vector_load %arg11[%parallel_loop3A_289, %parallel_loop3A_290] {strides = array<i32>} : memref<64x128xf32, #tpu.memory_space<vmem>>, vector<16xf32>,
            %parallel_loop3A_292 = arith.mulf %parallel_loop3A_291, %parallel_loop3A_267 : vector<16xf32>
            %parallel_loop3A_293 = arith.index_cast %parallel_loop3A_265 : i32 to index
            %parallel_loop3A_294 = arith.constant 48 : index
            %parallel_loop3A_295 = tpu.vector_load %arg11[%parallel_loop3A_293, %parallel_loop3A_294] {strides = array<i32>} : memref<64x128xf32, #tpu.memory_space<vmem>>, vector<16xf32>,
            tpu.vector_store %arg11[%parallel_loop3A_293, %parallel_loop3A_294], %parallel_loop3A_292 {strides = array<i32>} : memref<64x128xf32, #tpu.memory_space<vmem>>, vector<16xf32>,
            %parallel_loop3A_296 = arith.index_cast %parallel_loop3A_265 : i32 to index
            %parallel_loop3A_297 = arith.constant 64 : index
            %parallel_loop3A_298 = tpu.vector_load %arg11[%parallel_loop3A_296, %parallel_loop3A_297] {strides = array<i32>} : memref<64x128xf32, #tpu.memory_space<vmem>>, vector<16xf32>,
            %parallel_loop3A_299 = arith.mulf %parallel_loop3A_298, %parallel_loop3A_267 : vector<16xf32>
            %parallel_loop3A_300 = arith.index_cast %parallel_loop3A_265 : i32 to index
            %parallel_loop3A_301 = arith.constant 64 : index
            %parallel_loop3A_302 = tpu.vector_load %arg11[%parallel_loop3A_300, %parallel_loop3A_301] {strides = array<i32>} : memref<64x128xf32, #tpu.memory_space<vmem>>, vector<16xf32>,
            tpu.vector_store %arg11[%parallel_loop3A_300, %parallel_loop3A_301], %parallel_loop3A_299 {strides = array<i32>} : memref<64x128xf32, #tpu.memory_space<vmem>>, vector<16xf32>,
            %parallel_loop3A_303 = arith.index_cast %parallel_loop3A_265 : i32 to index
            %parallel_loop3A_304 = arith.constant 80 : index
            %parallel_loop3A_305 = tpu.vector_load %arg11[%parallel_loop3A_303, %parallel_loop3A_304] {strides = array<i32>} : memref<64x128xf32, #tpu.memory_space<vmem>>, vector<16xf32>,
            %parallel_loop3A_306 = arith.mulf %parallel_loop3A_305, %parallel_loop3A_267 : vector<16xf32>
            %parallel_loop3A_307 = arith.index_cast %parallel_loop3A_265 : i32 to index
            %parallel_loop3A_308 = arith.constant 80 : index
            %parallel_loop3A_309 = tpu.vector_load %arg11[%parallel_loop3A_307, %parallel_loop3A_308] {strides = array<i32>} : memref<64x128xf32, #tpu.memory_space<vmem>>, vector<16xf32>,
            tpu.vector_store %arg11[%parallel_loop3A_307, %parallel_loop3A_308], %parallel_loop3A_306 {strides = array<i32>} : memref<64x128xf32, #tpu.memory_space<vmem>>, vector<16xf32>,
            %parallel_loop3A_310 = arith.index_cast %parallel_loop3A_265 : i32 to index
            %parallel_loop3A_311 = arith.constant 96 : index
            %parallel_loop3A_312 = tpu.vector_load %arg11[%parallel_loop3A_310, %parallel_loop3A_311] {strides = array<i32>} : memref<64x128xf32, #tpu.memory_space<vmem>>, vector<16xf32>,
            %parallel_loop3A_313 = arith.mulf %parallel_loop3A_312, %parallel_loop3A_267 : vector<16xf32>
            %parallel_loop3A_314 = arith.index_cast %parallel_loop3A_265 : i32 to index
            %parallel_loop3A_315 = arith.constant 96 : index
            %parallel_loop3A_316 = tpu.vector_load %arg11[%parallel_loop3A_314, %parallel_loop3A_315] {strides = array<i32>} : memref<64x128xf32, #tpu.memory_space<vmem>>, vector<16xf32>,
            tpu.vector_store %arg11[%parallel_loop3A_314, %parallel_loop3A_315], %parallel_loop3A_313 {strides = array<i32>} : memref<64x128xf32, #tpu.memory_space<vmem>>, vector<16xf32>,
            %parallel_loop3A_317 = arith.index_cast %parallel_loop3A_265 : i32 to index
            %parallel_loop3A_318 = arith.constant 112 : index
            %parallel_loop3A_319 = tpu.vector_load %arg11[%parallel_loop3A_317, %parallel_loop3A_318] {strides = array<i32>} : memref<64x128xf32, #tpu.memory_space<vmem>>, vector<16xf32>,
            %parallel_loop3A_320 = arith.mulf %parallel_loop3A_319, %parallel_loop3A_267 : vector<16xf32>
            %parallel_loop3A_321 = arith.index_cast %parallel_loop3A_265 : i32 to index
            %parallel_loop3A_322 = arith.constant 112 : index
            %parallel_loop3A_323 = tpu.vector_load %arg11[%parallel_loop3A_321, %parallel_loop3A_322] {strides = array<i32>} : memref<64x128xf32, #tpu.memory_space<vmem>>, vector<16xf32>,
            tpu.vector_store %arg11[%parallel_loop3A_321, %parallel_loop3A_322], %parallel_loop3A_320 {strides = array<i32>} : memref<64x128xf32, #tpu.memory_space<vmem>>, vector<16xf32>,
          } {sc.loop_unroll_factor = 8 : i64, sc.parallel_access}
          "tpu.region"() ({
            %run_scoped3A = tpu.sem_alloc : memref<!tpu.dma_semaphore, #tpu.memory_space<semaphore_mem>>
            %dma_start3A_265 = arith.constant 0 : i32
            %dma_start3A_266 = tpu.memref_slice %arg9[%while3A_260, %dma_start3A_265] : memref<20x64xi32, #tpu.memory_space<vmem>> -> memref<1x64xi32, #tpu.memory_space<vmem>>
            %dma_start3A_267 = tpu.memref_squeeze %dma_start3A_266 : memref<1x64xi32, #tpu.memory_space<vmem>> -> memref<64xi32, #tpu.memory_space<vmem>>
            %dma_start3A_268 = arith.constant 0 : i32
            %dma_start3A_269 = arith.constant 0 : i32
            %dma_start3A_270 = tpu.memref_slice %arg5[%dma_start3A_268, %dma_start3A_269] : memref<12800x128xf32, #tpu.memory_space<vmem_shared>> -> memref<12800x128xf32, #tpu.memory_space<vmem_shared>>
            tpu.enqueue_indirect_dma source(%arg11 : memref<64x128xf32, #tpu.memory_space<vmem>>) target(%dma_start3A_270 : memref<12800x128xf32, #tpu.memory_space<vmem_shared>>) offsets(%dma_start3A_267 : memref<64xi32, #tpu.memory_space<vmem>>) semaphore(%run_scoped3A : memref<!tpu.dma_semaphore, #tpu.memory_space<semaphore_mem>>) {add = true}
            %dma_wait3A_271 = arith.constant 0 : i32
            %dma_wait3A_272 = tpu.memref_slice %arg9[%while3A_260, %dma_wait3A_271] : memref<20x64xi32, #tpu.memory_space<vmem>> -> memref<1x64xi32, #tpu.memory_space<vmem>>
            %dma_wait3A_273 = tpu.memref_squeeze %dma_wait3A_272 : memref<1x64xi32, #tpu.memory_space<vmem>> -> memref<64xi32, #tpu.memory_space<vmem>>
            %dma_wait3A_274 = arith.constant 0 : i32
            %dma_wait3A_275 = arith.constant 0 : i32
            %dma_wait3A_276 = tpu.memref_slice %arg5[%dma_wait3A_274, %dma_wait3A_275] : memref<12800x128xf32, #tpu.memory_space<vmem_shared>> -> memref<12800x128xf32, #tpu.memory_space<vmem_shared>>
            tpu.wait_indirect_dma semaphore(%run_scoped3A : memref<!tpu.dma_semaphore, #tpu.memory_space<semaphore_mem>>) src(%arg11 : memref<64x128xf32, #tpu.memory_space<vmem>>) dst(%dma_wait3A_276 : memref<12800x128xf32, #tpu.memory_space<vmem_shared>>)
            tpu.yield
          }) : () -> ()
        }
        %while3A_259 = arith.constant 1 : i32
        scf.for %while3A_260 = %while3A_257 to %while3A_253 step %while3A_259  : i32 {
          "tpu.region"() ({
            %run_scoped3A = tpu.sem_alloc : memref<!tpu.dma_semaphore, #tpu.memory_space<semaphore_mem>>
            %dma_start3A_265 = arith.constant 0 : i32
            %dma_start3A_266 = tpu.memref_slice %arg8[%while3A_260, %dma_start3A_265] : memref<20x64xi32, #tpu.memory_space<vmem>> -> memref<1x64xi32, #tpu.memory_space<vmem>>
            %dma_start3A_267 = tpu.memref_squeeze %dma_start3A_266 : memref<1x64xi32, #tpu.memory_space<vmem>> -> memref<64xi32, #tpu.memory_space<vmem>>
            %dma_start3A_268 = arith.constant 0 : i32
            %dma_start3A_269 = arith.constant 0 : i32
            %dma_start3A_270 = tpu.memref_slice %arg2[%dma_start3A_268, %dma_start3A_269] : memref<640000x128xf32, #tpu.memory_space<hbm>> -> memref<640000x128xf32, #tpu.memory_space<hbm>>
            tpu.enqueue_indirect_dma source(%dma_start3A_270 : memref<640000x128xf32, #tpu.memory_space<hbm>>) target(%arg11 : memref<64x128xf32, #tpu.memory_space<vmem>>) offsets(%dma_start3A_267 : memref<64xi32, #tpu.memory_space<vmem>>) semaphore(%run_scoped3A : memref<!tpu.dma_semaphore, #tpu.memory_space<semaphore_mem>>)
            %dma_wait3A_271 = arith.constant 0 : i32
            %dma_wait3A_272 = tpu.memref_slice %arg8[%while3A_260, %dma_wait3A_271] : memref<20x64xi32, #tpu.memory_space<vmem>> -> memref<1x64xi32, #tpu.memory_space<vmem>>
            %dma_wait3A_273 = tpu.memref_squeeze %dma_wait3A_272 : memref<1x64xi32, #tpu.memory_space<vmem>> -> memref<64xi32, #tpu.memory_space<vmem>>
            %dma_wait3A_274 = arith.constant 0 : i32
            %dma_wait3A_275 = arith.constant 0 : i32
            %dma_wait3A_276 = tpu.memref_slice %arg2[%dma_wait3A_274, %dma_wait3A_275] : memref<640000x128xf32, #tpu.memory_space<hbm>> -> memref<640000x128xf32, #tpu.memory_space<hbm>>
            tpu.wait_indirect_dma semaphore(%run_scoped3A : memref<!tpu.dma_semaphore, #tpu.memory_space<semaphore_mem>>) src(%dma_wait3A_276 : memref<640000x128xf32, #tpu.memory_space<hbm>>) dst(%arg11 : memref<64x128xf32, #tpu.memory_space<vmem>>)
            tpu.yield
          }) : () -> ()
          %broadcast_in_dim3A_261 = vector.broadcast %while3A_260 : i32 to vector<16xi32>
          %parallel_loop3A_262 = arith.constant 0 : i32
          %parallel_loop3A_263 = arith.constant 64 : i32
          %parallel_loop3A_264 = arith.constant 1 : i32
          scf.for %parallel_loop3A_265 = %parallel_loop3A_262 to %parallel_loop3A_263 step %parallel_loop3A_264  : i32 {
            %parallel_loop3A_266 = vector.broadcast %parallel_loop3A_265 : i32 to vector<16xi32>
            %parallel_loop3A_267 = tpu.vector_load_idx %arg10[%broadcast_in_dim3A_261, %parallel_loop3A_266] : memref<20x64xf32, #tpu.memory_space<vmem>>[vector<16xi32>, vector<16xi32>], vector<16xf32>,
            %parallel_loop3A_268 = arith.index_cast %parallel_loop3A_265 : i32 to index
            %parallel_loop3A_269 = arith.constant 0 : index
            %parallel_loop3A_270 = tpu.vector_load %arg11[%parallel_loop3A_268, %parallel_loop3A_269] {strides = array<i32>} : memref<64x128xf32, #tpu.memory_space<vmem>>, vector<16xf32>,
            %parallel_loop3A_271 = arith.mulf %parallel_loop3A_270, %parallel_loop3A_267 : vector<16xf32>
            %parallel_loop3A_272 = arith.index_cast %parallel_loop3A_265 : i32 to index
            %parallel_loop3A_273 = arith.constant 0 : index
            %parallel_loop3A_274 = tpu.vector_load %arg11[%parallel_loop3A_272, %parallel_loop3A_273] {strides = array<i32>} : memref<64x128xf32, #tpu.memory_space<vmem>>, vector<16xf32>,
            tpu.vector_store %arg11[%parallel_loop3A_272, %parallel_loop3A_273], %parallel_loop3A_271 {strides = array<i32>} : memref<64x128xf32, #tpu.memory_space<vmem>>, vector<16xf32>,
            %parallel_loop3A_275 = arith.index_cast %parallel_loop3A_265 : i32 to index
            %parallel_loop3A_276 = arith.constant 16 : index
            %parallel_loop3A_277 = tpu.vector_load %arg11[%parallel_loop3A_275, %parallel_loop3A_276] {strides = array<i32>} : memref<64x128xf32, #tpu.memory_space<vmem>>, vector<16xf32>,
            %parallel_loop3A_278 = arith.mulf %parallel_loop3A_277, %parallel_loop3A_267 : vector<16xf32>
            %parallel_loop3A_279 = arith.index_cast %parallel_loop3A_265 : i32 to index
            %parallel_loop3A_280 = arith.constant 16 : index
            %parallel_loop3A_281 = tpu.vector_load %arg11[%parallel_loop3A_279, %parallel_loop3A_280] {strides = array<i32>} : memref<64x128xf32, #tpu.memory_space<vmem>>, vector<16xf32>,
            tpu.vector_store %arg11[%parallel_loop3A_279, %parallel_loop3A_280], %parallel_loop3A_278 {strides = array<i32>} : memref<64x128xf32, #tpu.memory_space<vmem>>, vector<16xf32>,
            %parallel_loop3A_282 = arith.index_cast %parallel_loop3A_265 : i32 to index
            %parallel_loop3A_283 = arith.constant 32 : index
            %parallel_loop3A_284 = tpu.vector_load %arg11[%parallel_loop3A_282, %parallel_loop3A_283] {strides = array<i32>} : memref<64x128xf32, #tpu.memory_space<vmem>>, vector<16xf32>,
            %parallel_loop3A_285 = arith.mulf %parallel_loop3A_284, %parallel_loop3A_267 : vector<16xf32>
            %parallel_loop3A_286 = arith.index_cast %parallel_loop3A_265 : i32 to index
            %parallel_loop3A_287 = arith.constant 32 : index
            %parallel_loop3A_288 = tpu.vector_load %arg11[%parallel_loop3A_286, %parallel_loop3A_287] {strides = array<i32>} : memref<64x128xf32, #tpu.memory_space<vmem>>, vector<16xf32>,
            tpu.vector_store %arg11[%parallel_loop3A_286, %parallel_loop3A_287], %parallel_loop3A_285 {strides = array<i32>} : memref<64x128xf32, #tpu.memory_space<vmem>>, vector<16xf32>,
            %parallel_loop3A_289 = arith.index_cast %parallel_loop3A_265 : i32 to index
            %parallel_loop3A_290 = arith.constant 48 : index
            %parallel_loop3A_291 = tpu.vector_load %arg11[%parallel_loop3A_289, %parallel_loop3A_290] {strides = array<i32>} : memref<64x128xf32, #tpu.memory_space<vmem>>, vector<16xf32>,
            %parallel_loop3A_292 = arith.mulf %parallel_loop3A_291, %parallel_loop3A_267 : vector<16xf32>
            %parallel_loop3A_293 = arith.index_cast %parallel_loop3A_265 : i32 to index
            %parallel_loop3A_294 = arith.constant 48 : index
            %parallel_loop3A_295 = tpu.vector_load %arg11[%parallel_loop3A_293, %parallel_loop3A_294] {strides = array<i32>} : memref<64x128xf32, #tpu.memory_space<vmem>>, vector<16xf32>,
            tpu.vector_store %arg11[%parallel_loop3A_293, %parallel_loop3A_294], %parallel_loop3A_292 {strides = array<i32>} : memref<64x128xf32, #tpu.memory_space<vmem>>, vector<16xf32>,
            %parallel_loop3A_296 = arith.index_cast %parallel_loop3A_265 : i32 to index
            %parallel_loop3A_297 = arith.constant 64 : index
            %parallel_loop3A_298 = tpu.vector_load %arg11[%parallel_loop3A_296, %parallel_loop3A_297] {strides = array<i32>} : memref<64x128xf32, #tpu.memory_space<vmem>>, vector<16xf32>,
            %parallel_loop3A_299 = arith.mulf %parallel_loop3A_298, %parallel_loop3A_267 : vector<16xf32>
            %parallel_loop3A_300 = arith.index_cast %parallel_loop3A_265 : i32 to index
            %parallel_loop3A_301 = arith.constant 64 : index
            %parallel_loop3A_302 = tpu.vector_load %arg11[%parallel_loop3A_300, %parallel_loop3A_301] {strides = array<i32>} : memref<64x128xf32, #tpu.memory_space<vmem>>, vector<16xf32>,
            tpu.vector_store %arg11[%parallel_loop3A_300, %parallel_loop3A_301], %parallel_loop3A_299 {strides = array<i32>} : memref<64x128xf32, #tpu.memory_space<vmem>>, vector<16xf32>,
            %parallel_loop3A_303 = arith.index_cast %parallel_loop3A_265 : i32 to index
            %parallel_loop3A_304 = arith.constant 80 : index
            %parallel_loop3A_305 = tpu.vector_load %arg11[%parallel_loop3A_303, %parallel_loop3A_304] {strides = array<i32>} : memref<64x128xf32, #tpu.memory_space<vmem>>, vector<16xf32>,
            %parallel_loop3A_306 = arith.mulf %parallel_loop3A_305, %parallel_loop3A_267 : vector<16xf32>
            %parallel_loop3A_307 = arith.index_cast %parallel_loop3A_265 : i32 to index
            %parallel_loop3A_308 = arith.constant 80 : index
            %parallel_loop3A_309 = tpu.vector_load %arg11[%parallel_loop3A_307, %parallel_loop3A_308] {strides = array<i32>} : memref<64x128xf32, #tpu.memory_space<vmem>>, vector<16xf32>,
            tpu.vector_store %arg11[%parallel_loop3A_307, %parallel_loop3A_308], %parallel_loop3A_306 {strides = array<i32>} : memref<64x128xf32, #tpu.memory_space<vmem>>, vector<16xf32>,
            %parallel_loop3A_310 = arith.index_cast %parallel_loop3A_265 : i32 to index
            %parallel_loop3A_311 = arith.constant 96 : index
            %parallel_loop3A_312 = tpu.vector_load %arg11[%parallel_loop3A_310, %parallel_loop3A_311] {strides = array<i32>} : memref<64x128xf32, #tpu.memory_space<vmem>>, vector<16xf32>,
            %parallel_loop3A_313 = arith.mulf %parallel_loop3A_312, %parallel_loop3A_267 : vector<16xf32>
            %parallel_loop3A_314 = arith.index_cast %parallel_loop3A_265 : i32 to index
            %parallel_loop3A_315 = arith.constant 96 : index
            %parallel_loop3A_316 = tpu.vector_load %arg11[%parallel_loop3A_314, %parallel_loop3A_315] {strides = array<i32>} : memref<64x128xf32, #tpu.memory_space<vmem>>, vector<16xf32>,
            tpu.vector_store %arg11[%parallel_loop3A_314, %parallel_loop3A_315], %parallel_loop3A_313 {strides = array<i32>} : memref<64x128xf32, #tpu.memory_space<vmem>>, vector<16xf32>,
            %parallel_loop3A_317 = arith.index_cast %parallel_loop3A_265 : i32 to index
            %parallel_loop3A_318 = arith.constant 112 : index
            %parallel_loop3A_319 = tpu.vector_load %arg11[%parallel_loop3A_317, %parallel_loop3A_318] {strides = array<i32>} : memref<64x128xf32, #tpu.memory_space<vmem>>, vector<16xf32>,
            %parallel_loop3A_320 = arith.mulf %parallel_loop3A_319, %parallel_loop3A_267 : vector<16xf32>
            %parallel_loop3A_321 = arith.index_cast %parallel_loop3A_265 : i32 to index
            %parallel_loop3A_322 = arith.constant 112 : index
            %parallel_loop3A_323 = tpu.vector_load %arg11[%parallel_loop3A_321, %parallel_loop3A_322] {strides = array<i32>} : memref<64x128xf32, #tpu.memory_space<vmem>>, vector<16xf32>,
            tpu.vector_store %arg11[%parallel_loop3A_321, %parallel_loop3A_322], %parallel_loop3A_320 {strides = array<i32>} : memref<64x128xf32, #tpu.memory_space<vmem>>, vector<16xf32>,
          } {sc.loop_unroll_factor = 8 : i64, sc.parallel_access}
          "tpu.region"() ({
            %run_scoped3A = tpu.sem_alloc : memref<!tpu.dma_semaphore, #tpu.memory_space<semaphore_mem>>
            %dma_start3A_265 = arith.constant 0 : i32
            %dma_start3A_266 = tpu.memref_slice %arg9[%while3A_260, %dma_start3A_265] : memref<20x64xi32, #tpu.memory_space<vmem>> -> memref<1x64xi32, #tpu.memory_space<vmem>>
            %dma_start3A_267 = tpu.memref_squeeze %dma_start3A_266 : memref<1x64xi32, #tpu.memory_space<vmem>> -> memref<64xi32, #tpu.memory_space<vmem>>
            %dma_start3A_268 = arith.constant 0 : i32
            %dma_start3A_269 = arith.constant 0 : i32
            %dma_start3A_270 = tpu.memref_slice %arg5[%dma_start3A_268, %dma_start3A_269] : memref<12800x128xf32, #tpu.memory_space<vmem_shared>> -> memref<12800x128xf32, #tpu.memory_space<vmem_shared>>
            tpu.enqueue_indirect_dma source(%arg11 : memref<64x128xf32, #tpu.memory_space<vmem>>) target(%dma_start3A_270 : memref<12800x128xf32, #tpu.memory_space<vmem_shared>>) offsets(%dma_start3A_267 : memref<64xi32, #tpu.memory_space<vmem>>) semaphore(%run_scoped3A : memref<!tpu.dma_semaphore, #tpu.memory_space<semaphore_mem>>) {add = true}
            %dma_wait3A_271 = arith.constant 0 : i32
            %dma_wait3A_272 = tpu.memref_slice %arg9[%while3A_260, %dma_wait3A_271] : memref<20x64xi32, #tpu.memory_space<vmem>> -> memref<1x64xi32, #tpu.memory_space<vmem>>
            %dma_wait3A_273 = tpu.memref_squeeze %dma_wait3A_272 : memref<1x64xi32, #tpu.memory_space<vmem>> -> memref<64xi32, #tpu.memory_space<vmem>>
            %dma_wait3A_274 = arith.constant 0 : i32
            %dma_wait3A_275 = arith.constant 0 : i32
            %dma_wait3A_276 = tpu.memref_slice %arg5[%dma_wait3A_274, %dma_wait3A_275] : memref<12800x128xf32, #tpu.memory_space<vmem_shared>> -> memref<12800x128xf32, #tpu.memory_space<vmem_shared>>
            tpu.wait_indirect_dma semaphore(%run_scoped3A : memref<!tpu.dma_semaphore, #tpu.memory_space<semaphore_mem>>) src(%arg11 : memref<64x128xf32, #tpu.memory_space<vmem>>) dst(%dma_wait3A_276 : memref<12800x128xf32, #tpu.memory_space<vmem_shared>>)
            tpu.yield
          }) : () -> ()
        }
      }
      %scan3A_94 = arith.constant 62 : i32
      %mul3A_95 = arith.constant 124 : i32
      %mul3A_96 = arith.constant 1280 : i32
      %mul3A_97 = arith.muli %mul3A_95, %mul3A_96 : i32
      %add3A_98 = arith.addi %add3A, %mul3A_97 : i32
      %min3A_99 = arith.constant 5118720 : i32
      %min3A_100 = arith.minsi %add3A_98, %min3A_99 : i32
      %multiple_of3A_101 = tpu.assume_multiple %min3A_100, 128 : i32
      %dma_wait3A = arith.constant 0 : i32
      %dma_wait3A_102 = tpu.memref_slice %arg3[%dma_wait3A, %multiple_of3A_101] : memref<3x5120000xi32, #tpu.memory_space<hbm>> -> memref<3x1280xi32, #tpu.memory_space<hbm>>
      %dma_wait3A_103 = arith.constant 0 : i32
      %dma_wait3A_104 = tpu.memref_slice %arg3[%dma_wait3A_103, %multiple_of3A_101] : memref<3x5120000xi32, #tpu.memory_space<hbm>> -> memref<3x1280xi32, #tpu.memory_space<hbm>>
      tpu.wait_dma2 semaphore(%arg13 : memref<!tpu.dma_semaphore, #tpu.memory_space<semaphore_mem>>) src(%dma_wait3A_104 : memref<3x1280xi32, #tpu.memory_space<hbm>>) dst(%arg6 : memref<3x1280xi32, #tpu.memory_space<vmem>>)
      %parallel_loop3A = arith.constant 0 : i32
      %parallel_loop3A_105 = arith.constant 80 : i32
      %parallel_loop3A_106 = arith.constant 1 : i32
      %parallel_loop3A_107 = arith.constant 0 : i32
      %parallel_loop3A_108 = scf.for %parallel_loop3A_143 = %parallel_loop3A to %parallel_loop3A_105 step %parallel_loop3A_106 iter_args(%parallel_loop3A_144 = %parallel_loop3A_107) -> (i32)  : i32 {
        %parallel_loop3A_145 = arith.constant 16 : i32
        %parallel_loop3A_146 = arith.muli %parallel_loop3A_143, %parallel_loop3A_145 : i32
        %parallel_loop3A_147 = arith.constant 0 : i32
        %parallel_loop3A_148 = arith.index_cast %parallel_loop3A_147 : i32 to index
        %parallel_loop3A_149 = arith.index_cast %parallel_loop3A_146 : i32 to index
        %parallel_loop3A_150 = tpu.vector_load %arg6[%parallel_loop3A_148, %parallel_loop3A_149] {strides = array<i32>} : memref<3x1280xi32, #tpu.memory_space<vmem>>, vector<16xi32>,
        %parallel_loop3A_151 = vector.broadcast %mul3A_23 : i32 to vector<16xi32>
        %parallel_loop3A_152 = arith.subi %parallel_loop3A_150, %parallel_loop3A_151 : vector<16xi32>
        %parallel_loop3A_153 = vector.bitcast %parallel_loop3A_152 : vector<16xi32> to vector<16xi32>
        %parallel_loop3A_154 = arith.constant 12800 : i32
        %parallel_loop3A_155 = vector.broadcast %parallel_loop3A_154 : i32 to vector<16xi32>
        %parallel_loop3A_156 = arith.cmpi ult, %parallel_loop3A_153, %parallel_loop3A_155 : vector<16xi32>
        %parallel_loop3A_157 = arith.extui %parallel_loop3A_156 : vector<16xi1> to vector<16xi32>
        %parallel_loop3A_158 = arith.constant true
        %parallel_loop3A_159 = vector.broadcast %parallel_loop3A_158 : i1 to vector<16xi1>
        %parallel_loop3A_160 = tpu.scan <sum>, %parallel_loop3A_157 masked %parallel_loop3A_159 : vector<16xi32>, vector<16xi1> -> vector<16xi32>
        %parallel_loop3A_161 = vector.broadcast %parallel_loop3A_144 : i32 to vector<16xi32>
        %parallel_loop3A_162 = arith.addi %parallel_loop3A_161, %parallel_loop3A_160 : vector<16xi32>
        %parallel_loop3A_163 = arith.constant 1 : i32
        %parallel_loop3A_164 = vector.broadcast %parallel_loop3A_163 : i32 to vector<16xi32>
        %parallel_loop3A_165 = arith.subi %parallel_loop3A_162, %parallel_loop3A_164 : vector<16xi32>
        %parallel_loop3A_166 = arith.constant 6 : i32
        %parallel_loop3A_167 = vector.broadcast %parallel_loop3A_166 : i32 to vector<16xi32>
        %parallel_loop3A_168 = arith.shrsi %parallel_loop3A_165, %parallel_loop3A_167 : vector<16xi32>
        %parallel_loop3A_169 = arith.constant 63 : i32
        %parallel_loop3A_170 = vector.broadcast %parallel_loop3A_169 : i32 to vector<16xi32>
        %parallel_loop3A_171 = arith.andi %parallel_loop3A_165, %parallel_loop3A_170 : vector<16xi32>
        %parallel_loop3A_172 = arith.constant 1 : i32
        %parallel_loop3A_173 = arith.index_cast %parallel_loop3A_172 : i32 to index
        %parallel_loop3A_174 = arith.index_cast %parallel_loop3A_146 : i32 to index
        %parallel_loop3A_175 = tpu.vector_load %arg6[%parallel_loop3A_173, %parallel_loop3A_174] {strides = array<i32>} : memref<3x1280xi32, #tpu.memory_space<vmem>>, vector<16xi32>,
        %parallel_loop3A_176 = vector.broadcast %mul3A_4 : i32 to vector<16xi32>
        %parallel_loop3A_177 = arith.addi %parallel_loop3A_175, %parallel_loop3A_176 : vector<16xi32>
        tpu.vector_store_idx %arg8[%parallel_loop3A_168, %parallel_loop3A_171], %parallel_loop3A_177 masked %parallel_loop3A_156 : memref<20x64xi32, #tpu.memory_space<vmem>>[vector<16xi32>, vector<16xi32>], vector<16xi32>, vector<16xi1>
        tpu.vector_store_idx %arg9[%parallel_loop3A_168, %parallel_loop3A_171], %parallel_loop3A_152 masked %parallel_loop3A_156 : memref<20x64xi32, #tpu.memory_space<vmem>>[vector<16xi32>, vector<16xi32>], vector<16xi32>, vector<16xi1>
        %parallel_loop3A_178 = arith.constant 2 : i32
        %parallel_loop3A_179 = arith.index_cast %parallel_loop3A_178 : i32 to index
        %parallel_loop3A_180 = arith.index_cast %parallel_loop3A_146 : i32 to index
        %parallel_loop3A_181 = tpu.vector_load %arg6[%parallel_loop3A_179, %parallel_loop3A_180] {strides = array<i32>} : memref<3x1280xi32, #tpu.memory_space<vmem>>, vector<16xi32>,
        %parallel_loop3A_182 = vector.bitcast %parallel_loop3A_181 : vector<16xi32> to vector<16xf32>
        tpu.vector_store_idx %arg10[%parallel_loop3A_168, %parallel_loop3A_171], %parallel_loop3A_182 masked %parallel_loop3A_156 : memref<20x64xf32, #tpu.memory_space<vmem>>[vector<16xi32>, vector<16xi32>], vector<16xf32>, vector<16xi1>
        %parallel_loop3A_183 = arith.constant true
        %parallel_loop3A_184 = vector.broadcast %parallel_loop3A_183 : i1 to vector<16xi1>
        %parallel_loop3A_185 = tpu.scan <sum>, %parallel_loop3A_157 masked %parallel_loop3A_184 : vector<16xi32>, vector<16xi1> -> vector<16xi32>
        %parallel_loop3A_186 = vector.extract %parallel_loop3A_185[15] : i32 from vector<16xi32>
        %parallel_loop3A_187 = arith.addi %parallel_loop3A_144, %parallel_loop3A_186 : i32
        scf.yield %parallel_loop3A_187 : i32
      } {sc.loop_unroll_factor = 4 : i64, sc.parallel_access}
      %add3A_109 = arith.constant 64 : i32
      %add3A_110 = arith.addi %parallel_loop3A_108, %add3A_109 : i32
      %sub3A = arith.constant 1 : i32
      %sub3A_111 = arith.subi %add3A_110, %sub3A : i32
      %shift_right_arithmetic3A = arith.constant 6 : i32
      %shift_right_arithmetic3A_112 = arith.shrsi %sub3A_111, %shift_right_arithmetic3A : i32
      %shift_right_arithmetic3A_113 = arith.constant 4 : i32
      %shift_right_arithmetic3A_114 = arith.shrsi %parallel_loop3A_108, %shift_right_arithmetic3A_113 : i32
      %mul3A_115 = arith.constant 4 : i32
      %mul3A_116 = arith.muli %shift_right_arithmetic3A_112, %mul3A_115 : i32
      %while3A = arith.constant 0 : i32
      %while3A_117 = arith.subi %mul3A_116, %shift_right_arithmetic3A_114 : i32
      %while3A_118 = arith.addi %shift_right_arithmetic3A_114, %while3A_117 : i32
      %while3A_119 = arith.constant 1 : i32
      %while3A_120 = arith.divsi %while3A_117, %while3A_119 : i32
      %while3A_121 = arith.muli %while3A_120, %while3A_119 : i32
      %while3A_122 = arith.addi %shift_right_arithmetic3A_114, %while3A_121 : i32
      %while3A_123 = arith.constant 1 : i32
      scf.for %while3A_143 = %shift_right_arithmetic3A_114 to %while3A_122 step %while3A_123  : i32 {
        %mul3A_144 = arith.constant 16 : i32
        %mul3A_145 = arith.muli %while3A_143, %mul3A_144 : i32
        %add3A_146 = vector.broadcast %mul3A_145 : i32 to vector<16xi32>
        %add3A_147 = arith.addi %add3A_146, %iota3A : vector<16xi32>
        %shift_right_arithmetic3A_148 = arith.constant 6 : i32
        %shift_right_arithmetic3A_149 = vector.broadcast %shift_right_arithmetic3A_148 : i32 to vector<16xi32>
        %shift_right_arithmetic3A_150 = arith.shrsi %add3A_147, %shift_right_arithmetic3A_149 : vector<16xi32>
        %and3A = arith.constant 63 : i32
        %and3A_151 = vector.broadcast %and3A : i32 to vector<16xi32>
        %and3A_152 = arith.andi %add3A_147, %and3A_151 : vector<16xi32>
        %ge3A = vector.broadcast %parallel_loop3A_108 : i32 to vector<16xi32>
        %ge3A_153 = arith.cmpi sge, %add3A_147, %ge3A : vector<16xi32>
        tpu.vector_store_idx %arg10[%shift_right_arithmetic3A_150, %and3A_152], %broadcast_in_dim3A_7 masked %ge3A_153 : memref<20x64xf32, #tpu.memory_space<vmem>>[vector<16xi32>, vector<16xi32>], vector<16xf32>, vector<16xi1>
      }
      %while3A_124 = arith.constant 1 : i32
      scf.for %while3A_143 = %while3A_122 to %while3A_118 step %while3A_124  : i32 {
        %mul3A_144 = arith.constant 16 : i32
        %mul3A_145 = arith.muli %while3A_143, %mul3A_144 : i32
        %add3A_146 = vector.broadcast %mul3A_145 : i32 to vector<16xi32>
        %add3A_147 = arith.addi %add3A_146, %iota3A : vector<16xi32>
        %shift_right_arithmetic3A_148 = arith.constant 6 : i32
        %shift_right_arithmetic3A_149 = vector.broadcast %shift_right_arithmetic3A_148 : i32 to vector<16xi32>
        %shift_right_arithmetic3A_150 = arith.shrsi %add3A_147, %shift_right_arithmetic3A_149 : vector<16xi32>
        %and3A = arith.constant 63 : i32
        %and3A_151 = vector.broadcast %and3A : i32 to vector<16xi32>
        %and3A_152 = arith.andi %add3A_147, %and3A_151 : vector<16xi32>
        %ge3A = vector.broadcast %parallel_loop3A_108 : i32 to vector<16xi32>
        %ge3A_153 = arith.cmpi sge, %add3A_147, %ge3A : vector<16xi32>
        tpu.vector_store_idx %arg10[%shift_right_arithmetic3A_150, %and3A_152], %broadcast_in_dim3A_7 masked %ge3A_153 : memref<20x64xf32, #tpu.memory_space<vmem>>[vector<16xi32>, vector<16xi32>], vector<16xf32>, vector<16xi1>
      }
      %while3A_125 = arith.constant 0 : i32
      %while3A_126 = arith.constant 0 : i32
      %while3A_127 = arith.subi %shift_right_arithmetic3A_112, %while3A_126 : i32
      %while3A_128 = arith.addi %while3A_126, %while3A_127 : i32
      %while3A_129 = arith.constant 1 : i32
      %while3A_130 = arith.divsi %while3A_127, %while3A_129 : i32
      %while3A_131 = arith.muli %while3A_130, %while3A_129 : i32
      %while3A_132 = arith.addi %while3A_126, %while3A_131 : i32
      %while3A_133 = arith.constant 1 : i32
      scf.for %while3A_143 = %while3A_126 to %while3A_132 step %while3A_133  : i32 {
        "tpu.region"() ({
          %run_scoped3A = tpu.sem_alloc : memref<!tpu.dma_semaphore, #tpu.memory_space<semaphore_mem>>
          %dma_start3A_148 = arith.constant 0 : i32
          %dma_start3A_149 = tpu.memref_slice %arg8[%while3A_143, %dma_start3A_148] : memref<20x64xi32, #tpu.memory_space<vmem>> -> memref<1x64xi32, #tpu.memory_space<vmem>>
          %dma_start3A_150 = tpu.memref_squeeze %dma_start3A_149 : memref<1x64xi32, #tpu.memory_space<vmem>> -> memref<64xi32, #tpu.memory_space<vmem>>
          %dma_start3A_151 = arith.constant 0 : i32
          %dma_start3A_152 = arith.constant 0 : i32
          %dma_start3A_153 = tpu.memref_slice %arg2[%dma_start3A_151, %dma_start3A_152] : memref<640000x128xf32, #tpu.memory_space<hbm>> -> memref<640000x128xf32, #tpu.memory_space<hbm>>
          tpu.enqueue_indirect_dma source(%dma_start3A_153 : memref<640000x128xf32, #tpu.memory_space<hbm>>) target(%arg11 : memref<64x128xf32, #tpu.memory_space<vmem>>) offsets(%dma_start3A_150 : memref<64xi32, #tpu.memory_space<vmem>>) semaphore(%run_scoped3A : memref<!tpu.dma_semaphore, #tpu.memory_space<semaphore_mem>>)
          %dma_wait3A_154 = arith.constant 0 : i32
          %dma_wait3A_155 = tpu.memref_slice %arg8[%while3A_143, %dma_wait3A_154] : memref<20x64xi32, #tpu.memory_space<vmem>> -> memref<1x64xi32, #tpu.memory_space<vmem>>
          %dma_wait3A_156 = tpu.memref_squeeze %dma_wait3A_155 : memref<1x64xi32, #tpu.memory_space<vmem>> -> memref<64xi32, #tpu.memory_space<vmem>>
          %dma_wait3A_157 = arith.constant 0 : i32
          %dma_wait3A_158 = arith.constant 0 : i32
          %dma_wait3A_159 = tpu.memref_slice %arg2[%dma_wait3A_157, %dma_wait3A_158] : memref<640000x128xf32, #tpu.memory_space<hbm>> -> memref<640000x128xf32, #tpu.memory_space<hbm>>
          tpu.wait_indirect_dma semaphore(%run_scoped3A : memref<!tpu.dma_semaphore, #tpu.memory_space<semaphore_mem>>) src(%dma_wait3A_159 : memref<640000x128xf32, #tpu.memory_space<hbm>>) dst(%arg11 : memref<64x128xf32, #tpu.memory_space<vmem>>)
          tpu.yield
        }) : () -> ()
        %broadcast_in_dim3A_144 = vector.broadcast %while3A_143 : i32 to vector<16xi32>
        %parallel_loop3A_145 = arith.constant 0 : i32
        %parallel_loop3A_146 = arith.constant 64 : i32
        %parallel_loop3A_147 = arith.constant 1 : i32
        scf.for %parallel_loop3A_148 = %parallel_loop3A_145 to %parallel_loop3A_146 step %parallel_loop3A_147  : i32 {
          %parallel_loop3A_149 = vector.broadcast %parallel_loop3A_148 : i32 to vector<16xi32>
          %parallel_loop3A_150 = tpu.vector_load_idx %arg10[%broadcast_in_dim3A_144, %parallel_loop3A_149] : memref<20x64xf32, #tpu.memory_space<vmem>>[vector<16xi32>, vector<16xi32>], vector<16xf32>,
          %parallel_loop3A_151 = arith.index_cast %parallel_loop3A_148 : i32 to index
          %parallel_loop3A_152 = arith.constant 0 : index
          %parallel_loop3A_153 = tpu.vector_load %arg11[%parallel_loop3A_151, %parallel_loop3A_152] {strides = array<i32>} : memref<64x128xf32, #tpu.memory_space<vmem>>, vector<16xf32>,
          %parallel_loop3A_154 = arith.mulf %parallel_loop3A_153, %parallel_loop3A_150 : vector<16xf32>
          %parallel_loop3A_155 = arith.index_cast %parallel_loop3A_148 : i32 to index
          %parallel_loop3A_156 = arith.constant 0 : index
          %parallel_loop3A_157 = tpu.vector_load %arg11[%parallel_loop3A_155, %parallel_loop3A_156] {strides = array<i32>} : memref<64x128xf32, #tpu.memory_space<vmem>>, vector<16xf32>,
          tpu.vector_store %arg11[%parallel_loop3A_155, %parallel_loop3A_156], %parallel_loop3A_154 {strides = array<i32>} : memref<64x128xf32, #tpu.memory_space<vmem>>, vector<16xf32>,
          %parallel_loop3A_158 = arith.index_cast %parallel_loop3A_148 : i32 to index
          %parallel_loop3A_159 = arith.constant 16 : index
          %parallel_loop3A_160 = tpu.vector_load %arg11[%parallel_loop3A_158, %parallel_loop3A_159] {strides = array<i32>} : memref<64x128xf32, #tpu.memory_space<vmem>>, vector<16xf32>,
          %parallel_loop3A_161 = arith.mulf %parallel_loop3A_160, %parallel_loop3A_150 : vector<16xf32>
          %parallel_loop3A_162 = arith.index_cast %parallel_loop3A_148 : i32 to index
          %parallel_loop3A_163 = arith.constant 16 : index
          %parallel_loop3A_164 = tpu.vector_load %arg11[%parallel_loop3A_162, %parallel_loop3A_163] {strides = array<i32>} : memref<64x128xf32, #tpu.memory_space<vmem>>, vector<16xf32>,
          tpu.vector_store %arg11[%parallel_loop3A_162, %parallel_loop3A_163], %parallel_loop3A_161 {strides = array<i32>} : memref<64x128xf32, #tpu.memory_space<vmem>>, vector<16xf32>,
          %parallel_loop3A_165 = arith.index_cast %parallel_loop3A_148 : i32 to index
          %parallel_loop3A_166 = arith.constant 32 : index
          %parallel_loop3A_167 = tpu.vector_load %arg11[%parallel_loop3A_165, %parallel_loop3A_166] {strides = array<i32>} : memref<64x128xf32, #tpu.memory_space<vmem>>, vector<16xf32>,
          %parallel_loop3A_168 = arith.mulf %parallel_loop3A_167, %parallel_loop3A_150 : vector<16xf32>
          %parallel_loop3A_169 = arith.index_cast %parallel_loop3A_148 : i32 to index
          %parallel_loop3A_170 = arith.constant 32 : index
          %parallel_loop3A_171 = tpu.vector_load %arg11[%parallel_loop3A_169, %parallel_loop3A_170] {strides = array<i32>} : memref<64x128xf32, #tpu.memory_space<vmem>>, vector<16xf32>,
          tpu.vector_store %arg11[%parallel_loop3A_169, %parallel_loop3A_170], %parallel_loop3A_168 {strides = array<i32>} : memref<64x128xf32, #tpu.memory_space<vmem>>, vector<16xf32>,
          %parallel_loop3A_172 = arith.index_cast %parallel_loop3A_148 : i32 to index
          %parallel_loop3A_173 = arith.constant 48 : index
          %parallel_loop3A_174 = tpu.vector_load %arg11[%parallel_loop3A_172, %parallel_loop3A_173] {strides = array<i32>} : memref<64x128xf32, #tpu.memory_space<vmem>>, vector<16xf32>,
          %parallel_loop3A_175 = arith.mulf %parallel_loop3A_174, %parallel_loop3A_150 : vector<16xf32>
          %parallel_loop3A_176 = arith.index_cast %parallel_loop3A_148 : i32 to index
          %parallel_loop3A_177 = arith.constant 48 : index
          %parallel_loop3A_178 = tpu.vector_load %arg11[%parallel_loop3A_176, %parallel_loop3A_177] {strides = array<i32>} : memref<64x128xf32, #tpu.memory_space<vmem>>, vector<16xf32>,
          tpu.vector_store %arg11[%parallel_loop3A_176, %parallel_loop3A_177], %parallel_loop3A_175 {strides = array<i32>} : memref<64x128xf32, #tpu.memory_space<vmem>>, vector<16xf32>,
          %parallel_loop3A_179 = arith.index_cast %parallel_loop3A_148 : i32 to index
          %parallel_loop3A_180 = arith.constant 64 : index
          %parallel_loop3A_181 = tpu.vector_load %arg11[%parallel_loop3A_179, %parallel_loop3A_180] {strides = array<i32>} : memref<64x128xf32, #tpu.memory_space<vmem>>, vector<16xf32>,
          %parallel_loop3A_182 = arith.mulf %parallel_loop3A_181, %parallel_loop3A_150 : vector<16xf32>
          %parallel_loop3A_183 = arith.index_cast %parallel_loop3A_148 : i32 to index
          %parallel_loop3A_184 = arith.constant 64 : index
          %parallel_loop3A_185 = tpu.vector_load %arg11[%parallel_loop3A_183, %parallel_loop3A_184] {strides = array<i32>} : memref<64x128xf32, #tpu.memory_space<vmem>>, vector<16xf32>,
          tpu.vector_store %arg11[%parallel_loop3A_183, %parallel_loop3A_184], %parallel_loop3A_182 {strides = array<i32>} : memref<64x128xf32, #tpu.memory_space<vmem>>, vector<16xf32>,
          %parallel_loop3A_186 = arith.index_cast %parallel_loop3A_148 : i32 to index
          %parallel_loop3A_187 = arith.constant 80 : index
          %parallel_loop3A_188 = tpu.vector_load %arg11[%parallel_loop3A_186, %parallel_loop3A_187] {strides = array<i32>} : memref<64x128xf32, #tpu.memory_space<vmem>>, vector<16xf32>,
          %parallel_loop3A_189 = arith.mulf %parallel_loop3A_188, %parallel_loop3A_150 : vector<16xf32>
          %parallel_loop3A_190 = arith.index_cast %parallel_loop3A_148 : i32 to index
          %parallel_loop3A_191 = arith.constant 80 : index
          %parallel_loop3A_192 = tpu.vector_load %arg11[%parallel_loop3A_190, %parallel_loop3A_191] {strides = array<i32>} : memref<64x128xf32, #tpu.memory_space<vmem>>, vector<16xf32>,
          tpu.vector_store %arg11[%parallel_loop3A_190, %parallel_loop3A_191], %parallel_loop3A_189 {strides = array<i32>} : memref<64x128xf32, #tpu.memory_space<vmem>>, vector<16xf32>,
          %parallel_loop3A_193 = arith.index_cast %parallel_loop3A_148 : i32 to index
          %parallel_loop3A_194 = arith.constant 96 : index
          %parallel_loop3A_195 = tpu.vector_load %arg11[%parallel_loop3A_193, %parallel_loop3A_194] {strides = array<i32>} : memref<64x128xf32, #tpu.memory_space<vmem>>, vector<16xf32>,
          %parallel_loop3A_196 = arith.mulf %parallel_loop3A_195, %parallel_loop3A_150 : vector<16xf32>
          %parallel_loop3A_197 = arith.index_cast %parallel_loop3A_148 : i32 to index
          %parallel_loop3A_198 = arith.constant 96 : index
          %parallel_loop3A_199 = tpu.vector_load %arg11[%parallel_loop3A_197, %parallel_loop3A_198] {strides = array<i32>} : memref<64x128xf32, #tpu.memory_space<vmem>>, vector<16xf32>,
          tpu.vector_store %arg11[%parallel_loop3A_197, %parallel_loop3A_198], %parallel_loop3A_196 {strides = array<i32>} : memref<64x128xf32, #tpu.memory_space<vmem>>, vector<16xf32>,
          %parallel_loop3A_200 = arith.index_cast %parallel_loop3A_148 : i32 to index
          %parallel_loop3A_201 = arith.constant 112 : index
          %parallel_loop3A_202 = tpu.vector_load %arg11[%parallel_loop3A_200, %parallel_loop3A_201] {strides = array<i32>} : memref<64x128xf32, #tpu.memory_space<vmem>>, vector<16xf32>,
          %parallel_loop3A_203 = arith.mulf %parallel_loop3A_202, %parallel_loop3A_150 : vector<16xf32>
          %parallel_loop3A_204 = arith.index_cast %parallel_loop3A_148 : i32 to index
          %parallel_loop3A_205 = arith.constant 112 : index
          %parallel_loop3A_206 = tpu.vector_load %arg11[%parallel_loop3A_204, %parallel_loop3A_205] {strides = array<i32>} : memref<64x128xf32, #tpu.memory_space<vmem>>, vector<16xf32>,
          tpu.vector_store %arg11[%parallel_loop3A_204, %parallel_loop3A_205], %parallel_loop3A_203 {strides = array<i32>} : memref<64x128xf32, #tpu.memory_space<vmem>>, vector<16xf32>,
        } {sc.loop_unroll_factor = 8 : i64, sc.parallel_access}
        "tpu.region"() ({
          %run_scoped3A = tpu.sem_alloc : memref<!tpu.dma_semaphore, #tpu.memory_space<semaphore_mem>>
          %dma_start3A_148 = arith.constant 0 : i32
          %dma_start3A_149 = tpu.memref_slice %arg9[%while3A_143, %dma_start3A_148] : memref<20x64xi32, #tpu.memory_space<vmem>> -> memref<1x64xi32, #tpu.memory_space<vmem>>
          %dma_start3A_150 = tpu.memref_squeeze %dma_start3A_149 : memref<1x64xi32, #tpu.memory_space<vmem>> -> memref<64xi32, #tpu.memory_space<vmem>>
          %dma_start3A_151 = arith.constant 0 : i32
          %dma_start3A_152 = arith.constant 0 : i32
          %dma_start3A_153 = tpu.memref_slice %arg5[%dma_start3A_151, %dma_start3A_152] : memref<12800x128xf32, #tpu.memory_space<vmem_shared>> -> memref<12800x128xf32, #tpu.memory_space<vmem_shared>>
          tpu.enqueue_indirect_dma source(%arg11 : memref<64x128xf32, #tpu.memory_space<vmem>>) target(%dma_start3A_153 : memref<12800x128xf32, #tpu.memory_space<vmem_shared>>) offsets(%dma_start3A_150 : memref<64xi32, #tpu.memory_space<vmem>>) semaphore(%run_scoped3A : memref<!tpu.dma_semaphore, #tpu.memory_space<semaphore_mem>>) {add = true}
          %dma_wait3A_154 = arith.constant 0 : i32
          %dma_wait3A_155 = tpu.memref_slice %arg9[%while3A_143, %dma_wait3A_154] : memref<20x64xi32, #tpu.memory_space<vmem>> -> memref<1x64xi32, #tpu.memory_space<vmem>>
          %dma_wait3A_156 = tpu.memref_squeeze %dma_wait3A_155 : memref<1x64xi32, #tpu.memory_space<vmem>> -> memref<64xi32, #tpu.memory_space<vmem>>
          %dma_wait3A_157 = arith.constant 0 : i32
          %dma_wait3A_158 = arith.constant 0 : i32
          %dma_wait3A_159 = tpu.memref_slice %arg5[%dma_wait3A_157, %dma_wait3A_158] : memref<12800x128xf32, #tpu.memory_space<vmem_shared>> -> memref<12800x128xf32, #tpu.memory_space<vmem_shared>>
          tpu.wait_indirect_dma semaphore(%run_scoped3A : memref<!tpu.dma_semaphore, #tpu.memory_space<semaphore_mem>>) src(%arg11 : memref<64x128xf32, #tpu.memory_space<vmem>>) dst(%dma_wait3A_159 : memref<12800x128xf32, #tpu.memory_space<vmem_shared>>)
          tpu.yield
        }) : () -> ()
      }
      %while3A_134 = arith.constant 1 : i32
      scf.for %while3A_143 = %while3A_132 to %while3A_128 step %while3A_134  : i32 {
        "tpu.region"() ({
          %run_scoped3A = tpu.sem_alloc : memref<!tpu.dma_semaphore, #tpu.memory_space<semaphore_mem>>
          %dma_start3A_148 = arith.constant 0 : i32
          %dma_start3A_149 = tpu.memref_slice %arg8[%while3A_143, %dma_start3A_148] : memref<20x64xi32, #tpu.memory_space<vmem>> -> memref<1x64xi32, #tpu.memory_space<vmem>>
          %dma_start3A_150 = tpu.memref_squeeze %dma_start3A_149 : memref<1x64xi32, #tpu.memory_space<vmem>> -> memref<64xi32, #tpu.memory_space<vmem>>
          %dma_start3A_151 = arith.constant 0 : i32
          %dma_start3A_152 = arith.constant 0 : i32
          %dma_start3A_153 = tpu.memref_slice %arg2[%dma_start3A_151, %dma_start3A_152] : memref<640000x128xf32, #tpu.memory_space<hbm>> -> memref<640000x128xf32, #tpu.memory_space<hbm>>
          tpu.enqueue_indirect_dma source(%dma_start3A_153 : memref<640000x128xf32, #tpu.memory_space<hbm>>) target(%arg11 : memref<64x128xf32, #tpu.memory_space<vmem>>) offsets(%dma_start3A_150 : memref<64xi32, #tpu.memory_space<vmem>>) semaphore(%run_scoped3A : memref<!tpu.dma_semaphore, #tpu.memory_space<semaphore_mem>>)
          %dma_wait3A_154 = arith.constant 0 : i32
          %dma_wait3A_155 = tpu.memref_slice %arg8[%while3A_143, %dma_wait3A_154] : memref<20x64xi32, #tpu.memory_space<vmem>> -> memref<1x64xi32, #tpu.memory_space<vmem>>
          %dma_wait3A_156 = tpu.memref_squeeze %dma_wait3A_155 : memref<1x64xi32, #tpu.memory_space<vmem>> -> memref<64xi32, #tpu.memory_space<vmem>>
          %dma_wait3A_157 = arith.constant 0 : i32
          %dma_wait3A_158 = arith.constant 0 : i32
          %dma_wait3A_159 = tpu.memref_slice %arg2[%dma_wait3A_157, %dma_wait3A_158] : memref<640000x128xf32, #tpu.memory_space<hbm>> -> memref<640000x128xf32, #tpu.memory_space<hbm>>
          tpu.wait_indirect_dma semaphore(%run_scoped3A : memref<!tpu.dma_semaphore, #tpu.memory_space<semaphore_mem>>) src(%dma_wait3A_159 : memref<640000x128xf32, #tpu.memory_space<hbm>>) dst(%arg11 : memref<64x128xf32, #tpu.memory_space<vmem>>)
          tpu.yield
        }) : () -> ()
        %broadcast_in_dim3A_144 = vector.broadcast %while3A_143 : i32 to vector<16xi32>
        %parallel_loop3A_145 = arith.constant 0 : i32
        %parallel_loop3A_146 = arith.constant 64 : i32
        %parallel_loop3A_147 = arith.constant 1 : i32
        scf.for %parallel_loop3A_148 = %parallel_loop3A_145 to %parallel_loop3A_146 step %parallel_loop3A_147  : i32 {
          %parallel_loop3A_149 = vector.broadcast %parallel_loop3A_148 : i32 to vector<16xi32>
          %parallel_loop3A_150 = tpu.vector_load_idx %arg10[%broadcast_in_dim3A_144, %parallel_loop3A_149] : memref<20x64xf32, #tpu.memory_space<vmem>>[vector<16xi32>, vector<16xi32>], vector<16xf32>,
          %parallel_loop3A_151 = arith.index_cast %parallel_loop3A_148 : i32 to index
          %parallel_loop3A_152 = arith.constant 0 : index
          %parallel_loop3A_153 = tpu.vector_load %arg11[%parallel_loop3A_151, %parallel_loop3A_152] {strides = array<i32>} : memref<64x128xf32, #tpu.memory_space<vmem>>, vector<16xf32>,
          %parallel_loop3A_154 = arith.mulf %parallel_loop3A_153, %parallel_loop3A_150 : vector<16xf32>
          %parallel_loop3A_155 = arith.index_cast %parallel_loop3A_148 : i32 to index
          %parallel_loop3A_156 = arith.constant 0 : index
          %parallel_loop3A_157 = tpu.vector_load %arg11[%parallel_loop3A_155, %parallel_loop3A_156] {strides = array<i32>} : memref<64x128xf32, #tpu.memory_space<vmem>>, vector<16xf32>,
          tpu.vector_store %arg11[%parallel_loop3A_155, %parallel_loop3A_156], %parallel_loop3A_154 {strides = array<i32>} : memref<64x128xf32, #tpu.memory_space<vmem>>, vector<16xf32>,
          %parallel_loop3A_158 = arith.index_cast %parallel_loop3A_148 : i32 to index
          %parallel_loop3A_159 = arith.constant 16 : index
          %parallel_loop3A_160 = tpu.vector_load %arg11[%parallel_loop3A_158, %parallel_loop3A_159] {strides = array<i32>} : memref<64x128xf32, #tpu.memory_space<vmem>>, vector<16xf32>,
          %parallel_loop3A_161 = arith.mulf %parallel_loop3A_160, %parallel_loop3A_150 : vector<16xf32>
          %parallel_loop3A_162 = arith.index_cast %parallel_loop3A_148 : i32 to index
          %parallel_loop3A_163 = arith.constant 16 : index
          %parallel_loop3A_164 = tpu.vector_load %arg11[%parallel_loop3A_162, %parallel_loop3A_163] {strides = array<i32>} : memref<64x128xf32, #tpu.memory_space<vmem>>, vector<16xf32>,
          tpu.vector_store %arg11[%parallel_loop3A_162, %parallel_loop3A_163], %parallel_loop3A_161 {strides = array<i32>} : memref<64x128xf32, #tpu.memory_space<vmem>>, vector<16xf32>,
          %parallel_loop3A_165 = arith.index_cast %parallel_loop3A_148 : i32 to index
          %parallel_loop3A_166 = arith.constant 32 : index
          %parallel_loop3A_167 = tpu.vector_load %arg11[%parallel_loop3A_165, %parallel_loop3A_166] {strides = array<i32>} : memref<64x128xf32, #tpu.memory_space<vmem>>, vector<16xf32>,
          %parallel_loop3A_168 = arith.mulf %parallel_loop3A_167, %parallel_loop3A_150 : vector<16xf32>
          %parallel_loop3A_169 = arith.index_cast %parallel_loop3A_148 : i32 to index
          %parallel_loop3A_170 = arith.constant 32 : index
          %parallel_loop3A_171 = tpu.vector_load %arg11[%parallel_loop3A_169, %parallel_loop3A_170] {strides = array<i32>} : memref<64x128xf32, #tpu.memory_space<vmem>>, vector<16xf32>,
          tpu.vector_store %arg11[%parallel_loop3A_169, %parallel_loop3A_170], %parallel_loop3A_168 {strides = array<i32>} : memref<64x128xf32, #tpu.memory_space<vmem>>, vector<16xf32>,
          %parallel_loop3A_172 = arith.index_cast %parallel_loop3A_148 : i32 to index
          %parallel_loop3A_173 = arith.constant 48 : index
          %parallel_loop3A_174 = tpu.vector_load %arg11[%parallel_loop3A_172, %parallel_loop3A_173] {strides = array<i32>} : memref<64x128xf32, #tpu.memory_space<vmem>>, vector<16xf32>,
          %parallel_loop3A_175 = arith.mulf %parallel_loop3A_174, %parallel_loop3A_150 : vector<16xf32>
          %parallel_loop3A_176 = arith.index_cast %parallel_loop3A_148 : i32 to index
          %parallel_loop3A_177 = arith.constant 48 : index
          %parallel_loop3A_178 = tpu.vector_load %arg11[%parallel_loop3A_176, %parallel_loop3A_177] {strides = array<i32>} : memref<64x128xf32, #tpu.memory_space<vmem>>, vector<16xf32>,
          tpu.vector_store %arg11[%parallel_loop3A_176, %parallel_loop3A_177], %parallel_loop3A_175 {strides = array<i32>} : memref<64x128xf32, #tpu.memory_space<vmem>>, vector<16xf32>,
          %parallel_loop3A_179 = arith.index_cast %parallel_loop3A_148 : i32 to index
          %parallel_loop3A_180 = arith.constant 64 : index
          %parallel_loop3A_181 = tpu.vector_load %arg11[%parallel_loop3A_179, %parallel_loop3A_180] {strides = array<i32>} : memref<64x128xf32, #tpu.memory_space<vmem>>, vector<16xf32>,
          %parallel_loop3A_182 = arith.mulf %parallel_loop3A_181, %parallel_loop3A_150 : vector<16xf32>
          %parallel_loop3A_183 = arith.index_cast %parallel_loop3A_148 : i32 to index
          %parallel_loop3A_184 = arith.constant 64 : index
          %parallel_loop3A_185 = tpu.vector_load %arg11[%parallel_loop3A_183, %parallel_loop3A_184] {strides = array<i32>} : memref<64x128xf32, #tpu.memory_space<vmem>>, vector<16xf32>,
          tpu.vector_store %arg11[%parallel_loop3A_183, %parallel_loop3A_184], %parallel_loop3A_182 {strides = array<i32>} : memref<64x128xf32, #tpu.memory_space<vmem>>, vector<16xf32>,
          %parallel_loop3A_186 = arith.index_cast %parallel_loop3A_148 : i32 to index
          %parallel_loop3A_187 = arith.constant 80 : index
          %parallel_loop3A_188 = tpu.vector_load %arg11[%parallel_loop3A_186, %parallel_loop3A_187] {strides = array<i32>} : memref<64x128xf32, #tpu.memory_space<vmem>>, vector<16xf32>,
          %parallel_loop3A_189 = arith.mulf %parallel_loop3A_188, %parallel_loop3A_150 : vector<16xf32>
          %parallel_loop3A_190 = arith.index_cast %parallel_loop3A_148 : i32 to index
          %parallel_loop3A_191 = arith.constant 80 : index
          %parallel_loop3A_192 = tpu.vector_load %arg11[%parallel_loop3A_190, %parallel_loop3A_191] {strides = array<i32>} : memref<64x128xf32, #tpu.memory_space<vmem>>, vector<16xf32>,
          tpu.vector_store %arg11[%parallel_loop3A_190, %parallel_loop3A_191], %parallel_loop3A_189 {strides = array<i32>} : memref<64x128xf32, #tpu.memory_space<vmem>>, vector<16xf32>,
          %parallel_loop3A_193 = arith.index_cast %parallel_loop3A_148 : i32 to index
          %parallel_loop3A_194 = arith.constant 96 : index
          %parallel_loop3A_195 = tpu.vector_load %arg11[%parallel_loop3A_193, %parallel_loop3A_194] {strides = array<i32>} : memref<64x128xf32, #tpu.memory_space<vmem>>, vector<16xf32>,
          %parallel_loop3A_196 = arith.mulf %parallel_loop3A_195, %parallel_loop3A_150 : vector<16xf32>
          %parallel_loop3A_197 = arith.index_cast %parallel_loop3A_148 : i32 to index
          %parallel_loop3A_198 = arith.constant 96 : index
          %parallel_loop3A_199 = tpu.vector_load %arg11[%parallel_loop3A_197, %parallel_loop3A_198] {strides = array<i32>} : memref<64x128xf32, #tpu.memory_space<vmem>>, vector<16xf32>,
          tpu.vector_store %arg11[%parallel_loop3A_197, %parallel_loop3A_198], %parallel_loop3A_196 {strides = array<i32>} : memref<64x128xf32, #tpu.memory_space<vmem>>, vector<16xf32>,
          %parallel_loop3A_200 = arith.index_cast %parallel_loop3A_148 : i32 to index
          %parallel_loop3A_201 = arith.constant 112 : index
          %parallel_loop3A_202 = tpu.vector_load %arg11[%parallel_loop3A_200, %parallel_loop3A_201] {strides = array<i32>} : memref<64x128xf32, #tpu.memory_space<vmem>>, vector<16xf32>,
          %parallel_loop3A_203 = arith.mulf %parallel_loop3A_202, %parallel_loop3A_150 : vector<16xf32>
          %parallel_loop3A_204 = arith.index_cast %parallel_loop3A_148 : i32 to index
          %parallel_loop3A_205 = arith.constant 112 : index
          %parallel_loop3A_206 = tpu.vector_load %arg11[%parallel_loop3A_204, %parallel_loop3A_205] {strides = array<i32>} : memref<64x128xf32, #tpu.memory_space<vmem>>, vector<16xf32>,
          tpu.vector_store %arg11[%parallel_loop3A_204, %parallel_loop3A_205], %parallel_loop3A_203 {strides = array<i32>} : memref<64x128xf32, #tpu.memory_space<vmem>>, vector<16xf32>,
        } {sc.loop_unroll_factor = 8 : i64, sc.parallel_access}
        "tpu.region"() ({
          %run_scoped3A = tpu.sem_alloc : memref<!tpu.dma_semaphore, #tpu.memory_space<semaphore_mem>>
          %dma_start3A_148 = arith.constant 0 : i32
          %dma_start3A_149 = tpu.memref_slice %arg9[%while3A_143, %dma_start3A_148] : memref<20x64xi32, #tpu.memory_space<vmem>> -> memref<1x64xi32, #tpu.memory_space<vmem>>
          %dma_start3A_150 = tpu.memref_squeeze %dma_start3A_149 : memref<1x64xi32, #tpu.memory_space<vmem>> -> memref<64xi32, #tpu.memory_space<vmem>>
          %dma_start3A_151 = arith.constant 0 : i32
          %dma_start3A_152 = arith.constant 0 : i32
          %dma_start3A_153 = tpu.memref_slice %arg5[%dma_start3A_151, %dma_start3A_152] : memref<12800x128xf32, #tpu.memory_space<vmem_shared>> -> memref<12800x128xf32, #tpu.memory_space<vmem_shared>>
          tpu.enqueue_indirect_dma source(%arg11 : memref<64x128xf32, #tpu.memory_space<vmem>>) target(%dma_start3A_153 : memref<12800x128xf32, #tpu.memory_space<vmem_shared>>) offsets(%dma_start3A_150 : memref<64xi32, #tpu.memory_space<vmem>>) semaphore(%run_scoped3A : memref<!tpu.dma_semaphore, #tpu.memory_space<semaphore_mem>>) {add = true}
          %dma_wait3A_154 = arith.constant 0 : i32
          %dma_wait3A_155 = tpu.memref_slice %arg9[%while3A_143, %dma_wait3A_154] : memref<20x64xi32, #tpu.memory_space<vmem>> -> memref<1x64xi32, #tpu.memory_space<vmem>>
          %dma_wait3A_156 = tpu.memref_squeeze %dma_wait3A_155 : memref<1x64xi32, #tpu.memory_space<vmem>> -> memref<64xi32, #tpu.memory_space<vmem>>
          %dma_wait3A_157 = arith.constant 0 : i32
          %dma_wait3A_158 = arith.constant 0 : i32
          %dma_wait3A_159 = tpu.memref_slice %arg5[%dma_wait3A_157, %dma_wait3A_158] : memref<12800x128xf32, #tpu.memory_space<vmem_shared>> -> memref<12800x128xf32, #tpu.memory_space<vmem_shared>>
          tpu.wait_indirect_dma semaphore(%run_scoped3A : memref<!tpu.dma_semaphore, #tpu.memory_space<semaphore_mem>>) src(%arg11 : memref<64x128xf32, #tpu.memory_space<vmem>>) dst(%dma_wait3A_159 : memref<12800x128xf32, #tpu.memory_space<vmem_shared>>)
          tpu.yield
        }) : () -> ()
      }
      %barrier3A_135 = arith.constant 0 : index
      tpu.barrier barrier_id(%barrier3A_135)
      %add3A_136 = arith.addi %mul3A_4, %mul3A_23 : i32
      %mul3A_137 = arith.constant 800 : i32
      %mul3A_138 = arith.muli %arg1, %mul3A_137 : i32
      %add3A_139 = arith.addi %add3A_136, %mul3A_138 : i32
      %mul3A_140 = arith.constant 800 : i32
      %mul3A_141 = arith.muli %arg1, %mul3A_140 : i32
      "tpu.region"() ({
        %run_scoped3A = tpu.sem_alloc : memref<!tpu.dma_semaphore, #tpu.memory_space<semaphore_mem>>
        %dma_start3A_143 = arith.constant 0 : i32
        %dma_start3A_144 = tpu.memref_slice %arg4[%add3A_139, %dma_start3A_143] : memref<640000x128xf32, #tpu.memory_space<hbm>> -> memref<800x128xf32, #tpu.memory_space<hbm>>
        %dma_start3A_145 = arith.constant 0 : i32
        %dma_start3A_146 = tpu.memref_slice %arg5[%mul3A_141, %dma_start3A_145] : memref<12800x128xf32, #tpu.memory_space<vmem_shared>> -> memref<800x128xf32, #tpu.memory_space<vmem_shared>>
        tpu.enqueue_dma source(%dma_start3A_146 : memref<800x128xf32, #tpu.memory_space<vmem_shared>>) target(%dma_start3A_144 : memref<800x128xf32, #tpu.memory_space<hbm>>) target_semaphore(%run_scoped3A : memref<!tpu.dma_semaphore, #tpu.memory_space<semaphore_mem>>)
        %dma_wait3A_147 = arith.constant 0 : i32
        %dma_wait3A_148 = tpu.memref_slice %arg4[%add3A_139, %dma_wait3A_147] : memref<640000x128xf32, #tpu.memory_space<hbm>> -> memref<800x128xf32, #tpu.memory_space<hbm>>
        %dma_wait3A_149 = arith.constant 0 : i32
        %dma_wait3A_150 = tpu.memref_slice %arg5[%mul3A_141, %dma_wait3A_149] : memref<12800x128xf32, #tpu.memory_space<vmem_shared>> -> memref<800x128xf32, #tpu.memory_space<vmem_shared>>
        tpu.wait_dma2 semaphore(%run_scoped3A : memref<!tpu.dma_semaphore, #tpu.memory_space<semaphore_mem>>) src(%dma_wait3A_150 : memref<800x128xf32, #tpu.memory_space<vmem_shared>>) dst(%dma_wait3A_148 : memref<800x128xf32, #tpu.memory_space<hbm>>)
        tpu.yield
      }) : () -> ()
      %barrier3A_142 = arith.constant 0 : index
      tpu.barrier barrier_id(%barrier3A_142)
    }
    %scan3A_16 = arith.constant 25 : i32
    return
  }
}

module attributes {stable_mosaic.version = 14 : i64} {
  func.func @_matmul_body(%arg0: i32, %arg1: memref<1280x128xf32, #tpu.memory_space<vmem>>, %arg2: memref<128x128xf32, #tpu.memory_space<vmem>>, %arg3: memref<1x128xf32, #tpu.memory_space<vmem>>, %arg4: memref<1280x128xf32, #tpu.memory_space<vmem>>) attributes {dimension_semantics = [#tpu.dimension_semantics<arbitrary>], iteration_bounds = array<i64: 500>, scalar_prefetch = 0 : i64, scratch_operands = 0 : i64, tpu.core_type = #tpu.core_type<tc>, window_params = [{transform_indices = @transform_0, window_bounds = array<i64: 1280, 128>}, {transform_indices = @transform_1, window_bounds = array<i64: 128, 128>}, {transform_indices = @transform_2, window_bounds = array<i64: 1, 128>}, {transform_indices = @transform_3, window_bounds = array<i64: 1280, 128>}]} {
    %get3A = arith.constant 0 : index
    %get3A_0 = arith.constant 0 : index
    %get3A_1 = vector.load %arg1[%get3A, %get3A_0] : memref<1280x128xf32, #tpu.memory_space<vmem>>, vector<1280x128xf32>
    %get3A_2 = arith.constant 0 : index
    %get3A_3 = arith.constant 0 : index
    %get3A_4 = vector.load %arg2[%get3A_2, %get3A_3] : memref<128x128xf32, #tpu.memory_space<vmem>>, vector<128x128xf32>
    %dot_general3A = arith.constant dense<0.000000e+00> : vector<1280x128xf32>
    %dot_general3A_5 = tpu.matmul %get3A_1, %get3A_4, %dot_general3A {dimension_numbers = #tpu.dot_dimension_numbers<[1], [0], [0], [1], [0, 0, 1, 1], [], []>, transpose_lhs_hint = false} : vector<1280x128xf32>, vector<128x128xf32>, vector<1280x128xf32> -> vector<1280x128xf32>
    %get3A_6 = arith.constant 0 : index
    %get3A_7 = arith.constant 0 : index
    %get3A_8 = vector.load %arg3[%get3A_6, %get3A_7] : memref<1x128xf32, #tpu.memory_space<vmem>>, vector<1x128xf32>
    %add3A = vector.broadcast %get3A_8 : vector<1x128xf32> to vector<1280x128xf32>
    %add3A_9 = arith.addf %dot_general3A_5, %add3A : vector<1280x128xf32>
    %swap3A = arith.constant 0 : index
    %swap3A_10 = arith.constant 0 : index
    %swap3A_11 = vector.load %arg4[%swap3A, %swap3A_10] : memref<1280x128xf32, #tpu.memory_space<vmem>>, vector<1280x128xf32>
    tpu.vector_store %arg4[%swap3A, %swap3A_10], %add3A_9 {strides = array<i32>} : memref<1280x128xf32, #tpu.memory_space<vmem>>, vector<1280x128xf32>,
    return
  }
  func.func @transform_0(%arg0: i32) -> (i32, i32) {
    %jit3A = arith.constant 250 : i32
    %eq3A = arith.constant 0 : i32
    %eq3A_0 = arith.cmpi eq, %jit3A, %eq3A : i32
    %jit3A_1 = arith.constant 1 : i32
    %select_n3A = arith.select %eq3A_0, %jit3A_1, %jit3A : i32
    %rem3A = arith.remsi %arg0, %select_n3A : i32
    %ne3A = arith.constant 0 : i32
    %ne3A_2 = arith.cmpi ne, %rem3A, %ne3A : i32
    %lt3A = arith.constant 0 : i32
    %lt3A_3 = arith.cmpi slt, %rem3A, %lt3A : i32
    %lt3A_4 = arith.constant 0 : i32
    %lt3A_5 = arith.cmpi slt, %select_n3A, %lt3A_4 : i32
    %ne3A_6 = arith.xori %lt3A_3, %lt3A_5 : i1
    %and3A = arith.andi %ne3A_6, %ne3A_2 : i1
    %add3A = arith.addi %rem3A, %select_n3A : i32
    %select_n3A_7 = arith.select %and3A, %add3A, %rem3A : i32
    %c0_i32 = arith.constant 0 : i32
    %c0_i32_8 = arith.constant 0 : i32
    return %select_n3A_7, %c0_i32 : i32, i32
  }
  func.func @transform_1(%arg0: i32) -> (i32, i32) {
    %jit3A = arith.constant 250 : i32
    %div3A = arith.divsi %arg0, %jit3A : i32
    %sign3A = arith.constant 0 : i32
    %sign3A_0 = arith.cmpi sgt, %arg0, %sign3A : i32
    %sign3A_1 = arith.extui %sign3A_0 : i1 to i32
    %sign3A_2 = arith.constant 0 : i32
    %sign3A_3 = arith.cmpi slt, %arg0, %sign3A_2 : i32
    %sign3A_4 = arith.extui %sign3A_3 : i1 to i32
    %sign3A_5 = arith.subi %sign3A_1, %sign3A_4 : i32
    %sign3A_6 = arith.constant 0 : i32
    %sign3A_7 = arith.cmpi sgt, %jit3A, %sign3A_6 : i32
    %sign3A_8 = arith.extui %sign3A_7 : i1 to i32
    %sign3A_9 = arith.constant 0 : i32
    %sign3A_10 = arith.cmpi slt, %jit3A, %sign3A_9 : i32
    %sign3A_11 = arith.extui %sign3A_10 : i1 to i32
    %sign3A_12 = arith.subi %sign3A_8, %sign3A_11 : i32
    %ne3A = arith.cmpi ne, %sign3A_5, %sign3A_12 : i32
    %rem3A = arith.remsi %arg0, %jit3A : i32
    %ne3A_13 = arith.constant 0 : i32
    %ne3A_14 = arith.cmpi ne, %rem3A, %ne3A_13 : i32
    %and3A = arith.andi %ne3A, %ne3A_14 : i1
    %sub3A = arith.constant 1 : i32
    %sub3A_15 = arith.subi %div3A, %sub3A : i32
    %select_n3A = arith.select %and3A, %sub3A_15, %div3A : i32
    %mul3A = arith.constant 2 : i32
    %mul3A_16 = arith.muli %mul3A, %select_n3A : i32
    %c0_i32 = arith.constant 0 : i32
    %c0_i32_17 = arith.constant 0 : i32
    return %c0_i32, %mul3A_16 : i32, i32
  }
  func.func @transform_2(%arg0: i32) -> (i32, i32) {
    %jit3A = arith.constant 250 : i32
    %div3A = arith.divsi %arg0, %jit3A : i32
    %sign3A = arith.constant 0 : i32
    %sign3A_0 = arith.cmpi sgt, %arg0, %sign3A : i32
    %sign3A_1 = arith.extui %sign3A_0 : i1 to i32
    %sign3A_2 = arith.constant 0 : i32
    %sign3A_3 = arith.cmpi slt, %arg0, %sign3A_2 : i32
    %sign3A_4 = arith.extui %sign3A_3 : i1 to i32
    %sign3A_5 = arith.subi %sign3A_1, %sign3A_4 : i32
    %sign3A_6 = arith.constant 0 : i32
    %sign3A_7 = arith.cmpi sgt, %jit3A, %sign3A_6 : i32
    %sign3A_8 = arith.extui %sign3A_7 : i1 to i32
    %sign3A_9 = arith.constant 0 : i32
    %sign3A_10 = arith.cmpi slt, %jit3A, %sign3A_9 : i32
    %sign3A_11 = arith.extui %sign3A_10 : i1 to i32
    %sign3A_12 = arith.subi %sign3A_8, %sign3A_11 : i32
    %ne3A = arith.cmpi ne, %sign3A_5, %sign3A_12 : i32
    %rem3A = arith.remsi %arg0, %jit3A : i32
    %ne3A_13 = arith.constant 0 : i32
    %ne3A_14 = arith.cmpi ne, %rem3A, %ne3A_13 : i32
    %and3A = arith.andi %ne3A, %ne3A_14 : i1
    %sub3A = arith.constant 1 : i32
    %sub3A_15 = arith.subi %div3A, %sub3A : i32
    %select_n3A = arith.select %and3A, %sub3A_15, %div3A : i32
    %mul3A = arith.constant 2 : i32
    %mul3A_16 = arith.muli %mul3A, %select_n3A : i32
    %c0_i32 = arith.constant 0 : i32
    %c0_i32_17 = arith.constant 0 : i32
    return %c0_i32, %mul3A_16 : i32, i32
  }
  func.func @transform_3(%arg0: i32) -> (i32, i32) {
    %c0_i32 = arith.constant 0 : i32
    %c0_i32_0 = arith.constant 0 : i32
    return %arg0, %c0_i32 : i32, i32
  }
}

module attributes {stable_mosaic.version = 14 : i64} {
  func.func @_matmul_body(%arg0: i32, %arg1: memref<1280x128xf32, #tpu.memory_space<vmem>>, %arg2: memref<128x128xf32, #tpu.memory_space<vmem>>, %arg3: memref<1x128xf32, #tpu.memory_space<vmem>>, %arg4: memref<1280x128xf32, #tpu.memory_space<vmem>>) attributes {dimension_semantics = [#tpu.dimension_semantics<arbitrary>], iteration_bounds = array<i64: 250>, scalar_prefetch = 0 : i64, scratch_operands = 0 : i64, tpu.core_type = #tpu.core_type<tc>, window_params = [{transform_indices = @transform_0, window_bounds = array<i64: 1280, 128>}, {transform_indices = @transform_1, window_bounds = array<i64: 128, 128>}, {transform_indices = @transform_2, window_bounds = array<i64: 1, 128>}, {transform_indices = @transform_3, window_bounds = array<i64: 1280, 128>}]} {
    %get3A = arith.constant 0 : index
    %get3A_0 = arith.constant 0 : index
    %get3A_1 = vector.load %arg1[%get3A, %get3A_0] : memref<1280x128xf32, #tpu.memory_space<vmem>>, vector<1280x128xf32>
    %get3A_2 = arith.constant 0 : index
    %get3A_3 = arith.constant 0 : index
    %get3A_4 = vector.load %arg2[%get3A_2, %get3A_3] : memref<128x128xf32, #tpu.memory_space<vmem>>, vector<128x128xf32>
    %dot_general3A = arith.constant dense<0.000000e+00> : vector<1280x128xf32>
    %dot_general3A_5 = tpu.matmul %get3A_1, %get3A_4, %dot_general3A {dimension_numbers = #tpu.dot_dimension_numbers<[1], [0], [0], [1], [0, 0, 1, 1], [], []>, transpose_lhs_hint = false} : vector<1280x128xf32>, vector<128x128xf32>, vector<1280x128xf32> -> vector<1280x128xf32>
    %get3A_6 = arith.constant 0 : index
    %get3A_7 = arith.constant 0 : index
    %get3A_8 = vector.load %arg3[%get3A_6, %get3A_7] : memref<1x128xf32, #tpu.memory_space<vmem>>, vector<1x128xf32>
    %add3A = vector.broadcast %get3A_8 : vector<1x128xf32> to vector<1280x128xf32>
    %add3A_9 = arith.addf %dot_general3A_5, %add3A : vector<1280x128xf32>
    %swap3A = arith.constant 0 : index
    %swap3A_10 = arith.constant 0 : index
    %swap3A_11 = vector.load %arg4[%swap3A, %swap3A_10] : memref<1280x128xf32, #tpu.memory_space<vmem>>, vector<1280x128xf32>
    tpu.vector_store %arg4[%swap3A, %swap3A_10], %add3A_9 {strides = array<i32>} : memref<1280x128xf32, #tpu.memory_space<vmem>>, vector<1280x128xf32>,
    return
  }
  func.func @transform_0(%arg0: i32) -> (i32, i32) {
    %c0_i32 = arith.constant 0 : i32
    %c0_i32_0 = arith.constant 0 : i32
    return %arg0, %c0_i32 : i32, i32
  }
  func.func @transform_1(%arg0: i32) -> (i32, i32) {
    %c0_i32 = arith.constant 0 : i32
    %c1_i32 = arith.constant 1 : i32
    %c0_i32_0 = arith.constant 0 : i32
    return %c0_i32, %c1_i32 : i32, i32
  }
  func.func @transform_2(%arg0: i32) -> (i32, i32) {
    %c0_i32 = arith.constant 0 : i32
    %c1_i32 = arith.constant 1 : i32
    %c0_i32_0 = arith.constant 0 : i32
    return %c0_i32, %c1_i32 : i32, i32
  }
  func.func @transform_3(%arg0: i32) -> (i32, i32) {
    %c0_i32 = arith.constant 0 : i32
    %c0_i32_0 = arith.constant 0 : i32
    return %arg0, %c0_i32 : i32, i32
  }
}

module attributes {stable_mosaic.version = 14 : i64} {
  func.func @_finish_body(%arg0: i32, %arg1: memref<1280x128xf32, #tpu.memory_space<vmem>>, %arg2: memref<1280x128xf32, #tpu.memory_space<vmem>>, %arg3: memref<1280x128xf32, #tpu.memory_space<vmem>>, %arg4: memref<1280x128xf32, #tpu.memory_space<vmem>>) attributes {dimension_semantics = [#tpu.dimension_semantics<arbitrary>], iteration_bounds = array<i64: 250>, scalar_prefetch = 0 : i64, scratch_operands = 0 : i64, tpu.core_type = #tpu.core_type<tc>, window_params = [{transform_indices = @transform_0, window_bounds = array<i64: 1280, 128>}, {transform_indices = @transform_1, window_bounds = array<i64: 1280, 128>}, {transform_indices = @transform_2, window_bounds = array<i64: 1280, 128>}, {transform_indices = @transform_3, window_bounds = array<i64: 1280, 128>}]} {
    %get3A = arith.constant 0 : index
    %get3A_0 = arith.constant 0 : index
    %get3A_1 = vector.load %arg1[%get3A, %get3A_0] : memref<1280x128xf32, #tpu.memory_space<vmem>>, vector<1280x128xf32>
    %get3A_2 = arith.constant 0 : index
    %get3A_3 = arith.constant 0 : index
    %get3A_4 = vector.load %arg2[%get3A_2, %get3A_3] : memref<1280x128xf32, #tpu.memory_space<vmem>>, vector<1280x128xf32>
    %add3A = arith.addf %get3A_1, %get3A_4 : vector<1280x128xf32>
    %get3A_5 = arith.constant 0 : index
    %get3A_6 = arith.constant 0 : index
    %get3A_7 = vector.load %arg3[%get3A_5, %get3A_6] : memref<1280x128xf32, #tpu.memory_space<vmem>>, vector<1280x128xf32>
    %add3A_8 = arith.addf %add3A, %get3A_7 : vector<1280x128xf32>
    %tanh3A = math.tanh %add3A_8 : vector<1280x128xf32>
    %swap3A = arith.constant 0 : index
    %swap3A_9 = arith.constant 0 : index
    %swap3A_10 = vector.load %arg4[%swap3A, %swap3A_9] : memref<1280x128xf32, #tpu.memory_space<vmem>>, vector<1280x128xf32>
    tpu.vector_store %arg4[%swap3A, %swap3A_9], %tanh3A {strides = array<i32>} : memref<1280x128xf32, #tpu.memory_space<vmem>>, vector<1280x128xf32>,
    return
  }
  func.func @transform_0(%arg0: i32) -> (i32, i32) {
    %c0_i32 = arith.constant 0 : i32
    %c0_i32_0 = arith.constant 0 : i32
    return %arg0, %c0_i32 : i32, i32
  }
  func.func @transform_1(%arg0: i32) -> (i32, i32) {
    %c0_i32 = arith.constant 0 : i32
    %c0_i32_0 = arith.constant 0 : i32
    return %arg0, %c0_i32 : i32, i32
  }
  func.func @transform_2(%arg0: i32) -> (i32, i32) {
    %add3A = arith.constant 250 : i32
    %add3A_0 = arith.addi %arg0, %add3A : i32
    %c0_i32 = arith.constant 0 : i32
    %c0_i32_1 = arith.constant 0 : i32
    return %add3A_0, %c0_i32 : i32, i32
  }
  func.func @transform_3(%arg0: i32) -> (i32, i32) {
    %c0_i32 = arith.constant 0 : i32
    %c0_i32_0 = arith.constant 0 : i32
    return %arg0, %c0_i32 : i32, i32
  }
}

</mosaic_0001>

<sc_bundles>
// kernel: kernel.6.cloned.1.call-start
scs
__scs_entry_jumppad:
0x0: {  	(pc) =	sbr.rel $0x88, $3  }
0x1: {  	(tag) =	ssettag $0x0;
	lr =	simm.s32 $0x1  }
0x2: {  	[smem:$0x3F9A] =	sst lr;
	_ =	strace $0xD0000000  }
0x3: {  	_ = 	snop  }
0x4: {  	_ = 	snop  }
0x5: {  	_ = 	snop  }
0x6: {  	_ = 	snop  }
0x7: {  	_ = 	snop  }
__scs_overlays_trampoline_lowered:
0x8: {  	[smem:$0x3FA9] =	sst s0  }
0x9: {  	[smem:$0x3FAA] =	sst s1  }
0xa: {  	[smem:$0x3FAB] =	sst s2  }
0xb: {  	[smem:$0x3FAC] =	sst s3  }
0xc: {  	[smem:$0x3FAD] =	sst s4  }
0xd: {  	[smem:$0x3FAE] =	sst s5  }
0xe: {  	[smem:$0x3FAF] =	sst s6  }
0xf: {  	[smem:$0x3FB0] =	sst s7  }
0x10: {  	[smem:$0x3FB1] =	sst s8  }
0x11: {  	[smem:$0x3FB2] =	sst s9;
	s0 =	simm.s32 @!p0 $0x0  }
0x12: {  	s1 =	sld [smem:$0x3F98];
	s0 =	simm.s32 @p0 $0x1  }
0x13: {  	[smem:$0x3FB3] =	sst s0;
	s0 =	simm.s32 @!p1 $0x0  }
0x14: {  	s2 =	sld [smem:$0x3F97];
	s0 =	simm.s32 @p1 $0x1  }
0x15: {  	[smem:$0x3FB4] =	sst s0;
	s0 =	simm.s32 @!p2 $0x0  }
0x16: {  	s3 =	sld [smem:$0x3FDB];
	s0 =	simm.s32 @p2 $0x1  }
0x17: {  	s4 =	simm.s32 $0x1BF5;
	[smem:$0x3FB6] =	sst s0  }
0x18: {  	s0 =	sld [smem:$0x3F99];
	_ =	swait.ge [sflag:s4], $0x0  }
0x19: {  	s7 =	sld [smem:$0x3F9A]  }
0x1a: {  	s8 =	sadd.s32 $0xFFFFE003, lr  }
0x1b: {  	s9 =	sadd.s32 $0xFFFFFEF7, lr;
	s5 =	simm.s32 $0xFFFFFFFF;
	p2 =	slt.u32 s8, $0xFFFFF086  }
0x1c: {  	p1 =	slt.u32 s9, $0xF7A;
	s5 =	simm.s32 @!p2 $0x0  }
0x1d: {  	s5 =	simm.s32 @p1 $0x1;
	p0 =	seq.s32 s7, s2  }
0x1e: {  	s7 =	smul.u32 @!p0 $0xF7A, s2;
	p2 =	seq.s32 @!p0 s5, $0x0  }
0x1f: {  	s9 =	smul.u32 $0xF7A, s1;
	s8 =	simm.s32 @!p0 $0x1BF5;
	p2 =	por !p2, p0  }
0x20: {  	[sflag:s8] =	ssyncset.s32 @!p0 $0xFFFFF086;
	s6 =	sadd.s32 @!p0 s3, s7;
	s7 =	simm.s32 @!p0 $0x108  }
0x21: {  	s3 =	sadd.s32 s3, s9;
	s6 =	sadd.s32 @!p0 $0x88, s6;
	s7 =	simm.s32 @p2 $0x1082  }
0x22: {  	[simem:s7], [sflag:s8] =	dma.local @!p0 [hbm:s6], $0xF7A  }
0x23: {  	s9 =	sor.u32 $0xD0000000, s2;
	s6 =	simm.s32 $0x108;
	_ =	swait.ge @!p0 [sflag:s8], $0x0  }
0x24: {  	s3 =	sadd.s32 $0x88, s3;
	s6 =	simm.s32 @!p1 $0x1082;
	[sflag:s4] =	ssyncset.s32 $0xFFFFF086  }
0x25: {  	[simem:s6], [sflag:s4] =	dma.local [hbm:s3], $0xF7A  }
0x26: {  	[smem:$0x3F9A] =	sst s1;
	(tag) =	ssettag s2;
	_ =	strace s9  }
0x27: {  	s1 =	sld [smem:$0x3FAA]  }
0x28: {  	s2 =	sld [smem:$0x3FAB]  }
0x29: {  	s4 =	sld [smem:$0x3FAD]  }
0x2a: {  	p0 =	seq.s32 s5, $0x0;
	s5 =	sld [smem:$0x3FAE]  }
0x2b: {  	s6 =	sld [smem:$0x3FAF]  }
0x2c: {  	s7 =	sld [smem:$0x3FB0]  }
0x2d: {  	s3 =	simm.s32 $0x108;
	s8 =	sld [smem:$0x3FB1]  }
0x2e: {  	s3 =	simm.s32 @!p0 $0x1082;
	s9 =	sld [smem:$0x3FB2]  }
0x2f: {  	lr =	sadd.s32 s0, s3;
	s0 =	sld [smem:$0x3FA9]  }
0x30: {  	s3 =	sld [smem:$0x3FAC]  }
0x31: {  	[smem:$0x3FB5] =	sst s10  }
0x32: {  	s10 =	sld [smem:$0x3FB3];
	_ =	sdelay $0x3  }
0x33: {  	p0 =	seq.s32 s10, $0x1;
	s10 =	sld [smem:$0x3FB5];
	_ =	sdelay $0x3  }
0x34: {  	[smem:$0x3FB5] =	sst s10  }
0x35: {  	s10 =	sld [smem:$0x3FB4];
	_ =	sdelay $0x3  }
0x36: {  	p1 =	seq.s32 s10, $0x1;
	s10 =	sld [smem:$0x3FB5];
	_ =	sdelay $0x3  }
0x37: {  	[smem:$0x3FB5] =	sst s10  }
0x38: {  	s10 =	sld [smem:$0x3FB6]  }
0x39: {  	_ = 	snop;
	(pc) =	sbr.ind lr, $3  }
0x3a: {  	_ = 	snop  }
0x3b: {  	_ = 	snop  }
0x3c: {  	p2 =	seq.s32 s10, $0x1;
	s10 =	sld [smem:$0x3FB5]  }
0x3d: {  	_ =	shalt  }
0x3e: {  	_ =	shalt  }
0x3f: {  	_ =	shalt  }
0x40: {  	_ =	shalt  }
0x41: {  	_ =	shalt  }
0x42: {  	_ =	shalt  }
0x43: {  	_ =	shalt  }
0x44: {  	_ =	shalt  }
0x45: {  	_ =	shalt  }
0x46: {  	_ =	shalt  }
0x47: {  	_ =	shalt  }
0x48: {  	_ =	shalt  }
0x49: {  	_ =	shalt  }
0x4a: {  	_ =	shalt  }
0x4b: {  	_ =	shalt  }
0x4c: {  	_ =	shalt  }
0x4d: {  	_ =	shalt  }
0x4e: {  	_ =	shalt  }
0x4f: {  	_ =	shalt  }
0x50: {  	_ =	shalt  }
0x51: {  	_ =	shalt  }
0x52: {  	_ =	shalt  }
0x53: {  	_ =	shalt  }
0x54: {  	_ =	shalt  }
0x55: {  	_ =	shalt  }
0x56: {  	_ =	shalt  }
0x57: {  	_ =	shalt  }
0x58: {  	_ =	shalt  }
0x59: {  	_ =	shalt  }
0x5a: {  	_ =	shalt  }
0x5b: {  	_ =	shalt  }
0x5c: {  	_ =	shalt  }
0x5d: {  	_ =	shalt  }
0x5e: {  	_ =	shalt  }
0x5f: {  	_ =	shalt  }
0x60: {  	_ =	shalt  }
0x61: {  	_ =	shalt  }
0x62: {  	_ =	shalt  }
0x63: {  	_ =	shalt  }
0x64: {  	_ =	shalt  }
0x65: {  	_ =	shalt  }
0x66: {  	_ =	shalt  }
0x67: {  	_ =	shalt  }
0x68: {  	_ =	shalt  }
0x69: {  	_ =	shalt  }
0x6a: {  	_ =	shalt  }
0x6b: {  	_ =	shalt  }
0x6c: {  	_ =	shalt  }
0x6d: {  	_ =	shalt  }
0x6e: {  	_ =	shalt  }
0x6f: {  	_ =	shalt  }
0x70: {  	_ =	shalt  }
0x71: {  	_ =	shalt  }
0x72: {  	_ =	shalt  }
0x73: {  	_ =	shalt  }
0x74: {  	_ =	shalt  }
0x75: {  	_ =	shalt  }
0x76: {  	_ =	shalt  }
0x77: {  	_ =	shalt  }
0x78: {  	_ =	shalt  }
0x79: {  	_ =	shalt  }
0x7a: {  	_ =	shalt  }
0x7b: {  	_ =	shalt  }
0x7c: {  	_ =	shalt  }
0x7d: {  	_ =	shalt  }
0x7e: {  	_ =	shalt  }
0x7f: {  	_ =	shalt  }
0x80: {  	_ =	shalt  }
0x81: {  	_ =	shalt  }
0x82: {  	_ =	shalt  }
0x83: {  	_ =	shalt  }
0x84: {  	_ =	shalt  }
0x85: {  	_ =	shalt  }
0x86: {  	_ =	shalt  }
0x87: {  	_ =	shalt  }
.Lfunc_end0:
.L_simem_size_0:
called_computation_lowered:
.L_overlay_start_0:
0x88: {  	s2 =	sld [smem:$0x3FD9]  }
0x89: {  	s3 =	sld [smem:$0x3FFE];
	_ =	sdelay $0x1  }
0x8a: {  	s1 =	srdreg.scid  }
0x8b: {  	s0 =	sand.u32 $0x1, s1  }
0x8c: {  	s17 =	sshll.u32 s0, $0xA;
	s2 =	sadd.s32 s3, s2  }
0x8d: {  	s2 =	sadd.s32 s2, s17  }
0x8e: {  	[smem:$0x3FC1] =	sst s2  }
0x8f: {  	_ = 	snop  }
0x90: {  	s2 =	sld [smem:$0x3FD0];
	(tm) =	ssettm $0x1  }
0x91: {  	s18 =	sld [smem:$0x3FFB];
	_ =	sdelay $0x3  }
0x92: {  	_ =	strace s18  }
0x93: {  	s3 =	sld [smem:$0x3FFC];
	_ =	sdelay $0x3  }
0x94: {  	_ =	strace s3  }
0x95: {  	s3 =	sld [smem:$0x3FFD];
	_ =	sdelay $0x3  }
0x96: {  	_ =	strace s3  }
0x97: {  	_ =	strace $0x8FFFFFFF  }
0x98: {  	s19 =	sld [smem:$0x3FDB];
	_ =	sdelay $0x1  }
0x99: {  	s4 =	simm.s32 $_scs_section_size  }
0x9a: {  	s5 =	simm.s32 $_size__tile_overlayer_lowered;
	s6 =	simm.s32 $_tile_overlayer_lowered  }
0x9b: {  	s22 =	simm.s32 $0x1BFF;
	s21 =	sshll.u32 s6, $0x1;
	s3 =	sadd.s32 s4, s19  }
0x9c: {  	s7 =	simm.s32 $0x0;
	s20 =	sshll.u32 s5, $0x1;
	s5 =	sadd.s32 s21, s3  }
0x9d: {  	[timem:s7], [sflag:s22] =	dma.local [hbm:s5], s20  }
0x9e: {  	_ =	swait.ge [sflag:s22], s20  }
0x9f: {  	s4 =	ssub.s32 $0x0, s20;
	[sflag:s22] =	ssyncset.done $0x0  }
0xa0: {  	[sflag:s22] =	ssyncadd.s32 s4;
	_ =	sdelay $0x1  }
0xa1: {  	s23 =	simm.s32 $0x1B8B  }
0xa2: {  	_ =	swait.ge [sflag:s23], $0x1  }
0xa3: {  	[sflag:s23] =	ssyncset.done $0x0  }
0xa4: {  	s25 =	simm.s32 $0x1B8E;
	s24 =	sld [smem:$0x3FFE];
	[sflag:s23] =	ssyncadd.s32 $0xFFFFFFFF  }
0xa5: {  	s26 =	simm.s32 $execute0_lowered;
	[smem:$0x3FD2] =	sst s25  }
0xa6: {  	s5 =	sshll.u32 s26, $0x1;
	_ =	strace $0x80000046;
	[dreg:$0x1] =	wrdreg $0xFFFFFFFF  }
0xa7: {  	s28 =	simm.s32 $_size_execute0_lowered;
	s3 =	sadd.s32 s3, s5;
	[dreg:$0x0] =	wrdreg $0x0  }
0xa8: {  	s5 =	sshll.u32 s28, $0x1;
	[dreg:$0x2] =	wrdreg s3  }
0xa9: {  	[dreg:$0x3] =	wrdreg s5  }
0xaa: {  	[dreg:$0x4] =	wrdreg $0xC0  }
0xab: {  	_ =	task [dreg:s7], $0x5FFFF  }
0xac: {  	[dreg:$0x1] =	wrdreg $0xFFFFFFFF  }
0xad: {  	[dreg:$0x0] =	wrdreg $0x60  }
0xae: {  	[dreg:$0x2] =	wrdreg s24  }
0xaf: {  	[dreg:$0x3] =	wrdreg s2  }
0xb0: {  	[dreg:$0x4] =	wrdreg $0x0  }
0xb1: {  	[dreg:$0x5] =	wrdreg $0x9  }
0xb2: {  	_ =	task.clear_ibuf [dreg:s7], $0x6FFFF;
	_ =	strace $0x90000046  }
0xb3: {  	s29 =	simm.s32 $0x9;
	_ =	strace $0x80000048  }
0xb4: {  	_ =	swait.ge [sflag:s29], $0x1  }
0xb5: {  	[sflag:s29] =	ssyncadd.s32 $0xFFFFFFFF  }
0xb6: {  	_ =	strace $0x90000048  }
0xb7: {  	_ =	sfence  }
0xb8: {  	s30 =	sld [smem:$0x0];
	_ =	sdelay $0x2  }
0xb9: {  	s31 =	sshll.u32 s1, $0xD;
	s1 =	sshrl.u32 s1, $0x2  }
0xba: {  	s3 =	sand.u32 $0x4000, s31;
	s1 =	sadd.s32 s1, s30  }
0xbb: {  	s0 =	sor.u32 s3, s0;
	s1 =	sshll.u32 s1, $0x11  }
0xbc: {  	s0 =	sor.u32 s1, s0  }
0xbd: {  	s0 =	sadd.s32 $0x8F2B, s0  }
0xbe: {  	[sflag:s0] =	ssyncadd.remote.s32 $0x1  }
0xbf: {  	_ =	sfence.sel $0xFFFF  }
0xc0: {  	[dreg:$0x0] =	wrdreg $0xFFFFFFFF;
	(pc) =	sbr.abs _section_cstart, $3  }
0xc1: {  	[dreg:$0x1] =	wrdreg $0xFFFFFFFF  }
0xc2: {  	_ =	task.clear_ibuf [dreg:s7], $0x2FFFF;
	_ =	strace $0x9FFFFFFF  }
0xc3: {  	(tm) =	ssettm $0x7FFFFFFF  }
tec
execute0_lowered:
.L_overlay_start_1:
0x0: {  	(tag) =	ssettag $0x1  }
0x1: {  	s0 =	rddreg [dreg:$0x0]  }
0x2: {  	s1 =	rddreg [dreg:$0x1]  }
0x3: {  	s2 =	rddreg [dreg:$0x2];
	s9 =	stileid.u32  }
0x4: {  	s3 =	srdreg.scid;
	s4 =	smul.u32 $0x64000, s9  }
0x5: {  	s10 =	simm.s32 $0x0;
	s3 =	sand.u32 $0x1, s3;
	s12 =	smul.u32 $0x320, s9  }
0x6: {  	[smem:$0x7FF] =	sst s10;
	s5 =	sadd.s32 $0x9DA00, s0;
	s6 =	smul.u32 $0x271000, s3  }
0x7: {  	s0 =	sadd.s32 $0xA61A00, s0;
	s29 =	ssub.s32 $0x2, s3;
	s3 =	smul.u32 $0x4E200, s3  }
0x8: {  	_ =	strace $0x80000047;
	[dreg:$0x5] =	wrdreg s0;
	s7 =	sshrl.u32 s29, $0x1  }
0x9: {  	s4 =	sshrl.u32 s4, $0x2;
	s0 =	ssub.s32 s29, s7;
	s29 =	sadd.s32 s3, s12  }
0xa: {  	s11 =	sadd.s32 s4, s2;
	[dreg:$0x16] =	wrdreg s29  }
0xb: {  	s13 =	sadd.s32 $0x2000, s11;
	[dreg:$0x6] =	wrdreg s11  }
0xc: {  	s14 =	sadd.s32 $0x4000, s11;
	[dreg:$0x7] =	wrdreg s13  }
0xd: {  	s15 =	sadd.s32 $0x6000, s11;
	[dreg:$0x8] =	wrdreg s14  }
0xe: {  	s16 =	sadd.s32 $0x8000, s11;
	[dreg:$0x9] =	wrdreg s15  }
0xf: {  	s17 =	sadd.s32 $0xA000, s11;
	[dreg:$0xa] =	wrdreg s16  }
0x10: {  	s18 =	sadd.s32 $0xC000, s11;
	[dreg:$0xb] =	wrdreg s17  }
0x11: {  	s30 =	simm.s32 $0x1;
	s19 =	sadd.s32 $0xE000, s11;
	[dreg:$0xc] =	wrdreg s18  }
0x12: {  	s8 =	smul.u32 $0x27100, s9;
	s20 =	sadd.s32 $0x10000, s11;
	[dreg:$0xd] =	wrdreg s19  }
0x13: {  	s31 =	simm.s32 $0x1B800;
	s21 =	sadd.s32 $0x12000, s11;
	[dreg:$0xe] =	wrdreg s20  }
0x14: {  	s8 =	sadd.s32 s8, s6;
	s22 =	sadd.s32 $0x14000, s11;
	[dreg:$0xf] =	wrdreg s21  }
0x15: {  	s4 =	simm.s32 $0x40;
	s23 =	sadd.s32 $0x16000, s11;
	[dreg:$0x10] =	wrdreg s22  }
0x16: {  	v0 =	vmov s3;
	s3 =	simm.s32 $0x2;
	s24 =	sadd.s32 $0x18000, s11;
	[dreg:$0x11] =	wrdreg s23  }
.Ltmp0:
0x17: {  	s26 =	sadd.s32 $0x500, s8;
	[dreg:$0x12] =	wrdreg s24;
	(pc) =	sbr.rel .LBB2_1-.Ltmp0, $4  }
0x18: {  	s25 =	sshrl.u32 s8, $0x1;
	s28 =	sadd.s32 $0xA00, s8;
	[dreg:$0x14] =	wrdreg s26  }
0x19: {  	s0 =	smax.u32 s0, $0x1;
	s1 =	sadd.s32 s1, s25;
	[dreg:$0x15] =	wrdreg s28  }
0x1a: {  	[dreg:$0x17] =	wrdreg s0;
	s25 =	simm.s32 $0x1DC00;
	s26 =	simm.s32 $0x3  }
0x1b: {  	v1 =	vimm.s32 $0x0;
	v2 =	vimm.f32 $0.0e+00;
	v3 =	vlaneseq.u32;
	s0 =	simm.s32 $0x1C400;
	s24 =	simm.s32 $0x1D000;
	[dreg:$0x13] =	wrdreg s1  }
.LBB2_39:
0x1c: {  	s10 =	rddreg [dreg:$0x4]  }
0x1d: {  	s1 =	rddreg [dreg:$0x17];
	s10 =	sadd.s32 $0x1, s10  }
0x1e: {  	p0 =	sne.s32 s10, s1  }
.Ltmp1:
0x1f: {  	_ = 	snop;
	(pc) =	sbr.rel @!p0 .LBB2_40-.Ltmp1, $1  }
0x20: {  	_ =	sdelay $0x3  }
.LBB2_1:
0x21: {  	[dreg:$0x4] =	wrdreg s10;
	s6 =	simm.s32 $0x0;
	s7 =	simm.s32 $0x200  }
.LBB2_2:
0x22: {  	p0 =	sne.s32 s7, $0x2600;
	[tilespmem:s6+$0x1D030] =	vst v2  }
0x23: {  	[tilespmem:s6+$0x1B800] =	vst v1  }
0x24: {  	[tilespmem:s6+$0x1C400] =	vst v1  }
0x25: {  	[tilespmem:s6+$0x1D000] =	vst v2  }
0x26: {  	[tilespmem:s6+$0x1B810] =	vst v1  }
0x27: {  	[tilespmem:s6+$0x1C410] =	vst v1  }
0x28: {  	[tilespmem:s6+$0x1D010] =	vst v2  }
.Ltmp2:
0x29: {  	[tilespmem:s6+$0x1B820] =	vst v1;
	(pc) =	sbr.rel @p0 .LBB2_2-.Ltmp2, $4  }
0x2a: {  	[tilespmem:s6+$0x1C420] =	vst v1  }
0x2b: {  	[tilespmem:s6+$0x1D020] =	vst v2  }
0x2c: {  	[tilespmem:s6+$0x1B830] =	vst v1  }
0x2d: {  	[tilespmem:s6+$0x1C430] =	vst v1;
	s6 =	sshra.s32 s7, $0x2;
	s7 =	sadd.s32 $0x200, s7  }
0x2e: {  	[tilespmem:s6+$0x1D030] =	vst v2  }
0x2f: {  	[tilespmem:s6+$0x1B800] =	vst v1  }
0x30: {  	[tilespmem:s6+$0x1C400] =	vst v1  }
0x31: {  	[tilespmem:s6+$0x1D000] =	vst v2  }
0x32: {  	[tilespmem:s6+$0x1B810] =	vst v1  }
0x33: {  	[tilespmem:s6+$0x1C410] =	vst v1  }
0x34: {  	[tilespmem:s6+$0x1D010] =	vst v2  }
.Ltmp3:
0x35: {  	[tilespmem:s6+$0x1B820] =	vst v1;
	(pc) =	sbr.rel .LBB2_4-.Ltmp3, $4  }
0x36: {  	[tilespmem:s6+$0x1C420] =	vst v1  }
0x37: {  	[tilespmem:s6+$0x1D020] =	vst v2  }
0x38: {  	[tilespmem:s6+$0x1B830] =	vst v1  }
0x39: {  	s8 =	simm.s32 $0x0;
	[tilespmem:s6+$0x1C430] =	vst v1  }
.LBB2_38:
0x3a: {  	s1 =	rddreg [dreg:$0x16]  }
0x3b: {  	s6 =	rddreg [dreg:$0x19]  }
0x3c: {  	[bflag:$0x0] =	sbarrier.arrive $0xFFFF;
	s28 =	stileid.u32;
	s8 =	sadd.s32 $0x1, s8  }
0x3d: {  	s1 =	sadd.s32 s6, s1;
	s6 =	sshll.u32 s28, $0x6;
	s7 =	rddreg [dreg:$0x5]  }
0x3e: {  	s11 =	rddreg [dreg:$0x6];
	p0 =	sne.s32 s8, $0x19;
	s1 =	sshll.u32 s1, $0x4  }
0x3f: {  	s6 =	sor.u32 $0x1C03, s6;
	s29 =	sshrl.u32 s11, $0x3;
	s1 =	sadd.s32 s7, s1  }
0x40: {  	[hbm:s1], [sflag:s6] =	dma.local [spmem:s29], $0x3200  }
.Ltmp4:
0x41: {  	_ =	swait.ge [sflag:s26], $0x3200;
	(pc) =	sbr.rel @!p0 .LBB2_39-.Ltmp4, $3  }
0x42: {  	[sflag:s26] =	ssyncset.done $0x0  }
0x43: {  	[sflag:s26] =	ssyncadd.s32 $0xFFFFCE00  }
0x44: {  	[bflag:$0x0] =	sbarrier.arrive $0xFFFF;
	_ =	sdelay $0x1  }
.LBB2_4:
0x45: {  	s6 =	simm.s32 $0x0;
	s7 =	simm.s32 $0x200  }
.LBB2_5:
0x46: {  	p0 =	sne.s32 s7, $0x7E00;
	[tilespmem:s6+$0x1DC70] =	vst v2  }
0x47: {  	[tilespmem:s6+$0x1DC00] =	vst v2  }
0x48: {  	[tilespmem:s6+$0x1DC10] =	vst v2  }
.Ltmp5:
0x49: {  	[tilespmem:s6+$0x1DC20] =	vst v2;
	(pc) =	sbr.rel @p0 .LBB2_5-.Ltmp5, $4  }
0x4a: {  	[tilespmem:s6+$0x1DC30] =	vst v2  }
0x4b: {  	[tilespmem:s6+$0x1DC40] =	vst v2  }
0x4c: {  	[tilespmem:s6+$0x1DC50] =	vst v2  }
0x4d: {  	[tilespmem:s6+$0x1DC60] =	vst v2;
	s6 =	sshra.s32 s7, $0x2;
	s7 =	sadd.s32 $0x200, s7  }
0x4e: {  	[tilespmem:s6+$0x1DC70] =	vst v2  }
0x4f: {  	[tilespmem:s6+$0x1DC00] =	vst v2  }
0x50: {  	[tilespmem:s6+$0x1DC10] =	vst v2  }
0x51: {  	[tilespmem:s6+$0x1DC20] =	vst v2  }
0x52: {  	[tilespmem:s6+$0x1DC30] =	vst v2  }
0x53: {  	[tilespmem:s6+$0x1DC40] =	vst v2  }
0x54: {  	[tilespmem:s6+$0x1DC50] =	vst v2  }
0x55: {  	[tilespmem:s6+$0x1DC60] =	vst v2  }
0x56: {  	[spmem:s11] =	stream.linear.scatter [tilespmem:s25], [sflag:$0x3], $0x2000, $0x38;
	[tilespmem:$0x1FC00] =	vst v63  }
0x57: {  	_ =	swait.ge [sflag:s26], $0x2000  }
0x58: {  	[sflag:s26] =	ssyncset.done $0x0  }
0x59: {  	s1 =	rddreg [dreg:$0x7];
	[sflag:s26] =	ssyncadd.s32 $0xFFFFE000  }
0x5a: {  	[spmem:s1] =	stream.linear.scatter [tilespmem:s25], [sflag:$0x3], $0x2000, $0x38;
	[tilespmem:$0x1FC00] =	vst v63  }
0x5b: {  	_ =	swait.ge [sflag:s26], $0x2000  }
0x5c: {  	[sflag:s26] =	ssyncset.done $0x0  }
0x5d: {  	s13 =	rddreg [dreg:$0x8];
	[sflag:s26] =	ssyncadd.s32 $0xFFFFE000  }
0x5e: {  	[spmem:s13] =	stream.linear.scatter [tilespmem:s25], [sflag:$0x3], $0x2000, $0x38;
	[tilespmem:$0x1FC00] =	vst v63  }
0x5f: {  	_ =	swait.ge [sflag:s26], $0x2000  }
0x60: {  	[sflag:s26] =	ssyncset.done $0x0  }
0x61: {  	s14 =	rddreg [dreg:$0x9];
	[sflag:s26] =	ssyncadd.s32 $0xFFFFE000  }
0x62: {  	[spmem:s14] =	stream.linear.scatter [tilespmem:s25], [sflag:$0x3], $0x2000, $0x38;
	[tilespmem:$0x1FC00] =	vst v63  }
0x63: {  	_ =	swait.ge [sflag:s26], $0x2000  }
0x64: {  	[sflag:s26] =	ssyncset.done $0x0  }
0x65: {  	s15 =	rddreg [dreg:$0xa];
	[sflag:s26] =	ssyncadd.s32 $0xFFFFE000  }
0x66: {  	[spmem:s15] =	stream.linear.scatter [tilespmem:s25], [sflag:$0x3], $0x2000, $0x38;
	[tilespmem:$0x1FC00] =	vst v63  }
0x67: {  	_ =	swait.ge [sflag:s26], $0x2000  }
0x68: {  	[sflag:s26] =	ssyncset.done $0x0  }
0x69: {  	s16 =	rddreg [dreg:$0xb];
	[sflag:s26] =	ssyncadd.s32 $0xFFFFE000  }
0x6a: {  	[spmem:s16] =	stream.linear.scatter [tilespmem:s25], [sflag:$0x3], $0x2000, $0x38;
	[tilespmem:$0x1FC00] =	vst v63  }
0x6b: {  	_ =	swait.ge [sflag:s26], $0x2000  }
0x6c: {  	[sflag:s26] =	ssyncset.done $0x0  }
0x6d: {  	s17 =	rddreg [dreg:$0xc];
	[sflag:s26] =	ssyncadd.s32 $0xFFFFE000  }
0x6e: {  	[spmem:s17] =	stream.linear.scatter [tilespmem:s25], [sflag:$0x3], $0x2000, $0x38;
	[tilespmem:$0x1FC00] =	vst v63  }
0x6f: {  	_ =	swait.ge [sflag:s26], $0x2000  }
0x70: {  	[sflag:s26] =	ssyncset.done $0x0  }
0x71: {  	s18 =	rddreg [dreg:$0xd];
	[sflag:s26] =	ssyncadd.s32 $0xFFFFE000  }
0x72: {  	[spmem:s18] =	stream.linear.scatter [tilespmem:s25], [sflag:$0x3], $0x2000, $0x38;
	[tilespmem:$0x1FC00] =	vst v63  }
0x73: {  	_ =	swait.ge [sflag:s26], $0x2000  }
0x74: {  	[sflag:s26] =	ssyncset.done $0x0  }
0x75: {  	s19 =	rddreg [dreg:$0xe];
	[sflag:s26] =	ssyncadd.s32 $0xFFFFE000  }
0x76: {  	[spmem:s19] =	stream.linear.scatter [tilespmem:s25], [sflag:$0x3], $0x2000, $0x38;
	[tilespmem:$0x1FC00] =	vst v63  }
0x77: {  	_ =	swait.ge [sflag:s26], $0x2000  }
0x78: {  	[sflag:s26] =	ssyncset.done $0x0  }
0x79: {  	s20 =	rddreg [dreg:$0xf];
	[sflag:s26] =	ssyncadd.s32 $0xFFFFE000  }
0x7a: {  	[spmem:s20] =	stream.linear.scatter [tilespmem:s25], [sflag:$0x3], $0x2000, $0x38;
	[tilespmem:$0x1FC00] =	vst v63  }
0x7b: {  	_ =	swait.ge [sflag:s26], $0x2000  }
0x7c: {  	[sflag:s26] =	ssyncset.done $0x0  }
0x7d: {  	s21 =	rddreg [dreg:$0x10];
	[sflag:s26] =	ssyncadd.s32 $0xFFFFE000  }
0x7e: {  	[spmem:s21] =	stream.linear.scatter [tilespmem:s25], [sflag:$0x3], $0x2000, $0x38;
	[tilespmem:$0x1FC00] =	vst v63  }
0x7f: {  	_ =	swait.ge [sflag:s26], $0x2000  }
0x80: {  	[sflag:s26] =	ssyncset.done $0x0  }
0x81: {  	s22 =	rddreg [dreg:$0x11];
	[sflag:s26] =	ssyncadd.s32 $0xFFFFE000  }
0x82: {  	[spmem:s22] =	stream.linear.scatter [tilespmem:s25], [sflag:$0x3], $0x2000, $0x38;
	[tilespmem:$0x1FC00] =	vst v63  }
0x83: {  	_ =	swait.ge [sflag:s26], $0x2000  }
0x84: {  	[sflag:s26] =	ssyncset.done $0x0  }
0x85: {  	s23 =	rddreg [dreg:$0x12];
	[sflag:s26] =	ssyncadd.s32 $0xFFFFE000  }
0x86: {  	[spmem:s23] =	stream.linear.scatter [tilespmem:s25], [sflag:$0x3], $0x1000, $0x38;
	[tilespmem:$0x1FC00] =	vst v63  }
0x87: {  	_ =	swait.ge [sflag:s26], $0x1000  }
0x88: {  	[sflag:s26] =	ssyncset.done $0x0  }
.Ltmp6:
0x89: {  	[dreg:$0x18] =	wrdreg s8;
	[sflag:s26] =	ssyncadd.s32 $0xFFFFF000;
	(pc) =	sbr.rel .LBB2_7-.Ltmp6, $4  }
0x8a: {  	s7 =	smul.u32 $0x3200, s8;
	[bflag:$0x0] =	sbarrier.arrive $0xFFFF  }
0x8b: {  	s9 =	simm.s32 $0x0;
	s28 =	rddreg [dreg:$0x13]  }
0x8c: {  	s29 =	simm.s32 $0x19000;
	s10 =	simm.s32 $0x0;
	[dreg:$0x19] =	wrdreg s7  }
0x8d: {  	v4 =	vmov s7;
	[tilespmem:s29], [sflag:$0x1] =	stream.linear.gather [hbm4b:s28+s9], $0x1400, $0x38;
	[tilespmem:$0x1FC00] =	vst v63  }
.LBB2_27:
0x8e: {  	s10 =	sadd.s32 $0x1, s10  }
0x8f: {  	p0 =	sne.s32 s10, $0x3E  }
.Ltmp7:
0x90: {  	_ = 	snop;
	(pc) =	sbr.rel @!p0 .LBB2_28-.Ltmp7, $1  }
0x91: {  	_ =	sdelay $0x3  }
.LBB2_7:
0x92: {  	s11 =	smul.u32 $0xA00, s10  }
0x93: {  	s1 =	rddreg [dreg:$0x14]  }
0x94: {  	s6 =	sadd.s32 s11, s1  }
0x95: {  	s7 =	rddreg [dreg:$0x1];
	s6 =	sshrl.u32 s6, $0x1  }
0x96: {  	s8 =	simm.s32 $0x1A400;
	s6 =	sadd.s32 s7, s6  }
0x97: {  	[tilespmem:s8], [sflag:$0x2] =	stream.linear.gather [hbm4b:s6+s9], $0x1400, $0x38;
	[tilespmem:$0x1FC00] =	vst v63  }
0x98: {  	_ =	swait.ge [sflag:s30], $0x1400  }
0x99: {  	s12 =	sand.u32 $0x40, s9;
	s7 =	sand.u32 $0x1E00, s9;
	[sflag:s30] =	ssyncset.done $0x0  }
0x9a: {  	s7 =	sor.u32 s12, s7;
	[sflag:s30] =	ssyncadd.s32 $0xFFFFEC00  }
0x9b: {  	s6 =	sadd.s32 $0x19000, s7;
	v5 =	vld [tilespmem:s7+$0x19000]  }
0x9c: {  	v6 =	vld [tilespmem:s6+$0x10]  }
0x9d: {  	v7 =	vld [tilespmem:s6+$0x20]  }
0x9e: {  	v8 =	vld [tilespmem:s6+$0x30];
	_ =	sdelay $0x1  }
0x9f: {  	v13 =	vsub.s32 v5, v4  }
0xa0: {  	v10 =	vsub.s32 v6, v4;
	vm0 =	vlt.u32 v13, $0x3200  }
0xa1: {  	v11 =	vsub.s32 v7, v4;
	vm3 =	vlt.u32 v10, $0x3200;
	v5 =	vsel vm0, $0x1, v1  }
0xa2: {  	v9 =	vsub.s32 v8, v4;
	vm4 =	vlt.u32 v11, $0x3200;
	v6 =	vsel vm3, $0x1, v1;
	(xrf0) =	vadd.scan.msk.s32 $0xffff, v5  }
0xa3: {  	vm1 =	vlt.u32 v9, $0x3200;
	v5 =	vsel vm4, $0x1, v1;
	(xrf0) =	vadd.scan.msk.s32 $0xffff, v6  }
0xa4: {  	v6 =	vsel vm1, $0x1, v1;
	(xrf0) =	vadd.scan.msk.s32 $0xffff, v5  }
0xa5: {  	(xrf0) =	vadd.scan.msk.s32 $0xffff, v6;
	_ =	sdelay $0x2  }
0xa6: {  	v5, _, _ =	vpop (xrf0)  }
0xa7: {  	(v2sf) =	vpush v5, $0xF;
	v12, _, _ =	vpop (xrf0)  }
0xa8: {  	(v2sf) =	vpush v12, $0xF;
	v14, _, _ =	vpop (xrf0)  }
0xa9: {  	(v2sf) =	vpush v14, $0xF;
	v15, _, _ =	vpop (xrf0)  }
0xaa: {  	s13 =	simm.s32 $0x100;
	s8 =	simm.s32 $0x40;
	(v2sf) =	vpush v15, $0xF  }
0xab: {  	s8 =	sand.u32 $0x40, s8;
	s7 =	sand.u32 $0x1E00, s13  }
0xac: {  	s7 =	sor.u32 s8, s7  }
0xad: {  	v7 =	vld [tilespmem:s7+$0x19000]  }
0xae: {  	s12 =	sadd.s32 $0x19000, s7  }
0xaf: {  	v16 =	vld [tilespmem:s12+$0x10];
	v6 =	vmov s9  }
0xb0: {  	v17 =	vld [tilespmem:s12+$0x20];
	v6 =	vadd.s32 $0xFFFFFFFF, v6  }
0xb1: {  	v6 =	vbroadcast v6, $0x0  }
0xb2: {  	vm2 =	vmmov vm0;
	v8 =	vsub.s32 v7, v4  }
0xb3: {  	v18 =	vld [tilespmem:s6+$0x80];
	vm5 =	vmmov vm3;
	vm3 =	vlt.u32 v8, $0x3200;
	v5 =	vadd.s32 v5, v6  }
0xb4: {  	v20 =	vld [tilespmem:s12+$0x30];
	v6 =	vsub.s32 v16, v4;
	v16 =	vsel vm3, $0x1, v1;
	v19 =	vshll.u32 v5, $0x1  }
0xb5: {  	v7 =	vand.u32 $0x3F, v5;
	vm9 =	vlt.u32 v6, $0x3200;
	v5 =	vsub.s32 v17, v4  }
0xb6: {  	(xrf0) =	vadd.scan.msk.s32 $0xffff, v16;
	v17 =	vand.u32 $0xFFFFFF80, v19;
	v19 =	vsel vm9, $0x1, v1;
	vm0 =	vlt.u32 v5, $0x3200;
	s14 =	spop (v2sf)  }
0xb7: {  	v16 =	vsel vm0, $0x1, v1;
	(xrf0) =	vadd.scan.msk.s32 $0xffff, v19;
	s7 =	sadd.s32 $0x0, s14;
	s15 =	spop (v2sf)  }
0xb8: {  	v21 =	vor.u32 v7, v17;
	(xrf0) =	vadd.scan.msk.s32 $0xffff, v16;
	v16 =	vmov s7;
	s7 =	sadd.s32 s7, s15;
	s16 =	spop (v2sf)  }
0xb9: {  	v17 =	vadd.s32 v0, v18;
	v7 =	vsub.s32 v20, v4;
	v18 =	vmov s7;
	s7 =	sadd.s32 s7, s16;
	s17 =	spop (v2sf)  }
0xba: {  	vm11 =	vlt.u32 v7, $0x3200;
	s23 =	sadd.s32 s7, s17  }
0xbb: {  	vm13 =	vmmov vm4;
	v19 =	vsel vm11, $0x1, v1;
	v22 =	vmov s23  }
0xbc: {  	vm10 =	vmmov vm5;
	vm12 =	vmmov vm13;
	(xrf0) =	vadd.scan.msk.s32 $0xffff, v19;
	v16 =	vadd.s32 $0xFFFFFFFF, v16  }
0xbd: {  	p0 =	por $0x0, $0x0;
	s13 =	simm.s32 $0x1;
	v16 =	vbroadcast v16, $0x0;
	v18 =	vadd.s32 $0xFFFFFFFF, v18;
	v20 =	vmov s7  }
0xbe: {  	s13 =	simm.s32 @!p0 $0x0;
	v18 =	vbroadcast v18, $0x0;
	v19 =	vadd.s32 $0xFFFFFFFF, v20;
	v20 =	vadd.s32 $0xFFFFFFFF, v22;
	v22, _, _ =	vpop (xrf0)  }
0xbf: {  	s18 =	sshll.u32 s13, $0x6;
	[tilespmem:v21+s31+$0x0] =	vst.idx.msk vm2, v17;
	v16 =	vadd.s32 v12, v16;
	v17 =	vbroadcast v19, $0x0;
	(v2sf) =	vpush v22, $0xF  }
0xc0: {  	v24 =	vld [tilespmem:s6+$0xA0];
	s14 =	sadd.s32 $0x0, s18;
	v19 =	vshll.u32 v16, $0x1;
	v14 =	vadd.s32 v14, v18;
	v16 =	vand.u32 $0x3F, v16;
	v12, _, _ =	vpop (xrf0)  }
0xc1: {  	v25 =	vld [tilespmem:s6+$0x90];
	[tilespmem:v21+s0+$0x0] =	vst.idx.msk vm2, v13;
	s7 =	sor.u32 $0x100, s14;
	v18 =	vand.u32 $0xFFFFFF80, v19;
	v23 =	vand.u32 $0x3F, v14;
	(v2sf) =	vpush v12, $0xF;
	v13, _, _ =	vpop (xrf0)  }
0xc2: {  	v19 =	vld [tilespmem:s7+$0x19000];
	v14 =	vshll.u32 v14, $0x1;
	v17 =	vadd.s32 v15, v17;
	(v2sf) =	vpush v13, $0xF;
	v15, _, _ =	vpop (xrf0)  }
0xc3: {  	s8 =	simm.s32 $0x80;
	s7 =	simm.s32 $0x200;
	v14 =	vand.u32 $0xFFFFFF80, v14;
	v16 =	vor.u32 v16, v18;
	(v2sf) =	vpush v15, $0xF  }
0xc4: {  	s19 =	sand.u32 $0x40, s8;
	v26 =	vld [tilespmem:s12+$0x80];
	v20 =	vbroadcast v20, $0x0;
	v18 =	vshll.u32 v17, $0x1;
	s15 =	sand.u32 $0x1E00, s7;
	v14 =	vor.u32 v23, v14  }
0xc5: {  	vm1 =	vmmov vm1;
	v17 =	vand.u32 $0x3F, v17;
	v23 =	vld [tilespmem:s6+$0xB0];
	v18 =	vand.u32 $0xFFFFFF80, v18;
	s20 =	sor.u32 s19, s15  }
0xc6: {  	vm8 =	vmmov vm1;
	v17 =	vor.u32 v17, v18;
	s13 =	sadd.s32 $0x19000, s20;
	v27 =	vld [tilespmem:s20+$0x19000];
	v18 =	vadd.s32 v22, v20  }
0xc7: {  	s29 =	simm.s32 $0x8;
	p0 =	por !p0, !p0;
	vm6 =	vmmov vm3;
	s15 =	simm.s32 $0x1;
	v20 =	vld [tilespmem:s13+$0x10];
	[tilespmem:v21+s24+$0x0] =	vst.idx.msk vm2, v19;
	v21 =	vadd.s32 v0, v24;
	v24 =	vadd.s32 v0, v25  }
0xc8: {  	vm7 =	vmmov vm9;
	vm3 =	vmmov vm9;
	s28 =	sadd.s32 $0x30, s14;
	s16 =	sadd.s32 $0x10, s14;
	s15 =	simm.s32 @!p0 $0x0;
	v22 =	vld [tilespmem:s13+$0x20];
	v19 =	vshll.u32 v18, $0x1;
	[tilespmem:v16+s31+$0x0] =	vst.idx.msk vm5, v24  }
0xc9: {  	vm4 =	vmmov vm11;
	p0 =	por !p0, !p0;
	s21 =	sshll.u32 s15, $0x6;
	s15 =	simm.s32 $0x1;
	v18 =	vand.u32 $0x3F, v18;
	v25 =	vld [tilespmem:s13+$0x30];
	v19 =	vand.u32 $0xFFFFFF80, v19;
	[tilespmem:v14+s31+$0x0] =	vst.idx.msk vm13, v21  }
0xca: {  	s22 =	sor.u32 $0x100, s28;
	s17 =	sadd.s32 $0x20, s14;
	s15 =	simm.s32 @!p0 $0x0;
	vm2 =	vmmov vm11;
	v18 =	vor.u32 v18, v19;
	v19 =	vadd.s32 v0, v23;
	[tilespmem:v16+s0+$0x0] =	vst.idx.msk vm5, v10  }
0xcb: {  	s16 =	sor.u32 $0x100, s16;
	s6 =	sadd.s32 $0x100, s21;
	s15 =	sshll.u32 s15, $0x6;
	vm5 =	vmmov vm9;
	v23 =	vadd.s32 v0, v26;
	[tilespmem:v17+s31+$0x0] =	vst.idx.msk vm1, v19;
	v19 =	vsub.s32 v27, v4  }
0xcc: {  	s28 =	sor.u32 $0x100, s17;
	s19 =	sadd.s32 $0x10, s6;
	s20 =	sadd.s32 $0x200, s15;
	vm1 =	vmmov vm0;
	[tilespmem:v14+s0+$0x0] =	vst.idx.msk vm13, v11;
	vm11 =	vlt.u32 v19, $0x3200;
	v10 =	vsub.s32 v20, v4;
	v20 =	vld [tilespmem:s16+$0x19000]  }
0xcd: {  	s14 =	sadd.s32 $0x20, s6;
	s18 =	sadd.s32 $0x30, s6;
	s15 =	sadd.s32 $0x10, s20;
	[tilespmem:v17+s0+$0x0] =	vst.idx.msk vm8, v9;
	v9 =	vsub.s32 v22, v4;
	v22 =	vld [tilespmem:s28+$0x19000];
	v26 =	vsel vm11, $0x1, v1;
	vm9 =	vlt.u32 v10, $0x3200  }
0xce: {  	s17 =	sadd.s32 $0x20, s20;
	s16 =	sadd.s32 $0x30, s20;
	v21 =	vld [tilespmem:s22+$0x19000];
	vm13 =	vlt.u32 v9, $0x3200;
	v11 =	vsub.s32 v25, v4;
	v24 =	vsel vm9, $0x1, v1;
	(xrf0) =	vadd.scan.msk.s32 $0xffff, v26;
	s28 =	spop (v2sf)  }
.LBB2_8:
0xcf: {  	vm15 =	vmmov vm0;
	vm0 =	vmmov vm13;
	v25 =	vsel vm13, $0x1, v1  }
0xd0: {  	s29 =	sadd.s32 $0x4, s29;
	vm14 =	vlt.u32 v11, $0x3200;
	s23 =	sadd.s32 s23, s28;
	(xrf0) =	vadd.scan.msk.s32 $0xffff, v24;
	[tilespmem:v18+s31+$0x0] =	vst.idx.msk vm6, v23;
	s28 =	spop (v2sf);
	vm13 =	vmmov vm15  }
0xd1: {  	s6 =	sor.u32 $0x100, s6;
	v23 =	vsel vm14, $0x1, v1;
	v24 =	vmov s23;
	(xrf0) =	vadd.scan.msk.s32 $0xffff, v25;
	[tilespmem:v18+s0+$0x0] =	vst.idx.msk vm6, v8;
	s23 =	sadd.s32 s23, s28;
	s28 =	spop (v2sf);
	v8 =	vmovc v19  }
0xd2: {  	p1 =	slt.u32 s29, $0x4C;
	(xrf0) =	vadd.scan.msk.s32 $0xffff, v23;
	v19 =	vld [tilespmem:s6+$0x19000];
	v23 =	vadd.s32 $0xFFFFFFFF, v24;
	v24 =	vmov s23;
	s6 =	sadd.s32 s23, s28;
	s23 =	spop (v2sf);
	[tilespmem:v16+s24+$0x0] =	vst.idx.msk vm10, v20  }
0xd3: {  	v16 =	vbroadcast v23, $0x0;
	v20 =	vadd.s32 $0xFFFFFFFF, v24;
	v23 =	vmov s6;
	s23 =	sadd.s32 s6, s23;
	[tilespmem:v17+s24+$0x0] =	vst.idx.msk vm8, v21;
	s6 =	smov.u32 s20  }
0xd4: {  	v17 =	vmov s23;
	v20 =	vbroadcast v20, $0x0;
	v21 =	vadd.s32 $0xFFFFFFFF, v23;
	[tilespmem:v14+s24+$0x0] =	vst.idx.msk vm12, v22  }
0xd5: {  	v17 =	vadd.s32 $0xFFFFFFFF, v17;
	v22, _, _ =	vpop (xrf0);
	v14 =	vadd.s32 v12, v16;
	v16 =	vbroadcast v21, $0x0  }
0xd6: {  	(v2sf) =	vpush v22, $0xF;
	v12, _, _ =	vpop (xrf0);
	v23 =	vshll.u32 v14, $0x1;
	v20 =	vadd.s32 v13, v20  }
0xd7: {  	(v2sf) =	vpush v12, $0xF;
	v13, _, _ =	vpop (xrf0);
	[tilespmem:v18+s24+$0x0] =	vst.idx.msk vm6, v19;
	v18 =	vand.u32 $0xFFFFFF80, v23;
	v19 =	vand.u32 $0x3F, v20  }
0xd8: {  	p0 =	por !p0, !p0;
	s20 =	simm.s32 $0x1;
	v14 =	vand.u32 $0x3F, v14;
	v20 =	vshll.u32 v20, $0x1;
	(v2sf) =	vpush v13, $0xF;
	v21, _, _ =	vpop (xrf0)  }
0xd9: {  	s20 =	simm.s32 @!p0 $0x0;
	v24 =	vadd.s32 v15, v16;
	v20 =	vand.u32 $0xFFFFFF80, v20;
	(v2sf) =	vpush v21, $0xF;
	v23 =	vld [tilespmem:s12+$0xA0];
	v15 =	vmovc v21  }
0xda: {  	s7 =	sadd.s32 $0x100, s7;
	s8 =	sadd.s32 $0x40, s8;
	s20 =	sshll.u32 s20, $0x6;
	v16 =	vor.u32 v14, v18;
	v18 =	vshll.u32 v24, $0x1;
	v14 =	vor.u32 v19, v20;
	v21 =	vld [tilespmem:s12+$0x90]  }
0xdb: {  	s1 =	sand.u32 $0x1E00, s7;
	s28 =	sand.u32 $0x40, s8;
	s20 =	sadd.s32 s20, s7;
	v19 =	vbroadcast v17, $0x0;
	v17 =	vand.u32 $0x3F, v24;
	v18 =	vand.u32 $0xFFFFFF80, v18;
	v20 =	vld [tilespmem:s12+$0xB0]  }
0xdc: {  	s1 =	sor.u32 s28, s1;
	vm8 =	vmmov vm4;
	vm4 =	vmmov vm14;
	s28 =	sadd.s32 $0x10, s20;
	s21 =	sadd.s32 $0x20, s20;
	v17 =	vor.u32 v17, v18;
	v24 =	vld [tilespmem:s13+$0x80]  }
0xdd: {  	vm10 =	vmmov vm7;
	s22 =	sadd.s32 $0x30, s20;
	vm6 =	vmmov vm11;
	v18 =	vadd.s32 v22, v19;
	s12 =	smov.u32 s13;
	s13 =	sadd.s32 $0x19000, s1;
	v25 =	vld [tilespmem:s1+$0x19000]  }
0xde: {  	vm7 =	vmmov vm9;
	v19 =	vshll.u32 v18, $0x1;
	v22 =	vld [tilespmem:s13+$0x10];
	v23 =	vadd.s32 v0, v23  }
0xdf: {  	v18 =	vand.u32 $0x3F, v18;
	v19 =	vand.u32 $0xFFFFFF80, v19;
	v26 =	vld [tilespmem:s13+$0x20];
	v21 =	vadd.s32 v0, v21;
	[tilespmem:v14+s31+$0x0] =	vst.idx.msk vm1, v23  }
0xe0: {  	v18 =	vor.u32 v18, v19;
	v27 =	vld [tilespmem:s13+$0x30];
	[tilespmem:v16+s31+$0x0] =	vst.idx.msk vm3, v21;
	v19 =	vadd.s32 v0, v20;
	vm3 =	vmmov vm9  }
.Ltmp8:
0xe1: {  	vm12 =	vmmov vm1;
	vm1 =	vmmov vm0;
	[tilespmem:v17+s31+$0x0] =	vst.idx.msk vm2, v19;
	vm2 =	vmmov vm14;
	(pc) =	sbr.rel @p1 .LBB2_8-.Ltmp8, $4  }
0xe2: {  	s1 =	sor.u32 $0x100, s19;
	s19 =	smov.u32 s15;
	s15 =	smov.u32 s28;
	v19 =	vsub.s32 v25, v4;
	[tilespmem:v16+s0+$0x0] =	vst.idx.msk vm5, v6;
	v6 =	vmov v10;
	vm5 =	vmmov vm9  }
0xe3: {  	s18 =	sor.u32 $0x100, s18;
	v23 =	vadd.s32 v0, v24;
	vm11 =	vlt.u32 v19, $0x3200;
	v10 =	vsub.s32 v22, v4;
	v20 =	vld [tilespmem:s1+$0x19000];
	s1 =	sor.u32 $0x100, s14;
	[tilespmem:v17+s0+$0x0] =	vst.idx.msk vm8, v7;
	s14 =	smov.u32 s17  }
0xe4: {  	s17 =	smov.u32 s21;
	v25 =	vsel vm11, $0x1, v1;
	vm9 =	vlt.u32 v10, $0x3200;
	[tilespmem:v14+s0+$0x0] =	vst.idx.msk vm13, v5;
	v21 =	vld [tilespmem:s18+$0x19000];
	v5 =	vmovc v9;
	v9 =	vsub.s32 v26, v4;
	s18 =	smov.u32 s16;
	s16 =	smov.u32 s22  }
0xe5: {  	v7 =	vmovc v11;
	v24 =	vsel vm9, $0x1, v1;
	vm13 =	vlt.u32 v9, $0x3200;
	(xrf0) =	vadd.scan.msk.s32 $0xffff, v25;
	s28 =	spop (v2sf);
	v22 =	vld [tilespmem:s1+$0x19000];
	v11 =	vsub.s32 v27, v4  }
0xe6: {  	(xrf0) =	vadd.scan.msk.s32 $0xffff, v24;
	v54 =	vsel vm13, $0x1, v1  }
0xe7: {  	(xrf0) =	vadd.scan.msk.s32 $0xffff, v54;
	_ =	sdelay $0x3  }
0xe8: {  	v55, _, _ =	vpop (xrf0)  }
0xe9: {  	(v2sf) =	vpush v55, $0xF;
	v25, _, _ =	vpop (xrf0)  }
0xea: {  	(v2sf) =	vpush v25, $0xF;
	v26, _, _ =	vpop (xrf0)  }
0xeb: {  	s7 =	spop (v2sf);
	(v2sf) =	vpush v26, $0xF  }
0xec: {  	s1 =	sadd.s32 s23, s28  }
0xed: {  	vm15 =	vlt.u32 v11, $0x3200;
	vm14 =	vmmov vm0;
	v28 =	vmov s1;
	s1 =	sadd.s32 s1, s7  }
0xee: {  	vm0 =	vmmov vm4;
	vm4 =	vmmov vm11;
	s23 =	spop (v2sf);
	v57 =	vmov s1  }
0xef: {  	vm11 =	vmmov vm7;
	v56 =	vadd.s32 $0xFFFFFFFF, v28;
	s1 =	sadd.s32 s1, s23;
	s28 =	spop (v2sf);
	v28 =	vadd.s32 $0xFFFFFFFF, v57  }
0xf0: {  	v27 =	vsel vm15, $0x1, v1;
	v29 =	vmov s1;
	s1 =	sadd.s32 s1, s28;
	v28 =	vbroadcast v28, $0x0  }
0xf1: {  	vm7 =	vmmov vm9;
	v30 =	vmov s1;
	(xrf0) =	vadd.scan.msk.s32 $0xffff, v27;
	v27 =	vbroadcast v56, $0x0  }
0xf2: {  	v63 =	vld [tilespmem:s12+$0xA0];
	v58 =	vadd.s32 $0xFFFFFFFF, v29;
	[tilespmem:v14+s24+$0x0] =	vst.idx.msk vm12, v22;
	vm12 =	vmmov vm1;
	v13 =	vadd.s32 v13, v28  }
0xf3: {  	v12 =	vadd.s32 v12, v27;
	v62 =	vand.u32 $0x3F, v13;
	v13 =	vshll.u32 v13, $0x1  }
0xf4: {  	v37 =	vld [tilespmem:s12+$0x90];
	v27 =	vbroadcast v58, $0x0;
	v60 =	vshll.u32 v12, $0x1;
	v13 =	vand.u32 $0xFFFFFF80, v13  }
0xf5: {  	[tilespmem:v18+s31+$0x0] =	vst.idx.msk vm6, v23;
	v12 =	vand.u32 $0x3F, v12;
	v61 =	vand.u32 $0xFFFFFF80, v60;
	v33 =	vor.u32 v62, v13  }
0xf6: {  	[tilespmem:v18+s0+$0x0] =	vst.idx.msk vm6, v8;
	v59 =	vadd.s32 $0xFFFFFFFF, v30;
	v15 =	vadd.s32 v15, v27;
	v32 =	vor.u32 v12, v61  }
0xf7: {  	[tilespmem:v16+s24+$0x0] =	vst.idx.msk vm10, v20;
	v23 =	vadd.s32 v0, v63;
	v36 =	vbroadcast v59, $0x0;
	v34 =	vshll.u32 v15, $0x1;
	v31, _, _ =	vpop (xrf0)  }
0xf8: {  	v38 =	vld [tilespmem:s12+$0xB0];
	[tilespmem:v17+s24+$0x0] =	vst.idx.msk vm8, v21;
	v15 =	vand.u32 $0x3F, v15;
	v13 =	vand.u32 $0xFFFFFF80, v34;
	(v2sf) =	vpush v31, $0xF;
	s29 =	spop (v2sf)  }
0xf9: {  	v45 =	vadd.s32 v0, v37;
	v24 =	vadd.s32 v55, v36;
	v13 =	vor.u32 v15, v13;
	s1 =	sadd.s32 s1, s29;
	s7 =	spop (v2sf)  }
0xfa: {  	s6 =	sor.u32 $0x100, s6;
	v28 =	vshll.u32 v24, $0x1;
	v39 =	vand.u32 $0x3F, v24;
	[tilespmem:v33+s31+$0x0] =	vst.idx.msk vm1, v23;
	v41 =	vmov s1;
	s1 =	sadd.s32 s1, s7;
	s8 =	spop (v2sf)  }
0xfb: {  	v35 =	vld [tilespmem:s6+$0x19000];
	v40 =	vand.u32 $0xFFFFFF80, v28;
	[tilespmem:v32+s31+$0x0] =	vst.idx.msk vm3, v45;
	v43 =	vadd.s32 $0xFFFFFFFF, v41;
	v44 =	vmov s1;
	s6 =	sadd.s32 s1, s8  }
0xfc: {  	[tilespmem:v33+s0+$0x0] =	vst.idx.msk vm14, v5;
	v20 =	vbroadcast v43, $0x0;
	v21 =	vadd.s32 $0xFFFFFFFF, v44;
	v46 =	vmov s6  }
0xfd: {  	v42 =	vld [tilespmem:s13+$0x80];
	v15 =	vadd.s32 v0, v38;
	[tilespmem:v32+s0+$0x0] =	vst.idx.msk vm5, v6;
	v21 =	vbroadcast v21, $0x0;
	v47 =	vadd.s32 $0xFFFFFFFF, v46  }
0xfe: {  	v16 =	vor.u32 v39, v40;
	[tilespmem:v13+s31+$0x0] =	vst.idx.msk vm2, v15;
	v48 =	vadd.s32 v25, v20;
	v6 =	vbroadcast v47, $0x0  }
0xff: {  	s12 =	sor.u32 $0x100, s19;
	s19 =	sor.u32 $0x100, s14;
	v55 =	vld [tilespmem:s13+$0x90];
	[tilespmem:v13+s0+$0x0] =	vst.idx.msk vm0, v7;
	v49 =	vshll.u32 v48, $0x1;
	v50 =	vadd.s32 v26, v21;
	v7 =	vand.u32 $0x3F, v48  }
0x100: {  	v61 =	vld [tilespmem:s19+$0x19000];
	v14 =	vand.u32 $0xFFFFFF80, v49;
	v52 =	vshll.u32 v50, $0x1;
	v53 =	vand.u32 $0x3F, v50  }
0x101: {  	v54 =	vld [tilespmem:s13+$0xA0];
	v6 =	vadd.s32 v31, v6;
	v22 =	vand.u32 $0xFFFFFF80, v52;
	v5 =	vor.u32 v7, v14  }
0x102: {  	v17 =	vadd.s32 v0, v42;
	[tilespmem:v18+s24+$0x0] =	vst.idx.msk vm6, v35;
	v56 =	vshll.u32 v6, $0x1;
	v15 =	vor.u32 v53, v22  }
0x103: {  	vm15 =	vmmov vm15;
	[tilespmem:v16+s31+$0x0] =	vst.idx.msk vm4, v17;
	v6 =	vand.u32 $0x3F, v6;
	v7 =	vld [tilespmem:s13+$0xB0];
	v57 =	vand.u32 $0xFFFFFF80, v56  }
0x104: {  	vm9 =	vmmov vm13;
	[tilespmem:v16+s0+$0x0] =	vst.idx.msk vm4, v19;
	v6 =	vor.u32 v6, v57  }
0x105: {  	v59 =	vadd.s32 v0, v55;
	[tilespmem:v33+s24+$0x0] =	vst.idx.msk vm12, v61  }
0x106: {  	v58 =	vadd.s32 v0, v54;
	[tilespmem:v5+s31+$0x0] =	vst.idx.msk vm7, v59  }
0x107: {  	s18 =	sor.u32 $0x100, s18;
	v51 =	vld [tilespmem:s12+$0x19000];
	s28 =	spop (v2sf);
	[tilespmem:v15+s31+$0x0] =	vst.idx.msk vm13, v58  }
0x108: {  	s21 =	sor.u32 $0x100, s20;
	v60 =	vld [tilespmem:s18+$0x19000];
	s6 =	sadd.s32 s6, s28;
	v7 =	vadd.s32 v0, v7;
	[tilespmem:v5+s0+$0x0] =	vst.idx.msk vm7, v10  }
0x109: {  	s22 =	sor.u32 $0x100, s15;
	s29 =	sadd.s32 $0x3F, s6;
	[tilespmem:v6+s31+$0x0] =	vst.idx.msk vm15, v7;
	v7 =	vld [tilespmem:s21+$0x19000]  }
0x10a: {  	s8 =	sor.u32 $0x100, s17;
	s12 =	sshra.s32 s29, $0x6;
	v10 =	vld [tilespmem:s22+$0x19000];
	[tilespmem:v15+s0+$0x0] =	vst.idx.msk vm9, v9  }
0x10b: {  	s23 =	sor.u32 $0x100, s16;
	s7 =	sshra.s32 s6, $0x4;
	[tilespmem:v6+s0+$0x0] =	vst.idx.msk vm15, v11;
	v63 =	vld [tilespmem:s8+$0x19000];
	s8 =	sshll.u32 s12, $0x2  }
0x10c: {  	[tilespmem:v32+s24+$0x0] =	vst.idx.msk vm11, v51;
	v62 =	vld [tilespmem:s23+$0x19000];
	p0 =	sle.s32 s8, s7  }
.Ltmp9:
0x10d: {  	[tilespmem:v13+s24+$0x0] =	vst.idx.msk vm0, v60;
	(pc) =	sbr.rel @p0 .LBB2_13-.Ltmp9, $4  }
0x10e: {  	[tilespmem:v16+s24+$0x0] =	vst.idx.msk vm4, v7  }
0x10f: {  	[tilespmem:v5+s24+$0x0] =	vst.idx.msk vm7, v10  }
0x110: {  	[tilespmem:v15+s24+$0x0] =	vst.idx.msk vm9, v63  }
0x111: {  	vm10 =	vmmov vm15;
	vm14 =	vmmov vm9;
	vm13 =	vmmov vm7;
	[tilespmem:v6+s24+$0x0] =	vst.idx.msk vm15, v62  }
0x112: {  	s28 =	ssub.s32 s8, s7;
	s29 =	sshll.u32 s7, $0x4  }
0x113: {  	v6 =	vmov s29;
	p0 =	seq.s32 s28, $0x1  }
.Ltmp10:
0x114: {  	v5 =	vmov s6;
	v7 =	vor.u32 s29, v3;
	v6 =	vshll.u32 v6, $0x1;
	(pc) =	sbr.rel @p0 .LBB2_12-.Ltmp10, $3  }
0x115: {  	v8 =	vand.u32 $0x3F, v7;
	vm0 =	vge.s32 v7, v5;
	v6 =	vand.u32 $0xFFFFFF80, v6  }
0x116: {  	v6 =	vor.u32 v8, v6;
	_ =	sdelay $0x1  }
0x117: {  	s6 =	sadd.s32 $0xFFFFFFFF, s28;
	s7 =	sadd.s32 $0x10, s29  }
.LBB2_11:
0x118: {  	v7 =	vmov s7;
	p0 =	seq.s32 s6, $0x1;
	s6 =	sadd.s32 $0xFFFFFFFF, s6  }
.Ltmp11:
0x119: {  	v8 =	vor.u32 s7, v3;
	v7 =	vshll.u32 v7, $0x1;
	(pc) =	sbr.rel @!p0 .LBB2_11-.Ltmp11, $3  }
0x11a: {  	v9 =	vand.u32 $0x3F, v8;
	v7 =	vand.u32 $0xFFFFFF80, v7;
	[tilespmem:v6+s24+$0x0] =	vst.idx.msk vm0, v2;
	vm0 =	vge.s32 v8, v5  }
0x11b: {  	v6 =	vor.u32 v9, v7;
	_ =	sdelay $0x1  }
0x11c: {  	s7 =	sadd.s32 $0x10, s7  }
.LBB2_12:
0x11d: {  	_ =	sdelay $0x4  }
0x11e: {  	[tilespmem:v6+s24+$0x0] =	vst.idx.msk vm0, v2  }
.LBB2_13:
0x11f: {  	p0 =	sgt.s32 s12, $0x0  }
.Ltmp12:
0x120: {  	_ = 	snop;
	(pc) =	sbr.rel @!p0 .LBB2_17-.Ltmp12, $2  }
0x121: {  	_ =	sdelay $0x2  }
0x122: {  	s13 =	simm.s32 $0x0;
	s14 =	simm.s32 $0x0  }
.LBB2_14:
0x123: {  	s15 =	sshll.u32 s14, $0x7  }
0x124: {  	s6 =	sadd.s32 $0x1B800, s15  }
0x125: {  	[tilespmem:s25], [sflag:$0x3] =	stream.indirect.gather [hbm4b:s5+s4], $0x80, s6, s4, $0xb8;
	[tilespmem:$0x1FC00] =	vst v63  }
0x126: {  	_ =	swait.ge [sflag:s26], $0x2000  }
0x127: {  	[sflag:s26] =	ssyncset.done $0x0  }
0x128: {  	v6 =	vmov s13;
	s29 =	simm.s32 $0x7;
	s16 =	simm.s32 $0x1DE00;
	[sflag:s26] =	ssyncadd.s32 $0xFFFFE000  }
0x129: {  	v5 =	vmov s15;
	v6 =	vand.u32 $0x78, v6;
	v8 =	vmov s29;
	v10 =	vld [tilespmem:s16+$0xFFFFFE10]  }
0x12a: {  	v6 =	vor.u32 v5, v6;
	v8 =	vand.u32 $0x7F, v8;
	v11 =	vld [tilespmem:s16+$0xFFFFFE20]  }
0x12b: {  	v6 =	vbroadcast v6, $0x0;
	v8 =	vor.u32 v5, v8;
	v12 =	vld [tilespmem:s16+$0xFFFFFE30]  }
0x12c: {  	v8 =	vbroadcast v8, $0x0;
	v13 =	vld [tilespmem:s16+$0xFFFFFE40]  }
0x12d: {  	s1 =	simm.s32 $0x1;
	v14 =	vld [tilespmem:s16+$0xFFFFFE50]  }
0x12e: {  	v7 =	vmov s1;
	v15 =	vld [tilespmem:s16+$0xFFFFFE60]  }
0x12f: {  	v7 =	vand.u32 $0x79, v7;
	v17 =	vld [tilespmem:s16+$0x1F0]  }
0x130: {  	v7 =	vor.u32 v5, v7;
	v18 =	vld [tilespmem:s16+$0xFFFFFE80]  }
0x131: {  	v7 =	vbroadcast v7, $0x0;
	v9 =	vld.idx.msk [tilespmem:v6+s24+$0x0], $0xffff  }
0x132: {  	v6 =	vld.idx.msk [tilespmem:v8+s24+$0x0], $0xffff  }
0x133: {  	v8 =	vld [tilespmem:s16+$0xFFFFFE00]  }
0x134: {  	v19 =	vld [tilespmem:s16+$0xFFFFFE90]  }
0x135: {  	v20 =	vld [tilespmem:s16+$0xFFFFFEA0]  }
0x136: {  	v21 =	vld [tilespmem:s16+$0xFFFFFEB0];
	v10 =	vmul.f32 v10, v9  }
0x137: {  	v7 =	vld.idx.msk [tilespmem:v7+s24+$0x0], $0xffff;
	v11 =	vmul.f32 v11, v9  }
0x138: {  	s7 =	simm.s32 $0x2;
	v22 =	vld [tilespmem:s16+$0xFFFFFEC0];
	v8 =	vmul.f32 v8, v9;
	[tilespmem:s16+$0xFFFFFE10] =	vst v10  }
0x139: {  	v16 =	vmov s7;
	v12 =	vmul.f32 v12, v9;
	v10 =	vld [tilespmem:s16+$0xFFFFFEE0];
	[tilespmem:s16+$0xFFFFFE20] =	vst v11  }
0x13a: {  	v17 =	vmul.f32 v17, v6;
	v11 =	vmul.f32 v13, v9;
	v13 =	vld [tilespmem:s16+$0xFFFFFEF0];
	[tilespmem:s16+$0xFFFFFE00] =	vst v8;
	v8 =	vand.u32 $0x7A, v16  }
0x13b: {  	[tilespmem:s16+$0xFFFFFE30] =	vst v12;
	v12 =	vmul.f32 v14, v9;
	v16 =	vld [tilespmem:s16+$0xFFFFFE70];
	v8 =	vor.u32 v5, v8  }
0x13c: {  	v14 =	vld [tilespmem:s16+$0xFFFFFF00];
	[tilespmem:s16+$0x1F0] =	vst v17;
	v17 =	vmul.f32 v18, v7;
	v8 =	vbroadcast v8, $0x0  }
0x13d: {  	s8 =	simm.s32 $0x3;
	v18 =	vld [tilespmem:s16+$0xFFFFFED0];
	[tilespmem:s16+$0xFFFFFE40] =	vst v11  }
0x13e: {  	v11 =	vmul.f32 v15, v9;
	v15 =	vld [tilespmem:s16+$0xFFFFFF10];
	[tilespmem:s16+$0xFFFFFE80] =	vst v17;
	v17 =	vmov s8  }
0x13f: {  	v22 =	vmul.f32 v22, v7;
	[tilespmem:s16+$0xFFFFFE50] =	vst v12;
	v12 =	vld [tilespmem:s16+$0xFFFFFF20];
	v17 =	vand.u32 $0x7B, v17  }
0x140: {  	[tilespmem:s16+$0xFFFFFE60] =	vst v11;
	v11 =	vmul.f32 v19, v7;
	v19 =	vld [tilespmem:s16+$0xFFFFFF40];
	v17 =	vor.u32 v5, v17;
	v9 =	vmul.f32 v16, v9  }
0x141: {  	v10 =	vmul.f32 v10, v7;
	v17 =	vbroadcast v17, $0x0;
	v16 =	vld [tilespmem:s16+$0xFFFFFF30]  }
0x142: {  	v18 =	vmul.f32 v18, v7;
	[tilespmem:s16+$0xFFFFFE70] =	vst v9;
	v9 =	vmul.f32 v20, v7;
	v8 =	vld.idx.msk [tilespmem:v8+s24+$0x0], $0xffff  }
0x143: {  	[tilespmem:s16+$0xFFFFFE90] =	vst v11;
	v20 =	vmul.f32 v21, v7;
	v7 =	vmul.f32 v13, v7;
	v13 =	vld [tilespmem:s16+$0xFFFFFF90]  }
0x144: {  	[tilespmem:s16+$0xFFFFFED0] =	vst v18;
	v18 =	vld [tilespmem:s16+$0xFFFFFFD0]  }
0x145: {  	[tilespmem:s16+$0xFFFFFEA0] =	vst v9;
	v9 =	vld [tilespmem:s16+$0xFFFFFF60]  }
0x146: {  	[tilespmem:s16+$0xFFFFFEB0] =	vst v20;
	v20 =	vld [tilespmem:s16+$0xFFFFFF70]  }
0x147: {  	[tilespmem:s16+$0xFFFFFEE0] =	vst v10;
	v17 =	vld.idx.msk [tilespmem:v17+s24+$0x0], $0xffff;
	v11 =	vmul.f32 v14, v8  }
0x148: {  	s17 =	simm.s32 $0x4;
	[tilespmem:s16+$0xFFFFFEF0] =	vst v7;
	v14 =	vld [tilespmem:s16+$0xFFFFFF50];
	v10 =	vmul.f32 v15, v8  }
0x149: {  	v21 =	vmov s17;
	v15 =	vld [tilespmem:s16+$0xFFFFFFA0];
	v7 =	vmul.f32 v12, v8;
	[tilespmem:s16+$0xFFFFFF00] =	vst v11  }
0x14a: {  	v19 =	vmul.f32 v19, v8;
	v11 =	vand.u32 $0x7C, v21;
	v21 =	vld [tilespmem:s16+$0xFFFFFF80];
	[tilespmem:s16+$0xFFFFFF10] =	vst v10  }
0x14b: {  	v12 =	vld [tilespmem:s16+$0xFFFFFFB0];
	v9 =	vmul.f32 v9, v8;
	[tilespmem:s16+$0xFFFFFF20] =	vst v7;
	v11 =	vor.u32 v5, v11  }
0x14c: {  	v10 =	vmul.f32 v16, v8;
	v16 =	vld [tilespmem:s16+$0xFFFFFFC0];
	[tilespmem:s16+$0xFFFFFF40] =	vst v19;
	v11 =	vbroadcast v11, $0x0  }
0x14d: {  	v19 =	vld [tilespmem:s16+$0xFFFFFFF0];
	[tilespmem:s16+$0xFFFFFF60] =	vst v9;
	v9 =	vmul.f32 v13, v17  }
0x14e: {  	v13 =	vld [tilespmem:s16+$0x10];
	[tilespmem:s16+$0xFFFFFF30] =	vst v10;
	v14 =	vmul.f32 v14, v8  }
0x14f: {  	s18 =	simm.s32 $0x5;
	v10 =	vld [tilespmem:s16+$0xFFFFFFE0];
	[tilespmem:s16+$0xFFFFFF90] =	vst v9;
	v7 =	vmul.f32 v21, v17  }
0x150: {  	v8 =	vmul.f32 v20, v8;
	v9 =	vmul.f32 v12, v17;
	v12 =	vld [tilespmem:s16+$0x30];
	v21 =	vmov s18;
	[tilespmem:s16+$0xFFFFFF50] =	vst v14  }
0x151: {  	v18 =	vmul.f32 v18, v17;
	v14 =	vld [tilespmem:s16+$0x0];
	[tilespmem:s16+$0xFFFFFF80] =	vst v7;
	v7 =	vand.u32 $0x7D, v21  }
0x152: {  	[tilespmem:s16+$0xFFFFFF70] =	vst v8;
	v8 =	vmul.f32 v15, v17;
	v11 =	vld.idx.msk [tilespmem:v11+s24+$0x0], $0xffff;
	v7 =	vor.u32 v5, v7  }
0x153: {  	[tilespmem:s16+$0xFFFFFFD0] =	vst v18;
	v18 =	vld [tilespmem:s16+$0x70];
	v7 =	vbroadcast v7, $0x0  }
0x154: {  	v15 =	vld [tilespmem:s16+$0x20];
	[tilespmem:s16+$0xFFFFFFA0] =	vst v8;
	v8 =	vmul.f32 v16, v17  }
0x155: {  	[tilespmem:s16+$0xFFFFFFB0] =	vst v9;
	v16 =	vld [tilespmem:s16+$0x40];
	v10 =	vmul.f32 v10, v17;
	v17 =	vmul.f32 v19, v17  }
0x156: {  	[tilespmem:s16+$0xFFFFFFC0] =	vst v8;
	v8 =	vld [tilespmem:s16+$0x60]  }
0x157: {  	s19 =	simm.s32 $0x6;
	[tilespmem:s16+$0xFFFFFFF0] =	vst v17;
	v17 =	vld [tilespmem:s16+$0x90];
	v9 =	vmul.f32 v14, v11  }
0x158: {  	v20 =	vmov s19;
	[tilespmem:s16+$0xFFFFFFE0] =	vst v10;
	v14 =	vld [tilespmem:s16+$0x50];
	v10 =	vmul.f32 v13, v11  }
0x159: {  	v15 =	vmul.f32 v15, v11;
	v7 =	vld.idx.msk [tilespmem:v7+s24+$0x0], $0xffff;
	[tilespmem:s16+$0x0] =	vst v9;
	v9 =	vand.u32 $0x7E, v20  }
0x15a: {  	v13 =	vld [tilespmem:s16+$0x80];
	[tilespmem:s16+$0x10] =	vst v10;
	v10 =	vmul.f32 v12, v11;
	v9 =	vor.u32 v5, v9  }
0x15b: {  	[tilespmem:s16+$0x20] =	vst v15;
	v15 =	vmul.f32 v16, v11;
	v16 =	vld [tilespmem:s16+$0xB0];
	v9 =	vbroadcast v9, $0x0  }
0x15c: {  	v8 =	vmul.f32 v8, v11;
	v12 =	vld [tilespmem:s16+$0xA0];
	[tilespmem:s16+$0x30] =	vst v10  }
0x15d: {  	[tilespmem:s16+$0x40] =	vst v15;
	v15 =	vld [tilespmem:s16+$0xD0];
	v10 =	vmul.f32 v14, v11  }
0x15e: {  	[tilespmem:s16+$0x60] =	vst v8;
	v14 =	vld [tilespmem:s16+$0xC0];
	v8 =	vmul.f32 v17, v7  }
0x15f: {  	[tilespmem:s16+$0x50] =	vst v10;
	v10 =	vld [tilespmem:s16+$0xE0]  }
0x160: {  	v13 =	vmul.f32 v13, v7;
	[tilespmem:s16+$0x90] =	vst v8;
	v8 =	vmul.f32 v16, v7;
	v16 =	vld [tilespmem:s16+$0x110]  }
0x161: {  	[tilespmem:s16+$0xFFFFFEC0] =	vst v22;
	v21 =	vld.idx.msk [tilespmem:v9+s24+$0x0], $0xffff;
	v9 =	vmul.f32 v18, v11  }
0x162: {  	s28 =	simm.s32 $0xD;
	[tilespmem:s16+$0x80] =	vst v13;
	v11 =	vld [tilespmem:s16+$0xF0]  }
0x163: {  	s23 =	simm.s32 $0xC;
	s6 =	simm.s32 $0xB;
	v22 =	vmov s28;
	[tilespmem:s16+$0x70] =	vst v9;
	v9 =	vmul.f32 v12, v7;
	v12 =	vld [tilespmem:s16+$0x100]  }
0x164: {  	s20 =	simm.s32 $0x8;
	s21 =	simm.s32 $0x9;
	v19 =	vmov s6;
	v20 =	vmov s23;
	[tilespmem:s16+$0xB0] =	vst v8;
	v8 =	vmul.f32 v15, v7  }
0x165: {  	s22 =	simm.s32 $0xA;
	v17 =	vmov s21;
	v13 =	vmov s20;
	[tilespmem:s16+$0xA0] =	vst v9;
	v9 =	vmul.f32 v14, v7;
	v14 =	vld [tilespmem:s16+$0x120]  }
0x166: {  	v13 =	vand.u32 $0x78, v13;
	v18 =	vmov s22;
	v15 =	vld [tilespmem:s16+$0x130];
	[tilespmem:s16+$0xD0] =	vst v8;
	v16 =	vmul.f32 v16, v21  }
0x167: {  	s29 =	simm.s32 $0xE;
	v23 =	vld [tilespmem:s16+$0x140];
	[tilespmem:s16+$0xC0] =	vst v9;
	v9 =	vmul.f32 v10, v7;
	v10 =	vor.u32 v5, v13;
	v7 =	vmul.f32 v11, v7  }
0x168: {  	v11 =	vmov s29;
	v13 =	vand.u32 $0x79, v17;
	v8 =	vmul.f32 v12, v21;
	v12 =	vld [tilespmem:s16+$0x150];
	[tilespmem:s16+$0x110] =	vst v16  }
0x169: {  	v24 =	vld [tilespmem:s16+$0x160];
	v17 =	vand.u32 $0x7A, v18;
	v18 =	vand.u32 $0x7C, v20;
	[tilespmem:s16+$0xE0] =	vst v9;
	v9 =	vand.u32 $0x7B, v19  }
0x16a: {  	[tilespmem:s16+$0xF0] =	vst v7;
	v7 =	vand.u32 $0x7D, v22;
	v19 =	vand.u32 $0x7E, v11;
	v22 =	vld [tilespmem:s16+$0x170];
	v11 =	vmul.f32 v14, v21  }
0x16b: {  	v13 =	vor.u32 v5, v13;
	[tilespmem:s16+$0x100] =	vst v8;
	v8 =	vbroadcast v10, $0x0;
	v14 =	vmul.f32 v15, v21;
	v10 =	vld [tilespmem:s16+$0x180]  }
0x16c: {  	v18 =	vor.u32 v5, v18;
	v15 =	vor.u32 v5, v17;
	v17 =	vmul.f32 v23, v21;
	[tilespmem:s16+$0x120] =	vst v11;
	v11 =	vld [tilespmem:s16+$0x190]  }
0x16d: {  	v16 =	vor.u32 v5, v9;
	v9 =	vbroadcast v13, $0x0;
	[tilespmem:s16+$0x130] =	vst v14;
	v23 =	vmul.f32 v12, v21;
	v12 =	vld [tilespmem:s16+$0x1A0]  }
0x16e: {  	v20 =	vor.u32 v5, v7;
	v13 =	vld [tilespmem:s16+$0x1B0];
	v14 =	vbroadcast v15, $0x0;
	[tilespmem:s16+$0x140] =	vst v17;
	v17 =	vmul.f32 v24, v21  }
0x16f: {  	s17 =	simm.s32 $0x10;
	s6 =	simm.s32 $0xF;
	v19 =	vor.u32 v5, v19;
	v16 =	vbroadcast v16, $0x0;
	v15 =	vld [tilespmem:s16+$0x1C0];
	v21 =	vmul.f32 v22, v21;
	[tilespmem:s16+$0x150] =	vst v23  }
.LBB2_15:
0x170: {  	p0 =	slt.u32 s17, $0x38;
	v7 =	vbroadcast v18, $0x0;
	v18 =	vmov s6;
	[tilespmem:s16+$0x160] =	vst v17;
	v10 =	vmul.f32 v10, v6;
	v17 =	vld [tilespmem:s16+$0x1D0]  }
0x171: {  	v20 =	vbroadcast v20, $0x0;
	v18 =	vand.u32 $0x7F, v18;
	[tilespmem:s16+$0x170] =	vst v21;
	v11 =	vmul.f32 v11, v6;
	v21 =	vld [tilespmem:s16+$0x1E0]  }
0x172: {  	v19 =	vbroadcast v19, $0x0;
	v22 =	vld.idx.msk [tilespmem:v8+s24+$0x0], $0xffff;
	v8 =	vor.u32 v5, v18;
	[tilespmem:s16+$0x180] =	vst v10;
	v10 =	vmul.f32 v12, v6  }
0x173: {  	v12 =	vld.idx.msk [tilespmem:v9+s24+$0x0], $0xffff;
	v18 =	vbroadcast v8, $0x0;
	[tilespmem:s16+$0x190] =	vst v11;
	v8 =	vmul.f32 v13, v6  }
0x174: {  	v11 =	vld.idx.msk [tilespmem:v14+s24+$0x0], $0xffff;
	[tilespmem:s16+$0x1A0] =	vst v10;
	v13 =	vmul.f32 v15, v6  }
0x175: {  	v10 =	vld.idx.msk [tilespmem:v16+s24+$0x0], $0xffff;
	[tilespmem:s16+$0x1B0] =	vst v8;
	v14 =	vmul.f32 v17, v6  }
0x176: {  	v9 =	vld.idx.msk [tilespmem:v7+s24+$0x0], $0xffff;
	[tilespmem:s16+$0x1C0] =	vst v13;
	v6 =	vmul.f32 v21, v6  }
0x177: {  	v8 =	vld.idx.msk [tilespmem:v20+s24+$0x0], $0xffff;
	[tilespmem:s16+$0x1D0] =	vst v14  }
0x178: {  	v7 =	vld.idx.msk [tilespmem:v19+s24+$0x0], $0xffff;
	[tilespmem:s16+$0x1E0] =	vst v6  }
0x179: {  	s16 =	sadd.s32 $0x400, s16;
	v6 =	vld.idx.msk [tilespmem:v18+s24+$0x0], $0xffff  }
0x17a: {  	v13 =	vld [tilespmem:s16+$0x1F0]  }
0x17b: {  	v14 =	vld [tilespmem:s16+$0xFFFFFE00]  }
0x17c: {  	v15 =	vld [tilespmem:s16+$0xFFFFFE10]  }
0x17d: {  	v16 =	vld [tilespmem:s16+$0xFFFFFE20]  }
0x17e: {  	v17 =	vld [tilespmem:s16+$0xFFFFFE30]  }
0x17f: {  	v18 =	vld [tilespmem:s16+$0xFFFFFE40];
	v13 =	vmul.f32 v13, v6  }
0x180: {  	v14 =	vmul.f32 v14, v22;
	v19 =	vld [tilespmem:s16+$0xFFFFFE50]  }
0x181: {  	v15 =	vmul.f32 v15, v22;
	v20 =	vld [tilespmem:s16+$0xFFFFFE60];
	[tilespmem:s16+$0x1F0] =	vst v13  }
0x182: {  	[tilespmem:s16+$0xFFFFFE00] =	vst v14;
	v13 =	vmul.f32 v16, v22;
	v14 =	vld [tilespmem:s16+$0xFFFFFE70]  }
0x183: {  	[tilespmem:s16+$0xFFFFFE10] =	vst v15;
	v15 =	vmul.f32 v17, v22;
	v16 =	vld [tilespmem:s16+$0xFFFFFE80]  }
0x184: {  	[tilespmem:s16+$0xFFFFFE20] =	vst v13;
	v13 =	vmul.f32 v18, v22;
	v17 =	vld [tilespmem:s16+$0xFFFFFE90]  }
0x185: {  	[tilespmem:s16+$0xFFFFFE30] =	vst v15;
	v15 =	vmul.f32 v19, v22;
	v18 =	vld [tilespmem:s16+$0xFFFFFEA0]  }
0x186: {  	[tilespmem:s16+$0xFFFFFE40] =	vst v13;
	v13 =	vmul.f32 v20, v22;
	v19 =	vld [tilespmem:s16+$0xFFFFFEB0]  }
0x187: {  	[tilespmem:s16+$0xFFFFFE50] =	vst v15;
	v14 =	vmul.f32 v14, v22;
	v15 =	vld [tilespmem:s16+$0xFFFFFEC0]  }
0x188: {  	[tilespmem:s16+$0xFFFFFE60] =	vst v13;
	v13 =	vmul.f32 v16, v12;
	v16 =	vld [tilespmem:s16+$0xFFFFFED0]  }
0x189: {  	[tilespmem:s16+$0xFFFFFE70] =	vst v14;
	v14 =	vmul.f32 v17, v12;
	v17 =	vld [tilespmem:s16+$0xFFFFFEE0]  }
0x18a: {  	[tilespmem:s16+$0xFFFFFE80] =	vst v13;
	v13 =	vmul.f32 v18, v12;
	v18 =	vld [tilespmem:s16+$0xFFFFFEF0]  }
0x18b: {  	[tilespmem:s16+$0xFFFFFE90] =	vst v14;
	v14 =	vmul.f32 v19, v12;
	v19 =	vld [tilespmem:s16+$0xFFFFFF00]  }
0x18c: {  	[tilespmem:s16+$0xFFFFFEA0] =	vst v13;
	v13 =	vmul.f32 v15, v12;
	v15 =	vld [tilespmem:s16+$0xFFFFFF10]  }
0x18d: {  	[tilespmem:s16+$0xFFFFFEB0] =	vst v14;
	v14 =	vmul.f32 v16, v12;
	v16 =	vld [tilespmem:s16+$0xFFFFFF20]  }
0x18e: {  	[tilespmem:s16+$0xFFFFFEC0] =	vst v13;
	v13 =	vmul.f32 v17, v12;
	v17 =	vld [tilespmem:s16+$0xFFFFFF30]  }
0x18f: {  	[tilespmem:s16+$0xFFFFFED0] =	vst v14;
	v12 =	vmul.f32 v18, v12;
	v14 =	vld [tilespmem:s16+$0xFFFFFF40]  }
0x190: {  	[tilespmem:s16+$0xFFFFFEE0] =	vst v13;
	v13 =	vmul.f32 v19, v11;
	v18 =	vld [tilespmem:s16+$0xFFFFFF50]  }
0x191: {  	[tilespmem:s16+$0xFFFFFEF0] =	vst v12;
	v12 =	vmul.f32 v15, v11;
	v15 =	vld [tilespmem:s16+$0xFFFFFF60]  }
0x192: {  	[tilespmem:s16+$0xFFFFFF00] =	vst v13;
	v13 =	vmul.f32 v16, v11;
	v16 =	vld [tilespmem:s16+$0xFFFFFF70]  }
0x193: {  	[tilespmem:s16+$0xFFFFFF10] =	vst v12;
	v12 =	vmul.f32 v17, v11;
	v17 =	vld [tilespmem:s16+$0xFFFFFF80]  }
0x194: {  	[tilespmem:s16+$0xFFFFFF20] =	vst v13;
	v13 =	vmul.f32 v14, v11;
	v14 =	vld [tilespmem:s16+$0xFFFFFF90]  }
0x195: {  	[tilespmem:s16+$0xFFFFFF30] =	vst v12;
	v12 =	vmul.f32 v18, v11;
	v18 =	vld [tilespmem:s16+$0xFFFFFFA0]  }
0x196: {  	[tilespmem:s16+$0xFFFFFF40] =	vst v13;
	v13 =	vmul.f32 v15, v11;
	v15 =	vld [tilespmem:s16+$0xFFFFFFB0]  }
0x197: {  	[tilespmem:s16+$0xFFFFFF50] =	vst v12;
	v11 =	vmul.f32 v16, v11;
	v12 =	vld [tilespmem:s16+$0xFFFFFFC0]  }
0x198: {  	[tilespmem:s16+$0xFFFFFF60] =	vst v13;
	v13 =	vmul.f32 v17, v10;
	v16 =	vld [tilespmem:s16+$0xFFFFFFD0]  }
0x199: {  	[tilespmem:s16+$0xFFFFFF70] =	vst v11;
	v11 =	vmul.f32 v14, v10;
	v14 =	vld [tilespmem:s16+$0xFFFFFFE0]  }
0x19a: {  	[tilespmem:s16+$0xFFFFFF80] =	vst v13;
	v13 =	vmul.f32 v18, v10;
	v17 =	vld [tilespmem:s16+$0xFFFFFFF0]  }
0x19b: {  	[tilespmem:s16+$0xFFFFFF90] =	vst v11;
	v11 =	vmul.f32 v15, v10;
	v15 =	vld [tilespmem:s16+$0x0]  }
0x19c: {  	[tilespmem:s16+$0xFFFFFFA0] =	vst v13;
	v12 =	vmul.f32 v12, v10;
	v13 =	vld [tilespmem:s16+$0x10]  }
0x19d: {  	[tilespmem:s16+$0xFFFFFFB0] =	vst v11;
	v11 =	vmul.f32 v16, v10;
	v16 =	vld [tilespmem:s16+$0x20]  }
0x19e: {  	[tilespmem:s16+$0xFFFFFFC0] =	vst v12;
	v12 =	vmul.f32 v14, v10;
	v14 =	vld [tilespmem:s16+$0x30]  }
0x19f: {  	[tilespmem:s16+$0xFFFFFFD0] =	vst v11;
	v10 =	vmul.f32 v17, v10;
	v11 =	vld [tilespmem:s16+$0x40]  }
0x1a0: {  	[tilespmem:s16+$0xFFFFFFE0] =	vst v12;
	v12 =	vmul.f32 v15, v9;
	v15 =	vld [tilespmem:s16+$0x50]  }
0x1a1: {  	[tilespmem:s16+$0xFFFFFFF0] =	vst v10;
	v10 =	vmul.f32 v13, v9;
	v13 =	vld [tilespmem:s16+$0x60]  }
0x1a2: {  	[tilespmem:s16+$0x0] =	vst v12;
	v12 =	vmul.f32 v16, v9;
	v16 =	vld [tilespmem:s16+$0x70]  }
0x1a3: {  	[tilespmem:s16+$0x10] =	vst v10;
	v10 =	vmul.f32 v14, v9;
	v14 =	vld [tilespmem:s16+$0x80]  }
0x1a4: {  	[tilespmem:s16+$0x20] =	vst v12;
	v11 =	vmul.f32 v11, v9;
	v12 =	vld [tilespmem:s16+$0x90]  }
0x1a5: {  	[tilespmem:s16+$0x30] =	vst v10;
	v10 =	vmul.f32 v15, v9;
	v15 =	vld [tilespmem:s16+$0xA0]  }
0x1a6: {  	[tilespmem:s16+$0x40] =	vst v11;
	v11 =	vmul.f32 v13, v9;
	v13 =	vld [tilespmem:s16+$0xB0]  }
0x1a7: {  	[tilespmem:s16+$0x50] =	vst v10;
	v9 =	vmul.f32 v16, v9;
	v10 =	vld [tilespmem:s16+$0xC0]  }
0x1a8: {  	[tilespmem:s16+$0x60] =	vst v11;
	v11 =	vmul.f32 v14, v8;
	v14 =	vld [tilespmem:s16+$0xD0]  }
0x1a9: {  	[tilespmem:s16+$0x70] =	vst v9;
	v9 =	vmul.f32 v12, v8;
	v12 =	vld [tilespmem:s16+$0xE0]  }
0x1aa: {  	[tilespmem:s16+$0x80] =	vst v11;
	v11 =	vmul.f32 v15, v8;
	v15 =	vld [tilespmem:s16+$0xF0]  }
0x1ab: {  	s1 =	sadd.s32 $0x1, s17;
	v16 =	vmov s17;
	[tilespmem:s16+$0x90] =	vst v9;
	v9 =	vmul.f32 v13, v8;
	v13 =	vld [tilespmem:s16+$0x100]  }
0x1ac: {  	s6 =	sadd.s32 $0x3, s17;
	v17 =	vmov s1;
	s1 =	sadd.s32 $0x2, s17;
	v16 =	vand.u32 $0x78, v16;
	[tilespmem:s16+$0xA0] =	vst v11;
	v10 =	vmul.f32 v10, v8;
	v11 =	vld [tilespmem:s16+$0x110]  }
0x1ad: {  	v19 =	vmov s6;
	s6 =	sadd.s32 $0x5, s17;
	v18 =	vmov s1;
	s1 =	sadd.s32 $0x4, s17;
	[tilespmem:s16+$0xB0] =	vst v9;
	v9 =	vmul.f32 v14, v8;
	v14 =	vld [tilespmem:s16+$0x120]  }
0x1ae: {  	v21 =	vmov s6;
	v20 =	vmov s1;
	s1 =	sadd.s32 $0x6, s17;
	[tilespmem:s16+$0xC0] =	vst v10;
	v10 =	vmul.f32 v12, v8;
	v12 =	vld [tilespmem:s16+$0x130]  }
0x1af: {  	v22 =	vmov s1;
	v16 =	vor.u32 v5, v16;
	[tilespmem:s16+$0xD0] =	vst v9;
	v8 =	vmul.f32 v15, v8;
	v9 =	vld [tilespmem:s16+$0x140]  }
0x1b0: {  	v15 =	vand.u32 $0x79, v17;
	v17 =	vand.u32 $0x7A, v18;
	[tilespmem:s16+$0xE0] =	vst v10;
	v10 =	vmul.f32 v13, v7;
	v13 =	vld [tilespmem:s16+$0x150]  }
0x1b1: {  	v18 =	vand.u32 $0x7B, v19;
	v19 =	vand.u32 $0x7C, v20;
	[tilespmem:s16+$0xF0] =	vst v8;
	v11 =	vmul.f32 v11, v7;
	v23 =	vld [tilespmem:s16+$0x160]  }
0x1b2: {  	v20 =	vand.u32 $0x7D, v21;
	v21 =	vand.u32 $0x7E, v22;
	[tilespmem:s16+$0x100] =	vst v10;
	v14 =	vmul.f32 v14, v7;
	v22 =	vld [tilespmem:s16+$0x170]  }
.Ltmp13:
0x1b3: {  	v15 =	vor.u32 v5, v15;
	v8 =	vbroadcast v16, $0x0;
	[tilespmem:s16+$0x110] =	vst v11;
	v12 =	vmul.f32 v12, v7;
	v10 =	vld [tilespmem:s16+$0x180];
	(pc) =	sbr.rel @p0 .LBB2_15-.Ltmp13, $4  }
0x1b4: {  	v24 =	vor.u32 v5, v18;
	v16 =	vor.u32 v5, v17;
	[tilespmem:s16+$0x120] =	vst v14;
	v17 =	vmul.f32 v9, v7;
	v11 =	vld [tilespmem:s16+$0x190]  }
0x1b5: {  	v18 =	vor.u32 v5, v19;
	v9 =	vbroadcast v15, $0x0;
	[tilespmem:s16+$0x130] =	vst v12;
	v15 =	vmul.f32 v13, v7;
	v12 =	vld [tilespmem:s16+$0x1A0]  }
0x1b6: {  	v20 =	vor.u32 v5, v20;
	v14 =	vbroadcast v16, $0x0;
	[tilespmem:s16+$0x140] =	vst v17;
	v17 =	vmul.f32 v23, v7;
	v13 =	vld [tilespmem:s16+$0x1B0]  }
0x1b7: {  	s6 =	sadd.s32 $0x7, s17;
	s17 =	sadd.s32 $0x8, s17;
	v19 =	vor.u32 v5, v21;
	v16 =	vbroadcast v24, $0x0;
	[tilespmem:s16+$0x150] =	vst v15;
	v21 =	vmul.f32 v22, v7;
	v15 =	vld [tilespmem:s16+$0x1C0]  }
0x1b8: {  	_ =	sdelay $0x1  }
0x1b9: {  	v22 =	vld [tilespmem:s16+$0x1D0]  }
0x1ba: {  	v23 =	vld [tilespmem:s16+$0x1E0]  }
0x1bb: {  	v59 =	vld.idx.msk [tilespmem:v8+s24+$0x0], $0xffff  }
0x1bc: {  	v24 =	vld.idx.msk [tilespmem:v9+s24+$0x0], $0xffff  }
0x1bd: {  	v14 =	vld.idx.msk [tilespmem:v14+s24+$0x0], $0xffff  }
0x1be: {  	s29 =	sadd.s32 $0x400, s16;
	v16 =	vld.idx.msk [tilespmem:v16+s24+$0x0], $0xffff  }
0x1bf: {  	v61 =	vld [tilespmem:s29+$0x1F0]  }
0x1c0: {  	v20 =	vbroadcast v20, $0x0;
	v63 =	vld [tilespmem:s29+$0xFFFFFE00]  }
0x1c1: {  	v10 =	vmul.f32 v10, v6;
	[tilespmem:s16+$0x170] =	vst v21;
	v21 =	vld [tilespmem:s29+$0xFFFFFE10]  }
0x1c2: {  	[tilespmem:s16+$0x160] =	vst v17;
	v11 =	vmul.f32 v11, v6;
	v26 =	vld [tilespmem:s29+$0xFFFFFE20]  }
0x1c3: {  	v27 =	vld [tilespmem:s29+$0xFFFFFE30];
	[tilespmem:s16+$0x180] =	vst v10;
	v60 =	vmul.f32 v12, v6  }
0x1c4: {  	v28 =	vld [tilespmem:s29+$0xFFFFFE40];
	[tilespmem:s16+$0x190] =	vst v11;
	v62 =	vmul.f32 v13, v6  }
0x1c5: {  	v29 =	vld [tilespmem:s29+$0xFFFFFE50];
	[tilespmem:s16+$0x1A0] =	vst v60;
	v25 =	vmul.f32 v22, v6  }
0x1c6: {  	[tilespmem:s16+$0x1B0] =	vst v62;
	v8 =	vld.idx.msk [tilespmem:v20+s24+$0x0], $0xffff;
	v20 =	vmul.f32 v15, v6  }
0x1c7: {  	v30 =	vld [tilespmem:s29+$0xFFFFFE60];
	v6 =	vmul.f32 v23, v6;
	[tilespmem:s16+$0x1D0] =	vst v25  }
0x1c8: {  	v31 =	vld [tilespmem:s29+$0xFFFFFE70];
	v15 =	vmul.f32 v21, v59;
	[tilespmem:s16+$0x1C0] =	vst v20  }
0x1c9: {  	v32 =	vld [tilespmem:s29+$0xFFFFFE80];
	[tilespmem:s16+$0x1E0] =	vst v6;
	v6 =	vmul.f32 v63, v59  }
0x1ca: {  	v33 =	vld [tilespmem:s29+$0xFFFFFE90];
	v10 =	vmul.f32 v27, v59;
	[tilespmem:s29+$0xFFFFFE10] =	vst v15  }
0x1cb: {  	v35 =	vld [tilespmem:s29+$0xFFFFFEA0];
	[tilespmem:s29+$0xFFFFFE00] =	vst v6;
	v6 =	vmul.f32 v26, v59  }
0x1cc: {  	v36 =	vld [tilespmem:s29+$0xFFFFFEB0];
	v34 =	vmul.f32 v29, v59;
	[tilespmem:s29+$0xFFFFFE30] =	vst v10  }
0x1cd: {  	v38 =	vld [tilespmem:s29+$0xFFFFFEC0];
	[tilespmem:s29+$0xFFFFFE20] =	vst v6;
	v6 =	vmul.f32 v28, v59  }
0x1ce: {  	v39 =	vld [tilespmem:s29+$0xFFFFFED0];
	v37 =	vmul.f32 v31, v59;
	[tilespmem:s29+$0xFFFFFE50] =	vst v34  }
0x1cf: {  	v41 =	vld [tilespmem:s29+$0xFFFFFEE0];
	[tilespmem:s29+$0xFFFFFE40] =	vst v6;
	v6 =	vmul.f32 v30, v59  }
0x1d0: {  	v42 =	vld [tilespmem:s29+$0xFFFFFEF0];
	v40 =	vmul.f32 v33, v24;
	[tilespmem:s29+$0xFFFFFE70] =	vst v37  }
0x1d1: {  	v44 =	vld [tilespmem:s29+$0xFFFFFF00];
	[tilespmem:s29+$0xFFFFFE60] =	vst v6;
	v6 =	vmul.f32 v32, v24  }
0x1d2: {  	v45 =	vld [tilespmem:s29+$0xFFFFFF10];
	v43 =	vmul.f32 v36, v24;
	[tilespmem:s29+$0xFFFFFE90] =	vst v40  }
0x1d3: {  	v47 =	vld [tilespmem:s29+$0xFFFFFF20];
	[tilespmem:s29+$0xFFFFFE80] =	vst v6;
	v6 =	vmul.f32 v35, v24  }
0x1d4: {  	v48 =	vld [tilespmem:s29+$0xFFFFFF30];
	v46 =	vmul.f32 v39, v24;
	[tilespmem:s29+$0xFFFFFEB0] =	vst v43  }
0x1d5: {  	v7 =	vbroadcast v18, $0x0;
	v50 =	vld [tilespmem:s29+$0xFFFFFF40];
	[tilespmem:s29+$0xFFFFFEA0] =	vst v6;
	v6 =	vmul.f32 v38, v24  }
0x1d6: {  	v19 =	vbroadcast v19, $0x0;
	v51 =	vld [tilespmem:s29+$0xFFFFFF50];
	v49 =	vmul.f32 v42, v24;
	[tilespmem:s29+$0xFFFFFED0] =	vst v46  }
0x1d7: {  	v53 =	vld [tilespmem:s29+$0xFFFFFF60];
	[tilespmem:s29+$0xFFFFFEC0] =	vst v6;
	v6 =	vmul.f32 v41, v24  }
0x1d8: {  	v56 =	vld [tilespmem:s29+$0xFFFFFF80];
	v52 =	vmul.f32 v45, v14;
	[tilespmem:s29+$0xFFFFFEF0] =	vst v49  }
0x1d9: {  	v57 =	vld [tilespmem:s29+$0xFFFFFF90];
	[tilespmem:s29+$0xFFFFFEE0] =	vst v6;
	v6 =	vmul.f32 v44, v14  }
0x1da: {  	v60 =	vld [tilespmem:s29+$0xFFFFFFB0];
	v55 =	vmul.f32 v48, v14;
	[tilespmem:s29+$0xFFFFFF10] =	vst v52  }
0x1db: {  	v58 =	vmov s6;
	v9 =	vld.idx.msk [tilespmem:v7+s24+$0x0], $0xffff;
	[tilespmem:s29+$0xFFFFFF00] =	vst v6;
	v6 =	vmul.f32 v47, v14  }
0x1dc: {  	v18 =	vand.u32 $0x7F, v58;
	v7 =	vld.idx.msk [tilespmem:v19+s24+$0x0], $0xffff;
	v58 =	vmul.f32 v51, v14;
	[tilespmem:s29+$0xFFFFFF30] =	vst v55  }
0x1dd: {  	v29 =	vld [tilespmem:s29+$0x50];
	[tilespmem:s29+$0xFFFFFF20] =	vst v6;
	v6 =	vmul.f32 v50, v14  }
0x1de: {  	v5 =	vor.u32 v5, v18;
	v18 =	vmul.f32 v57, v16;
	[tilespmem:s29+$0xFFFFFF50] =	vst v58;
	v59 =	vld [tilespmem:s29+$0xFFFFFFA0]  }
0x1df: {  	v51 =	vld [tilespmem:s29+$0x150];
	[tilespmem:s29+$0xFFFFFF40] =	vst v6;
	v6 =	vmul.f32 v53, v14  }
0x1e0: {  	v62 =	vld [tilespmem:s29+$0xFFFFFFC0];
	[tilespmem:s29+$0xFFFFFF90] =	vst v18;
	v21 =	vmul.f32 v60, v16  }
0x1e1: {  	v5 =	vbroadcast v5, $0x0;
	v20 =	vld [tilespmem:s29+$0xFFFFFFF0];
	[tilespmem:s29+$0xFFFFFF60] =	vst v6;
	v6 =	vmul.f32 v56, v16  }
0x1e2: {  	v19 =	vld [tilespmem:s29+$0xFFFFFFE0];
	[tilespmem:s29+$0xFFFFFFB0] =	vst v21;
	v36 =	vmul.f32 v29, v9  }
0x1e3: {  	v46 =	vld [tilespmem:s29+$0x110];
	[tilespmem:s29+$0xFFFFFF80] =	vst v6;
	v6 =	vmul.f32 v59, v16  }
0x1e4: {  	v22 =	vld [tilespmem:s29+$0x0];
	v58 =	vmul.f32 v51, v7;
	[tilespmem:s29+$0x50] =	vst v36  }
0x1e5: {  	v49 =	vld [tilespmem:s29+$0x130];
	[tilespmem:s29+$0xFFFFFFA0] =	vst v6;
	v6 =	vmul.f32 v62, v16  }
0x1e6: {  	v25 =	vld [tilespmem:s29+$0x20];
	v27 =	vmul.f32 v20, v16;
	[tilespmem:s29+$0x150] =	vst v58  }
0x1e7: {  	v5 =	vld.idx.msk [tilespmem:v5+s24+$0x0], $0xffff;
	[tilespmem:s29+$0xFFFFFFC0] =	vst v6;
	v6 =	vmul.f32 v19, v16  }
0x1e8: {  	v28 =	vld [tilespmem:s29+$0x40];
	v52 =	vmul.f32 v46, v7;
	[tilespmem:s29+$0xFFFFFFF0] =	vst v27  }
0x1e9: {  	v54 =	vld [tilespmem:s29+$0xFFFFFF70];
	[tilespmem:s29+$0xFFFFFFE0] =	vst v6;
	v6 =	vmul.f32 v22, v9  }
0x1ea: {  	v31 =	vld [tilespmem:s29+$0x60];
	v55 =	vmul.f32 v49, v7;
	[tilespmem:s29+$0x110] =	vst v52  }
0x1eb: {  	v23 =	vld [tilespmem:s29+$0x10];
	[tilespmem:s29+$0x0] =	vst v6;
	v6 =	vmul.f32 v25, v9  }
0x1ec: {  	v34 =	vld [tilespmem:s29+$0x80];
	v12 =	vmul.f32 v61, v5;
	[tilespmem:s29+$0x130] =	vst v55  }
0x1ed: {  	v26 =	vld [tilespmem:s29+$0x30];
	[tilespmem:s29+$0x20] =	vst v6;
	v6 =	vmul.f32 v28, v9  }
0x1ee: {  	v37 =	vld [tilespmem:s29+$0xA0];
	v61 =	vmul.f32 v54, v14;
	[tilespmem:s29+$0x1F0] =	vst v12  }
0x1ef: {  	v63 =	vld [tilespmem:s29+$0xFFFFFFD0];
	[tilespmem:s29+$0x40] =	vst v6;
	v6 =	vmul.f32 v31, v9  }
0x1f0: {  	v39 =	vld [tilespmem:s29+$0xC0];
	v30 =	vmul.f32 v23, v9;
	[tilespmem:s29+$0xFFFFFF70] =	vst v61  }
0x1f1: {  	v35 =	vld [tilespmem:s29+$0x90];
	[tilespmem:s29+$0x60] =	vst v6;
	v6 =	vmul.f32 v34, v8  }
0x1f2: {  	v42 =	vld [tilespmem:s29+$0xE0];
	v33 =	vmul.f32 v26, v9;
	[tilespmem:s29+$0x10] =	vst v30  }
0x1f3: {  	v38 =	vld [tilespmem:s29+$0xB0];
	[tilespmem:s29+$0x80] =	vst v6;
	v6 =	vmul.f32 v37, v8  }
0x1f4: {  	v45 =	vld [tilespmem:s29+$0x100];
	[tilespmem:s29+$0x30] =	vst v33;
	v24 =	vmul.f32 v63, v16  }
0x1f5: {  	v40 =	vld [tilespmem:s29+$0xD0];
	[tilespmem:s29+$0xA0] =	vst v6;
	v6 =	vmul.f32 v39, v8  }
0x1f6: {  	v48 =	vld [tilespmem:s29+$0x120];
	v41 =	vmul.f32 v35, v8;
	[tilespmem:s29+$0xFFFFFFD0] =	vst v24  }
0x1f7: {  	v32 =	vld [tilespmem:s29+$0x70];
	[tilespmem:s29+$0xC0] =	vst v6;
	v6 =	vmul.f32 v42, v8  }
0x1f8: {  	[tilespmem:s29+$0x90] =	vst v41;
	v44 =	vmul.f32 v38, v8;
	v50 =	vld [tilespmem:s29+$0x140]  }
0x1f9: {  	v43 =	vld [tilespmem:s29+$0xF0];
	[tilespmem:s29+$0xE0] =	vst v6;
	v6 =	vmul.f32 v45, v7  }
0x1fa: {  	v47 =	vmul.f32 v40, v8;
	[tilespmem:s29+$0xB0] =	vst v44;
	v53 =	vld [tilespmem:s29+$0x160]  }
0x1fb: {  	v54 =	vld [tilespmem:s29+$0x170];
	[tilespmem:s29+$0x100] =	vst v6;
	v6 =	vmul.f32 v48, v7  }
0x1fc: {  	[tilespmem:s29+$0xD0] =	vst v47;
	v56 =	vld [tilespmem:s29+$0x180];
	v9 =	vmul.f32 v32, v9  }
0x1fd: {  	v57 =	vld [tilespmem:s29+$0x190];
	[tilespmem:s29+$0x120] =	vst v6;
	v6 =	vmul.f32 v50, v7  }
0x1fe: {  	v59 =	vld [tilespmem:s29+$0x1A0];
	[tilespmem:s29+$0x70] =	vst v9;
	v8 =	vmul.f32 v43, v8  }
0x1ff: {  	v60 =	vld [tilespmem:s29+$0x1B0];
	[tilespmem:s29+$0x140] =	vst v6;
	v6 =	vmul.f32 v53, v7  }
0x200: {  	v61 =	vld [tilespmem:s29+$0x1C0];
	[tilespmem:s29+$0xF0] =	vst v8;
	v7 =	vmul.f32 v54, v7  }
0x201: {  	v62 =	vld [tilespmem:s29+$0x1D0];
	[tilespmem:s29+$0x160] =	vst v6;
	v6 =	vmul.f32 v56, v5  }
0x202: {  	v63 =	vld [tilespmem:s29+$0x1E0];
	[tilespmem:s29+$0x170] =	vst v7;
	v7 =	vmul.f32 v57, v5  }
0x203: {  	[tilespmem:s29+$0x180] =	vst v6;
	v6 =	vmul.f32 v59, v5  }
0x204: {  	[tilespmem:s29+$0x190] =	vst v7;
	v7 =	vmul.f32 v60, v5  }
0x205: {  	[tilespmem:s29+$0x1A0] =	vst v6;
	v6 =	vmul.f32 v61, v5  }
0x206: {  	[tilespmem:s29+$0x1B0] =	vst v7;
	v7 =	vmul.f32 v62, v5  }
0x207: {  	s14 =	sadd.s32 $0x1, s14;
	v5 =	vmul.f32 v63, v5;
	[tilespmem:s29+$0x1C0] =	vst v6  }
0x208: {  	p0 =	sne.s32 s14, s12;
	[tilespmem:s29+$0x1D0] =	vst v7  }
.Ltmp14:
0x209: {  	s1 =	sadd.s32 $0x1C400, s15;
	[tilespmem:s29+$0x1E0] =	vst v5;
	(pc) =	sbr.rel @p0 .LBB2_14-.Ltmp14, $4  }
0x20a: {  	[spmem:s2] =	stream.indirect.scatter.add.f32 [tilespmem:s25], [sflag:$0x3], $0x80, s1, s4, $0xb8;
	[tilespmem:$0x1FC00] =	vst v63  }
0x20b: {  	_ =	swait.ge [sflag:s26], $0x2000  }
0x20c: {  	[sflag:s26] =	ssyncset.done $0x0  }
0x20d: {  	[sflag:s26] =	ssyncadd.s32 $0xFFFFE000  }
.LBB2_17:
0x20e: {  	s1 =	rddreg [dreg:$0x15]  }
0x20f: {  	s1 =	sadd.s32 s11, s1  }
0x210: {  	s6 =	rddreg [dreg:$0x1];
	s1 =	sshrl.u32 s1, $0x1  }
0x211: {  	s7 =	simm.s32 $0x0;
	s13 =	simm.s32 $0x19000;
	s1 =	sadd.s32 s6, s1  }
0x212: {  	[tilespmem:s13], [sflag:$0x1] =	stream.linear.gather [hbm4b:s1+s7], $0x1400, $0x38;
	[tilespmem:$0x1FC00] =	vst v63  }
0x213: {  	_ =	swait.ge [sflag:s3], $0x1400  }
0x214: {  	s14 =	sand.u32 $0x40, s7;
	s15 =	sand.u32 $0x1E00, s7;
	[sflag:s3] =	ssyncset.done $0x0  }
0x215: {  	s1 =	sor.u32 s14, s15;
	[sflag:s3] =	ssyncadd.s32 $0xFFFFEC00  }
0x216: {  	s6 =	sadd.s32 $0x1A400, s1;
	v5 =	vld [tilespmem:s1+$0x1A400]  }
0x217: {  	v6 =	vld [tilespmem:s6+$0x10]  }
0x218: {  	v7 =	vld [tilespmem:s6+$0x20]  }
0x219: {  	v8 =	vld [tilespmem:s6+$0x30];
	_ =	sdelay $0x1  }
0x21a: {  	v13 =	vsub.s32 v5, v4  }
0x21b: {  	v10 =	vsub.s32 v6, v4;
	vm0 =	vlt.u32 v13, $0x3200  }
0x21c: {  	v11 =	vsub.s32 v7, v4;
	vm3 =	vlt.u32 v10, $0x3200;
	v5 =	vsel vm0, $0x1, v1  }
0x21d: {  	v9 =	vsub.s32 v8, v4;
	vm4 =	vlt.u32 v11, $0x3200;
	v6 =	vsel vm3, $0x1, v1;
	(xrf0) =	vadd.scan.msk.s32 $0xffff, v5  }
0x21e: {  	vm1 =	vlt.u32 v9, $0x3200;
	v5 =	vsel vm4, $0x1, v1;
	(xrf0) =	vadd.scan.msk.s32 $0xffff, v6  }
0x21f: {  	v6 =	vsel vm1, $0x1, v1;
	(xrf0) =	vadd.scan.msk.s32 $0xffff, v5  }
0x220: {  	(xrf0) =	vadd.scan.msk.s32 $0xffff, v6;
	_ =	sdelay $0x2  }
0x221: {  	v5, _, _ =	vpop (xrf0)  }
0x222: {  	(v2sf) =	vpush v5, $0xF;
	v12, _, _ =	vpop (xrf0)  }
0x223: {  	(v2sf) =	vpush v12, $0xF;
	v14, _, _ =	vpop (xrf0)  }
0x224: {  	(v2sf) =	vpush v14, $0xF;
	v15, _, _ =	vpop (xrf0)  }
0x225: {  	s16 =	simm.s32 $0x100;
	s8 =	simm.s32 $0x40;
	(v2sf) =	vpush v15, $0xF  }
0x226: {  	s8 =	sand.u32 $0x40, s8;
	s1 =	sand.u32 $0x1E00, s16  }
0x227: {  	s1 =	sor.u32 s8, s1  }
0x228: {  	v7 =	vld [tilespmem:s1+$0x1A400]  }
0x229: {  	s11 =	sadd.s32 $0x1A400, s1  }
0x22a: {  	v16 =	vld [tilespmem:s11+$0x10];
	v6 =	vmov s7  }
0x22b: {  	v17 =	vld [tilespmem:s11+$0x20];
	v6 =	vadd.s32 $0xFFFFFFFF, v6  }
0x22c: {  	v6 =	vbroadcast v6, $0x0  }
0x22d: {  	vm2 =	vmmov vm0;
	v8 =	vsub.s32 v7, v4  }
0x22e: {  	v18 =	vld [tilespmem:s6+$0x80];
	vm5 =	vmmov vm3;
	vm3 =	vlt.u32 v8, $0x3200;
	v5 =	vadd.s32 v5, v6  }
0x22f: {  	v20 =	vld [tilespmem:s11+$0x30];
	v6 =	vsub.s32 v16, v4;
	v16 =	vsel vm3, $0x1, v1;
	v19 =	vshll.u32 v5, $0x1  }
0x230: {  	v7 =	vand.u32 $0x3F, v5;
	vm9 =	vlt.u32 v6, $0x3200;
	v5 =	vsub.s32 v17, v4  }
0x231: {  	(xrf0) =	vadd.scan.msk.s32 $0xffff, v16;
	v17 =	vand.u32 $0xFFFFFF80, v19;
	v19 =	vsel vm9, $0x1, v1;
	vm0 =	vlt.u32 v5, $0x3200;
	s17 =	spop (v2sf)  }
0x232: {  	v16 =	vsel vm0, $0x1, v1;
	(xrf0) =	vadd.scan.msk.s32 $0xffff, v19;
	s1 =	sadd.s32 $0x0, s17;
	s18 =	spop (v2sf)  }
0x233: {  	v21 =	vor.u32 v7, v17;
	(xrf0) =	vadd.scan.msk.s32 $0xffff, v16;
	v16 =	vmov s1;
	s1 =	sadd.s32 s1, s18;
	s19 =	spop (v2sf)  }
0x234: {  	v17 =	vadd.s32 v0, v18;
	v7 =	vsub.s32 v20, v4;
	v18 =	vmov s1;
	s1 =	sadd.s32 s1, s19;
	s20 =	spop (v2sf)  }
0x235: {  	vm11 =	vlt.u32 v7, $0x3200;
	s20 =	sadd.s32 s1, s20  }
0x236: {  	vm13 =	vmmov vm4;
	v19 =	vsel vm11, $0x1, v1;
	v22 =	vmov s20  }
0x237: {  	vm10 =	vmmov vm5;
	vm12 =	vmmov vm13;
	(xrf0) =	vadd.scan.msk.s32 $0xffff, v19;
	v16 =	vadd.s32 $0xFFFFFFFF, v16  }
0x238: {  	p0 =	por $0x0, $0x0;
	s8 =	simm.s32 $0x1;
	v16 =	vbroadcast v16, $0x0;
	v18 =	vadd.s32 $0xFFFFFFFF, v18;
	v20 =	vmov s1  }
0x239: {  	s8 =	simm.s32 @!p0 $0x0;
	v18 =	vbroadcast v18, $0x0;
	v19 =	vadd.s32 $0xFFFFFFFF, v20;
	v20 =	vadd.s32 $0xFFFFFFFF, v22;
	v22, _, _ =	vpop (xrf0)  }
0x23a: {  	s21 =	sshll.u32 s8, $0x6;
	[tilespmem:v21+s31+$0x0] =	vst.idx.msk vm2, v17;
	v16 =	vadd.s32 v12, v16;
	v17 =	vbroadcast v19, $0x0;
	(v2sf) =	vpush v22, $0xF  }
0x23b: {  	v24 =	vld [tilespmem:s6+$0xA0];
	s13 =	sadd.s32 $0x0, s21;
	v19 =	vshll.u32 v16, $0x1;
	v14 =	vadd.s32 v14, v18;
	v16 =	vand.u32 $0x3F, v16;
	v12, _, _ =	vpop (xrf0)  }
0x23c: {  	v25 =	vld [tilespmem:s6+$0x90];
	[tilespmem:v21+s0+$0x0] =	vst.idx.msk vm2, v13;
	s1 =	sor.u32 $0x100, s13;
	v18 =	vand.u32 $0xFFFFFF80, v19;
	v23 =	vand.u32 $0x3F, v14;
	(v2sf) =	vpush v12, $0xF;
	v13, _, _ =	vpop (xrf0)  }
0x23d: {  	v19 =	vld [tilespmem:s1+$0x1A400];
	v14 =	vshll.u32 v14, $0x1;
	v17 =	vadd.s32 v15, v17;
	(v2sf) =	vpush v13, $0xF;
	v15, _, _ =	vpop (xrf0)  }
0x23e: {  	s8 =	simm.s32 $0x80;
	s7 =	simm.s32 $0x200;
	v14 =	vand.u32 $0xFFFFFF80, v14;
	v16 =	vor.u32 v16, v18;
	(v2sf) =	vpush v15, $0xF  }
0x23f: {  	v26 =	vld [tilespmem:s11+$0x80];
	s22 =	sand.u32 $0x40, s8;
	s12 =	sand.u32 $0x1E00, s7;
	v20 =	vbroadcast v20, $0x0;
	v18 =	vshll.u32 v17, $0x1;
	v14 =	vor.u32 v23, v14  }
0x240: {  	vm1 =	vmmov vm1;
	s1 =	sor.u32 s22, s12;
	v17 =	vand.u32 $0x3F, v17;
	v23 =	vld [tilespmem:s6+$0xB0];
	v18 =	vand.u32 $0xFFFFFF80, v18  }
0x241: {  	vm8 =	vmmov vm1;
	s12 =	sadd.s32 $0x1A400, s1;
	v27 =	vld [tilespmem:s1+$0x1A400];
	v17 =	vor.u32 v17, v18;
	v18 =	vadd.s32 v22, v20  }
0x242: {  	s14 =	simm.s32 $0x1;
	p0 =	por !p0, !p0;
	s23 =	sadd.s32 $0x10, s13;
	vm6 =	vmmov vm3;
	v20 =	vld [tilespmem:s12+$0x10];
	[tilespmem:v21+s24+$0x0] =	vst.idx.msk vm2, v19;
	v21 =	vadd.s32 v0, v24;
	v24 =	vadd.s32 v0, v25  }
0x243: {  	s15 =	sadd.s32 $0x20, s13;
	s16 =	sadd.s32 $0x30, s13;
	vm7 =	vmmov vm9;
	vm3 =	vmmov vm9;
	s6 =	simm.s32 $0x1;
	v22 =	vld [tilespmem:s12+$0x20];
	v19 =	vshll.u32 v18, $0x1;
	[tilespmem:v16+s31+$0x0] =	vst.idx.msk vm5, v24  }
0x244: {  	s28 =	sor.u32 $0x100, s16;
	vm4 =	vmmov vm11;
	s6 =	simm.s32 @!p0 $0x0;
	p0 =	por !p0, !p0;
	v18 =	vand.u32 $0x3F, v18;
	v25 =	vld [tilespmem:s12+$0x30];
	v19 =	vand.u32 $0xFFFFFF80, v19;
	[tilespmem:v14+s31+$0x0] =	vst.idx.msk vm13, v21  }
0x245: {  	s21 =	sor.u32 $0x100, s15;
	s6 =	sshll.u32 s6, $0x6;
	s14 =	simm.s32 @!p0 $0x0;
	vm2 =	vmmov vm11;
	v18 =	vor.u32 v18, v19;
	v19 =	vadd.s32 v0, v23;
	[tilespmem:v16+s0+$0x0] =	vst.idx.msk vm5, v10  }
0x246: {  	s1 =	sor.u32 $0x100, s23;
	s6 =	sadd.s32 $0x100, s6;
	s14 =	sshll.u32 s14, $0x6;
	vm5 =	vmmov vm9;
	v23 =	vadd.s32 v0, v26;
	[tilespmem:v17+s31+$0x0] =	vst.idx.msk vm1, v19;
	v19 =	vsub.s32 v27, v4  }
0x247: {  	s23 =	simm.s32 $0x8;
	s18 =	sadd.s32 $0x10, s6;
	s19 =	sadd.s32 $0x200, s14;
	vm1 =	vmmov vm0;
	v10 =	vsub.s32 v20, v4;
	v20 =	vld [tilespmem:s1+$0x1A400];
	[tilespmem:v14+s0+$0x0] =	vst.idx.msk vm13, v11;
	vm11 =	vlt.u32 v19, $0x3200  }
0x248: {  	s13 =	sadd.s32 $0x20, s6;
	s17 =	sadd.s32 $0x30, s6;
	s14 =	sadd.s32 $0x10, s19;
	[tilespmem:v17+s0+$0x0] =	vst.idx.msk vm8, v9;
	vm9 =	vlt.u32 v10, $0x3200;
	v9 =	vsub.s32 v22, v4;
	v22 =	vld [tilespmem:s21+$0x1A400];
	v26 =	vsel vm11, $0x1, v1  }
0x249: {  	s16 =	sadd.s32 $0x20, s19;
	s15 =	sadd.s32 $0x30, s19;
	v21 =	vld [tilespmem:s28+$0x1A400];
	v24 =	vsel vm9, $0x1, v1;
	vm13 =	vlt.u32 v9, $0x3200;
	v11 =	vsub.s32 v25, v4;
	(xrf0) =	vadd.scan.msk.s32 $0xffff, v26;
	s29 =	spop (v2sf)  }
.LBB2_18:
0x24a: {  	vm15 =	vmmov vm0;
	vm0 =	vmmov vm13;
	v25 =	vsel vm13, $0x1, v1  }
0x24b: {  	s23 =	sadd.s32 $0x4, s23;
	vm14 =	vlt.u32 v11, $0x3200;
	s1 =	sadd.s32 s20, s29;
	(xrf0) =	vadd.scan.msk.s32 $0xffff, v24;
	[tilespmem:v18+s31+$0x0] =	vst.idx.msk vm6, v23;
	s20 =	spop (v2sf);
	vm13 =	vmmov vm15  }
0x24c: {  	s6 =	sor.u32 $0x100, s6;
	v23 =	vsel vm14, $0x1, v1;
	v24 =	vmov s1;
	(xrf0) =	vadd.scan.msk.s32 $0xffff, v25;
	[tilespmem:v18+s0+$0x0] =	vst.idx.msk vm6, v8;
	s1 =	sadd.s32 s1, s20;
	s20 =	spop (v2sf);
	v8 =	vmovc v19  }
0x24d: {  	p1 =	slt.u32 s23, $0x4C;
	(xrf0) =	vadd.scan.msk.s32 $0xffff, v23;
	v19 =	vld [tilespmem:s6+$0x1A400];
	v23 =	vadd.s32 $0xFFFFFFFF, v24;
	v24 =	vmov s1;
	s1 =	sadd.s32 s1, s20;
	s6 =	spop (v2sf);
	[tilespmem:v16+s24+$0x0] =	vst.idx.msk vm10, v20  }
0x24e: {  	v16 =	vbroadcast v23, $0x0;
	v20 =	vadd.s32 $0xFFFFFFFF, v24;
	v23 =	vmov s1;
	s20 =	sadd.s32 s1, s6;
	[tilespmem:v17+s24+$0x0] =	vst.idx.msk vm8, v21;
	s6 =	smov.u32 s19  }
0x24f: {  	v17 =	vmov s20;
	v20 =	vbroadcast v20, $0x0;
	v21 =	vadd.s32 $0xFFFFFFFF, v23;
	[tilespmem:v14+s24+$0x0] =	vst.idx.msk vm12, v22  }
0x250: {  	v17 =	vadd.s32 $0xFFFFFFFF, v17;
	v22, _, _ =	vpop (xrf0);
	v14 =	vadd.s32 v12, v16;
	v16 =	vbroadcast v21, $0x0  }
0x251: {  	(v2sf) =	vpush v22, $0xF;
	v12, _, _ =	vpop (xrf0);
	v23 =	vshll.u32 v14, $0x1;
	v20 =	vadd.s32 v13, v20  }
0x252: {  	(v2sf) =	vpush v12, $0xF;
	v13, _, _ =	vpop (xrf0);
	[tilespmem:v18+s24+$0x0] =	vst.idx.msk vm6, v19;
	v18 =	vand.u32 $0xFFFFFF80, v23;
	v19 =	vand.u32 $0x3F, v20  }
0x253: {  	p0 =	por !p0, !p0;
	s1 =	simm.s32 $0x1;
	v14 =	vand.u32 $0x3F, v14;
	v20 =	vshll.u32 v20, $0x1;
	(v2sf) =	vpush v13, $0xF;
	v21, _, _ =	vpop (xrf0)  }
0x254: {  	s1 =	simm.s32 @!p0 $0x0;
	v24 =	vadd.s32 v15, v16;
	v20 =	vand.u32 $0xFFFFFF80, v20;
	(v2sf) =	vpush v21, $0xF;
	v23 =	vld [tilespmem:s11+$0xA0];
	v15 =	vmovc v21  }
0x255: {  	s7 =	sadd.s32 $0x100, s7;
	s8 =	sadd.s32 $0x40, s8;
	s1 =	sshll.u32 s1, $0x6;
	v16 =	vor.u32 v14, v18;
	v18 =	vshll.u32 v24, $0x1;
	v14 =	vor.u32 v19, v20;
	v21 =	vld [tilespmem:s11+$0x90]  }
0x256: {  	s21 =	sand.u32 $0x1E00, s7;
	s19 =	sadd.s32 s1, s7;
	s1 =	sand.u32 $0x40, s8;
	v19 =	vbroadcast v17, $0x0;
	v17 =	vand.u32 $0x3F, v24;
	v18 =	vand.u32 $0xFFFFFF80, v18;
	v20 =	vld [tilespmem:s11+$0xB0]  }
0x257: {  	vm8 =	vmmov vm4;
	vm4 =	vmmov vm14;
	s1 =	sor.u32 s1, s21;
	s21 =	sadd.s32 $0x10, s19;
	s22 =	sadd.s32 $0x20, s19;
	v17 =	vor.u32 v17, v18;
	v24 =	vld [tilespmem:s12+$0x80]  }
0x258: {  	vm10 =	vmmov vm7;
	s28 =	sadd.s32 $0x30, s19;
	vm6 =	vmmov vm11;
	v18 =	vadd.s32 v22, v19;
	s11 =	smov.u32 s12;
	s12 =	sadd.s32 $0x1A400, s1;
	v25 =	vld [tilespmem:s1+$0x1A400]  }
0x259: {  	vm7 =	vmmov vm9;
	v19 =	vshll.u32 v18, $0x1;
	v22 =	vld [tilespmem:s12+$0x10];
	v23 =	vadd.s32 v0, v23  }
0x25a: {  	v18 =	vand.u32 $0x3F, v18;
	v19 =	vand.u32 $0xFFFFFF80, v19;
	v26 =	vld [tilespmem:s12+$0x20];
	v21 =	vadd.s32 v0, v21;
	[tilespmem:v14+s31+$0x0] =	vst.idx.msk vm1, v23  }
0x25b: {  	v18 =	vor.u32 v18, v19;
	v27 =	vld [tilespmem:s12+$0x30];
	[tilespmem:v16+s31+$0x0] =	vst.idx.msk vm3, v21;
	v19 =	vadd.s32 v0, v20;
	vm3 =	vmmov vm9  }
.Ltmp15:
0x25c: {  	vm12 =	vmmov vm1;
	vm1 =	vmmov vm0;
	[tilespmem:v17+s31+$0x0] =	vst.idx.msk vm2, v19;
	vm2 =	vmmov vm14;
	(pc) =	sbr.rel @p1 .LBB2_18-.Ltmp15, $4  }
0x25d: {  	s1 =	sor.u32 $0x100, s18;
	s18 =	smov.u32 s14;
	s14 =	smov.u32 s21;
	v19 =	vsub.s32 v25, v4;
	[tilespmem:v16+s0+$0x0] =	vst.idx.msk vm5, v6;
	v6 =	vmov v10;
	vm5 =	vmmov vm9  }
0x25e: {  	s17 =	sor.u32 $0x100, s17;
	v23 =	vadd.s32 v0, v24;
	vm11 =	vlt.u32 v19, $0x3200;
	v10 =	vsub.s32 v22, v4;
	v20 =	vld [tilespmem:s1+$0x1A400];
	s1 =	sor.u32 $0x100, s13;
	[tilespmem:v17+s0+$0x0] =	vst.idx.msk vm8, v7;
	s13 =	smov.u32 s16  }
0x25f: {  	s16 =	smov.u32 s22;
	v25 =	vsel vm11, $0x1, v1;
	vm9 =	vlt.u32 v10, $0x3200;
	[tilespmem:v14+s0+$0x0] =	vst.idx.msk vm13, v5;
	v21 =	vld [tilespmem:s17+$0x1A400];
	v5 =	vmovc v9;
	v9 =	vsub.s32 v26, v4;
	s17 =	smov.u32 s15;
	s15 =	smov.u32 s28  }
0x260: {  	v7 =	vmovc v11;
	v24 =	vsel vm9, $0x1, v1;
	vm13 =	vlt.u32 v9, $0x3200;
	(xrf0) =	vadd.scan.msk.s32 $0xffff, v25;
	s29 =	spop (v2sf);
	v22 =	vld [tilespmem:s1+$0x1A400];
	v11 =	vsub.s32 v27, v4  }
0x261: {  	(xrf0) =	vadd.scan.msk.s32 $0xffff, v24;
	v54 =	vsel vm13, $0x1, v1  }
0x262: {  	(xrf0) =	vadd.scan.msk.s32 $0xffff, v54;
	_ =	sdelay $0x3  }
0x263: {  	v55, _, _ =	vpop (xrf0)  }
0x264: {  	(v2sf) =	vpush v55, $0xF;
	v25, _, _ =	vpop (xrf0)  }
0x265: {  	(v2sf) =	vpush v25, $0xF;
	v26, _, _ =	vpop (xrf0)  }
0x266: {  	s7 =	spop (v2sf);
	(v2sf) =	vpush v26, $0xF  }
0x267: {  	s1 =	sadd.s32 s20, s29  }
0x268: {  	vm15 =	vlt.u32 v11, $0x3200;
	vm14 =	vmmov vm0;
	v28 =	vmov s1;
	s1 =	sadd.s32 s1, s7  }
0x269: {  	vm0 =	vmmov vm4;
	vm4 =	vmmov vm11;
	s23 =	spop (v2sf);
	v57 =	vmov s1  }
0x26a: {  	vm11 =	vmmov vm7;
	v56 =	vadd.s32 $0xFFFFFFFF, v28;
	s1 =	sadd.s32 s1, s23;
	s28 =	spop (v2sf);
	v28 =	vadd.s32 $0xFFFFFFFF, v57  }
0x26b: {  	v27 =	vsel vm15, $0x1, v1;
	v29 =	vmov s1;
	s1 =	sadd.s32 s1, s28;
	v28 =	vbroadcast v28, $0x0  }
0x26c: {  	vm7 =	vmmov vm9;
	v30 =	vmov s1;
	(xrf0) =	vadd.scan.msk.s32 $0xffff, v27;
	v27 =	vbroadcast v56, $0x0  }
0x26d: {  	v63 =	vld [tilespmem:s11+$0xA0];
	v58 =	vadd.s32 $0xFFFFFFFF, v29;
	[tilespmem:v14+s24+$0x0] =	vst.idx.msk vm12, v22;
	vm12 =	vmmov vm1;
	v13 =	vadd.s32 v13, v28  }
0x26e: {  	v12 =	vadd.s32 v12, v27;
	v62 =	vand.u32 $0x3F, v13;
	v13 =	vshll.u32 v13, $0x1  }
0x26f: {  	v37 =	vld [tilespmem:s11+$0x90];
	v27 =	vbroadcast v58, $0x0;
	v60 =	vshll.u32 v12, $0x1;
	v13 =	vand.u32 $0xFFFFFF80, v13  }
0x270: {  	[tilespmem:v18+s31+$0x0] =	vst.idx.msk vm6, v23;
	v12 =	vand.u32 $0x3F, v12;
	v61 =	vand.u32 $0xFFFFFF80, v60;
	v33 =	vor.u32 v62, v13  }
0x271: {  	[tilespmem:v18+s0+$0x0] =	vst.idx.msk vm6, v8;
	v59 =	vadd.s32 $0xFFFFFFFF, v30;
	v15 =	vadd.s32 v15, v27;
	v32 =	vor.u32 v12, v61  }
0x272: {  	[tilespmem:v16+s24+$0x0] =	vst.idx.msk vm10, v20;
	v23 =	vadd.s32 v0, v63;
	v36 =	vbroadcast v59, $0x0;
	v34 =	vshll.u32 v15, $0x1;
	v31, _, _ =	vpop (xrf0)  }
0x273: {  	v38 =	vld [tilespmem:s11+$0xB0];
	[tilespmem:v17+s24+$0x0] =	vst.idx.msk vm8, v21;
	v15 =	vand.u32 $0x3F, v15;
	v13 =	vand.u32 $0xFFFFFF80, v34;
	(v2sf) =	vpush v31, $0xF;
	s29 =	spop (v2sf)  }
0x274: {  	v45 =	vadd.s32 v0, v37;
	v24 =	vadd.s32 v55, v36;
	v13 =	vor.u32 v15, v13;
	s1 =	sadd.s32 s1, s29;
	s7 =	spop (v2sf)  }
0x275: {  	s6 =	sor.u32 $0x100, s6;
	v28 =	vshll.u32 v24, $0x1;
	v39 =	vand.u32 $0x3F, v24;
	[tilespmem:v33+s31+$0x0] =	vst.idx.msk vm1, v23;
	v41 =	vmov s1;
	s1 =	sadd.s32 s1, s7;
	s8 =	spop (v2sf)  }
0x276: {  	v35 =	vld [tilespmem:s6+$0x1A400];
	v40 =	vand.u32 $0xFFFFFF80, v28;
	[tilespmem:v32+s31+$0x0] =	vst.idx.msk vm3, v45;
	v43 =	vadd.s32 $0xFFFFFFFF, v41;
	v44 =	vmov s1;
	s6 =	sadd.s32 s1, s8  }
0x277: {  	[tilespmem:v33+s0+$0x0] =	vst.idx.msk vm14, v5;
	v20 =	vbroadcast v43, $0x0;
	v21 =	vadd.s32 $0xFFFFFFFF, v44;
	v46 =	vmov s6  }
0x278: {  	v42 =	vld [tilespmem:s12+$0x80];
	v15 =	vadd.s32 v0, v38;
	[tilespmem:v32+s0+$0x0] =	vst.idx.msk vm5, v6;
	v21 =	vbroadcast v21, $0x0;
	v47 =	vadd.s32 $0xFFFFFFFF, v46  }
0x279: {  	v16 =	vor.u32 v39, v40;
	[tilespmem:v13+s31+$0x0] =	vst.idx.msk vm2, v15;
	v48 =	vadd.s32 v25, v20;
	v6 =	vbroadcast v47, $0x0  }
0x27a: {  	s20 =	sor.u32 $0x100, s13;
	v55 =	vld [tilespmem:s12+$0x90];
	[tilespmem:v13+s0+$0x0] =	vst.idx.msk vm0, v7;
	v49 =	vshll.u32 v48, $0x1;
	v50 =	vadd.s32 v26, v21;
	v7 =	vand.u32 $0x3F, v48  }
0x27b: {  	v61 =	vld [tilespmem:s20+$0x1A400];
	v14 =	vand.u32 $0xFFFFFF80, v49;
	v52 =	vshll.u32 v50, $0x1;
	v53 =	vand.u32 $0x3F, v50  }
0x27c: {  	v54 =	vld [tilespmem:s12+$0xA0];
	v6 =	vadd.s32 v31, v6;
	v22 =	vand.u32 $0xFFFFFF80, v52;
	v5 =	vor.u32 v7, v14  }
0x27d: {  	v17 =	vadd.s32 v0, v42;
	[tilespmem:v18+s24+$0x0] =	vst.idx.msk vm6, v35;
	v56 =	vshll.u32 v6, $0x1;
	v15 =	vor.u32 v53, v22  }
0x27e: {  	vm15 =	vmmov vm15;
	[tilespmem:v16+s31+$0x0] =	vst.idx.msk vm4, v17;
	v6 =	vand.u32 $0x3F, v6;
	v7 =	vld [tilespmem:s12+$0xB0];
	v57 =	vand.u32 $0xFFFFFF80, v56  }
0x27f: {  	vm9 =	vmmov vm13;
	[tilespmem:v16+s0+$0x0] =	vst.idx.msk vm4, v19;
	v6 =	vor.u32 v6, v57  }
0x280: {  	v59 =	vadd.s32 v0, v55;
	[tilespmem:v33+s24+$0x0] =	vst.idx.msk vm12, v61  }
0x281: {  	s11 =	sor.u32 $0x100, s18;
	v58 =	vadd.s32 v0, v54;
	[tilespmem:v5+s31+$0x0] =	vst.idx.msk vm7, v59  }
0x282: {  	s18 =	sor.u32 $0x100, s17;
	v51 =	vld [tilespmem:s11+$0x1A400];
	s28 =	spop (v2sf);
	[tilespmem:v15+s31+$0x0] =	vst.idx.msk vm13, v58  }
0x283: {  	s21 =	sor.u32 $0x100, s19;
	v60 =	vld [tilespmem:s18+$0x1A400];
	s6 =	sadd.s32 s6, s28;
	v7 =	vadd.s32 v0, v7;
	[tilespmem:v5+s0+$0x0] =	vst.idx.msk vm7, v10  }
0x284: {  	s22 =	sor.u32 $0x100, s14;
	s29 =	sadd.s32 $0x3F, s6;
	[tilespmem:v6+s31+$0x0] =	vst.idx.msk vm15, v7;
	v7 =	vld [tilespmem:s21+$0x1A400]  }
0x285: {  	s8 =	sor.u32 $0x100, s16;
	s11 =	sshra.s32 s29, $0x6;
	v10 =	vld [tilespmem:s22+$0x1A400];
	[tilespmem:v15+s0+$0x0] =	vst.idx.msk vm9, v9  }
0x286: {  	s23 =	sor.u32 $0x100, s15;
	s7 =	sshra.s32 s6, $0x4;
	[tilespmem:v6+s0+$0x0] =	vst.idx.msk vm15, v11;
	v63 =	vld [tilespmem:s8+$0x1A400];
	s8 =	sshll.u32 s11, $0x2  }
0x287: {  	[tilespmem:v32+s24+$0x0] =	vst.idx.msk vm11, v51;
	v62 =	vld [tilespmem:s23+$0x1A400];
	p0 =	sle.s32 s8, s7  }
.Ltmp16:
0x288: {  	[tilespmem:v13+s24+$0x0] =	vst.idx.msk vm0, v60;
	(pc) =	sbr.rel @p0 .LBB2_23-.Ltmp16, $4  }
0x289: {  	[tilespmem:v16+s24+$0x0] =	vst.idx.msk vm4, v7  }
0x28a: {  	[tilespmem:v5+s24+$0x0] =	vst.idx.msk vm7, v10  }
0x28b: {  	[tilespmem:v15+s24+$0x0] =	vst.idx.msk vm9, v63  }
0x28c: {  	vm10 =	vmmov vm15;
	vm14 =	vmmov vm9;
	vm13 =	vmmov vm7;
	[tilespmem:v6+s24+$0x0] =	vst.idx.msk vm15, v62  }
0x28d: {  	s28 =	ssub.s32 s8, s7;
	s29 =	sshll.u32 s7, $0x4  }
0x28e: {  	v6 =	vmov s29;
	p0 =	seq.s32 s28, $0x1  }
.Ltmp17:
0x28f: {  	v5 =	vmov s6;
	v7 =	vor.u32 s29, v3;
	v6 =	vshll.u32 v6, $0x1;
	(pc) =	sbr.rel @p0 .LBB2_22-.Ltmp17, $3  }
0x290: {  	v8 =	vand.u32 $0x3F, v7;
	vm0 =	vge.s32 v7, v5;
	v6 =	vand.u32 $0xFFFFFF80, v6  }
0x291: {  	v6 =	vor.u32 v8, v6;
	_ =	sdelay $0x1  }
0x292: {  	s6 =	sadd.s32 $0xFFFFFFFF, s28;
	s7 =	sadd.s32 $0x10, s29  }
.LBB2_21:
0x293: {  	v7 =	vmov s7;
	p0 =	seq.s32 s6, $0x1;
	s6 =	sadd.s32 $0xFFFFFFFF, s6  }
.Ltmp18:
0x294: {  	v8 =	vor.u32 s7, v3;
	v7 =	vshll.u32 v7, $0x1;
	(pc) =	sbr.rel @!p0 .LBB2_21-.Ltmp18, $3  }
0x295: {  	v9 =	vand.u32 $0x3F, v8;
	v7 =	vand.u32 $0xFFFFFF80, v7;
	[tilespmem:v6+s24+$0x0] =	vst.idx.msk vm0, v2;
	vm0 =	vge.s32 v8, v5  }
0x296: {  	v6 =	vor.u32 v9, v7;
	_ =	sdelay $0x1  }
0x297: {  	s7 =	sadd.s32 $0x10, s7  }
.LBB2_22:
0x298: {  	_ =	sdelay $0x4  }
0x299: {  	[tilespmem:v6+s24+$0x0] =	vst.idx.msk vm0, v2  }
.LBB2_23:
0x29a: {  	p0 =	sgt.s32 s11, $0x0  }
.Ltmp19:
0x29b: {  	_ = 	snop;
	(pc) =	sbr.rel @!p0 .LBB2_27-.Ltmp19, $2  }
0x29c: {  	_ =	sdelay $0x2  }
0x29d: {  	s12 =	simm.s32 $0x0;
	s13 =	simm.s32 $0x0  }
.LBB2_24:
0x29e: {  	s14 =	sshll.u32 s13, $0x7  }
0x29f: {  	s7 =	sadd.s32 $0x1B800, s14  }
0x2a0: {  	[tilespmem:s25], [sflag:$0x3] =	stream.indirect.gather [hbm4b:s5+s4], $0x80, s7, s4, $0xb8;
	[tilespmem:$0x1FC00] =	vst v63  }
0x2a1: {  	_ =	swait.ge [sflag:s26], $0x2000  }
0x2a2: {  	[sflag:s26] =	ssyncset.done $0x0  }
0x2a3: {  	v6 =	vmov s12;
	s6 =	simm.s32 $0x7;
	s15 =	simm.s32 $0x1DE00;
	[sflag:s26] =	ssyncadd.s32 $0xFFFFE000  }
0x2a4: {  	v5 =	vmov s14;
	v6 =	vand.u32 $0x78, v6;
	v8 =	vmov s6;
	v10 =	vld [tilespmem:s15+$0xFFFFFE10]  }
0x2a5: {  	v6 =	vor.u32 v5, v6;
	v8 =	vand.u32 $0x7F, v8;
	v11 =	vld [tilespmem:s15+$0xFFFFFE20]  }
0x2a6: {  	v6 =	vbroadcast v6, $0x0;
	v8 =	vor.u32 v5, v8;
	v12 =	vld [tilespmem:s15+$0xFFFFFE30]  }
0x2a7: {  	v8 =	vbroadcast v8, $0x0;
	v13 =	vld [tilespmem:s15+$0xFFFFFE40]  }
0x2a8: {  	s1 =	simm.s32 $0x1;
	v14 =	vld [tilespmem:s15+$0xFFFFFE50]  }
0x2a9: {  	v7 =	vmov s1;
	v15 =	vld [tilespmem:s15+$0xFFFFFE60]  }
0x2aa: {  	v7 =	vand.u32 $0x79, v7;
	v17 =	vld [tilespmem:s15+$0x1F0]  }
0x2ab: {  	v7 =	vor.u32 v5, v7;
	v18 =	vld [tilespmem:s15+$0xFFFFFE80]  }
0x2ac: {  	v7 =	vbroadcast v7, $0x0;
	v9 =	vld.idx.msk [tilespmem:v6+s24+$0x0], $0xffff  }
0x2ad: {  	v6 =	vld.idx.msk [tilespmem:v8+s24+$0x0], $0xffff  }
0x2ae: {  	v8 =	vld [tilespmem:s15+$0xFFFFFE00]  }
0x2af: {  	v19 =	vld [tilespmem:s15+$0xFFFFFE90]  }
0x2b0: {  	v20 =	vld [tilespmem:s15+$0xFFFFFEA0]  }
0x2b1: {  	v21 =	vld [tilespmem:s15+$0xFFFFFEB0];
	v10 =	vmul.f32 v10, v9  }
0x2b2: {  	v7 =	vld.idx.msk [tilespmem:v7+s24+$0x0], $0xffff;
	v11 =	vmul.f32 v11, v9  }
0x2b3: {  	s8 =	simm.s32 $0x2;
	v22 =	vld [tilespmem:s15+$0xFFFFFEC0];
	v8 =	vmul.f32 v8, v9;
	[tilespmem:s15+$0xFFFFFE10] =	vst v10  }
0x2b4: {  	v16 =	vmov s8;
	v12 =	vmul.f32 v12, v9;
	v10 =	vld [tilespmem:s15+$0xFFFFFEE0];
	[tilespmem:s15+$0xFFFFFE20] =	vst v11  }
0x2b5: {  	v17 =	vmul.f32 v17, v6;
	v11 =	vmul.f32 v13, v9;
	v13 =	vld [tilespmem:s15+$0xFFFFFEF0];
	[tilespmem:s15+$0xFFFFFE00] =	vst v8;
	v8 =	vand.u32 $0x7A, v16  }
0x2b6: {  	[tilespmem:s15+$0xFFFFFE30] =	vst v12;
	v12 =	vmul.f32 v14, v9;
	v16 =	vld [tilespmem:s15+$0xFFFFFE70];
	v8 =	vor.u32 v5, v8  }
0x2b7: {  	v14 =	vld [tilespmem:s15+$0xFFFFFF00];
	[tilespmem:s15+$0x1F0] =	vst v17;
	v17 =	vmul.f32 v18, v7;
	v8 =	vbroadcast v8, $0x0  }
0x2b8: {  	s16 =	simm.s32 $0x3;
	v18 =	vld [tilespmem:s15+$0xFFFFFED0];
	[tilespmem:s15+$0xFFFFFE40] =	vst v11  }
0x2b9: {  	v11 =	vmul.f32 v15, v9;
	v15 =	vld [tilespmem:s15+$0xFFFFFF10];
	[tilespmem:s15+$0xFFFFFE80] =	vst v17;
	v17 =	vmov s16  }
0x2ba: {  	v22 =	vmul.f32 v22, v7;
	[tilespmem:s15+$0xFFFFFE50] =	vst v12;
	v12 =	vld [tilespmem:s15+$0xFFFFFF20];
	v17 =	vand.u32 $0x7B, v17  }
0x2bb: {  	[tilespmem:s15+$0xFFFFFE60] =	vst v11;
	v11 =	vmul.f32 v19, v7;
	v19 =	vld [tilespmem:s15+$0xFFFFFF40];
	v17 =	vor.u32 v5, v17;
	v9 =	vmul.f32 v16, v9  }
0x2bc: {  	v10 =	vmul.f32 v10, v7;
	v17 =	vbroadcast v17, $0x0;
	v16 =	vld [tilespmem:s15+$0xFFFFFF30]  }
0x2bd: {  	v18 =	vmul.f32 v18, v7;
	[tilespmem:s15+$0xFFFFFE70] =	vst v9;
	v9 =	vmul.f32 v20, v7;
	v8 =	vld.idx.msk [tilespmem:v8+s24+$0x0], $0xffff  }
0x2be: {  	[tilespmem:s15+$0xFFFFFE90] =	vst v11;
	v20 =	vmul.f32 v21, v7;
	v7 =	vmul.f32 v13, v7;
	v13 =	vld [tilespmem:s15+$0xFFFFFF90]  }
0x2bf: {  	[tilespmem:s15+$0xFFFFFED0] =	vst v18;
	v18 =	vld [tilespmem:s15+$0xFFFFFFD0]  }
0x2c0: {  	[tilespmem:s15+$0xFFFFFEA0] =	vst v9;
	v9 =	vld [tilespmem:s15+$0xFFFFFF60]  }
0x2c1: {  	[tilespmem:s15+$0xFFFFFEB0] =	vst v20;
	v20 =	vld [tilespmem:s15+$0xFFFFFF70]  }
0x2c2: {  	[tilespmem:s15+$0xFFFFFEE0] =	vst v10;
	v17 =	vld.idx.msk [tilespmem:v17+s24+$0x0], $0xffff;
	v11 =	vmul.f32 v14, v8  }
0x2c3: {  	s17 =	simm.s32 $0x4;
	[tilespmem:s15+$0xFFFFFEF0] =	vst v7;
	v14 =	vld [tilespmem:s15+$0xFFFFFF50];
	v10 =	vmul.f32 v15, v8  }
0x2c4: {  	v21 =	vmov s17;
	v15 =	vld [tilespmem:s15+$0xFFFFFFA0];
	v7 =	vmul.f32 v12, v8;
	[tilespmem:s15+$0xFFFFFF00] =	vst v11  }
0x2c5: {  	v19 =	vmul.f32 v19, v8;
	v11 =	vand.u32 $0x7C, v21;
	v21 =	vld [tilespmem:s15+$0xFFFFFF80];
	[tilespmem:s15+$0xFFFFFF10] =	vst v10  }
0x2c6: {  	v12 =	vld [tilespmem:s15+$0xFFFFFFB0];
	v9 =	vmul.f32 v9, v8;
	[tilespmem:s15+$0xFFFFFF20] =	vst v7;
	v11 =	vor.u32 v5, v11  }
0x2c7: {  	v10 =	vmul.f32 v16, v8;
	v16 =	vld [tilespmem:s15+$0xFFFFFFC0];
	[tilespmem:s15+$0xFFFFFF40] =	vst v19;
	v11 =	vbroadcast v11, $0x0  }
0x2c8: {  	v19 =	vld [tilespmem:s15+$0xFFFFFFF0];
	[tilespmem:s15+$0xFFFFFF60] =	vst v9;
	v9 =	vmul.f32 v13, v17  }
0x2c9: {  	v13 =	vld [tilespmem:s15+$0x10];
	[tilespmem:s15+$0xFFFFFF30] =	vst v10;
	v14 =	vmul.f32 v14, v8  }
0x2ca: {  	s18 =	simm.s32 $0x5;
	v10 =	vld [tilespmem:s15+$0xFFFFFFE0];
	[tilespmem:s15+$0xFFFFFF90] =	vst v9;
	v7 =	vmul.f32 v21, v17  }
0x2cb: {  	v8 =	vmul.f32 v20, v8;
	v9 =	vmul.f32 v12, v17;
	v12 =	vld [tilespmem:s15+$0x30];
	v21 =	vmov s18;
	[tilespmem:s15+$0xFFFFFF50] =	vst v14  }
0x2cc: {  	v18 =	vmul.f32 v18, v17;
	v14 =	vld [tilespmem:s15+$0x0];
	[tilespmem:s15+$0xFFFFFF80] =	vst v7;
	v7 =	vand.u32 $0x7D, v21  }
0x2cd: {  	[tilespmem:s15+$0xFFFFFF70] =	vst v8;
	v8 =	vmul.f32 v15, v17;
	v11 =	vld.idx.msk [tilespmem:v11+s24+$0x0], $0xffff;
	v7 =	vor.u32 v5, v7  }
0x2ce: {  	[tilespmem:s15+$0xFFFFFFD0] =	vst v18;
	v18 =	vld [tilespmem:s15+$0x70];
	v7 =	vbroadcast v7, $0x0  }
0x2cf: {  	v15 =	vld [tilespmem:s15+$0x20];
	[tilespmem:s15+$0xFFFFFFA0] =	vst v8;
	v8 =	vmul.f32 v16, v17  }
0x2d0: {  	[tilespmem:s15+$0xFFFFFFB0] =	vst v9;
	v16 =	vld [tilespmem:s15+$0x40];
	v10 =	vmul.f32 v10, v17;
	v17 =	vmul.f32 v19, v17  }
0x2d1: {  	[tilespmem:s15+$0xFFFFFFC0] =	vst v8;
	v8 =	vld [tilespmem:s15+$0x60]  }
0x2d2: {  	s19 =	simm.s32 $0x6;
	[tilespmem:s15+$0xFFFFFFF0] =	vst v17;
	v17 =	vld [tilespmem:s15+$0x90];
	v9 =	vmul.f32 v14, v11  }
0x2d3: {  	v20 =	vmov s19;
	[tilespmem:s15+$0xFFFFFFE0] =	vst v10;
	v14 =	vld [tilespmem:s15+$0x50];
	v10 =	vmul.f32 v13, v11  }
0x2d4: {  	v15 =	vmul.f32 v15, v11;
	v7 =	vld.idx.msk [tilespmem:v7+s24+$0x0], $0xffff;
	[tilespmem:s15+$0x0] =	vst v9;
	v9 =	vand.u32 $0x7E, v20  }
0x2d5: {  	v13 =	vld [tilespmem:s15+$0x80];
	[tilespmem:s15+$0x10] =	vst v10;
	v10 =	vmul.f32 v12, v11;
	v9 =	vor.u32 v5, v9  }
0x2d6: {  	[tilespmem:s15+$0x20] =	vst v15;
	v15 =	vmul.f32 v16, v11;
	v16 =	vld [tilespmem:s15+$0xB0];
	v9 =	vbroadcast v9, $0x0  }
0x2d7: {  	v8 =	vmul.f32 v8, v11;
	v12 =	vld [tilespmem:s15+$0xA0];
	[tilespmem:s15+$0x30] =	vst v10  }
0x2d8: {  	[tilespmem:s15+$0x40] =	vst v15;
	v15 =	vld [tilespmem:s15+$0xD0];
	v10 =	vmul.f32 v14, v11  }
0x2d9: {  	[tilespmem:s15+$0x60] =	vst v8;
	v14 =	vld [tilespmem:s15+$0xC0];
	v8 =	vmul.f32 v17, v7  }
0x2da: {  	[tilespmem:s15+$0x50] =	vst v10;
	v10 =	vld [tilespmem:s15+$0xE0]  }
0x2db: {  	v13 =	vmul.f32 v13, v7;
	[tilespmem:s15+$0x90] =	vst v8;
	v8 =	vmul.f32 v16, v7;
	v16 =	vld [tilespmem:s15+$0x110]  }
0x2dc: {  	[tilespmem:s15+$0xFFFFFEC0] =	vst v22;
	v21 =	vld.idx.msk [tilespmem:v9+s24+$0x0], $0xffff;
	v9 =	vmul.f32 v18, v11  }
0x2dd: {  	s28 =	simm.s32 $0xD;
	[tilespmem:s15+$0x80] =	vst v13;
	v11 =	vld [tilespmem:s15+$0xF0]  }
0x2de: {  	s23 =	simm.s32 $0xC;
	s6 =	simm.s32 $0xB;
	v22 =	vmov s28;
	[tilespmem:s15+$0x70] =	vst v9;
	v9 =	vmul.f32 v12, v7;
	v12 =	vld [tilespmem:s15+$0x100]  }
0x2df: {  	s20 =	simm.s32 $0x8;
	s21 =	simm.s32 $0x9;
	v19 =	vmov s6;
	v20 =	vmov s23;
	[tilespmem:s15+$0xB0] =	vst v8;
	v8 =	vmul.f32 v15, v7  }
0x2e0: {  	s22 =	simm.s32 $0xA;
	v17 =	vmov s21;
	v13 =	vmov s20;
	[tilespmem:s15+$0xA0] =	vst v9;
	v9 =	vmul.f32 v14, v7;
	v14 =	vld [tilespmem:s15+$0x120]  }
0x2e1: {  	v13 =	vand.u32 $0x78, v13;
	v18 =	vmov s22;
	v15 =	vld [tilespmem:s15+$0x130];
	[tilespmem:s15+$0xD0] =	vst v8;
	v16 =	vmul.f32 v16, v21  }
0x2e2: {  	s29 =	simm.s32 $0xE;
	v23 =	vld [tilespmem:s15+$0x140];
	[tilespmem:s15+$0xC0] =	vst v9;
	v9 =	vmul.f32 v10, v7;
	v10 =	vor.u32 v5, v13;
	v7 =	vmul.f32 v11, v7  }
0x2e3: {  	v11 =	vmov s29;
	v13 =	vand.u32 $0x79, v17;
	v8 =	vmul.f32 v12, v21;
	v12 =	vld [tilespmem:s15+$0x150];
	[tilespmem:s15+$0x110] =	vst v16  }
0x2e4: {  	v24 =	vld [tilespmem:s15+$0x160];
	v17 =	vand.u32 $0x7A, v18;
	v18 =	vand.u32 $0x7C, v20;
	[tilespmem:s15+$0xE0] =	vst v9;
	v9 =	vand.u32 $0x7B, v19  }
0x2e5: {  	[tilespmem:s15+$0xF0] =	vst v7;
	v7 =	vand.u32 $0x7D, v22;
	v19 =	vand.u32 $0x7E, v11;
	v22 =	vld [tilespmem:s15+$0x170];
	v11 =	vmul.f32 v14, v21  }
0x2e6: {  	v13 =	vor.u32 v5, v13;
	[tilespmem:s15+$0x100] =	vst v8;
	v8 =	vbroadcast v10, $0x0;
	v14 =	vmul.f32 v15, v21;
	v10 =	vld [tilespmem:s15+$0x180]  }
0x2e7: {  	v18 =	vor.u32 v5, v18;
	v15 =	vor.u32 v5, v17;
	v17 =	vmul.f32 v23, v21;
	[tilespmem:s15+$0x120] =	vst v11;
	v11 =	vld [tilespmem:s15+$0x190]  }
0x2e8: {  	v16 =	vor.u32 v5, v9;
	v9 =	vbroadcast v13, $0x0;
	[tilespmem:s15+$0x130] =	vst v14;
	v23 =	vmul.f32 v12, v21;
	v12 =	vld [tilespmem:s15+$0x1A0]  }
0x2e9: {  	v20 =	vor.u32 v5, v7;
	v13 =	vld [tilespmem:s15+$0x1B0];
	v14 =	vbroadcast v15, $0x0;
	[tilespmem:s15+$0x140] =	vst v17;
	v17 =	vmul.f32 v24, v21  }
0x2ea: {  	s16 =	simm.s32 $0x10;
	s6 =	simm.s32 $0xF;
	v19 =	vor.u32 v5, v19;
	v16 =	vbroadcast v16, $0x0;
	v15 =	vld [tilespmem:s15+$0x1C0];
	v21 =	vmul.f32 v22, v21;
	[tilespmem:s15+$0x150] =	vst v23  }
.LBB2_25:
0x2eb: {  	p0 =	slt.u32 s16, $0x38;
	v7 =	vbroadcast v18, $0x0;
	v18 =	vmov s6;
	[tilespmem:s15+$0x160] =	vst v17;
	v10 =	vmul.f32 v10, v6;
	v17 =	vld [tilespmem:s15+$0x1D0]  }
0x2ec: {  	v20 =	vbroadcast v20, $0x0;
	v18 =	vand.u32 $0x7F, v18;
	[tilespmem:s15+$0x170] =	vst v21;
	v11 =	vmul.f32 v11, v6;
	v21 =	vld [tilespmem:s15+$0x1E0]  }
0x2ed: {  	v19 =	vbroadcast v19, $0x0;
	v22 =	vld.idx.msk [tilespmem:v8+s24+$0x0], $0xffff;
	v8 =	vor.u32 v5, v18;
	[tilespmem:s15+$0x180] =	vst v10;
	v10 =	vmul.f32 v12, v6  }
0x2ee: {  	v12 =	vld.idx.msk [tilespmem:v9+s24+$0x0], $0xffff;
	v18 =	vbroadcast v8, $0x0;
	[tilespmem:s15+$0x190] =	vst v11;
	v8 =	vmul.f32 v13, v6  }
0x2ef: {  	v11 =	vld.idx.msk [tilespmem:v14+s24+$0x0], $0xffff;
	[tilespmem:s15+$0x1A0] =	vst v10;
	v13 =	vmul.f32 v15, v6  }
0x2f0: {  	v10 =	vld.idx.msk [tilespmem:v16+s24+$0x0], $0xffff;
	[tilespmem:s15+$0x1B0] =	vst v8;
	v14 =	vmul.f32 v17, v6  }
0x2f1: {  	v9 =	vld.idx.msk [tilespmem:v7+s24+$0x0], $0xffff;
	[tilespmem:s15+$0x1C0] =	vst v13;
	v6 =	vmul.f32 v21, v6  }
0x2f2: {  	v8 =	vld.idx.msk [tilespmem:v20+s24+$0x0], $0xffff;
	[tilespmem:s15+$0x1D0] =	vst v14  }
0x2f3: {  	v7 =	vld.idx.msk [tilespmem:v19+s24+$0x0], $0xffff;
	[tilespmem:s15+$0x1E0] =	vst v6  }
0x2f4: {  	s15 =	sadd.s32 $0x400, s15;
	v6 =	vld.idx.msk [tilespmem:v18+s24+$0x0], $0xffff  }
0x2f5: {  	v13 =	vld [tilespmem:s15+$0x1F0]  }
0x2f6: {  	v14 =	vld [tilespmem:s15+$0xFFFFFE00]  }
0x2f7: {  	v15 =	vld [tilespmem:s15+$0xFFFFFE10]  }
0x2f8: {  	v16 =	vld [tilespmem:s15+$0xFFFFFE20]  }
0x2f9: {  	v17 =	vld [tilespmem:s15+$0xFFFFFE30]  }
0x2fa: {  	v18 =	vld [tilespmem:s15+$0xFFFFFE40];
	v13 =	vmul.f32 v13, v6  }
0x2fb: {  	v14 =	vmul.f32 v14, v22;
	v19 =	vld [tilespmem:s15+$0xFFFFFE50]  }
0x2fc: {  	v15 =	vmul.f32 v15, v22;
	v20 =	vld [tilespmem:s15+$0xFFFFFE60];
	[tilespmem:s15+$0x1F0] =	vst v13  }
0x2fd: {  	[tilespmem:s15+$0xFFFFFE00] =	vst v14;
	v13 =	vmul.f32 v16, v22;
	v14 =	vld [tilespmem:s15+$0xFFFFFE70]  }
0x2fe: {  	[tilespmem:s15+$0xFFFFFE10] =	vst v15;
	v15 =	vmul.f32 v17, v22;
	v16 =	vld [tilespmem:s15+$0xFFFFFE80]  }
0x2ff: {  	[tilespmem:s15+$0xFFFFFE20] =	vst v13;
	v13 =	vmul.f32 v18, v22;
	v17 =	vld [tilespmem:s15+$0xFFFFFE90]  }
0x300: {  	[tilespmem:s15+$0xFFFFFE30] =	vst v15;
	v15 =	vmul.f32 v19, v22;
	v18 =	vld [tilespmem:s15+$0xFFFFFEA0]  }
0x301: {  	[tilespmem:s15+$0xFFFFFE40] =	vst v13;
	v13 =	vmul.f32 v20, v22;
	v19 =	vld [tilespmem:s15+$0xFFFFFEB0]  }
0x302: {  	[tilespmem:s15+$0xFFFFFE50] =	vst v15;
	v14 =	vmul.f32 v14, v22;
	v15 =	vld [tilespmem:s15+$0xFFFFFEC0]  }
0x303: {  	[tilespmem:s15+$0xFFFFFE60] =	vst v13;
	v13 =	vmul.f32 v16, v12;
	v16 =	vld [tilespmem:s15+$0xFFFFFED0]  }
0x304: {  	[tilespmem:s15+$0xFFFFFE70] =	vst v14;
	v14 =	vmul.f32 v17, v12;
	v17 =	vld [tilespmem:s15+$0xFFFFFEE0]  }
0x305: {  	[tilespmem:s15+$0xFFFFFE80] =	vst v13;
	v13 =	vmul.f32 v18, v12;
	v18 =	vld [tilespmem:s15+$0xFFFFFEF0]  }
0x306: {  	[tilespmem:s15+$0xFFFFFE90] =	vst v14;
	v14 =	vmul.f32 v19, v12;
	v19 =	vld [tilespmem:s15+$0xFFFFFF00]  }
0x307: {  	[tilespmem:s15+$0xFFFFFEA0] =	vst v13;
	v13 =	vmul.f32 v15, v12;
	v15 =	vld [tilespmem:s15+$0xFFFFFF10]  }
0x308: {  	[tilespmem:s15+$0xFFFFFEB0] =	vst v14;
	v14 =	vmul.f32 v16, v12;
	v16 =	vld [tilespmem:s15+$0xFFFFFF20]  }
0x309: {  	[tilespmem:s15+$0xFFFFFEC0] =	vst v13;
	v13 =	vmul.f32 v17, v12;
	v17 =	vld [tilespmem:s15+$0xFFFFFF30]  }
0x30a: {  	[tilespmem:s15+$0xFFFFFED0] =	vst v14;
	v12 =	vmul.f32 v18, v12;
	v14 =	vld [tilespmem:s15+$0xFFFFFF40]  }
0x30b: {  	[tilespmem:s15+$0xFFFFFEE0] =	vst v13;
	v13 =	vmul.f32 v19, v11;
	v18 =	vld [tilespmem:s15+$0xFFFFFF50]  }
0x30c: {  	[tilespmem:s15+$0xFFFFFEF0] =	vst v12;
	v12 =	vmul.f32 v15, v11;
	v15 =	vld [tilespmem:s15+$0xFFFFFF60]  }
0x30d: {  	[tilespmem:s15+$0xFFFFFF00] =	vst v13;
	v13 =	vmul.f32 v16, v11;
	v16 =	vld [tilespmem:s15+$0xFFFFFF70]  }
0x30e: {  	[tilespmem:s15+$0xFFFFFF10] =	vst v12;
	v12 =	vmul.f32 v17, v11;
	v17 =	vld [tilespmem:s15+$0xFFFFFF80]  }
0x30f: {  	[tilespmem:s15+$0xFFFFFF20] =	vst v13;
	v13 =	vmul.f32 v14, v11;
	v14 =	vld [tilespmem:s15+$0xFFFFFF90]  }
0x310: {  	[tilespmem:s15+$0xFFFFFF30] =	vst v12;
	v12 =	vmul.f32 v18, v11;
	v18 =	vld [tilespmem:s15+$0xFFFFFFA0]  }
0x311: {  	[tilespmem:s15+$0xFFFFFF40] =	vst v13;
	v13 =	vmul.f32 v15, v11;
	v15 =	vld [tilespmem:s15+$0xFFFFFFB0]  }
0x312: {  	[tilespmem:s15+$0xFFFFFF50] =	vst v12;
	v11 =	vmul.f32 v16, v11;
	v12 =	vld [tilespmem:s15+$0xFFFFFFC0]  }
0x313: {  	[tilespmem:s15+$0xFFFFFF60] =	vst v13;
	v13 =	vmul.f32 v17, v10;
	v16 =	vld [tilespmem:s15+$0xFFFFFFD0]  }
0x314: {  	[tilespmem:s15+$0xFFFFFF70] =	vst v11;
	v11 =	vmul.f32 v14, v10;
	v14 =	vld [tilespmem:s15+$0xFFFFFFE0]  }
0x315: {  	[tilespmem:s15+$0xFFFFFF80] =	vst v13;
	v13 =	vmul.f32 v18, v10;
	v17 =	vld [tilespmem:s15+$0xFFFFFFF0]  }
0x316: {  	[tilespmem:s15+$0xFFFFFF90] =	vst v11;
	v11 =	vmul.f32 v15, v10;
	v15 =	vld [tilespmem:s15+$0x0]  }
0x317: {  	[tilespmem:s15+$0xFFFFFFA0] =	vst v13;
	v12 =	vmul.f32 v12, v10;
	v13 =	vld [tilespmem:s15+$0x10]  }
0x318: {  	[tilespmem:s15+$0xFFFFFFB0] =	vst v11;
	v11 =	vmul.f32 v16, v10;
	v16 =	vld [tilespmem:s15+$0x20]  }
0x319: {  	[tilespmem:s15+$0xFFFFFFC0] =	vst v12;
	v12 =	vmul.f32 v14, v10;
	v14 =	vld [tilespmem:s15+$0x30]  }
0x31a: {  	[tilespmem:s15+$0xFFFFFFD0] =	vst v11;
	v10 =	vmul.f32 v17, v10;
	v11 =	vld [tilespmem:s15+$0x40]  }
0x31b: {  	[tilespmem:s15+$0xFFFFFFE0] =	vst v12;
	v12 =	vmul.f32 v15, v9;
	v15 =	vld [tilespmem:s15+$0x50]  }
0x31c: {  	[tilespmem:s15+$0xFFFFFFF0] =	vst v10;
	v10 =	vmul.f32 v13, v9;
	v13 =	vld [tilespmem:s15+$0x60]  }
0x31d: {  	[tilespmem:s15+$0x0] =	vst v12;
	v12 =	vmul.f32 v16, v9;
	v16 =	vld [tilespmem:s15+$0x70]  }
0x31e: {  	[tilespmem:s15+$0x10] =	vst v10;
	v10 =	vmul.f32 v14, v9;
	v14 =	vld [tilespmem:s15+$0x80]  }
0x31f: {  	[tilespmem:s15+$0x20] =	vst v12;
	v11 =	vmul.f32 v11, v9;
	v12 =	vld [tilespmem:s15+$0x90]  }
0x320: {  	[tilespmem:s15+$0x30] =	vst v10;
	v10 =	vmul.f32 v15, v9;
	v15 =	vld [tilespmem:s15+$0xA0]  }
0x321: {  	[tilespmem:s15+$0x40] =	vst v11;
	v11 =	vmul.f32 v13, v9;
	v13 =	vld [tilespmem:s15+$0xB0]  }
0x322: {  	[tilespmem:s15+$0x50] =	vst v10;
	v9 =	vmul.f32 v16, v9;
	v10 =	vld [tilespmem:s15+$0xC0]  }
0x323: {  	[tilespmem:s15+$0x60] =	vst v11;
	v11 =	vmul.f32 v14, v8;
	v14 =	vld [tilespmem:s15+$0xD0]  }
0x324: {  	[tilespmem:s15+$0x70] =	vst v9;
	v9 =	vmul.f32 v12, v8;
	v12 =	vld [tilespmem:s15+$0xE0]  }
0x325: {  	[tilespmem:s15+$0x80] =	vst v11;
	v11 =	vmul.f32 v15, v8;
	v15 =	vld [tilespmem:s15+$0xF0]  }
0x326: {  	s1 =	sadd.s32 $0x1, s16;
	v16 =	vmov s16;
	[tilespmem:s15+$0x90] =	vst v9;
	v9 =	vmul.f32 v13, v8;
	v13 =	vld [tilespmem:s15+$0x100]  }
0x327: {  	s6 =	sadd.s32 $0x3, s16;
	v17 =	vmov s1;
	s1 =	sadd.s32 $0x2, s16;
	v16 =	vand.u32 $0x78, v16;
	[tilespmem:s15+$0xA0] =	vst v11;
	v10 =	vmul.f32 v10, v8;
	v11 =	vld [tilespmem:s15+$0x110]  }
0x328: {  	v19 =	vmov s6;
	s6 =	sadd.s32 $0x5, s16;
	v18 =	vmov s1;
	s1 =	sadd.s32 $0x4, s16;
	[tilespmem:s15+$0xB0] =	vst v9;
	v9 =	vmul.f32 v14, v8;
	v14 =	vld [tilespmem:s15+$0x120]  }
0x329: {  	v21 =	vmov s6;
	v20 =	vmov s1;
	s1 =	sadd.s32 $0x6, s16;
	[tilespmem:s15+$0xC0] =	vst v10;
	v10 =	vmul.f32 v12, v8;
	v12 =	vld [tilespmem:s15+$0x130]  }
0x32a: {  	v22 =	vmov s1;
	v16 =	vor.u32 v5, v16;
	[tilespmem:s15+$0xD0] =	vst v9;
	v8 =	vmul.f32 v15, v8;
	v9 =	vld [tilespmem:s15+$0x140]  }
0x32b: {  	v15 =	vand.u32 $0x79, v17;
	v17 =	vand.u32 $0x7A, v18;
	[tilespmem:s15+$0xE0] =	vst v10;
	v10 =	vmul.f32 v13, v7;
	v13 =	vld [tilespmem:s15+$0x150]  }
0x32c: {  	v18 =	vand.u32 $0x7B, v19;
	v19 =	vand.u32 $0x7C, v20;
	[tilespmem:s15+$0xF0] =	vst v8;
	v11 =	vmul.f32 v11, v7;
	v23 =	vld [tilespmem:s15+$0x160]  }
0x32d: {  	v20 =	vand.u32 $0x7D, v21;
	v21 =	vand.u32 $0x7E, v22;
	[tilespmem:s15+$0x100] =	vst v10;
	v14 =	vmul.f32 v14, v7;
	v22 =	vld [tilespmem:s15+$0x170]  }
.Ltmp20:
0x32e: {  	v15 =	vor.u32 v5, v15;
	v8 =	vbroadcast v16, $0x0;
	[tilespmem:s15+$0x110] =	vst v11;
	v12 =	vmul.f32 v12, v7;
	v10 =	vld [tilespmem:s15+$0x180];
	(pc) =	sbr.rel @p0 .LBB2_25-.Ltmp20, $4  }
0x32f: {  	v24 =	vor.u32 v5, v18;
	v16 =	vor.u32 v5, v17;
	[tilespmem:s15+$0x120] =	vst v14;
	v17 =	vmul.f32 v9, v7;
	v11 =	vld [tilespmem:s15+$0x190]  }
0x330: {  	v18 =	vor.u32 v5, v19;
	v9 =	vbroadcast v15, $0x0;
	[tilespmem:s15+$0x130] =	vst v12;
	v15 =	vmul.f32 v13, v7;
	v12 =	vld [tilespmem:s15+$0x1A0]  }
0x331: {  	v20 =	vor.u32 v5, v20;
	v14 =	vbroadcast v16, $0x0;
	[tilespmem:s15+$0x140] =	vst v17;
	v17 =	vmul.f32 v23, v7;
	v13 =	vld [tilespmem:s15+$0x1B0]  }
0x332: {  	s6 =	sadd.s32 $0x7, s16;
	s16 =	sadd.s32 $0x8, s16;
	v19 =	vor.u32 v5, v21;
	v16 =	vbroadcast v24, $0x0;
	[tilespmem:s15+$0x150] =	vst v15;
	v21 =	vmul.f32 v22, v7;
	v15 =	vld [tilespmem:s15+$0x1C0]  }
0x333: {  	_ =	sdelay $0x1  }
0x334: {  	v22 =	vld [tilespmem:s15+$0x1D0]  }
0x335: {  	v23 =	vld [tilespmem:s15+$0x1E0]  }
0x336: {  	v59 =	vld.idx.msk [tilespmem:v8+s24+$0x0], $0xffff  }
0x337: {  	v24 =	vld.idx.msk [tilespmem:v9+s24+$0x0], $0xffff  }
0x338: {  	v14 =	vld.idx.msk [tilespmem:v14+s24+$0x0], $0xffff  }
0x339: {  	s29 =	sadd.s32 $0x400, s15;
	v16 =	vld.idx.msk [tilespmem:v16+s24+$0x0], $0xffff  }
0x33a: {  	v61 =	vld [tilespmem:s29+$0x1F0]  }
0x33b: {  	v20 =	vbroadcast v20, $0x0;
	v63 =	vld [tilespmem:s29+$0xFFFFFE00]  }
0x33c: {  	v10 =	vmul.f32 v10, v6;
	[tilespmem:s15+$0x170] =	vst v21;
	v21 =	vld [tilespmem:s29+$0xFFFFFE10]  }
0x33d: {  	[tilespmem:s15+$0x160] =	vst v17;
	v11 =	vmul.f32 v11, v6;
	v26 =	vld [tilespmem:s29+$0xFFFFFE20]  }
0x33e: {  	v27 =	vld [tilespmem:s29+$0xFFFFFE30];
	[tilespmem:s15+$0x180] =	vst v10;
	v60 =	vmul.f32 v12, v6  }
0x33f: {  	v28 =	vld [tilespmem:s29+$0xFFFFFE40];
	[tilespmem:s15+$0x190] =	vst v11;
	v62 =	vmul.f32 v13, v6  }
0x340: {  	v29 =	vld [tilespmem:s29+$0xFFFFFE50];
	[tilespmem:s15+$0x1A0] =	vst v60;
	v25 =	vmul.f32 v22, v6  }
0x341: {  	[tilespmem:s15+$0x1B0] =	vst v62;
	v8 =	vld.idx.msk [tilespmem:v20+s24+$0x0], $0xffff;
	v20 =	vmul.f32 v15, v6  }
0x342: {  	v30 =	vld [tilespmem:s29+$0xFFFFFE60];
	v6 =	vmul.f32 v23, v6;
	[tilespmem:s15+$0x1D0] =	vst v25  }
0x343: {  	v31 =	vld [tilespmem:s29+$0xFFFFFE70];
	v15 =	vmul.f32 v21, v59;
	[tilespmem:s15+$0x1C0] =	vst v20  }
0x344: {  	v32 =	vld [tilespmem:s29+$0xFFFFFE80];
	[tilespmem:s15+$0x1E0] =	vst v6;
	v6 =	vmul.f32 v63, v59  }
0x345: {  	v33 =	vld [tilespmem:s29+$0xFFFFFE90];
	v10 =	vmul.f32 v27, v59;
	[tilespmem:s29+$0xFFFFFE10] =	vst v15  }
0x346: {  	v35 =	vld [tilespmem:s29+$0xFFFFFEA0];
	[tilespmem:s29+$0xFFFFFE00] =	vst v6;
	v6 =	vmul.f32 v26, v59  }
0x347: {  	v36 =	vld [tilespmem:s29+$0xFFFFFEB0];
	v34 =	vmul.f32 v29, v59;
	[tilespmem:s29+$0xFFFFFE30] =	vst v10  }
0x348: {  	v38 =	vld [tilespmem:s29+$0xFFFFFEC0];
	[tilespmem:s29+$0xFFFFFE20] =	vst v6;
	v6 =	vmul.f32 v28, v59  }
0x349: {  	v39 =	vld [tilespmem:s29+$0xFFFFFED0];
	v37 =	vmul.f32 v31, v59;
	[tilespmem:s29+$0xFFFFFE50] =	vst v34  }
0x34a: {  	v41 =	vld [tilespmem:s29+$0xFFFFFEE0];
	[tilespmem:s29+$0xFFFFFE40] =	vst v6;
	v6 =	vmul.f32 v30, v59  }
0x34b: {  	v42 =	vld [tilespmem:s29+$0xFFFFFEF0];
	v40 =	vmul.f32 v33, v24;
	[tilespmem:s29+$0xFFFFFE70] =	vst v37  }
0x34c: {  	v44 =	vld [tilespmem:s29+$0xFFFFFF00];
	[tilespmem:s29+$0xFFFFFE60] =	vst v6;
	v6 =	vmul.f32 v32, v24  }
0x34d: {  	v45 =	vld [tilespmem:s29+$0xFFFFFF10];
	v43 =	vmul.f32 v36, v24;
	[tilespmem:s29+$0xFFFFFE90] =	vst v40  }
0x34e: {  	v47 =	vld [tilespmem:s29+$0xFFFFFF20];
	[tilespmem:s29+$0xFFFFFE80] =	vst v6;
	v6 =	vmul.f32 v35, v24  }
0x34f: {  	v48 =	vld [tilespmem:s29+$0xFFFFFF30];
	v46 =	vmul.f32 v39, v24;
	[tilespmem:s29+$0xFFFFFEB0] =	vst v43  }
0x350: {  	v7 =	vbroadcast v18, $0x0;
	v50 =	vld [tilespmem:s29+$0xFFFFFF40];
	[tilespmem:s29+$0xFFFFFEA0] =	vst v6;
	v6 =	vmul.f32 v38, v24  }
0x351: {  	v19 =	vbroadcast v19, $0x0;
	v51 =	vld [tilespmem:s29+$0xFFFFFF50];
	v49 =	vmul.f32 v42, v24;
	[tilespmem:s29+$0xFFFFFED0] =	vst v46  }
0x352: {  	v53 =	vld [tilespmem:s29+$0xFFFFFF60];
	[tilespmem:s29+$0xFFFFFEC0] =	vst v6;
	v6 =	vmul.f32 v41, v24  }
0x353: {  	v56 =	vld [tilespmem:s29+$0xFFFFFF80];
	v52 =	vmul.f32 v45, v14;
	[tilespmem:s29+$0xFFFFFEF0] =	vst v49  }
0x354: {  	v57 =	vld [tilespmem:s29+$0xFFFFFF90];
	[tilespmem:s29+$0xFFFFFEE0] =	vst v6;
	v6 =	vmul.f32 v44, v14  }
0x355: {  	v60 =	vld [tilespmem:s29+$0xFFFFFFB0];
	v55 =	vmul.f32 v48, v14;
	[tilespmem:s29+$0xFFFFFF10] =	vst v52  }
0x356: {  	v58 =	vmov s6;
	v9 =	vld.idx.msk [tilespmem:v7+s24+$0x0], $0xffff;
	[tilespmem:s29+$0xFFFFFF00] =	vst v6;
	v6 =	vmul.f32 v47, v14  }
0x357: {  	v18 =	vand.u32 $0x7F, v58;
	v7 =	vld.idx.msk [tilespmem:v19+s24+$0x0], $0xffff;
	v58 =	vmul.f32 v51, v14;
	[tilespmem:s29+$0xFFFFFF30] =	vst v55  }
0x358: {  	v29 =	vld [tilespmem:s29+$0x50];
	[tilespmem:s29+$0xFFFFFF20] =	vst v6;
	v6 =	vmul.f32 v50, v14  }
0x359: {  	v5 =	vor.u32 v5, v18;
	v18 =	vmul.f32 v57, v16;
	[tilespmem:s29+$0xFFFFFF50] =	vst v58;
	v59 =	vld [tilespmem:s29+$0xFFFFFFA0]  }
0x35a: {  	v51 =	vld [tilespmem:s29+$0x150];
	[tilespmem:s29+$0xFFFFFF40] =	vst v6;
	v6 =	vmul.f32 v53, v14  }
0x35b: {  	v62 =	vld [tilespmem:s29+$0xFFFFFFC0];
	[tilespmem:s29+$0xFFFFFF90] =	vst v18;
	v21 =	vmul.f32 v60, v16  }
0x35c: {  	v5 =	vbroadcast v5, $0x0;
	v20 =	vld [tilespmem:s29+$0xFFFFFFF0];
	[tilespmem:s29+$0xFFFFFF60] =	vst v6;
	v6 =	vmul.f32 v56, v16  }
0x35d: {  	v19 =	vld [tilespmem:s29+$0xFFFFFFE0];
	[tilespmem:s29+$0xFFFFFFB0] =	vst v21;
	v36 =	vmul.f32 v29, v9  }
0x35e: {  	v46 =	vld [tilespmem:s29+$0x110];
	[tilespmem:s29+$0xFFFFFF80] =	vst v6;
	v6 =	vmul.f32 v59, v16  }
0x35f: {  	v22 =	vld [tilespmem:s29+$0x0];
	v58 =	vmul.f32 v51, v7;
	[tilespmem:s29+$0x50] =	vst v36  }
0x360: {  	v49 =	vld [tilespmem:s29+$0x130];
	[tilespmem:s29+$0xFFFFFFA0] =	vst v6;
	v6 =	vmul.f32 v62, v16  }
0x361: {  	v25 =	vld [tilespmem:s29+$0x20];
	v27 =	vmul.f32 v20, v16;
	[tilespmem:s29+$0x150] =	vst v58  }
0x362: {  	v5 =	vld.idx.msk [tilespmem:v5+s24+$0x0], $0xffff;
	[tilespmem:s29+$0xFFFFFFC0] =	vst v6;
	v6 =	vmul.f32 v19, v16  }
0x363: {  	v28 =	vld [tilespmem:s29+$0x40];
	v52 =	vmul.f32 v46, v7;
	[tilespmem:s29+$0xFFFFFFF0] =	vst v27  }
0x364: {  	v54 =	vld [tilespmem:s29+$0xFFFFFF70];
	[tilespmem:s29+$0xFFFFFFE0] =	vst v6;
	v6 =	vmul.f32 v22, v9  }
0x365: {  	v31 =	vld [tilespmem:s29+$0x60];
	v55 =	vmul.f32 v49, v7;
	[tilespmem:s29+$0x110] =	vst v52  }
0x366: {  	v23 =	vld [tilespmem:s29+$0x10];
	[tilespmem:s29+$0x0] =	vst v6;
	v6 =	vmul.f32 v25, v9  }
0x367: {  	v34 =	vld [tilespmem:s29+$0x80];
	v12 =	vmul.f32 v61, v5;
	[tilespmem:s29+$0x130] =	vst v55  }
0x368: {  	v26 =	vld [tilespmem:s29+$0x30];
	[tilespmem:s29+$0x20] =	vst v6;
	v6 =	vmul.f32 v28, v9  }
0x369: {  	v37 =	vld [tilespmem:s29+$0xA0];
	v61 =	vmul.f32 v54, v14;
	[tilespmem:s29+$0x1F0] =	vst v12  }
0x36a: {  	v63 =	vld [tilespmem:s29+$0xFFFFFFD0];
	[tilespmem:s29+$0x40] =	vst v6;
	v6 =	vmul.f32 v31, v9  }
0x36b: {  	v39 =	vld [tilespmem:s29+$0xC0];
	v30 =	vmul.f32 v23, v9;
	[tilespmem:s29+$0xFFFFFF70] =	vst v61  }
0x36c: {  	v35 =	vld [tilespmem:s29+$0x90];
	[tilespmem:s29+$0x60] =	vst v6;
	v6 =	vmul.f32 v34, v8  }
0x36d: {  	v42 =	vld [tilespmem:s29+$0xE0];
	v33 =	vmul.f32 v26, v9;
	[tilespmem:s29+$0x10] =	vst v30  }
0x36e: {  	v38 =	vld [tilespmem:s29+$0xB0];
	[tilespmem:s29+$0x80] =	vst v6;
	v6 =	vmul.f32 v37, v8  }
0x36f: {  	v45 =	vld [tilespmem:s29+$0x100];
	[tilespmem:s29+$0x30] =	vst v33;
	v24 =	vmul.f32 v63, v16  }
0x370: {  	v40 =	vld [tilespmem:s29+$0xD0];
	[tilespmem:s29+$0xA0] =	vst v6;
	v6 =	vmul.f32 v39, v8  }
0x371: {  	v48 =	vld [tilespmem:s29+$0x120];
	v41 =	vmul.f32 v35, v8;
	[tilespmem:s29+$0xFFFFFFD0] =	vst v24  }
0x372: {  	v32 =	vld [tilespmem:s29+$0x70];
	[tilespmem:s29+$0xC0] =	vst v6;
	v6 =	vmul.f32 v42, v8  }
0x373: {  	[tilespmem:s29+$0x90] =	vst v41;
	v44 =	vmul.f32 v38, v8;
	v50 =	vld [tilespmem:s29+$0x140]  }
0x374: {  	v43 =	vld [tilespmem:s29+$0xF0];
	[tilespmem:s29+$0xE0] =	vst v6;
	v6 =	vmul.f32 v45, v7  }
0x375: {  	v47 =	vmul.f32 v40, v8;
	[tilespmem:s29+$0xB0] =	vst v44;
	v53 =	vld [tilespmem:s29+$0x160]  }
0x376: {  	v54 =	vld [tilespmem:s29+$0x170];
	[tilespmem:s29+$0x100] =	vst v6;
	v6 =	vmul.f32 v48, v7  }
0x377: {  	[tilespmem:s29+$0xD0] =	vst v47;
	v56 =	vld [tilespmem:s29+$0x180];
	v9 =	vmul.f32 v32, v9  }
0x378: {  	v57 =	vld [tilespmem:s29+$0x190];
	[tilespmem:s29+$0x120] =	vst v6;
	v6 =	vmul.f32 v50, v7  }
0x379: {  	v59 =	vld [tilespmem:s29+$0x1A0];
	[tilespmem:s29+$0x70] =	vst v9;
	v8 =	vmul.f32 v43, v8  }
0x37a: {  	v60 =	vld [tilespmem:s29+$0x1B0];
	[tilespmem:s29+$0x140] =	vst v6;
	v6 =	vmul.f32 v53, v7  }
0x37b: {  	v61 =	vld [tilespmem:s29+$0x1C0];
	[tilespmem:s29+$0xF0] =	vst v8;
	v7 =	vmul.f32 v54, v7  }
0x37c: {  	v62 =	vld [tilespmem:s29+$0x1D0];
	[tilespmem:s29+$0x160] =	vst v6;
	v6 =	vmul.f32 v56, v5  }
0x37d: {  	v63 =	vld [tilespmem:s29+$0x1E0];
	[tilespmem:s29+$0x170] =	vst v7;
	v7 =	vmul.f32 v57, v5  }
0x37e: {  	[tilespmem:s29+$0x180] =	vst v6;
	v6 =	vmul.f32 v59, v5  }
0x37f: {  	[tilespmem:s29+$0x190] =	vst v7;
	v7 =	vmul.f32 v60, v5  }
0x380: {  	[tilespmem:s29+$0x1A0] =	vst v6;
	v6 =	vmul.f32 v61, v5  }
0x381: {  	[tilespmem:s29+$0x1B0] =	vst v7;
	v7 =	vmul.f32 v62, v5  }
0x382: {  	v5 =	vmul.f32 v63, v5;
	[tilespmem:s29+$0x1C0] =	vst v6  }
0x383: {  	s13 =	sadd.s32 $0x1, s13;
	[tilespmem:s29+$0x1D0] =	vst v7  }
0x384: {  	s1 =	sadd.s32 $0x1C400, s14;
	p0 =	sne.s32 s13, s11;
	[tilespmem:s29+$0x1E0] =	vst v5  }
0x385: {  	[spmem:s2] =	stream.indirect.scatter.add.f32 [tilespmem:s25], [sflag:$0x3], $0x80, s1, s4, $0xb8;
	[tilespmem:$0x1FC00] =	vst v63  }
.Ltmp21:
0x386: {  	_ = 	snop;
	(pc) =	sbr.rel @p0 .LBB2_24-.Ltmp21, $4  }
.Ltmp22:
0x387: {  	_ = 	snop;
	(pc) =	sbr.rel @!p0 .LBB2_27-.Ltmp22, $4  }
0x388: {  	_ =	swait.ge [sflag:s26], $0x2000  }
0x389: {  	[sflag:s26] =	ssyncset.done $0x0  }
0x38a: {  	[sflag:s26] =	ssyncadd.s32 $0xFFFFE000  }
0x38b: {  	_ = 	snop  }
.LBB2_28:
0x38c: {  	_ =	swait.ge [sflag:s30], $0x1400;
	s1 =	simm.s32 $0x0  }
0x38d: {  	[sflag:s30] =	ssyncset.done $0x0;
	s6 =	sand.u32 $0x40, s1;
	s7 =	sand.u32 $0x1E00, s1  }
0x38e: {  	[sflag:s30] =	ssyncadd.s32 $0xFFFFEC00;
	s7 =	sor.u32 s6, s7  }
0x38f: {  	s6 =	sadd.s32 $0x19000, s7;
	v5 =	vld [tilespmem:s7+$0x19000]  }
0x390: {  	v6 =	vld [tilespmem:s6+$0x10]  }
0x391: {  	v7 =	vld [tilespmem:s6+$0x20]  }
0x392: {  	v8 =	vld [tilespmem:s6+$0x30];
	_ =	sdelay $0x1  }
0x393: {  	v13 =	vsub.s32 v5, v4  }
0x394: {  	vm0 =	vlt.u32 v13, $0x3200;
	v10 =	vsub.s32 v6, v4  }
0x395: {  	v11 =	vsub.s32 v7, v4;
	v5 =	vsel vm0, $0x1, v1;
	vm3 =	vlt.u32 v10, $0x3200  }
0x396: {  	v9 =	vsub.s32 v8, v4;
	vm4 =	vlt.u32 v11, $0x3200;
	v6 =	vsel vm3, $0x1, v1;
	(xrf0) =	vadd.scan.msk.s32 $0xffff, v5  }
0x397: {  	vm1 =	vlt.u32 v9, $0x3200;
	v5 =	vsel vm4, $0x1, v1;
	(xrf0) =	vadd.scan.msk.s32 $0xffff, v6  }
0x398: {  	v6 =	vsel vm1, $0x1, v1;
	(xrf0) =	vadd.scan.msk.s32 $0xffff, v5  }
0x399: {  	(xrf0) =	vadd.scan.msk.s32 $0xffff, v6;
	_ =	sdelay $0x2  }
0x39a: {  	v5, _, _ =	vpop (xrf0)  }
0x39b: {  	(v2sf) =	vpush v5, $0xF;
	v12, _, _ =	vpop (xrf0)  }
0x39c: {  	(v2sf) =	vpush v12, $0xF;
	v14, _, _ =	vpop (xrf0)  }
0x39d: {  	(v2sf) =	vpush v14, $0xF;
	v15, _, _ =	vpop (xrf0)  }
0x39e: {  	s17 =	simm.s32 $0x100;
	s8 =	simm.s32 $0x40;
	(v2sf) =	vpush v15, $0xF  }
0x39f: {  	s8 =	sand.u32 $0x40, s8;
	s7 =	sand.u32 $0x1E00, s17  }
0x3a0: {  	s7 =	sor.u32 s8, s7  }
0x3a1: {  	v7 =	vld [tilespmem:s7+$0x19000]  }
0x3a2: {  	s9 =	sadd.s32 $0x19000, s7  }
0x3a3: {  	v16 =	vld [tilespmem:s9+$0x10];
	v6 =	vmov s1  }
0x3a4: {  	v17 =	vld [tilespmem:s9+$0x20];
	v6 =	vadd.s32 $0xFFFFFFFF, v6  }
0x3a5: {  	v6 =	vbroadcast v6, $0x0  }
0x3a6: {  	vm2 =	vmmov vm0;
	v8 =	vsub.s32 v7, v4  }
0x3a7: {  	v18 =	vld [tilespmem:s6+$0x80];
	vm5 =	vmmov vm3;
	vm3 =	vlt.u32 v8, $0x3200;
	v5 =	vadd.s32 v5, v6  }
0x3a8: {  	v20 =	vld [tilespmem:s9+$0x30];
	v6 =	vsub.s32 v16, v4;
	v16 =	vsel vm3, $0x1, v1;
	v19 =	vshll.u32 v5, $0x1  }
0x3a9: {  	v7 =	vand.u32 $0x3F, v5;
	vm9 =	vlt.u32 v6, $0x3200;
	v5 =	vsub.s32 v17, v4  }
0x3aa: {  	(xrf0) =	vadd.scan.msk.s32 $0xffff, v16;
	v17 =	vand.u32 $0xFFFFFF80, v19;
	v19 =	vsel vm9, $0x1, v1;
	vm0 =	vlt.u32 v5, $0x3200;
	s18 =	spop (v2sf)  }
0x3ab: {  	v16 =	vsel vm0, $0x1, v1;
	(xrf0) =	vadd.scan.msk.s32 $0xffff, v19;
	s1 =	sadd.s32 $0x0, s18;
	s19 =	spop (v2sf)  }
0x3ac: {  	v21 =	vor.u32 v7, v17;
	(xrf0) =	vadd.scan.msk.s32 $0xffff, v16;
	v16 =	vmov s1;
	s1 =	sadd.s32 s1, s19;
	s20 =	spop (v2sf)  }
0x3ad: {  	v17 =	vadd.s32 v0, v18;
	v7 =	vsub.s32 v20, v4;
	v18 =	vmov s1;
	s1 =	sadd.s32 s1, s20;
	s21 =	spop (v2sf)  }
0x3ae: {  	vm11 =	vlt.u32 v7, $0x3200;
	s18 =	sadd.s32 s1, s21  }
0x3af: {  	vm13 =	vmmov vm4;
	v19 =	vsel vm11, $0x1, v1;
	v22 =	vmov s18  }
0x3b0: {  	vm1 =	vmmov vm1;
	vm10 =	vmmov vm5;
	(xrf0) =	vadd.scan.msk.s32 $0xffff, v19;
	v16 =	vadd.s32 $0xFFFFFFFF, v16  }
0x3b1: {  	p0 =	por $0x0, $0x0;
	s8 =	simm.s32 $0x1;
	v16 =	vbroadcast v16, $0x0;
	v18 =	vadd.s32 $0xFFFFFFFF, v18;
	v20 =	vmov s1  }
0x3b2: {  	s8 =	simm.s32 @!p0 $0x0;
	v18 =	vbroadcast v18, $0x0;
	v19 =	vadd.s32 $0xFFFFFFFF, v20;
	v20 =	vadd.s32 $0xFFFFFFFF, v22;
	v22, _, _ =	vpop (xrf0)  }
0x3b3: {  	s22 =	sshll.u32 s8, $0x6;
	[tilespmem:v21+s31+$0x0] =	vst.idx.msk vm2, v17;
	v16 =	vadd.s32 v12, v16;
	v17 =	vbroadcast v19, $0x0;
	(v2sf) =	vpush v22, $0xF  }
0x3b4: {  	v24 =	vld [tilespmem:s6+$0xA0];
	s11 =	sadd.s32 $0x0, s22;
	v19 =	vshll.u32 v16, $0x1;
	v14 =	vadd.s32 v14, v18;
	v16 =	vand.u32 $0x3F, v16;
	v12, _, _ =	vpop (xrf0)  }
0x3b5: {  	v25 =	vld [tilespmem:s6+$0x90];
	[tilespmem:v21+s0+$0x0] =	vst.idx.msk vm2, v13;
	s1 =	sor.u32 $0x100, s11;
	v18 =	vand.u32 $0xFFFFFF80, v19;
	v23 =	vand.u32 $0x3F, v14;
	(v2sf) =	vpush v12, $0xF;
	v13, _, _ =	vpop (xrf0)  }
0x3b6: {  	v19 =	vld [tilespmem:s1+$0x19000];
	v14 =	vshll.u32 v14, $0x1;
	v17 =	vadd.s32 v15, v17;
	(v2sf) =	vpush v13, $0xF;
	v15, _, _ =	vpop (xrf0)  }
0x3b7: {  	s8 =	simm.s32 $0x80;
	s7 =	simm.s32 $0x200;
	v14 =	vand.u32 $0xFFFFFF80, v14;
	v16 =	vor.u32 v16, v18;
	(v2sf) =	vpush v15, $0xF  }
0x3b8: {  	v26 =	vld [tilespmem:s9+$0x80];
	s23 =	sand.u32 $0x40, s8;
	s10 =	sand.u32 $0x1E00, s7;
	v20 =	vbroadcast v20, $0x0;
	v18 =	vshll.u32 v17, $0x1;
	v14 =	vor.u32 v23, v14  }
0x3b9: {  	vm12 =	vmmov vm13;
	s1 =	sor.u32 s23, s10;
	v17 =	vand.u32 $0x3F, v17;
	v23 =	vld [tilespmem:s6+$0xB0];
	v18 =	vand.u32 $0xFFFFFF80, v18  }
0x3ba: {  	vm8 =	vmmov vm1;
	s10 =	sadd.s32 $0x19000, s1;
	v27 =	vld [tilespmem:s1+$0x19000];
	v17 =	vor.u32 v17, v18;
	v18 =	vadd.s32 v22, v20  }
0x3bb: {  	s12 =	simm.s32 $0x1;
	p0 =	por !p0, !p0;
	s28 =	sadd.s32 $0x10, s11;
	vm6 =	vmmov vm3;
	v20 =	vld [tilespmem:s10+$0x10];
	[tilespmem:v21+s24+$0x0] =	vst.idx.msk vm2, v19;
	v21 =	vadd.s32 v0, v24;
	v24 =	vadd.s32 v0, v25  }
0x3bc: {  	s13 =	sadd.s32 $0x20, s11;
	s14 =	sadd.s32 $0x30, s11;
	vm7 =	vmmov vm9;
	vm3 =	vmmov vm9;
	s6 =	simm.s32 $0x1;
	v22 =	vld [tilespmem:s10+$0x20];
	v19 =	vshll.u32 v18, $0x1;
	[tilespmem:v16+s31+$0x0] =	vst.idx.msk vm5, v24  }
0x3bd: {  	s29 =	sor.u32 $0x100, s14;
	vm4 =	vmmov vm11;
	s6 =	simm.s32 @!p0 $0x0;
	p0 =	por !p0, !p0;
	v18 =	vand.u32 $0x3F, v18;
	v25 =	vld [tilespmem:s10+$0x30];
	v19 =	vand.u32 $0xFFFFFF80, v19;
	[tilespmem:v14+s31+$0x0] =	vst.idx.msk vm13, v21  }
0x3be: {  	s19 =	simm.s32 $0x8;
	s6 =	sshll.u32 s6, $0x6;
	s12 =	simm.s32 @!p0 $0x0;
	vm2 =	vmmov vm11;
	v18 =	vor.u32 v18, v19;
	v19 =	vadd.s32 v0, v23;
	[tilespmem:v16+s0+$0x0] =	vst.idx.msk vm5, v10  }
0x3bf: {  	s1 =	sor.u32 $0x100, s28;
	s6 =	sadd.s32 $0x100, s6;
	s12 =	sshll.u32 s12, $0x6;
	vm5 =	vmmov vm9;
	v23 =	vadd.s32 v0, v26;
	[tilespmem:v17+s31+$0x0] =	vst.idx.msk vm1, v19;
	v19 =	vsub.s32 v27, v4  }
0x3c0: {  	s21 =	sor.u32 $0x100, s13;
	s16 =	sadd.s32 $0x10, s6;
	s17 =	sadd.s32 $0x200, s12;
	vm1 =	vmmov vm0;
	v10 =	vsub.s32 v20, v4;
	v20 =	vld [tilespmem:s1+$0x19000];
	[tilespmem:v14+s0+$0x0] =	vst.idx.msk vm13, v11;
	vm11 =	vlt.u32 v19, $0x3200  }
0x3c1: {  	s11 =	sadd.s32 $0x20, s6;
	s15 =	sadd.s32 $0x30, s6;
	s12 =	sadd.s32 $0x10, s17;
	[tilespmem:v17+s0+$0x0] =	vst.idx.msk vm8, v9;
	vm9 =	vlt.u32 v10, $0x3200;
	v9 =	vsub.s32 v22, v4;
	v22 =	vld [tilespmem:s21+$0x19000];
	v26 =	vsel vm11, $0x1, v1  }
0x3c2: {  	s14 =	sadd.s32 $0x20, s17;
	s13 =	sadd.s32 $0x30, s17;
	v21 =	vld [tilespmem:s29+$0x19000];
	v24 =	vsel vm9, $0x1, v1;
	vm13 =	vlt.u32 v9, $0x3200;
	v11 =	vsub.s32 v25, v4;
	(xrf0) =	vadd.scan.msk.s32 $0xffff, v26;
	s20 =	spop (v2sf)  }
.LBB2_29:
0x3c3: {  	vm15 =	vmmov vm0;
	vm0 =	vmmov vm13;
	v25 =	vsel vm13, $0x1, v1  }
0x3c4: {  	s19 =	sadd.s32 $0x4, s19;
	vm14 =	vlt.u32 v11, $0x3200;
	s1 =	sadd.s32 s18, s20;
	(xrf0) =	vadd.scan.msk.s32 $0xffff, v24;
	[tilespmem:v18+s31+$0x0] =	vst.idx.msk vm6, v23;
	s18 =	spop (v2sf);
	vm13 =	vmmov vm15  }
0x3c5: {  	s6 =	sor.u32 $0x100, s6;
	v23 =	vsel vm14, $0x1, v1;
	v24 =	vmov s1;
	(xrf0) =	vadd.scan.msk.s32 $0xffff, v25;
	[tilespmem:v18+s0+$0x0] =	vst.idx.msk vm6, v8;
	s1 =	sadd.s32 s1, s18;
	s18 =	spop (v2sf);
	v8 =	vmovc v19  }
0x3c6: {  	p1 =	slt.u32 s19, $0x4C;
	(xrf0) =	vadd.scan.msk.s32 $0xffff, v23;
	v19 =	vld [tilespmem:s6+$0x19000];
	v23 =	vadd.s32 $0xFFFFFFFF, v24;
	v24 =	vmov s1;
	s1 =	sadd.s32 s1, s18;
	s6 =	spop (v2sf);
	[tilespmem:v16+s24+$0x0] =	vst.idx.msk vm10, v20  }
0x3c7: {  	v16 =	vbroadcast v23, $0x0;
	v20 =	vadd.s32 $0xFFFFFFFF, v24;
	v23 =	vmov s1;
	s18 =	sadd.s32 s1, s6;
	[tilespmem:v17+s24+$0x0] =	vst.idx.msk vm8, v21;
	s6 =	smov.u32 s17  }
0x3c8: {  	v17 =	vmov s18;
	v20 =	vbroadcast v20, $0x0;
	v21 =	vadd.s32 $0xFFFFFFFF, v23;
	[tilespmem:v14+s24+$0x0] =	vst.idx.msk vm12, v22  }
0x3c9: {  	v17 =	vadd.s32 $0xFFFFFFFF, v17;
	v22, _, _ =	vpop (xrf0);
	v14 =	vadd.s32 v12, v16;
	v16 =	vbroadcast v21, $0x0  }
0x3ca: {  	(v2sf) =	vpush v22, $0xF;
	v12, _, _ =	vpop (xrf0);
	v23 =	vshll.u32 v14, $0x1;
	v20 =	vadd.s32 v13, v20  }
0x3cb: {  	(v2sf) =	vpush v12, $0xF;
	v13, _, _ =	vpop (xrf0);
	[tilespmem:v18+s24+$0x0] =	vst.idx.msk vm6, v19;
	v18 =	vand.u32 $0xFFFFFF80, v23;
	v19 =	vand.u32 $0x3F, v20  }
0x3cc: {  	p0 =	por !p0, !p0;
	s1 =	simm.s32 $0x1;
	v14 =	vand.u32 $0x3F, v14;
	v20 =	vshll.u32 v20, $0x1;
	(v2sf) =	vpush v13, $0xF;
	v21, _, _ =	vpop (xrf0)  }
0x3cd: {  	s1 =	simm.s32 @!p0 $0x0;
	v24 =	vadd.s32 v15, v16;
	v20 =	vand.u32 $0xFFFFFF80, v20;
	(v2sf) =	vpush v21, $0xF;
	v23 =	vld [tilespmem:s9+$0xA0];
	v15 =	vmovc v21  }
0x3ce: {  	s7 =	sadd.s32 $0x100, s7;
	s8 =	sadd.s32 $0x40, s8;
	s1 =	sshll.u32 s1, $0x6;
	v16 =	vor.u32 v14, v18;
	v18 =	vshll.u32 v24, $0x1;
	v14 =	vor.u32 v19, v20;
	v21 =	vld [tilespmem:s9+$0x90]  }
0x3cf: {  	s20 =	sand.u32 $0x1E00, s7;
	s17 =	sadd.s32 s1, s7;
	s1 =	sand.u32 $0x40, s8;
	v19 =	vbroadcast v17, $0x0;
	v17 =	vand.u32 $0x3F, v24;
	v18 =	vand.u32 $0xFFFFFF80, v18;
	v20 =	vld [tilespmem:s9+$0xB0]  }
0x3d0: {  	vm8 =	vmmov vm4;
	vm4 =	vmmov vm14;
	s1 =	sor.u32 s1, s20;
	s20 =	sadd.s32 $0x10, s17;
	s21 =	sadd.s32 $0x20, s17;
	v17 =	vor.u32 v17, v18;
	v24 =	vld [tilespmem:s10+$0x80]  }
0x3d1: {  	vm10 =	vmmov vm7;
	s22 =	sadd.s32 $0x30, s17;
	vm6 =	vmmov vm11;
	v18 =	vadd.s32 v22, v19;
	s9 =	smov.u32 s10;
	s10 =	sadd.s32 $0x19000, s1;
	v25 =	vld [tilespmem:s1+$0x19000]  }
0x3d2: {  	vm7 =	vmmov vm9;
	v19 =	vshll.u32 v18, $0x1;
	v22 =	vld [tilespmem:s10+$0x10];
	v23 =	vadd.s32 v0, v23  }
0x3d3: {  	v18 =	vand.u32 $0x3F, v18;
	v19 =	vand.u32 $0xFFFFFF80, v19;
	v26 =	vld [tilespmem:s10+$0x20];
	v21 =	vadd.s32 v0, v21;
	[tilespmem:v14+s31+$0x0] =	vst.idx.msk vm1, v23  }
0x3d4: {  	v18 =	vor.u32 v18, v19;
	v27 =	vld [tilespmem:s10+$0x30];
	[tilespmem:v16+s31+$0x0] =	vst.idx.msk vm3, v21;
	v19 =	vadd.s32 v0, v20;
	vm3 =	vmmov vm9  }
.Ltmp23:
0x3d5: {  	vm12 =	vmmov vm1;
	vm1 =	vmmov vm0;
	[tilespmem:v17+s31+$0x0] =	vst.idx.msk vm2, v19;
	vm2 =	vmmov vm14;
	(pc) =	sbr.rel @p1 .LBB2_29-.Ltmp23, $4  }
0x3d6: {  	s1 =	sor.u32 $0x100, s16;
	s16 =	smov.u32 s12;
	s12 =	smov.u32 s20;
	v19 =	vsub.s32 v25, v4;
	[tilespmem:v16+s0+$0x0] =	vst.idx.msk vm5, v6;
	v6 =	vmov v10;
	vm5 =	vmmov vm9  }
0x3d7: {  	s15 =	sor.u32 $0x100, s15;
	v23 =	vadd.s32 v0, v24;
	vm11 =	vlt.u32 v19, $0x3200;
	v10 =	vsub.s32 v22, v4;
	v20 =	vld [tilespmem:s1+$0x19000];
	s1 =	sor.u32 $0x100, s11;
	[tilespmem:v17+s0+$0x0] =	vst.idx.msk vm8, v7;
	s11 =	smov.u32 s14  }
0x3d8: {  	s14 =	smov.u32 s21;
	v25 =	vsel vm11, $0x1, v1;
	vm9 =	vlt.u32 v10, $0x3200;
	[tilespmem:v14+s0+$0x0] =	vst.idx.msk vm13, v5;
	v21 =	vld [tilespmem:s15+$0x19000];
	v5 =	vmovc v9;
	v9 =	vsub.s32 v26, v4;
	s15 =	smov.u32 s13;
	s13 =	smov.u32 s22  }
0x3d9: {  	v7 =	vmovc v11;
	v24 =	vsel vm9, $0x1, v1;
	vm13 =	vlt.u32 v9, $0x3200;
	(xrf0) =	vadd.scan.msk.s32 $0xffff, v25;
	s20 =	spop (v2sf);
	v22 =	vld [tilespmem:s1+$0x19000];
	v11 =	vsub.s32 v27, v4  }
0x3da: {  	(xrf0) =	vadd.scan.msk.s32 $0xffff, v24;
	v4 =	vsel vm13, $0x1, v1  }
0x3db: {  	(xrf0) =	vadd.scan.msk.s32 $0xffff, v4;
	_ =	sdelay $0x3  }
0x3dc: {  	v4, _, _ =	vpop (xrf0)  }
0x3dd: {  	(v2sf) =	vpush v4, $0xF;
	v24, _, _ =	vpop (xrf0)  }
0x3de: {  	(v2sf) =	vpush v24, $0xF;
	v25, _, _ =	vpop (xrf0)  }
0x3df: {  	s7 =	spop (v2sf);
	(v2sf) =	vpush v25, $0xF  }
0x3e0: {  	v62 =	vld [tilespmem:s9+$0xA0]  }
0x3e1: {  	vm15 =	vlt.u32 v11, $0x3200;
	s1 =	sadd.s32 s18, s20;
	vm14 =	vmmov vm0;
	v35 =	vld [tilespmem:s9+$0x90];
	vm0 =	vmmov vm4  }
0x3e2: {  	vm4 =	vmmov vm11;
	vm11 =	vmmov vm7;
	v39 =	vld [tilespmem:s10+$0x80];
	v27 =	vmov s1;
	s1 =	sadd.s32 s1, s7;
	s28 =	spop (v2sf)  }
0x3e3: {  	vm7 =	vmmov vm9;
	v26 =	vsel vm15, $0x1, v1;
	v56 =	vmov s1;
	s1 =	sadd.s32 s1, s28;
	s29 =	spop (v2sf)  }
0x3e4: {  	[tilespmem:v18+s31+$0x0] =	vst.idx.msk vm6, v23;
	v55 =	vadd.s32 $0xFFFFFFFF, v27;
	v27 =	vadd.s32 $0xFFFFFFFF, v56;
	v28 =	vmov s1;
	s1 =	sadd.s32 s1, s29  }
0x3e5: {  	v29 =	vmov s1;
	v27 =	vbroadcast v27, $0x0;
	v57 =	vadd.s32 $0xFFFFFFFF, v28;
	(xrf0) =	vadd.scan.msk.s32 $0xffff, v26  }
0x3e6: {  	[tilespmem:v17+s24+$0x0] =	vst.idx.msk vm8, v21;
	v26 =	vbroadcast v55, $0x0;
	v58 =	vadd.s32 $0xFFFFFFFF, v29;
	v23 =	vadd.s32 v0, v62  }
0x3e7: {  	v42 =	vadd.s32 v0, v35;
	v17 =	vadd.s32 v0, v39;
	v13 =	vadd.s32 v13, v27  }
0x3e8: {  	v34 =	vbroadcast v58, $0x0;
	v12 =	vadd.s32 v12, v26;
	v26 =	vbroadcast v57, $0x0  }
0x3e9: {  	v61 =	vand.u32 $0x3F, v13;
	v13 =	vshll.u32 v13, $0x1;
	v59 =	vshll.u32 v12, $0x1  }
0x3ea: {  	s6 =	sor.u32 $0x100, s6;
	[tilespmem:v18+s0+$0x0] =	vst.idx.msk vm6, v8;
	v12 =	vand.u32 $0x3F, v12;
	v13 =	vand.u32 $0xFFFFFF80, v13;
	v4 =	vadd.s32 v4, v34  }
0x3eb: {  	v33 =	vld [tilespmem:s6+$0x19000];
	v60 =	vand.u32 $0xFFFFFF80, v59;
	v15 =	vadd.s32 v15, v26;
	v27 =	vshll.u32 v4, $0x1;
	v30, _, _ =	vpop (xrf0)  }
0x3ec: {  	v4 =	vand.u32 $0x3F, v4;
	v63 =	vor.u32 v12, v60;
	(v2sf) =	vpush v30, $0xF;
	s7 =	spop (v2sf)  }
0x3ed: {  	v36 =	vld [tilespmem:s9+$0xB0];
	v12 =	vor.u32 v61, v13;
	v32 =	vshll.u32 v15, $0x1;
	v15 =	vand.u32 $0x3F, v15;
	s1 =	sadd.s32 s1, s7;
	s8 =	spop (v2sf)  }
0x3ee: {  	[tilespmem:v16+s24+$0x0] =	vst.idx.msk vm10, v20;
	v37 =	vand.u32 $0xFFFFFF80, v27;
	v13 =	vand.u32 $0xFFFFFF80, v32;
	v38 =	vmov s1;
	s1 =	sadd.s32 s1, s8;
	s9 =	spop (v2sf)  }
0x3ef: {  	[tilespmem:v14+s24+$0x0] =	vst.idx.msk vm12, v22;
	v4 =	vor.u32 v4, v37;
	v40 =	vadd.s32 $0xFFFFFFFF, v38;
	v41 =	vmov s1;
	s6 =	sadd.s32 s1, s9  }
0x3f0: {  	[tilespmem:v18+s24+$0x0] =	vst.idx.msk vm6, v33;
	v16 =	vbroadcast v40, $0x0;
	v20 =	vadd.s32 $0xFFFFFFFF, v41;
	v43 =	vmov s6  }
0x3f1: {  	v13 =	vor.u32 v15, v13;
	[tilespmem:v63+s31+$0x0] =	vst.idx.msk vm3, v42;
	v20 =	vbroadcast v20, $0x0;
	v44 =	vadd.s32 $0xFFFFFFFF, v43  }
0x3f2: {  	v15 =	vadd.s32 v0, v36;
	[tilespmem:v12+s31+$0x0] =	vst.idx.msk vm1, v23;
	v16 =	vadd.s32 v24, v16;
	v45 =	vbroadcast v44, $0x0  }
0x3f3: {  	s18 =	sor.u32 $0x100, s16;
	v53 =	vld [tilespmem:s10+$0x90];
	[tilespmem:v63+s0+$0x0] =	vst.idx.msk vm5, v6;
	v46 =	vshll.u32 v16, $0x1;
	v47 =	vadd.s32 v25, v20;
	v52 =	vand.u32 $0x3F, v16  }
0x3f4: {  	[tilespmem:v12+s0+$0x0] =	vst.idx.msk vm14, v5;
	v48 =	vld [tilespmem:s18+$0x19000];
	v14 =	vand.u32 $0xFFFFFF80, v46;
	v49 =	vshll.u32 v47, $0x1;
	v50 =	vand.u32 $0x3F, v47  }
0x3f5: {  	v51 =	vld [tilespmem:s10+$0xA0];
	[tilespmem:v4+s31+$0x0] =	vst.idx.msk vm4, v17;
	v6 =	vadd.s32 v30, v45;
	v21 =	vand.u32 $0xFFFFFF80, v49;
	v5 =	vor.u32 v52, v14  }
0x3f6: {  	[tilespmem:v13+s31+$0x0] =	vst.idx.msk vm2, v15;
	v54 =	vshll.u32 v6, $0x1;
	v15 =	vor.u32 v50, v21  }
0x3f7: {  	vm15 =	vmmov vm15;
	v55 =	vld [tilespmem:s10+$0xB0];
	[tilespmem:v4+s0+$0x0] =	vst.idx.msk vm4, v19;
	v6 =	vand.u32 $0x3F, v6;
	v56 =	vand.u32 $0xFFFFFF80, v54  }
0x3f8: {  	vm9 =	vmmov vm13;
	[tilespmem:v13+s0+$0x0] =	vst.idx.msk vm0, v7;
	v6 =	vor.u32 v6, v56  }
0x3f9: {  	v58 =	vadd.s32 v0, v53;
	[tilespmem:v63+s24+$0x0] =	vst.idx.msk vm11, v48  }
0x3fa: {  	s20 =	sor.u32 $0x100, s11;
	vm12 =	vmmov vm1;
	v57 =	vadd.s32 v0, v51;
	[tilespmem:v5+s31+$0x0] =	vst.idx.msk vm7, v58  }
0x3fb: {  	s21 =	sor.u32 $0x100, s17;
	v60 =	vld [tilespmem:s20+$0x19000];
	s28 =	spop (v2sf);
	[tilespmem:v15+s31+$0x0] =	vst.idx.msk vm13, v57  }
0x3fc: {  	s19 =	sor.u32 $0x100, s15;
	v7 =	vadd.s32 v0, v55;
	v61 =	vld [tilespmem:s21+$0x19000];
	s6 =	sadd.s32 s6, s28;
	[tilespmem:v5+s0+$0x0] =	vst.idx.msk vm7, v10  }
0x3fd: {  	s22 =	sor.u32 $0x100, s12;
	v59 =	vld [tilespmem:s19+$0x19000];
	s29 =	sadd.s32 $0x3F, s6;
	[tilespmem:v6+s31+$0x0] =	vst.idx.msk vm15, v7  }
0x3fe: {  	s8 =	sor.u32 $0x100, s14;
	s9 =	sshra.s32 s29, $0x6;
	v10 =	vld [tilespmem:s22+$0x19000];
	[tilespmem:v15+s0+$0x0] =	vst.idx.msk vm9, v9  }
0x3ff: {  	s23 =	sor.u32 $0x100, s13;
	s7 =	sshra.s32 s6, $0x4;
	[tilespmem:v6+s0+$0x0] =	vst.idx.msk vm15, v11;
	v63 =	vld [tilespmem:s8+$0x19000];
	s8 =	sshll.u32 s9, $0x2  }
0x400: {  	[tilespmem:v12+s24+$0x0] =	vst.idx.msk vm12, v60;
	v62 =	vld [tilespmem:s23+$0x19000];
	p0 =	sle.s32 s8, s7  }
.Ltmp24:
0x401: {  	[tilespmem:v4+s24+$0x0] =	vst.idx.msk vm4, v61;
	(pc) =	sbr.rel @p0 .LBB2_34-.Ltmp24, $4  }
0x402: {  	[tilespmem:v13+s24+$0x0] =	vst.idx.msk vm0, v59  }
0x403: {  	[tilespmem:v5+s24+$0x0] =	vst.idx.msk vm7, v10  }
0x404: {  	[tilespmem:v15+s24+$0x0] =	vst.idx.msk vm9, v63  }
0x405: {  	vm10 =	vmmov vm15;
	vm14 =	vmmov vm9;
	vm13 =	vmmov vm7;
	[tilespmem:v6+s24+$0x0] =	vst.idx.msk vm15, v62  }
0x406: {  	s28 =	ssub.s32 s8, s7;
	s29 =	sshll.u32 s7, $0x4  }
0x407: {  	v5 =	vmov s29;
	p0 =	seq.s32 s28, $0x1  }
.Ltmp25:
0x408: {  	v4 =	vmov s6;
	v6 =	vor.u32 s29, v3;
	v5 =	vshll.u32 v5, $0x1;
	(pc) =	sbr.rel @p0 .LBB2_33-.Ltmp25, $3  }
0x409: {  	v7 =	vand.u32 $0x3F, v6;
	vm0 =	vge.s32 v6, v4;
	v5 =	vand.u32 $0xFFFFFF80, v5  }
0x40a: {  	v5 =	vor.u32 v7, v5;
	_ =	sdelay $0x1  }
0x40b: {  	s6 =	sadd.s32 $0xFFFFFFFF, s28;
	s7 =	sadd.s32 $0x10, s29  }
.LBB2_32:
0x40c: {  	v6 =	vmov s7;
	p0 =	seq.s32 s6, $0x1;
	s6 =	sadd.s32 $0xFFFFFFFF, s6  }
.Ltmp26:
0x40d: {  	v7 =	vor.u32 s7, v3;
	v6 =	vshll.u32 v6, $0x1;
	(pc) =	sbr.rel @!p0 .LBB2_32-.Ltmp26, $3  }
0x40e: {  	v8 =	vand.u32 $0x3F, v7;
	v6 =	vand.u32 $0xFFFFFF80, v6;
	[tilespmem:v5+s24+$0x0] =	vst.idx.msk vm0, v2;
	vm0 =	vge.s32 v7, v4  }
0x40f: {  	v5 =	vor.u32 v8, v6;
	_ =	sdelay $0x1  }
0x410: {  	s7 =	sadd.s32 $0x10, s7  }
.LBB2_33:
0x411: {  	_ =	sdelay $0x4  }
0x412: {  	[tilespmem:v5+s24+$0x0] =	vst.idx.msk vm0, v2  }
.LBB2_34:
0x413: {  	p0 =	sgt.s32 s9, $0x0  }
.Ltmp27:
0x414: {  	_ = 	snop;
	(pc) =	sbr.rel @!p0 .LBB2_38-.Ltmp27, $2  }
0x415: {  	_ =	sdelay $0x2  }
0x416: {  	s10 =	simm.s32 $0x0;
	s11 =	simm.s32 $0x0;
	s8 =	rddreg [dreg:$0x18]  }
.LBB2_35:
0x417: {  	s12 =	sshll.u32 s11, $0x7  }
0x418: {  	s14 =	sadd.s32 $0x1B800, s12  }
0x419: {  	[tilespmem:s25], [sflag:$0x3] =	stream.indirect.gather [hbm4b:s5+s4], $0x80, s14, s4, $0xb8;
	[tilespmem:$0x1FC00] =	vst v63  }
0x41a: {  	_ =	swait.ge [sflag:s26], $0x2000  }
0x41b: {  	s13 =	simm.s32 $0x7;
	[sflag:s26] =	ssyncset.done $0x0  }
0x41c: {  	v5 =	vmov s10;
	v7 =	vmov s13;
	s13 =	simm.s32 $0x1DE00;
	[sflag:s26] =	ssyncadd.s32 $0xFFFFE000  }
0x41d: {  	v4 =	vmov s12;
	v5 =	vand.u32 $0x78, v5;
	v9 =	vld [tilespmem:s13+$0xFFFFFE10]  }
0x41e: {  	v5 =	vor.u32 v4, v5;
	v7 =	vand.u32 $0x7F, v7;
	v10 =	vld [tilespmem:s13+$0xFFFFFE20]  }
0x41f: {  	v5 =	vbroadcast v5, $0x0;
	v7 =	vor.u32 v4, v7;
	v11 =	vld [tilespmem:s13+$0xFFFFFE30]  }
0x420: {  	v7 =	vbroadcast v7, $0x0;
	v12 =	vld [tilespmem:s13+$0xFFFFFE40]  }
0x421: {  	s1 =	simm.s32 $0x1;
	v13 =	vld [tilespmem:s13+$0xFFFFFE50]  }
0x422: {  	v6 =	vmov s1;
	v14 =	vld [tilespmem:s13+$0xFFFFFE60]  }
0x423: {  	v6 =	vand.u32 $0x79, v6;
	v16 =	vld [tilespmem:s13+$0x1F0]  }
0x424: {  	v6 =	vor.u32 v4, v6;
	v17 =	vld [tilespmem:s13+$0xFFFFFE80]  }
0x425: {  	v6 =	vbroadcast v6, $0x0;
	v8 =	vld.idx.msk [tilespmem:v5+s24+$0x0], $0xffff  }
0x426: {  	v5 =	vld.idx.msk [tilespmem:v7+s24+$0x0], $0xffff  }
0x427: {  	v7 =	vld [tilespmem:s13+$0xFFFFFE00]  }
0x428: {  	v18 =	vld [tilespmem:s13+$0xFFFFFE90]  }
0x429: {  	v19 =	vld [tilespmem:s13+$0xFFFFFEA0]  }
0x42a: {  	v20 =	vld [tilespmem:s13+$0xFFFFFEB0];
	v9 =	vmul.f32 v9, v8  }
0x42b: {  	v6 =	vld.idx.msk [tilespmem:v6+s24+$0x0], $0xffff;
	v10 =	vmul.f32 v10, v8  }
0x42c: {  	s15 =	simm.s32 $0x2;
	v21 =	vld [tilespmem:s13+$0xFFFFFEC0];
	v7 =	vmul.f32 v7, v8;
	[tilespmem:s13+$0xFFFFFE10] =	vst v9  }
0x42d: {  	v15 =	vmov s15;
	v11 =	vmul.f32 v11, v8;
	v9 =	vld [tilespmem:s13+$0xFFFFFEE0];
	[tilespmem:s13+$0xFFFFFE20] =	vst v10  }
0x42e: {  	v16 =	vmul.f32 v16, v5;
	v10 =	vmul.f32 v12, v8;
	v12 =	vld [tilespmem:s13+$0xFFFFFEF0];
	[tilespmem:s13+$0xFFFFFE00] =	vst v7;
	v7 =	vand.u32 $0x7A, v15  }
0x42f: {  	[tilespmem:s13+$0xFFFFFE30] =	vst v11;
	v11 =	vmul.f32 v13, v8;
	v15 =	vld [tilespmem:s13+$0xFFFFFE70];
	v7 =	vor.u32 v4, v7  }
0x430: {  	v13 =	vld [tilespmem:s13+$0xFFFFFF00];
	[tilespmem:s13+$0x1F0] =	vst v16;
	v16 =	vmul.f32 v17, v6;
	v7 =	vbroadcast v7, $0x0  }
0x431: {  	s16 =	simm.s32 $0x3;
	v17 =	vld [tilespmem:s13+$0xFFFFFED0];
	[tilespmem:s13+$0xFFFFFE40] =	vst v10  }
0x432: {  	v10 =	vmul.f32 v14, v8;
	v14 =	vld [tilespmem:s13+$0xFFFFFF10];
	[tilespmem:s13+$0xFFFFFE80] =	vst v16;
	v16 =	vmov s16  }
0x433: {  	v21 =	vmul.f32 v21, v6;
	[tilespmem:s13+$0xFFFFFE50] =	vst v11;
	v11 =	vld [tilespmem:s13+$0xFFFFFF20];
	v16 =	vand.u32 $0x7B, v16  }
0x434: {  	[tilespmem:s13+$0xFFFFFE60] =	vst v10;
	v10 =	vmul.f32 v18, v6;
	v18 =	vld [tilespmem:s13+$0xFFFFFF40];
	v16 =	vor.u32 v4, v16;
	v8 =	vmul.f32 v15, v8  }
0x435: {  	v9 =	vmul.f32 v9, v6;
	v16 =	vbroadcast v16, $0x0;
	v15 =	vld [tilespmem:s13+$0xFFFFFF30]  }
0x436: {  	v17 =	vmul.f32 v17, v6;
	[tilespmem:s13+$0xFFFFFE70] =	vst v8;
	v8 =	vmul.f32 v19, v6;
	v7 =	vld.idx.msk [tilespmem:v7+s24+$0x0], $0xffff  }
0x437: {  	[tilespmem:s13+$0xFFFFFE90] =	vst v10;
	v19 =	vmul.f32 v20, v6;
	v6 =	vmul.f32 v12, v6;
	v12 =	vld [tilespmem:s13+$0xFFFFFF90]  }
0x438: {  	[tilespmem:s13+$0xFFFFFED0] =	vst v17;
	v17 =	vld [tilespmem:s13+$0xFFFFFFD0]  }
0x439: {  	[tilespmem:s13+$0xFFFFFEA0] =	vst v8;
	v8 =	vld [tilespmem:s13+$0xFFFFFF60]  }
0x43a: {  	[tilespmem:s13+$0xFFFFFEB0] =	vst v19;
	v19 =	vld [tilespmem:s13+$0xFFFFFF70]  }
0x43b: {  	[tilespmem:s13+$0xFFFFFEE0] =	vst v9;
	v16 =	vld.idx.msk [tilespmem:v16+s24+$0x0], $0xffff;
	v10 =	vmul.f32 v13, v7  }
0x43c: {  	s17 =	simm.s32 $0x4;
	[tilespmem:s13+$0xFFFFFEF0] =	vst v6;
	v13 =	vld [tilespmem:s13+$0xFFFFFF50];
	v9 =	vmul.f32 v14, v7  }
0x43d: {  	v20 =	vmov s17;
	v14 =	vld [tilespmem:s13+$0xFFFFFFA0];
	v6 =	vmul.f32 v11, v7;
	[tilespmem:s13+$0xFFFFFF00] =	vst v10  }
0x43e: {  	v18 =	vmul.f32 v18, v7;
	v10 =	vand.u32 $0x7C, v20;
	v20 =	vld [tilespmem:s13+$0xFFFFFF80];
	[tilespmem:s13+$0xFFFFFF10] =	vst v9  }
0x43f: {  	v11 =	vld [tilespmem:s13+$0xFFFFFFB0];
	v8 =	vmul.f32 v8, v7;
	[tilespmem:s13+$0xFFFFFF20] =	vst v6;
	v10 =	vor.u32 v4, v10  }
0x440: {  	v9 =	vmul.f32 v15, v7;
	v15 =	vld [tilespmem:s13+$0xFFFFFFC0];
	[tilespmem:s13+$0xFFFFFF40] =	vst v18;
	v10 =	vbroadcast v10, $0x0  }
0x441: {  	v18 =	vld [tilespmem:s13+$0xFFFFFFF0];
	[tilespmem:s13+$0xFFFFFF60] =	vst v8;
	v8 =	vmul.f32 v12, v16  }
0x442: {  	v12 =	vld [tilespmem:s13+$0x10];
	[tilespmem:s13+$0xFFFFFF30] =	vst v9;
	v13 =	vmul.f32 v13, v7  }
0x443: {  	s18 =	simm.s32 $0x5;
	v9 =	vld [tilespmem:s13+$0xFFFFFFE0];
	[tilespmem:s13+$0xFFFFFF90] =	vst v8;
	v6 =	vmul.f32 v20, v16  }
0x444: {  	v7 =	vmul.f32 v19, v7;
	v8 =	vmul.f32 v11, v16;
	v11 =	vld [tilespmem:s13+$0x30];
	v20 =	vmov s18;
	[tilespmem:s13+$0xFFFFFF50] =	vst v13  }
0x445: {  	v17 =	vmul.f32 v17, v16;
	v13 =	vld [tilespmem:s13+$0x0];
	[tilespmem:s13+$0xFFFFFF80] =	vst v6;
	v6 =	vand.u32 $0x7D, v20  }
0x446: {  	[tilespmem:s13+$0xFFFFFF70] =	vst v7;
	v7 =	vmul.f32 v14, v16;
	v10 =	vld.idx.msk [tilespmem:v10+s24+$0x0], $0xffff;
	v6 =	vor.u32 v4, v6  }
0x447: {  	[tilespmem:s13+$0xFFFFFFD0] =	vst v17;
	v17 =	vld [tilespmem:s13+$0x70];
	v6 =	vbroadcast v6, $0x0  }
0x448: {  	v14 =	vld [tilespmem:s13+$0x20];
	[tilespmem:s13+$0xFFFFFFA0] =	vst v7;
	v7 =	vmul.f32 v15, v16  }
0x449: {  	[tilespmem:s13+$0xFFFFFFB0] =	vst v8;
	v15 =	vld [tilespmem:s13+$0x40];
	v9 =	vmul.f32 v9, v16;
	v16 =	vmul.f32 v18, v16  }
0x44a: {  	[tilespmem:s13+$0xFFFFFFC0] =	vst v7;
	v7 =	vld [tilespmem:s13+$0x60]  }
0x44b: {  	s19 =	simm.s32 $0x6;
	[tilespmem:s13+$0xFFFFFFF0] =	vst v16;
	v16 =	vld [tilespmem:s13+$0x90];
	v8 =	vmul.f32 v13, v10  }
0x44c: {  	v19 =	vmov s19;
	[tilespmem:s13+$0xFFFFFFE0] =	vst v9;
	v13 =	vld [tilespmem:s13+$0x50];
	v9 =	vmul.f32 v12, v10  }
0x44d: {  	v14 =	vmul.f32 v14, v10;
	v6 =	vld.idx.msk [tilespmem:v6+s24+$0x0], $0xffff;
	[tilespmem:s13+$0x0] =	vst v8;
	v8 =	vand.u32 $0x7E, v19  }
0x44e: {  	v12 =	vld [tilespmem:s13+$0x80];
	[tilespmem:s13+$0x10] =	vst v9;
	v9 =	vmul.f32 v11, v10;
	v8 =	vor.u32 v4, v8  }
0x44f: {  	[tilespmem:s13+$0x20] =	vst v14;
	v14 =	vmul.f32 v15, v10;
	v15 =	vld [tilespmem:s13+$0xB0];
	v8 =	vbroadcast v8, $0x0  }
0x450: {  	v7 =	vmul.f32 v7, v10;
	v11 =	vld [tilespmem:s13+$0xA0];
	[tilespmem:s13+$0x30] =	vst v9  }
0x451: {  	[tilespmem:s13+$0x40] =	vst v14;
	v14 =	vld [tilespmem:s13+$0xD0];
	v9 =	vmul.f32 v13, v10  }
0x452: {  	[tilespmem:s13+$0x60] =	vst v7;
	v13 =	vld [tilespmem:s13+$0xC0];
	v7 =	vmul.f32 v16, v6  }
0x453: {  	[tilespmem:s13+$0x50] =	vst v9;
	v9 =	vld [tilespmem:s13+$0xE0]  }
0x454: {  	v12 =	vmul.f32 v12, v6;
	[tilespmem:s13+$0x90] =	vst v7;
	v7 =	vmul.f32 v15, v6;
	v15 =	vld [tilespmem:s13+$0x110]  }
0x455: {  	[tilespmem:s13+$0xFFFFFEC0] =	vst v21;
	v20 =	vld.idx.msk [tilespmem:v8+s24+$0x0], $0xffff;
	v8 =	vmul.f32 v17, v10  }
0x456: {  	s28 =	simm.s32 $0xD;
	[tilespmem:s13+$0x80] =	vst v12;
	v10 =	vld [tilespmem:s13+$0xF0]  }
0x457: {  	s6 =	simm.s32 $0xB;
	s23 =	simm.s32 $0xC;
	v21 =	vmov s28;
	[tilespmem:s13+$0x70] =	vst v8;
	v8 =	vmul.f32 v11, v6;
	v11 =	vld [tilespmem:s13+$0x100]  }
0x458: {  	s20 =	simm.s32 $0x8;
	s21 =	simm.s32 $0x9;
	v18 =	vmov s6;
	v19 =	vmov s23;
	[tilespmem:s13+$0xB0] =	vst v7;
	v7 =	vmul.f32 v14, v6  }
0x459: {  	s22 =	simm.s32 $0xA;
	v16 =	vmov s21;
	v12 =	vmov s20;
	[tilespmem:s13+$0xA0] =	vst v8;
	v8 =	vmul.f32 v13, v6;
	v13 =	vld [tilespmem:s13+$0x120]  }
0x45a: {  	v12 =	vand.u32 $0x78, v12;
	v17 =	vmov s22;
	v14 =	vld [tilespmem:s13+$0x130];
	[tilespmem:s13+$0xD0] =	vst v7;
	v15 =	vmul.f32 v15, v20  }
0x45b: {  	s29 =	simm.s32 $0xE;
	v22 =	vld [tilespmem:s13+$0x140];
	[tilespmem:s13+$0xC0] =	vst v8;
	v8 =	vmul.f32 v9, v6;
	v9 =	vor.u32 v4, v12;
	v6 =	vmul.f32 v10, v6  }
0x45c: {  	v10 =	vmov s29;
	v12 =	vand.u32 $0x79, v16;
	v7 =	vmul.f32 v11, v20;
	v11 =	vld [tilespmem:s13+$0x150];
	[tilespmem:s13+$0x110] =	vst v15  }
0x45d: {  	v23 =	vld [tilespmem:s13+$0x160];
	v16 =	vand.u32 $0x7A, v17;
	v17 =	vand.u32 $0x7C, v19;
	[tilespmem:s13+$0xE0] =	vst v8;
	v8 =	vand.u32 $0x7B, v18  }
0x45e: {  	[tilespmem:s13+$0xF0] =	vst v6;
	v6 =	vand.u32 $0x7D, v21;
	v18 =	vand.u32 $0x7E, v10;
	v21 =	vld [tilespmem:s13+$0x170];
	v10 =	vmul.f32 v13, v20  }
0x45f: {  	v12 =	vor.u32 v4, v12;
	[tilespmem:s13+$0x100] =	vst v7;
	v7 =	vbroadcast v9, $0x0;
	v13 =	vmul.f32 v14, v20;
	v9 =	vld [tilespmem:s13+$0x180]  }
0x460: {  	v17 =	vor.u32 v4, v17;
	v14 =	vor.u32 v4, v16;
	v16 =	vmul.f32 v22, v20;
	[tilespmem:s13+$0x120] =	vst v10;
	v10 =	vld [tilespmem:s13+$0x190]  }
0x461: {  	v15 =	vor.u32 v4, v8;
	v8 =	vbroadcast v12, $0x0;
	[tilespmem:s13+$0x130] =	vst v13;
	v22 =	vmul.f32 v11, v20;
	v11 =	vld [tilespmem:s13+$0x1A0]  }
0x462: {  	v19 =	vor.u32 v4, v6;
	v12 =	vld [tilespmem:s13+$0x1B0];
	v13 =	vbroadcast v14, $0x0;
	[tilespmem:s13+$0x140] =	vst v16;
	v16 =	vmul.f32 v23, v20  }
0x463: {  	s14 =	simm.s32 $0x10;
	s6 =	simm.s32 $0xF;
	v18 =	vor.u32 v4, v18;
	v15 =	vbroadcast v15, $0x0;
	v14 =	vld [tilespmem:s13+$0x1C0];
	v20 =	vmul.f32 v21, v20;
	[tilespmem:s13+$0x150] =	vst v22  }
.LBB2_36:
0x464: {  	p0 =	slt.u32 s14, $0x38;
	v6 =	vbroadcast v17, $0x0;
	v17 =	vmov s6;
	[tilespmem:s13+$0x160] =	vst v16;
	v9 =	vmul.f32 v9, v5;
	v16 =	vld [tilespmem:s13+$0x1D0]  }
0x465: {  	v19 =	vbroadcast v19, $0x0;
	v17 =	vand.u32 $0x7F, v17;
	[tilespmem:s13+$0x170] =	vst v20;
	v10 =	vmul.f32 v10, v5;
	v20 =	vld [tilespmem:s13+$0x1E0]  }
0x466: {  	v18 =	vbroadcast v18, $0x0;
	v21 =	vld.idx.msk [tilespmem:v7+s24+$0x0], $0xffff;
	v7 =	vor.u32 v4, v17;
	[tilespmem:s13+$0x180] =	vst v9;
	v9 =	vmul.f32 v11, v5  }
0x467: {  	v11 =	vld.idx.msk [tilespmem:v8+s24+$0x0], $0xffff;
	v17 =	vbroadcast v7, $0x0;
	[tilespmem:s13+$0x190] =	vst v10;
	v7 =	vmul.f32 v12, v5  }
0x468: {  	v10 =	vld.idx.msk [tilespmem:v13+s24+$0x0], $0xffff;
	[tilespmem:s13+$0x1A0] =	vst v9;
	v12 =	vmul.f32 v14, v5  }
0x469: {  	v9 =	vld.idx.msk [tilespmem:v15+s24+$0x0], $0xffff;
	[tilespmem:s13+$0x1B0] =	vst v7;
	v13 =	vmul.f32 v16, v5  }
0x46a: {  	v8 =	vld.idx.msk [tilespmem:v6+s24+$0x0], $0xffff;
	[tilespmem:s13+$0x1C0] =	vst v12;
	v5 =	vmul.f32 v20, v5  }
0x46b: {  	v7 =	vld.idx.msk [tilespmem:v19+s24+$0x0], $0xffff;
	[tilespmem:s13+$0x1D0] =	vst v13  }
0x46c: {  	v6 =	vld.idx.msk [tilespmem:v18+s24+$0x0], $0xffff;
	[tilespmem:s13+$0x1E0] =	vst v5  }
0x46d: {  	s13 =	sadd.s32 $0x400, s13;
	v5 =	vld.idx.msk [tilespmem:v17+s24+$0x0], $0xffff  }
0x46e: {  	v12 =	vld [tilespmem:s13+$0x1F0]  }
0x46f: {  	v13 =	vld [tilespmem:s13+$0xFFFFFE00]  }
0x470: {  	v14 =	vld [tilespmem:s13+$0xFFFFFE10]  }
0x471: {  	v15 =	vld [tilespmem:s13+$0xFFFFFE20]  }
0x472: {  	v16 =	vld [tilespmem:s13+$0xFFFFFE30]  }
0x473: {  	v17 =	vld [tilespmem:s13+$0xFFFFFE40];
	v12 =	vmul.f32 v12, v5  }
0x474: {  	v13 =	vmul.f32 v13, v21;
	v18 =	vld [tilespmem:s13+$0xFFFFFE50]  }
0x475: {  	v14 =	vmul.f32 v14, v21;
	v19 =	vld [tilespmem:s13+$0xFFFFFE60];
	[tilespmem:s13+$0x1F0] =	vst v12  }
0x476: {  	[tilespmem:s13+$0xFFFFFE00] =	vst v13;
	v12 =	vmul.f32 v15, v21;
	v13 =	vld [tilespmem:s13+$0xFFFFFE70]  }
0x477: {  	[tilespmem:s13+$0xFFFFFE10] =	vst v14;
	v14 =	vmul.f32 v16, v21;
	v15 =	vld [tilespmem:s13+$0xFFFFFE80]  }
0x478: {  	[tilespmem:s13+$0xFFFFFE20] =	vst v12;
	v12 =	vmul.f32 v17, v21;
	v16 =	vld [tilespmem:s13+$0xFFFFFE90]  }
0x479: {  	[tilespmem:s13+$0xFFFFFE30] =	vst v14;
	v14 =	vmul.f32 v18, v21;
	v17 =	vld [tilespmem:s13+$0xFFFFFEA0]  }
0x47a: {  	[tilespmem:s13+$0xFFFFFE40] =	vst v12;
	v12 =	vmul.f32 v19, v21;
	v18 =	vld [tilespmem:s13+$0xFFFFFEB0]  }
0x47b: {  	[tilespmem:s13+$0xFFFFFE50] =	vst v14;
	v13 =	vmul.f32 v13, v21;
	v14 =	vld [tilespmem:s13+$0xFFFFFEC0]  }
0x47c: {  	[tilespmem:s13+$0xFFFFFE60] =	vst v12;
	v12 =	vmul.f32 v15, v11;
	v15 =	vld [tilespmem:s13+$0xFFFFFED0]  }
0x47d: {  	[tilespmem:s13+$0xFFFFFE70] =	vst v13;
	v13 =	vmul.f32 v16, v11;
	v16 =	vld [tilespmem:s13+$0xFFFFFEE0]  }
0x47e: {  	[tilespmem:s13+$0xFFFFFE80] =	vst v12;
	v12 =	vmul.f32 v17, v11;
	v17 =	vld [tilespmem:s13+$0xFFFFFEF0]  }
0x47f: {  	[tilespmem:s13+$0xFFFFFE90] =	vst v13;
	v13 =	vmul.f32 v18, v11;
	v18 =	vld [tilespmem:s13+$0xFFFFFF00]  }
0x480: {  	[tilespmem:s13+$0xFFFFFEA0] =	vst v12;
	v12 =	vmul.f32 v14, v11;
	v14 =	vld [tilespmem:s13+$0xFFFFFF10]  }
0x481: {  	[tilespmem:s13+$0xFFFFFEB0] =	vst v13;
	v13 =	vmul.f32 v15, v11;
	v15 =	vld [tilespmem:s13+$0xFFFFFF20]  }
0x482: {  	[tilespmem:s13+$0xFFFFFEC0] =	vst v12;
	v12 =	vmul.f32 v16, v11;
	v16 =	vld [tilespmem:s13+$0xFFFFFF30]  }
0x483: {  	[tilespmem:s13+$0xFFFFFED0] =	vst v13;
	v11 =	vmul.f32 v17, v11;
	v13 =	vld [tilespmem:s13+$0xFFFFFF40]  }
0x484: {  	[tilespmem:s13+$0xFFFFFEE0] =	vst v12;
	v12 =	vmul.f32 v18, v10;
	v17 =	vld [tilespmem:s13+$0xFFFFFF50]  }
0x485: {  	[tilespmem:s13+$0xFFFFFEF0] =	vst v11;
	v11 =	vmul.f32 v14, v10;
	v14 =	vld [tilespmem:s13+$0xFFFFFF60]  }
0x486: {  	[tilespmem:s13+$0xFFFFFF00] =	vst v12;
	v12 =	vmul.f32 v15, v10;
	v15 =	vld [tilespmem:s13+$0xFFFFFF70]  }
0x487: {  	[tilespmem:s13+$0xFFFFFF10] =	vst v11;
	v11 =	vmul.f32 v16, v10;
	v16 =	vld [tilespmem:s13+$0xFFFFFF80]  }
0x488: {  	[tilespmem:s13+$0xFFFFFF20] =	vst v12;
	v12 =	vmul.f32 v13, v10;
	v13 =	vld [tilespmem:s13+$0xFFFFFF90]  }
0x489: {  	[tilespmem:s13+$0xFFFFFF30] =	vst v11;
	v11 =	vmul.f32 v17, v10;
	v17 =	vld [tilespmem:s13+$0xFFFFFFA0]  }
0x48a: {  	[tilespmem:s13+$0xFFFFFF40] =	vst v12;
	v12 =	vmul.f32 v14, v10;
	v14 =	vld [tilespmem:s13+$0xFFFFFFB0]  }
0x48b: {  	[tilespmem:s13+$0xFFFFFF50] =	vst v11;
	v10 =	vmul.f32 v15, v10;
	v11 =	vld [tilespmem:s13+$0xFFFFFFC0]  }
0x48c: {  	[tilespmem:s13+$0xFFFFFF60] =	vst v12;
	v12 =	vmul.f32 v16, v9;
	v15 =	vld [tilespmem:s13+$0xFFFFFFD0]  }
0x48d: {  	[tilespmem:s13+$0xFFFFFF70] =	vst v10;
	v10 =	vmul.f32 v13, v9;
	v13 =	vld [tilespmem:s13+$0xFFFFFFE0]  }
0x48e: {  	[tilespmem:s13+$0xFFFFFF80] =	vst v12;
	v12 =	vmul.f32 v17, v9;
	v16 =	vld [tilespmem:s13+$0xFFFFFFF0]  }
0x48f: {  	[tilespmem:s13+$0xFFFFFF90] =	vst v10;
	v10 =	vmul.f32 v14, v9;
	v14 =	vld [tilespmem:s13+$0x0]  }
0x490: {  	[tilespmem:s13+$0xFFFFFFA0] =	vst v12;
	v11 =	vmul.f32 v11, v9;
	v12 =	vld [tilespmem:s13+$0x10]  }
0x491: {  	[tilespmem:s13+$0xFFFFFFB0] =	vst v10;
	v10 =	vmul.f32 v15, v9;
	v15 =	vld [tilespmem:s13+$0x20]  }
0x492: {  	[tilespmem:s13+$0xFFFFFFC0] =	vst v11;
	v11 =	vmul.f32 v13, v9;
	v13 =	vld [tilespmem:s13+$0x30]  }
0x493: {  	[tilespmem:s13+$0xFFFFFFD0] =	vst v10;
	v9 =	vmul.f32 v16, v9;
	v10 =	vld [tilespmem:s13+$0x40]  }
0x494: {  	[tilespmem:s13+$0xFFFFFFE0] =	vst v11;
	v11 =	vmul.f32 v14, v8;
	v14 =	vld [tilespmem:s13+$0x50]  }
0x495: {  	[tilespmem:s13+$0xFFFFFFF0] =	vst v9;
	v9 =	vmul.f32 v12, v8;
	v12 =	vld [tilespmem:s13+$0x60]  }
0x496: {  	[tilespmem:s13+$0x0] =	vst v11;
	v11 =	vmul.f32 v15, v8;
	v15 =	vld [tilespmem:s13+$0x70]  }
0x497: {  	[tilespmem:s13+$0x10] =	vst v9;
	v9 =	vmul.f32 v13, v8;
	v13 =	vld [tilespmem:s13+$0x80]  }
0x498: {  	[tilespmem:s13+$0x20] =	vst v11;
	v10 =	vmul.f32 v10, v8;
	v11 =	vld [tilespmem:s13+$0x90]  }
0x499: {  	[tilespmem:s13+$0x30] =	vst v9;
	v9 =	vmul.f32 v14, v8;
	v14 =	vld [tilespmem:s13+$0xA0]  }
0x49a: {  	[tilespmem:s13+$0x40] =	vst v10;
	v10 =	vmul.f32 v12, v8;
	v12 =	vld [tilespmem:s13+$0xB0]  }
0x49b: {  	[tilespmem:s13+$0x50] =	vst v9;
	v8 =	vmul.f32 v15, v8;
	v9 =	vld [tilespmem:s13+$0xC0]  }
0x49c: {  	[tilespmem:s13+$0x60] =	vst v10;
	v10 =	vmul.f32 v13, v7;
	v13 =	vld [tilespmem:s13+$0xD0]  }
0x49d: {  	[tilespmem:s13+$0x70] =	vst v8;
	v8 =	vmul.f32 v11, v7;
	v11 =	vld [tilespmem:s13+$0xE0]  }
0x49e: {  	[tilespmem:s13+$0x80] =	vst v10;
	v10 =	vmul.f32 v14, v7;
	v14 =	vld [tilespmem:s13+$0xF0]  }
0x49f: {  	s1 =	sadd.s32 $0x1, s14;
	v15 =	vmov s14;
	[tilespmem:s13+$0x90] =	vst v8;
	v8 =	vmul.f32 v12, v7;
	v12 =	vld [tilespmem:s13+$0x100]  }
0x4a0: {  	s6 =	sadd.s32 $0x3, s14;
	v16 =	vmov s1;
	s1 =	sadd.s32 $0x2, s14;
	v15 =	vand.u32 $0x78, v15;
	[tilespmem:s13+$0xA0] =	vst v10;
	v9 =	vmul.f32 v9, v7;
	v10 =	vld [tilespmem:s13+$0x110]  }
0x4a1: {  	v18 =	vmov s6;
	s6 =	sadd.s32 $0x5, s14;
	v17 =	vmov s1;
	s1 =	sadd.s32 $0x4, s14;
	[tilespmem:s13+$0xB0] =	vst v8;
	v8 =	vmul.f32 v13, v7;
	v13 =	vld [tilespmem:s13+$0x120]  }
0x4a2: {  	v20 =	vmov s6;
	v19 =	vmov s1;
	s1 =	sadd.s32 $0x6, s14;
	[tilespmem:s13+$0xC0] =	vst v9;
	v9 =	vmul.f32 v11, v7;
	v11 =	vld [tilespmem:s13+$0x130]  }
0x4a3: {  	v21 =	vmov s1;
	v15 =	vor.u32 v4, v15;
	[tilespmem:s13+$0xD0] =	vst v8;
	v7 =	vmul.f32 v14, v7;
	v8 =	vld [tilespmem:s13+$0x140]  }
0x4a4: {  	v14 =	vand.u32 $0x79, v16;
	v16 =	vand.u32 $0x7A, v17;
	[tilespmem:s13+$0xE0] =	vst v9;
	v9 =	vmul.f32 v12, v6;
	v12 =	vld [tilespmem:s13+$0x150]  }
0x4a5: {  	v17 =	vand.u32 $0x7B, v18;
	v18 =	vand.u32 $0x7C, v19;
	[tilespmem:s13+$0xF0] =	vst v7;
	v10 =	vmul.f32 v10, v6;
	v22 =	vld [tilespmem:s13+$0x160]  }
0x4a6: {  	v19 =	vand.u32 $0x7D, v20;
	v20 =	vand.u32 $0x7E, v21;
	[tilespmem:s13+$0x100] =	vst v9;
	v13 =	vmul.f32 v13, v6;
	v21 =	vld [tilespmem:s13+$0x170]  }
.Ltmp28:
0x4a7: {  	v14 =	vor.u32 v4, v14;
	v7 =	vbroadcast v15, $0x0;
	[tilespmem:s13+$0x110] =	vst v10;
	v11 =	vmul.f32 v11, v6;
	v9 =	vld [tilespmem:s13+$0x180];
	(pc) =	sbr.rel @p0 .LBB2_36-.Ltmp28, $4  }
0x4a8: {  	v23 =	vor.u32 v4, v17;
	v15 =	vor.u32 v4, v16;
	[tilespmem:s13+$0x120] =	vst v13;
	v16 =	vmul.f32 v8, v6;
	v10 =	vld [tilespmem:s13+$0x190]  }
0x4a9: {  	v17 =	vor.u32 v4, v18;
	v8 =	vbroadcast v14, $0x0;
	[tilespmem:s13+$0x130] =	vst v11;
	v14 =	vmul.f32 v12, v6;
	v11 =	vld [tilespmem:s13+$0x1A0]  }
0x4aa: {  	v19 =	vor.u32 v4, v19;
	v13 =	vbroadcast v15, $0x0;
	[tilespmem:s13+$0x140] =	vst v16;
	v16 =	vmul.f32 v22, v6;
	v12 =	vld [tilespmem:s13+$0x1B0]  }
0x4ab: {  	s6 =	sadd.s32 $0x7, s14;
	s14 =	sadd.s32 $0x8, s14;
	v18 =	vor.u32 v4, v20;
	v15 =	vbroadcast v23, $0x0;
	[tilespmem:s13+$0x150] =	vst v14;
	v20 =	vmul.f32 v21, v6;
	v14 =	vld [tilespmem:s13+$0x1C0]  }
0x4ac: {  	_ =	sdelay $0x1  }
0x4ad: {  	v21 =	vld [tilespmem:s13+$0x1D0]  }
0x4ae: {  	v22 =	vld [tilespmem:s13+$0x1E0]  }
0x4af: {  	v58 =	vld.idx.msk [tilespmem:v7+s24+$0x0], $0xffff  }
0x4b0: {  	v23 =	vld.idx.msk [tilespmem:v8+s24+$0x0], $0xffff  }
0x4b1: {  	v13 =	vld.idx.msk [tilespmem:v13+s24+$0x0], $0xffff  }
0x4b2: {  	s29 =	sadd.s32 $0x400, s13;
	v15 =	vld.idx.msk [tilespmem:v15+s24+$0x0], $0xffff  }
0x4b3: {  	v60 =	vld [tilespmem:s29+$0x1F0]  }
0x4b4: {  	v62 =	vld [tilespmem:s29+$0xFFFFFE00]  }
0x4b5: {  	[tilespmem:s13+$0x170] =	vst v20;
	v20 =	vld [tilespmem:s29+$0xFFFFFE10]  }
0x4b6: {  	v9 =	vmul.f32 v9, v5;
	v24 =	vld [tilespmem:s29+$0xFFFFFE20]  }
0x4b7: {  	[tilespmem:s13+$0x160] =	vst v16;
	v10 =	vmul.f32 v10, v5;
	v25 =	vld [tilespmem:s29+$0xFFFFFE30]  }
0x4b8: {  	v26 =	vld [tilespmem:s29+$0xFFFFFE40];
	[tilespmem:s13+$0x180] =	vst v9;
	v59 =	vmul.f32 v11, v5  }
0x4b9: {  	v27 =	vld [tilespmem:s29+$0xFFFFFE50];
	[tilespmem:s13+$0x190] =	vst v10;
	v61 =	vmul.f32 v12, v5  }
0x4ba: {  	v28 =	vld [tilespmem:s29+$0xFFFFFE60];
	[tilespmem:s13+$0x1A0] =	vst v59;
	v63 =	vmul.f32 v14, v5  }
0x4bb: {  	v29 =	vld [tilespmem:s29+$0xFFFFFE70];
	[tilespmem:s13+$0x1B0] =	vst v61;
	v21 =	vmul.f32 v21, v5  }
0x4bc: {  	v30 =	vld [tilespmem:s29+$0xFFFFFE80];
	v5 =	vmul.f32 v22, v5;
	[tilespmem:s13+$0x1C0] =	vst v63  }
0x4bd: {  	v31 =	vld [tilespmem:s29+$0xFFFFFE90];
	v14 =	vmul.f32 v20, v58;
	[tilespmem:s13+$0x1D0] =	vst v21  }
0x4be: {  	v33 =	vld [tilespmem:s29+$0xFFFFFEA0];
	v9 =	vmul.f32 v25, v58;
	[tilespmem:s13+$0x1E0] =	vst v5  }
0x4bf: {  	v34 =	vld [tilespmem:s29+$0xFFFFFEB0];
	v5 =	vmul.f32 v62, v58;
	[tilespmem:s29+$0xFFFFFE10] =	vst v14  }
0x4c0: {  	v36 =	vld [tilespmem:s29+$0xFFFFFEC0];
	v32 =	vmul.f32 v27, v58;
	[tilespmem:s29+$0xFFFFFE30] =	vst v9  }
0x4c1: {  	v37 =	vld [tilespmem:s29+$0xFFFFFED0];
	[tilespmem:s29+$0xFFFFFE00] =	vst v5;
	v5 =	vmul.f32 v24, v58  }
0x4c2: {  	v39 =	vld [tilespmem:s29+$0xFFFFFEE0];
	v35 =	vmul.f32 v29, v58;
	[tilespmem:s29+$0xFFFFFE50] =	vst v32  }
0x4c3: {  	v40 =	vld [tilespmem:s29+$0xFFFFFEF0];
	[tilespmem:s29+$0xFFFFFE20] =	vst v5;
	v5 =	vmul.f32 v26, v58  }
0x4c4: {  	v42 =	vld [tilespmem:s29+$0xFFFFFF00];
	v38 =	vmul.f32 v31, v23;
	[tilespmem:s29+$0xFFFFFE70] =	vst v35  }
0x4c5: {  	v43 =	vld [tilespmem:s29+$0xFFFFFF10];
	[tilespmem:s29+$0xFFFFFE40] =	vst v5;
	v5 =	vmul.f32 v28, v58  }
0x4c6: {  	v45 =	vld [tilespmem:s29+$0xFFFFFF20];
	v41 =	vmul.f32 v34, v23;
	[tilespmem:s29+$0xFFFFFE90] =	vst v38  }
0x4c7: {  	v46 =	vld [tilespmem:s29+$0xFFFFFF30];
	[tilespmem:s29+$0xFFFFFE60] =	vst v5;
	v5 =	vmul.f32 v30, v23  }
0x4c8: {  	v57 =	vmov s6;
	v48 =	vld [tilespmem:s29+$0xFFFFFF40];
	v44 =	vmul.f32 v37, v23;
	[tilespmem:s29+$0xFFFFFEB0] =	vst v41  }
0x4c9: {  	v6 =	vbroadcast v17, $0x0;
	v17 =	vand.u32 $0x7F, v57;
	v49 =	vld [tilespmem:s29+$0xFFFFFF50];
	[tilespmem:s29+$0xFFFFFE80] =	vst v5;
	v5 =	vmul.f32 v33, v23  }
0x4ca: {  	v51 =	vld [tilespmem:s29+$0xFFFFFF60];
	v4 =	vor.u32 v4, v17;
	v47 =	vmul.f32 v40, v23;
	[tilespmem:s29+$0xFFFFFED0] =	vst v44  }
0x4cb: {  	v52 =	vld [tilespmem:s29+$0xFFFFFF70];
	v4 =	vbroadcast v4, $0x0;
	[tilespmem:s29+$0xFFFFFEA0] =	vst v5;
	v5 =	vmul.f32 v36, v23  }
0x4cc: {  	v54 =	vld [tilespmem:s29+$0xFFFFFF80];
	v50 =	vmul.f32 v43, v13;
	[tilespmem:s29+$0xFFFFFEF0] =	vst v47  }
0x4cd: {  	v19 =	vbroadcast v19, $0x0;
	v55 =	vld [tilespmem:s29+$0xFFFFFF90];
	[tilespmem:s29+$0xFFFFFEC0] =	vst v5;
	v5 =	vmul.f32 v39, v23  }
0x4ce: {  	v18 =	vbroadcast v18, $0x0;
	v57 =	vld [tilespmem:s29+$0xFFFFFFA0];
	v53 =	vmul.f32 v46, v13;
	[tilespmem:s29+$0xFFFFFF10] =	vst v50  }
0x4cf: {  	v17 =	vld [tilespmem:s29+$0xFFFFFFF0];
	[tilespmem:s29+$0xFFFFFEE0] =	vst v5;
	v5 =	vmul.f32 v42, v13  }
0x4d0: {  	v61 =	vld [tilespmem:s29+$0xFFFFFFD0];
	v56 =	vmul.f32 v49, v13;
	[tilespmem:s29+$0xFFFFFF30] =	vst v53  }
0x4d1: {  	v4 =	vld.idx.msk [tilespmem:v4+s24+$0x0], $0xffff;
	[tilespmem:s29+$0xFFFFFF00] =	vst v5;
	v5 =	vmul.f32 v45, v13  }
0x4d2: {  	v8 =	vld.idx.msk [tilespmem:v6+s24+$0x0], $0xffff;
	v59 =	vmul.f32 v52, v13;
	[tilespmem:s29+$0xFFFFFF50] =	vst v56  }
0x4d3: {  	v7 =	vld.idx.msk [tilespmem:v19+s24+$0x0], $0xffff;
	[tilespmem:s29+$0xFFFFFF20] =	vst v5;
	v5 =	vmul.f32 v48, v13  }
0x4d4: {  	v6 =	vld.idx.msk [tilespmem:v18+s24+$0x0], $0xffff;
	v62 =	vmul.f32 v55, v15;
	[tilespmem:s29+$0xFFFFFF70] =	vst v59  }
0x4d5: {  	v20 =	vld [tilespmem:s29+$0x10];
	[tilespmem:s29+$0xFFFFFF40] =	vst v5;
	v5 =	vmul.f32 v51, v13  }
0x4d6: {  	[tilespmem:s29+$0xFFFFFF90] =	vst v62;
	v24 =	vmul.f32 v17, v15;
	v11 =	vmul.f32 v60, v4;
	v60 =	vld [tilespmem:s29+$0xFFFFFFC0]  }
0x4d7: {  	v37 =	vld [tilespmem:s29+$0xD0];
	[tilespmem:s29+$0xFFFFFF60] =	vst v5;
	v5 =	vmul.f32 v54, v15  }
0x4d8: {  	v63 =	vld [tilespmem:s29+$0xFFFFFFE0];
	v21 =	vmul.f32 v61, v15;
	[tilespmem:s29+$0xFFFFFFF0] =	vst v24  }
0x4d9: {  	v43 =	vld [tilespmem:s29+$0x110];
	[tilespmem:s29+$0xFFFFFF80] =	vst v5;
	v5 =	vmul.f32 v57, v15  }
0x4da: {  	v19 =	vld [tilespmem:s29+$0x0];
	v27 =	vmul.f32 v20, v8;
	[tilespmem:s29+$0xFFFFFFD0] =	vst v21  }
0x4db: {  	v46 =	vld [tilespmem:s29+$0x130];
	[tilespmem:s29+$0xFFFFFFA0] =	vst v5;
	v5 =	vmul.f32 v60, v15  }
0x4dc: {  	v22 =	vld [tilespmem:s29+$0x20];
	v44 =	vmul.f32 v37, v7;
	[tilespmem:s29+$0x10] =	vst v27  }
0x4dd: {  	v32 =	vld [tilespmem:s29+$0x90];
	[tilespmem:s29+$0xFFFFFFC0] =	vst v5;
	v5 =	vmul.f32 v63, v15  }
0x4de: {  	v25 =	vld [tilespmem:s29+$0x40];
	v49 =	vmul.f32 v43, v6;
	[tilespmem:s29+$0xD0] =	vst v44  }
0x4df: {  	v35 =	vld [tilespmem:s29+$0xB0];
	[tilespmem:s29+$0xFFFFFFE0] =	vst v5;
	v5 =	vmul.f32 v19, v8  }
0x4e0: {  	v52 =	vmul.f32 v46, v6;
	v28 =	vld [tilespmem:s29+$0x60];
	[tilespmem:s29+$0x110] =	vst v49  }
0x4e1: {  	[tilespmem:s29+$0x0] =	vst v5;
	v5 =	vmul.f32 v22, v8  }
0x4e2: {  	v31 =	vld [tilespmem:s29+$0x80];
	v38 =	vmul.f32 v32, v7;
	[tilespmem:s29+$0x130] =	vst v52  }
0x4e3: {  	v26 =	vld [tilespmem:s29+$0x50];
	[tilespmem:s29+$0x20] =	vst v5;
	v5 =	vmul.f32 v25, v8  }
0x4e4: {  	v34 =	vld [tilespmem:s29+$0xA0];
	v41 =	vmul.f32 v35, v7;
	[tilespmem:s29+$0x90] =	vst v38  }
0x4e5: {  	v58 =	vld [tilespmem:s29+$0xFFFFFFB0];
	[tilespmem:s29+$0x40] =	vst v5;
	v5 =	vmul.f32 v28, v8  }
0x4e6: {  	[tilespmem:s29+$0xB0] =	vst v41;
	v36 =	vld [tilespmem:s29+$0xC0]  }
0x4e7: {  	v23 =	vld [tilespmem:s29+$0x30];
	[tilespmem:s29+$0x60] =	vst v5;
	v5 =	vmul.f32 v31, v7  }
0x4e8: {  	[tilespmem:s29+$0x1F0] =	vst v11;
	v33 =	vmul.f32 v26, v8;
	v39 =	vld [tilespmem:s29+$0xE0]  }
0x4e9: {  	v48 =	vld [tilespmem:s29+$0x150];
	[tilespmem:s29+$0x80] =	vst v5;
	v5 =	vmul.f32 v34, v7  }
0x4ea: {  	v18 =	vmul.f32 v58, v15;
	[tilespmem:s29+$0x50] =	vst v33;
	v42 =	vld [tilespmem:s29+$0x100]  }
0x4eb: {  	v54 =	vld [tilespmem:s29+$0x190];
	[tilespmem:s29+$0xA0] =	vst v5;
	v5 =	vmul.f32 v36, v7  }
0x4ec: {  	[tilespmem:s29+$0xFFFFFFB0] =	vst v18;
	v45 =	vld [tilespmem:s29+$0x120];
	v30 =	vmul.f32 v23, v8  }
0x4ed: {  	v59 =	vld [tilespmem:s29+$0x1D0];
	[tilespmem:s29+$0xC0] =	vst v5;
	v5 =	vmul.f32 v39, v7  }
0x4ee: {  	v47 =	vld [tilespmem:s29+$0x140];
	[tilespmem:s29+$0x30] =	vst v30;
	v55 =	vmul.f32 v48, v6  }
0x4ef: {  	v57 =	vld [tilespmem:s29+$0x1B0];
	[tilespmem:s29+$0xE0] =	vst v5;
	v5 =	vmul.f32 v42, v6  }
0x4f0: {  	v50 =	vld [tilespmem:s29+$0x160];
	[tilespmem:s29+$0x150] =	vst v55;
	v60 =	vmul.f32 v54, v4  }
0x4f1: {  	v29 =	vld [tilespmem:s29+$0x70];
	[tilespmem:s29+$0x100] =	vst v5;
	v5 =	vmul.f32 v45, v6  }
0x4f2: {  	v53 =	vld [tilespmem:s29+$0x180];
	v63 =	vmul.f32 v59, v4;
	[tilespmem:s29+$0x190] =	vst v60  }
0x4f3: {  	v40 =	vld [tilespmem:s29+$0xF0];
	[tilespmem:s29+$0x120] =	vst v5;
	v5 =	vmul.f32 v47, v6  }
0x4f4: {  	v56 =	vld [tilespmem:s29+$0x1A0];
	v62 =	vmul.f32 v57, v4;
	[tilespmem:s29+$0x1D0] =	vst v63  }
0x4f5: {  	v51 =	vld [tilespmem:s29+$0x170];
	[tilespmem:s29+$0x140] =	vst v5;
	v5 =	vmul.f32 v50, v6  }
0x4f6: {  	v58 =	vld [tilespmem:s29+$0x1C0];
	[tilespmem:s29+$0x1B0] =	vst v62;
	v8 =	vmul.f32 v29, v8  }
0x4f7: {  	v61 =	vld [tilespmem:s29+$0x1E0];
	[tilespmem:s29+$0x160] =	vst v5;
	v5 =	vmul.f32 v53, v4  }
0x4f8: {  	[tilespmem:s29+$0x70] =	vst v8;
	v7 =	vmul.f32 v40, v7  }
0x4f9: {  	[tilespmem:s29+$0x180] =	vst v5;
	v5 =	vmul.f32 v56, v4  }
0x4fa: {  	[tilespmem:s29+$0xF0] =	vst v7;
	v6 =	vmul.f32 v51, v6  }
0x4fb: {  	[tilespmem:s29+$0x1A0] =	vst v5;
	v5 =	vmul.f32 v58, v4  }
0x4fc: {  	[tilespmem:s29+$0x170] =	vst v6;
	v4 =	vmul.f32 v61, v4  }
0x4fd: {  	s11 =	sadd.s32 $0x1, s11;
	[tilespmem:s29+$0x1C0] =	vst v5  }
0x4fe: {  	s1 =	sadd.s32 $0x1C400, s12;
	p0 =	sne.s32 s11, s9;
	[tilespmem:s29+$0x1E0] =	vst v4  }
0x4ff: {  	[spmem:s2] =	stream.indirect.scatter.add.f32 [tilespmem:s25], [sflag:$0x3], $0x80, s1, s4, $0xb8;
	[tilespmem:$0x1FC00] =	vst v63  }
.Ltmp29:
0x500: {  	_ = 	snop;
	(pc) =	sbr.rel @p0 .LBB2_35-.Ltmp29, $4  }
.Ltmp30:
0x501: {  	_ = 	snop;
	(pc) =	sbr.rel @!p0 .LBB2_38-.Ltmp30, $4  }
0x502: {  	_ =	swait.ge [sflag:s26], $0x2000  }
0x503: {  	[sflag:s26] =	ssyncset.done $0x0  }
0x504: {  	[sflag:s26] =	ssyncadd.s32 $0xFFFFE000  }
0x505: {  	_ = 	snop  }
.LBB2_40:
0x506: {  	_ =	sfence.sel $0x180000  }
0x507: {  	[bflag:$0x0] =	sbarrier.arrive $0xFFFF  }
0x508: {  	_ =	strace $0x90000047  }
0x509: {  	s0 =	stileid.u32;
	[bflag:$0x2] =	sbarrier.arrive $0xFFFF  }
0x50a: {  	p0 =	sne.s32 s0, $0x0;
	s0 =	rddreg [dreg:$0x3]  }
0x50b: {  	s0 =	sadd.s32 @!p0 $0x100000, s0  }
0x50c: {  	[sflag:s0] =	ssyncadd.tile.s32 @!p0 $0x1;
	_ =	shalt  }
.Lfunc_end2:
_tile_overlayer_lowered:
.L_overlay_start_2:
0x50d: {  	(tag) =	ssettag $0x2  }
0x50e: {  	s0 =	rddreg [dreg:$0x0];
	s2 =	stileid.u32  }
0x50f: {  	s1 =	rddreg [dreg:$0x1];
	p0 =	sne.s32 s2, $0x0  }
0x510: {  	s3 =	rddreg [dreg:$0x2];
	[bflag:$0x3] =	sbarrier.arrive $0xFFFF;
	s2 =	simm.s32 @!p0 $0x1C03  }
0x511: {  	[timem:s3], [sflag:s2] =	dma.local @!p0 [hbm:s0], s1  }
0x512: {  	s0 =	simm.s32 @!p0 $0x3  }
0x513: {  	_ =	swait.ge @!p0 [sflag:s0], s1  }
0x514: {  	s1 =	ssub.s32 @!p0 $0x0, s1;
	[sflag:s0] =	ssyncset.done @!p0 $0x0  }
0x515: {  	[sflag:s0] =	ssyncadd.s32 @!p0 s1  }
0x516: {  	[bflag:$0x3] =	sbarrier.arrive $0xFFFF  }
0x517: {  	_ =	shalt  }

</sc_bundles>
